<compile_context>
chip_gen: v7x
topology: tpu7x:2x2x1
jax: 0.10.2.dev20260603
libtpu: 0.0.44.dev20260713+nightly
codegen_flags: <defaults>
</compile_context>

<pallas_src>
import functools

import jax
import jax.numpy as jnp
from jax import lax
from jax.experimental import pallas as pl
from jax.experimental.pallas import tpu as pltpu
from jax.experimental.pallas import tpu_sc as plsc

N = 10000
D = 128
E = 320000
NC = 2
NS = 16
NW = NC * NS
EB = 128
NB = 80
NB0 = 80
NB1 = 80
NBH = 40
EC0 = NS * NB0 * EB
EPAD = NW * NB * EB
NPAD = 10240
RPT = NPAD // NS
DW = 128

_eps = 1e-5


def _fill(ref, nrows, ncols, value):
    def body(i, _):
        r = i // (ncols // 16)
        c = (i % (ncols // 16)) * 16
        ref[r, pl.ds(c, 16)] = jnp.full((16,), value, jnp.float32)
        return 0
    lax.fori_loop(0, nrows * (ncols // 16), body, 0)


def _sc_body(table_hbm, srcp0_hbm, dstp0_hbm, srcp1_hbm, dstp1_hbm, out_hbm,
             sidx, didx, rows, rows1, acc, sem, sem1):
    cid = lax.axis_index("c")
    sid = lax.axis_index("s")
    row0 = sid * RPT

    _fill(rows, EB, D, 0.0)
    for k in range(RPT // EB):
        pltpu.sync_copy(rows, acc.at[pl.ds(row0 + k * EB, EB)])
    plsc.subcore_barrier()

    def _run(src_hbm, dst_hbm, nh):
        for h in range(nh):
            pltpu.sync_copy(src_hbm.at[sid, pl.ds(h * NBH, NBH)], sidx)
            pltpu.sync_copy(dst_hbm.at[sid, pl.ds(h * NBH, NBH)], didx)
            pltpu.async_copy(table_hbm.at[sidx.at[0]], rows, sem)

            def _step(t, _):
                j0 = 2 * t
                pltpu.make_async_copy(table_hbm.at[sidx.at[j0]], rows, sem).wait()
                gather1 = pltpu.async_copy(table_hbm.at[sidx.at[j0 + 1]], rows1, sem1)
                pltpu.sync_copy(rows, acc.at[didx.at[j0]], add=True)

                @pl.when(j0 + 2 < NBH)
                def _():
                    pltpu.async_copy(table_hbm.at[sidx.at[j0 + 2]], rows, sem)
                gather1.wait()
                pltpu.sync_copy(rows1, acc.at[didx.at[j0 + 1]], add=True)
                return 0
            lax.fori_loop(0, NBH // 2, _step, 0)

    @pl.when(cid == 0)
    def _():
        _run(srcp0_hbm, dstp0_hbm, NB0 // NBH)

    @pl.when(cid == 1)
    def _():
        _run(srcp1_hbm, dstp1_hbm, NB1 // NBH)
    plsc.subcore_barrier()

    pltpu.sync_copy(acc.at[pl.ds(row0, RPT)], out_hbm.at[cid, pl.ds(row0, RPT)])


_sc_scatter = functools.partial(
    pl.kernel,
    out_type=jax.ShapeDtypeStruct((NC, NPAD, D), jnp.float32),
    mesh=plsc.VectorSubcoreMesh(core_axis_name="c", subcore_axis_name="s"),
    scratch_types=[
        pltpu.VMEM((NBH, EB), jnp.int32),
        pltpu.VMEM((NBH, EB), jnp.int32),
        pltpu.VMEM((EB, D), jnp.float32),
        pltpu.VMEM((EB, D), jnp.float32),
        pltpu.VMEM_SHARED((NPAD, D), jnp.float32),
        pltpu.SemaphoreType.DMA,
        pltpu.SemaphoreType.DMA,
    ],
)(_sc_body)


def _split_edges(padded):
    p0 = padded[:EC0].reshape(NS, NB0, EB)
    if NB1 == 0:
        p1 = padded[:EB].reshape(NS // NS, 1, EB) * 0 + (NPAD - EB)
        p1 = jnp.broadcast_to(p1, (NS, 1, EB))
    else:
        p1 = padded[EC0:].reshape(NS, NB1, EB)
    return p0, p1


def _sc_deg_body(dstp_hbm, out_hbm, didx, zbuf, obuf, acc):
    cid = lax.axis_index("c")
    sid = lax.axis_index("s")
    wid = cid * NS + sid
    row0 = sid * RPT

    pltpu.sync_copy(dstp_hbm.at[wid], didx)
    _fill(zbuf, EB, DW, 0.0)
    _fill(obuf, EB, DW, 1.0)
    for k in range(RPT // EB):
        pltpu.sync_copy(zbuf, acc.at[pl.ds(row0 + k * EB, EB)])
    plsc.subcore_barrier()

    def _step(j, _):
        pltpu.sync_copy(obuf, acc.at[didx.at[j]], add=True)
        return 0
    lax.fori_loop(0, NB, _step, 0)
    plsc.subcore_barrier()

    pltpu.sync_copy(acc.at[pl.ds(row0, RPT)], out_hbm.at[cid, pl.ds(row0, RPT)])


_sc_deg = functools.partial(
    pl.kernel,
    out_type=jax.ShapeDtypeStruct((NC, NPAD, DW), jnp.float32),
    mesh=plsc.VectorSubcoreMesh(core_axis_name="c", subcore_axis_name="s"),
    scratch_types=[
        pltpu.VMEM((NB, EB), jnp.int32),
        pltpu.VMEM((EB, DW), jnp.float32),
        pltpu.VMEM((EB, DW), jnp.float32),
        pltpu.VMEM_SHARED((NPAD, DW), jnp.float32),
    ],
)(_sc_deg_body)


BR = 256


def _dinv_of(p0d, p1d):
    deg = p0d[:, :1] + p1d[:, :1] + 1.0
    return lax.rsqrt(deg)


def _tc_mm_body(x_ref, w_ref, h_ref):
    h_ref[...] = jnp.dot(x_ref[...], w_ref[...],
                         preferred_element_type=jnp.float32)


def _tc_scale_body(h_ref, p0d_ref, p1d_ref, hp_ref):
    hp_ref[...] = h_ref[...] * _dinv_of(p0d_ref[...], p1d_ref[...])


def _post_math(hp, p0, p1, dinv, b, g, bt):
    agg = dinv * (p0 + p1 + hp) + b[None, :]
    mu = jnp.mean(agg, axis=-1, keepdims=True)
    var = jnp.mean((agg - mu) ** 2, axis=-1, keepdims=True)
    y = (agg - mu) * lax.rsqrt(var + _eps) * g[None, :] + bt[None, :]
    return jnp.maximum(y, 0.0)


def _tc_mid_body(residual, hp_ref, p0_ref, p1_ref, p0d_ref, p1d_ref,
                 xprev_ref, b_ref, g_ref, bt_ref, wn_ref, x_ref, hpn_ref):
    dinv = _dinv_of(p0d_ref[...], p1d_ref[...])
    y = _post_math(hp_ref[...], p0_ref[...], p1_ref[...], dinv,
                   b_ref[...], g_ref[...], bt_ref[...])
    if residual:
        y = y + xprev_ref[...]
    x_ref[...] = y
    hpn_ref[...] = jnp.dot(y, wn_ref[...], preferred_element_type=jnp.float32) * dinv


def _tc_final_body(hp_ref, p0_ref, p1_ref, p0d_ref, p1d_ref,
                   xprev_ref, b_ref, g_ref, bt_ref, x_ref):
    dinv = _dinv_of(p0d_ref[...], p1d_ref[...])
    y = _post_math(hp_ref[...], p0_ref[...], p1_ref[...], dinv,
                   b_ref[...], g_ref[...], bt_ref[...])
    x_ref[...] = y + xprev_ref[...]


_row_spec = pl.BlockSpec((BR, D), lambda i: (i, 0))
_deg_spec = _row_spec
_full_spec = pl.BlockSpec((D, D), lambda i: (0, 0))
_vec_spec = pl.BlockSpec((D,), lambda i: (0,))
_grid = (NPAD // BR,)
_out_rows = jax.ShapeDtypeStruct((NPAD, D), jnp.float32)

_tc_mm = pl.pallas_call(
    _tc_mm_body,
    grid=_grid,
    in_specs=[_row_spec, _full_spec],
    out_specs=_row_spec,
    out_shape=_out_rows,
)

_tc_scale = pl.pallas_call(
    _tc_scale_body,
    grid=_grid,
    in_specs=[_row_spec, _deg_spec, _deg_spec],
    out_specs=_row_spec,
    out_shape=_out_rows,
)

_tc_mid = [
    pl.pallas_call(
        functools.partial(_tc_mid_body, residual),
        grid=_grid,
        in_specs=[_row_spec, _row_spec, _row_spec, _deg_spec, _deg_spec,
                  _row_spec, _vec_spec, _vec_spec, _vec_spec, _full_spec],
        out_specs=[_row_spec, _row_spec],
        out_shape=[_out_rows, _out_rows],
    )
    for residual in (False, True)
]

_tc_final = pl.pallas_call(
    _tc_final_body,
    grid=_grid,
    in_specs=[_row_spec, _row_spec, _row_spec, _deg_spec, _deg_spec,
              _row_spec, _vec_spec, _vec_spec, _vec_spec],
    out_specs=_row_spec,
    out_shape=_out_rows,
)


@jax.jit
def kernel(x, edge_index, W0, b0, g0, bt0, W1, b1, g1, bt1, W2, b2, g2, bt2):
    src = edge_index[0].astype(jnp.int32)
    dst = edge_index[1].astype(jnp.int32)
    pad_ar = jnp.arange(EPAD - E, dtype=jnp.int32)
    trash = N + pad_ar % (NPAD - N)
    src_full = jnp.concatenate([src, (pad_ar * 797) % N])
    dst_full = jnp.concatenate([dst, trash])
    srcp0, srcp1 = _split_edges(src_full)
    dstp0, dstp1 = _split_edges(dst_full)
    dstp = dst_full.reshape(NW, NB, EB)
    xp = jnp.pad(x, ((0, NPAD - N), (0, 0)))

    h0 = _tc_mm(xp, W0)
    degp = _sc_deg(dstp)
    p0d, p1d = degp[0], degp[1]

    hp = _tc_scale(h0, p0d, p1d)
    params = [(b0, g0, bt0), (b1, g1, bt1), (b2, g2, bt2)]
    Wn = [W1, W2]
    xcur = xp
    for i in range(2):
        parts = _sc_scatter(hp, srcp0, dstp0, srcp1, dstp1)
        b, g, bt = params[i]
        xcur, hp = _tc_mid[1 if i > 0 else 0](
            hp, parts[0], parts[1], p0d, p1d, xcur, b, g, bt, Wn[i])
    parts = _sc_scatter(hp, srcp0, dstp0, srcp1, dstp1)
    b, g, bt = params[2]
    out = _tc_final(hp, parts[0], parts[1], p0d, p1d, xcur, b, g, bt)
    return out[:N]

# --- scband reference (transcript-rebuilt; emitter-appended) ---
"""Pipeline reference for scband-graph-convolutional-layers-34711925686444 (READ-ONLY COPY).

The authoritative reference and input builder live on the scoring server;
editing this copy changes nothing except your own understanding.
"""

import jax, jax.numpy as jnp
import numpy as np

N = 10000
E = 320000
D = 128
NUM_LAYERS = 3


def setup_inputs(seed: int = 0) -> dict:
    key = jax.random.key(seed)
    ks = jax.random.split(key, 2 + NUM_LAYERS)
    x = jax.random.normal(ks[0], (N, D), dtype=jnp.float32)
    edge_index = jax.random.randint(ks[1], (2, E), 0, N, dtype=jnp.int64)
    inp = {"x": x, "edge_index": edge_index}
    for i in range(NUM_LAYERS):
        inp[f"W{i}"] = jax.random.normal(ks[2 + i], (D, D), dtype=jnp.float32) * (1.0 / np.sqrt(D))
        inp[f"b{i}"] = jnp.zeros((D,), dtype=jnp.float32)
        inp[f"g{i}"] = jnp.ones((D,), dtype=jnp.float32)
        inp[f"bt{i}"] = jnp.zeros((D,), dtype=jnp.float32)
    return inp


def _gcn_conv(x, W, b, src, dst, n):
    # add self-loops (edge weight 1.0)
    loop = jnp.arange(n, dtype=src.dtype)
    src_sl = jnp.concatenate([src, loop])
    dst_sl = jnp.concatenate([dst, loop])
    ew = jnp.ones(src_sl.shape[0], dtype=x.dtype)
    # symmetric normalization D^{-1/2} (A+I) D^{-1/2}
    deg = jax.ops.segment_sum(ew, dst_sl, num_segments=n)
    dinv = jnp.where(deg > 0, jax.lax.rsqrt(deg), 0.0)
    norm = dinv[src_sl] * ew * dinv[dst_sl]
    h = x @ W
    msg = h[src_sl] * norm[:, None]
    out = jax.ops.segment_sum(msg, dst_sl, num_segments=n)
    return out + b


def _layer_norm(h, g, b, eps=1e-5):
    mu = jnp.mean(h, axis=-1, keepdims=True)
    var = jnp.mean((h - mu) ** 2, axis=-1, keepdims=True)
    return (h - mu) / jnp.sqrt(var + eps) * g + b


def reference(x, edge_index, W0, b0, g0, bt0, W1, b1, g1, bt1, W2, b2, g2, bt2):
    src, dst = edge_index[0], edge_index[1]
    Ws = [W0, W1, W2]
    bs = [b0, b1, b2]
    gs = [g0, g1, g2]
    bts = [bt0, bt1, bt2]
    n = x.shape[0]
    for i in range(NUM_LAYERS):
        x_in = x
        h = _gcn_conv(x, Ws[i], bs[i], src, dst, n)
        h = _layer_norm(h, gs[i], bts[i])
        h = jax.nn.relu(h)
        # dropout is identity in eval mode
        if i > 0 and h.shape == x_in.shape:
            h = h + x_in
        x = h
    return x

if __name__ == "__main__":
    import jax
    _d = setup_inputs()
    print(jax.jit(kernel)(*tuple(_d.values())))

</pallas_src>

<mosaic_0001>
#map = affine_map<(d0, d1) -> (0, 0, 0)>
module attributes {stable_mosaic.version = 14 : i64} {
  func.func @_sc_deg_body(%arg0: i32, %arg1: i32, %arg2: memref<32x80x128xi32, #tpu.memory_space<hbm>>, %arg3: memref<2x10240x128xf32, #tpu.memory_space<hbm>>, %arg4: memref<80x128xi32, #tpu.memory_space<vmem>>, %arg5: memref<128x128xf32, #tpu.memory_space<vmem>>, %arg6: memref<128x128xf32, #tpu.memory_space<vmem>>, %arg7: memref<10240x128xf32, #tpu.memory_space<vmem_shared>>) attributes {dimension_semantics = [#tpu.dimension_semantics<core_parallel>, #tpu.dimension_semantics<subcore_parallel>], iteration_bounds = array<i64: 2, 16>, scalar_prefetch = 0 : i64, scratch_operands = 4 : i64, tpu.core_type = #tpu.core_type<sc_vector_subcore>, window_params = [{transform_indices = #map}, {transform_indices = #map}]} {
    %mul3A = arith.constant 16 : i32
    %mul3A_0 = arith.muli %arg0, %mul3A : i32
    %add3A = arith.addi %mul3A_0, %arg1 : i32
    %mul3A_1 = arith.constant 640 : i32
    %mul3A_2 = arith.muli %arg1, %mul3A_1 : i32
    "tpu.region"() ({
      %run_scoped3A = tpu.sem_alloc : memref<!tpu.dma_semaphore, #tpu.memory_space<semaphore_mem>>
      %dma_start3A = arith.constant 0 : i32
      %dma_start3A_34 = arith.constant 0 : i32
      %dma_start3A_35 = tpu.memref_slice %arg2[%add3A, %dma_start3A, %dma_start3A_34] : memref<32x80x128xi32, #tpu.memory_space<hbm>> -> memref<1x80x128xi32, #tpu.memory_space<hbm>>
      %dma_start3A_36 = tpu.memref_squeeze %dma_start3A_35 : memref<1x80x128xi32, #tpu.memory_space<hbm>> -> memref<80x128xi32, #tpu.memory_space<hbm>>
      %dma_start3A_37 = arith.constant 0 : i32
      %dma_start3A_38 = arith.constant 0 : i32
      %dma_start3A_39 = tpu.memref_slice %arg2[%add3A, %dma_start3A_37, %dma_start3A_38] : memref<32x80x128xi32, #tpu.memory_space<hbm>> -> memref<1x80x128xi32, #tpu.memory_space<hbm>>
      %dma_start3A_40 = tpu.memref_squeeze %dma_start3A_39 : memref<1x80x128xi32, #tpu.memory_space<hbm>> -> memref<80x128xi32, #tpu.memory_space<hbm>>
      tpu.enqueue_dma source(%dma_start3A_40 : memref<80x128xi32, #tpu.memory_space<hbm>>) target(%arg4 : memref<80x128xi32, #tpu.memory_space<vmem>>) target_semaphore(%run_scoped3A : memref<!tpu.dma_semaphore, #tpu.memory_space<semaphore_mem>>)
      %dma_wait3A = arith.constant 0 : i32
      %dma_wait3A_41 = arith.constant 0 : i32
      %dma_wait3A_42 = tpu.memref_slice %arg2[%add3A, %dma_wait3A, %dma_wait3A_41] : memref<32x80x128xi32, #tpu.memory_space<hbm>> -> memref<1x80x128xi32, #tpu.memory_space<hbm>>
      %dma_wait3A_43 = tpu.memref_squeeze %dma_wait3A_42 : memref<1x80x128xi32, #tpu.memory_space<hbm>> -> memref<80x128xi32, #tpu.memory_space<hbm>>
      %dma_wait3A_44 = arith.constant 0 : i32
      %dma_wait3A_45 = arith.constant 0 : i32
      %dma_wait3A_46 = tpu.memref_slice %arg2[%add3A, %dma_wait3A_44, %dma_wait3A_45] : memref<32x80x128xi32, #tpu.memory_space<hbm>> -> memref<1x80x128xi32, #tpu.memory_space<hbm>>
      %dma_wait3A_47 = tpu.memref_squeeze %dma_wait3A_46 : memref<1x80x128xi32, #tpu.memory_space<hbm>> -> memref<80x128xi32, #tpu.memory_space<hbm>>
      tpu.wait_dma2 semaphore(%run_scoped3A : memref<!tpu.dma_semaphore, #tpu.memory_space<semaphore_mem>>) src(%dma_wait3A_47 : memref<80x128xi32, #tpu.memory_space<hbm>>) dst(%arg4 : memref<80x128xi32, #tpu.memory_space<vmem>>)
      tpu.yield
    }) : () -> ()
    %scan3A = arith.constant 0 : i32
    %scan3A_3 = arith.constant 0 : i32
    %scan3A_4 = arith.constant 1024 : i32
    %scan3A_5 = arith.addi %scan3A_3, %scan3A_4 : i32
    %scan3A_6 = arith.constant 1 : i32
    %scan3A_7 = scf.for %scan3A_34 = %scan3A_3 to %scan3A_5 step %scan3A_6 iter_args(%scan3A_35 = %scan3A) -> (i32)  : i32 {
      %jit3A = arith.constant 8 : i32
      %div3A = arith.divsi %scan3A_34, %jit3A : i32
      %sign3A = arith.constant 0 : i32
      %sign3A_36 = arith.cmpi sgt, %scan3A_34, %sign3A : i32
      %sign3A_37 = arith.extui %sign3A_36 : i1 to i32
      %sign3A_38 = arith.constant 0 : i32
      %sign3A_39 = arith.cmpi slt, %scan3A_34, %sign3A_38 : i32
      %sign3A_40 = arith.extui %sign3A_39 : i1 to i32
      %sign3A_41 = arith.subi %sign3A_37, %sign3A_40 : i32
      %sign3A_42 = arith.constant 0 : i32
      %sign3A_43 = arith.cmpi sgt, %jit3A, %sign3A_42 : i32
      %sign3A_44 = arith.extui %sign3A_43 : i1 to i32
      %sign3A_45 = arith.constant 0 : i32
      %sign3A_46 = arith.cmpi slt, %jit3A, %sign3A_45 : i32
      %sign3A_47 = arith.extui %sign3A_46 : i1 to i32
      %sign3A_48 = arith.subi %sign3A_44, %sign3A_47 : i32
      %ne3A = arith.cmpi ne, %sign3A_41, %sign3A_48 : i32
      %rem3A = arith.remsi %scan3A_34, %jit3A : i32
      %ne3A_49 = arith.constant 0 : i32
      %ne3A_50 = arith.cmpi ne, %rem3A, %ne3A_49 : i32
      %and3A = arith.andi %ne3A, %ne3A_50 : i1
      %sub3A = arith.constant 1 : i32
      %sub3A_51 = arith.subi %div3A, %sub3A : i32
      %select_n3A = arith.select %and3A, %sub3A_51, %div3A : i32
      %jit3A_52 = arith.constant 8 : i32
      %eq3A = arith.constant 0 : i32
      %eq3A_53 = arith.cmpi eq, %jit3A_52, %eq3A : i32
      %jit3A_54 = arith.constant 1 : i32
      %select_n3A_55 = arith.select %eq3A_53, %jit3A_54, %jit3A_52 : i32
      %rem3A_56 = arith.remsi %scan3A_34, %select_n3A_55 : i32
      %ne3A_57 = arith.constant 0 : i32
      %ne3A_58 = arith.cmpi ne, %rem3A_56, %ne3A_57 : i32
      %lt3A = arith.constant 0 : i32
      %lt3A_59 = arith.cmpi slt, %rem3A_56, %lt3A : i32
      %lt3A_60 = arith.constant 0 : i32
      %lt3A_61 = arith.cmpi slt, %select_n3A_55, %lt3A_60 : i32
      %ne3A_62 = arith.xori %lt3A_59, %lt3A_61 : i1
      %and3A_63 = arith.andi %ne3A_62, %ne3A_58 : i1
      %add3A_64 = arith.addi %rem3A_56, %select_n3A_55 : i32
      %select_n3A_65 = arith.select %and3A_63, %add3A_64, %rem3A_56 : i32
      %mul3A_66 = arith.constant 16 : i32
      %mul3A_67 = arith.muli %select_n3A_65, %mul3A_66 : i32
      %broadcast_in_dim3A = arith.constant 0.000000e+00 : f32
      %broadcast_in_dim3A_68 = vector.broadcast %broadcast_in_dim3A : f32 to vector<16xf32>
      %swap3A = arith.index_cast %select_n3A : i32 to index
      %swap3A_69 = arith.index_cast %mul3A_67 : i32 to index
      %swap3A_70 = tpu.vector_load %arg5[%swap3A, %swap3A_69] {strides = array<i32>} : memref<128x128xf32, #tpu.memory_space<vmem>>, vector<1x16xf32>,
      %swap3A_71 = vector.shape_cast %swap3A_70 : vector<1x16xf32> to vector<16xf32>
      %swap3A_72 = vector.shape_cast %broadcast_in_dim3A_68 : vector<16xf32> to vector<1x16xf32>
      tpu.vector_store %arg5[%swap3A, %swap3A_69], %swap3A_72 {strides = array<i32>} : memref<128x128xf32, #tpu.memory_space<vmem>>, vector<1x16xf32>,
      %scan3A_73 = arith.constant 0 : i32
      scf.yield %scan3A_73 : i32
    }
    %scan3A_8 = arith.constant 1024 : i32
    %scan3A_9 = arith.constant 0 : i32
    %scan3A_10 = arith.constant 0 : i32
    %scan3A_11 = arith.constant 1024 : i32
    %scan3A_12 = arith.addi %scan3A_10, %scan3A_11 : i32
    %scan3A_13 = arith.constant 1 : i32
    %scan3A_14 = scf.for %scan3A_34 = %scan3A_10 to %scan3A_12 step %scan3A_13 iter_args(%scan3A_35 = %scan3A_9) -> (i32)  : i32 {
      %jit3A = arith.constant 8 : i32
      %div3A = arith.divsi %scan3A_34, %jit3A : i32
      %sign3A = arith.constant 0 : i32
      %sign3A_36 = arith.cmpi sgt, %scan3A_34, %sign3A : i32
      %sign3A_37 = arith.extui %sign3A_36 : i1 to i32
      %sign3A_38 = arith.constant 0 : i32
      %sign3A_39 = arith.cmpi slt, %scan3A_34, %sign3A_38 : i32
      %sign3A_40 = arith.extui %sign3A_39 : i1 to i32
      %sign3A_41 = arith.subi %sign3A_37, %sign3A_40 : i32
      %sign3A_42 = arith.constant 0 : i32
      %sign3A_43 = arith.cmpi sgt, %jit3A, %sign3A_42 : i32
      %sign3A_44 = arith.extui %sign3A_43 : i1 to i32
      %sign3A_45 = arith.constant 0 : i32
      %sign3A_46 = arith.cmpi slt, %jit3A, %sign3A_45 : i32
      %sign3A_47 = arith.extui %sign3A_46 : i1 to i32
      %sign3A_48 = arith.subi %sign3A_44, %sign3A_47 : i32
      %ne3A = arith.cmpi ne, %sign3A_41, %sign3A_48 : i32
      %rem3A = arith.remsi %scan3A_34, %jit3A : i32
      %ne3A_49 = arith.constant 0 : i32
      %ne3A_50 = arith.cmpi ne, %rem3A, %ne3A_49 : i32
      %and3A = arith.andi %ne3A, %ne3A_50 : i1
      %sub3A = arith.constant 1 : i32
      %sub3A_51 = arith.subi %div3A, %sub3A : i32
      %select_n3A = arith.select %and3A, %sub3A_51, %div3A : i32
      %jit3A_52 = arith.constant 8 : i32
      %eq3A = arith.constant 0 : i32
      %eq3A_53 = arith.cmpi eq, %jit3A_52, %eq3A : i32
      %jit3A_54 = arith.constant 1 : i32
      %select_n3A_55 = arith.select %eq3A_53, %jit3A_54, %jit3A_52 : i32
      %rem3A_56 = arith.remsi %scan3A_34, %select_n3A_55 : i32
      %ne3A_57 = arith.constant 0 : i32
      %ne3A_58 = arith.cmpi ne, %rem3A_56, %ne3A_57 : i32
      %lt3A = arith.constant 0 : i32
      %lt3A_59 = arith.cmpi slt, %rem3A_56, %lt3A : i32
      %lt3A_60 = arith.constant 0 : i32
      %lt3A_61 = arith.cmpi slt, %select_n3A_55, %lt3A_60 : i32
      %ne3A_62 = arith.xori %lt3A_59, %lt3A_61 : i1
      %and3A_63 = arith.andi %ne3A_62, %ne3A_58 : i1
      %add3A_64 = arith.addi %rem3A_56, %select_n3A_55 : i32
      %select_n3A_65 = arith.select %and3A_63, %add3A_64, %rem3A_56 : i32
      %mul3A_66 = arith.constant 16 : i32
      %mul3A_67 = arith.muli %select_n3A_65, %mul3A_66 : i32
      %broadcast_in_dim3A = arith.constant 1.000000e+00 : f32
      %broadcast_in_dim3A_68 = vector.broadcast %broadcast_in_dim3A : f32 to vector<16xf32>
      %swap3A = arith.index_cast %select_n3A : i32 to index
      %swap3A_69 = arith.index_cast %mul3A_67 : i32 to index
      %swap3A_70 = tpu.vector_load %arg6[%swap3A, %swap3A_69] {strides = array<i32>} : memref<128x128xf32, #tpu.memory_space<vmem>>, vector<1x16xf32>,
      %swap3A_71 = vector.shape_cast %swap3A_70 : vector<1x16xf32> to vector<16xf32>
      %swap3A_72 = vector.shape_cast %broadcast_in_dim3A_68 : vector<16xf32> to vector<1x16xf32>
      tpu.vector_store %arg6[%swap3A, %swap3A_69], %swap3A_72 {strides = array<i32>} : memref<128x128xf32, #tpu.memory_space<vmem>>, vector<1x16xf32>,
      %scan3A_73 = arith.constant 0 : i32
      scf.yield %scan3A_73 : i32
    }
    %scan3A_15 = arith.constant 1024 : i32
    %add3A_16 = arith.constant 0 : i32
    %add3A_17 = arith.addi %mul3A_2, %add3A_16 : i32
    "tpu.region"() ({
      %run_scoped3A = tpu.sem_alloc : memref<!tpu.dma_semaphore, #tpu.memory_space<semaphore_mem>>
      %dma_start3A = arith.constant 0 : i32
      %dma_start3A_34 = tpu.memref_slice %arg7[%add3A_17, %dma_start3A] : memref<10240x128xf32, #tpu.memory_space<vmem_shared>> -> memref<128x128xf32, #tpu.memory_space<vmem_shared>>
      %dma_start3A_35 = arith.constant 0 : i32
      %dma_start3A_36 = tpu.memref_slice %arg7[%add3A_17, %dma_start3A_35] : memref<10240x128xf32, #tpu.memory_space<vmem_shared>> -> memref<128x128xf32, #tpu.memory_space<vmem_shared>>
      tpu.enqueue_dma source(%arg5 : memref<128x128xf32, #tpu.memory_space<vmem>>) target(%dma_start3A_36 : memref<128x128xf32, #tpu.memory_space<vmem_shared>>) target_semaphore(%run_scoped3A : memref<!tpu.dma_semaphore, #tpu.memory_space<semaphore_mem>>)
      %dma_wait3A = arith.constant 0 : i32
      %dma_wait3A_37 = tpu.memref_slice %arg7[%add3A_17, %dma_wait3A] : memref<10240x128xf32, #tpu.memory_space<vmem_shared>> -> memref<128x128xf32, #tpu.memory_space<vmem_shared>>
      %dma_wait3A_38 = arith.constant 0 : i32
      %dma_wait3A_39 = tpu.memref_slice %arg7[%add3A_17, %dma_wait3A_38] : memref<10240x128xf32, #tpu.memory_space<vmem_shared>> -> memref<128x128xf32, #tpu.memory_space<vmem_shared>>
      tpu.wait_dma2 semaphore(%run_scoped3A : memref<!tpu.dma_semaphore, #tpu.memory_space<semaphore_mem>>) src(%arg5 : memref<128x128xf32, #tpu.memory_space<vmem>>) dst(%dma_wait3A_39 : memref<128x128xf32, #tpu.memory_space<vmem_shared>>)
      tpu.yield
    }) : () -> ()
    %add3A_18 = arith.constant 128 : i32
    %add3A_19 = arith.addi %mul3A_2, %add3A_18 : i32
    "tpu.region"() ({
      %run_scoped3A = tpu.sem_alloc : memref<!tpu.dma_semaphore, #tpu.memory_space<semaphore_mem>>
      %dma_start3A = arith.constant 0 : i32
      %dma_start3A_34 = tpu.memref_slice %arg7[%add3A_19, %dma_start3A] : memref<10240x128xf32, #tpu.memory_space<vmem_shared>> -> memref<128x128xf32, #tpu.memory_space<vmem_shared>>
      %dma_start3A_35 = arith.constant 0 : i32
      %dma_start3A_36 = tpu.memref_slice %arg7[%add3A_19, %dma_start3A_35] : memref<10240x128xf32, #tpu.memory_space<vmem_shared>> -> memref<128x128xf32, #tpu.memory_space<vmem_shared>>
      tpu.enqueue_dma source(%arg5 : memref<128x128xf32, #tpu.memory_space<vmem>>) target(%dma_start3A_36 : memref<128x128xf32, #tpu.memory_space<vmem_shared>>) target_semaphore(%run_scoped3A : memref<!tpu.dma_semaphore, #tpu.memory_space<semaphore_mem>>)
      %dma_wait3A = arith.constant 0 : i32
      %dma_wait3A_37 = tpu.memref_slice %arg7[%add3A_19, %dma_wait3A] : memref<10240x128xf32, #tpu.memory_space<vmem_shared>> -> memref<128x128xf32, #tpu.memory_space<vmem_shared>>
      %dma_wait3A_38 = arith.constant 0 : i32
      %dma_wait3A_39 = tpu.memref_slice %arg7[%add3A_19, %dma_wait3A_38] : memref<10240x128xf32, #tpu.memory_space<vmem_shared>> -> memref<128x128xf32, #tpu.memory_space<vmem_shared>>
      tpu.wait_dma2 semaphore(%run_scoped3A : memref<!tpu.dma_semaphore, #tpu.memory_space<semaphore_mem>>) src(%arg5 : memref<128x128xf32, #tpu.memory_space<vmem>>) dst(%dma_wait3A_39 : memref<128x128xf32, #tpu.memory_space<vmem_shared>>)
      tpu.yield
    }) : () -> ()
    %add3A_20 = arith.constant 256 : i32
    %add3A_21 = arith.addi %mul3A_2, %add3A_20 : i32
    "tpu.region"() ({
      %run_scoped3A = tpu.sem_alloc : memref<!tpu.dma_semaphore, #tpu.memory_space<semaphore_mem>>
      %dma_start3A = arith.constant 0 : i32
      %dma_start3A_34 = tpu.memref_slice %arg7[%add3A_21, %dma_start3A] : memref<10240x128xf32, #tpu.memory_space<vmem_shared>> -> memref<128x128xf32, #tpu.memory_space<vmem_shared>>
      %dma_start3A_35 = arith.constant 0 : i32
      %dma_start3A_36 = tpu.memref_slice %arg7[%add3A_21, %dma_start3A_35] : memref<10240x128xf32, #tpu.memory_space<vmem_shared>> -> memref<128x128xf32, #tpu.memory_space<vmem_shared>>
      tpu.enqueue_dma source(%arg5 : memref<128x128xf32, #tpu.memory_space<vmem>>) target(%dma_start3A_36 : memref<128x128xf32, #tpu.memory_space<vmem_shared>>) target_semaphore(%run_scoped3A : memref<!tpu.dma_semaphore, #tpu.memory_space<semaphore_mem>>)
      %dma_wait3A = arith.constant 0 : i32
      %dma_wait3A_37 = tpu.memref_slice %arg7[%add3A_21, %dma_wait3A] : memref<10240x128xf32, #tpu.memory_space<vmem_shared>> -> memref<128x128xf32, #tpu.memory_space<vmem_shared>>
      %dma_wait3A_38 = arith.constant 0 : i32
      %dma_wait3A_39 = tpu.memref_slice %arg7[%add3A_21, %dma_wait3A_38] : memref<10240x128xf32, #tpu.memory_space<vmem_shared>> -> memref<128x128xf32, #tpu.memory_space<vmem_shared>>
      tpu.wait_dma2 semaphore(%run_scoped3A : memref<!tpu.dma_semaphore, #tpu.memory_space<semaphore_mem>>) src(%arg5 : memref<128x128xf32, #tpu.memory_space<vmem>>) dst(%dma_wait3A_39 : memref<128x128xf32, #tpu.memory_space<vmem_shared>>)
      tpu.yield
    }) : () -> ()
    %add3A_22 = arith.constant 384 : i32
    %add3A_23 = arith.addi %mul3A_2, %add3A_22 : i32
    "tpu.region"() ({
      %run_scoped3A = tpu.sem_alloc : memref<!tpu.dma_semaphore, #tpu.memory_space<semaphore_mem>>
      %dma_start3A = arith.constant 0 : i32
      %dma_start3A_34 = tpu.memref_slice %arg7[%add3A_23, %dma_start3A] : memref<10240x128xf32, #tpu.memory_space<vmem_shared>> -> memref<128x128xf32, #tpu.memory_space<vmem_shared>>
      %dma_start3A_35 = arith.constant 0 : i32
      %dma_start3A_36 = tpu.memref_slice %arg7[%add3A_23, %dma_start3A_35] : memref<10240x128xf32, #tpu.memory_space<vmem_shared>> -> memref<128x128xf32, #tpu.memory_space<vmem_shared>>
      tpu.enqueue_dma source(%arg5 : memref<128x128xf32, #tpu.memory_space<vmem>>) target(%dma_start3A_36 : memref<128x128xf32, #tpu.memory_space<vmem_shared>>) target_semaphore(%run_scoped3A : memref<!tpu.dma_semaphore, #tpu.memory_space<semaphore_mem>>)
      %dma_wait3A = arith.constant 0 : i32
      %dma_wait3A_37 = tpu.memref_slice %arg7[%add3A_23, %dma_wait3A] : memref<10240x128xf32, #tpu.memory_space<vmem_shared>> -> memref<128x128xf32, #tpu.memory_space<vmem_shared>>
      %dma_wait3A_38 = arith.constant 0 : i32
      %dma_wait3A_39 = tpu.memref_slice %arg7[%add3A_23, %dma_wait3A_38] : memref<10240x128xf32, #tpu.memory_space<vmem_shared>> -> memref<128x128xf32, #tpu.memory_space<vmem_shared>>
      tpu.wait_dma2 semaphore(%run_scoped3A : memref<!tpu.dma_semaphore, #tpu.memory_space<semaphore_mem>>) src(%arg5 : memref<128x128xf32, #tpu.memory_space<vmem>>) dst(%dma_wait3A_39 : memref<128x128xf32, #tpu.memory_space<vmem_shared>>)
      tpu.yield
    }) : () -> ()
    %add3A_24 = arith.constant 512 : i32
    %add3A_25 = arith.addi %mul3A_2, %add3A_24 : i32
    "tpu.region"() ({
      %run_scoped3A = tpu.sem_alloc : memref<!tpu.dma_semaphore, #tpu.memory_space<semaphore_mem>>
      %dma_start3A = arith.constant 0 : i32
      %dma_start3A_34 = tpu.memref_slice %arg7[%add3A_25, %dma_start3A] : memref<10240x128xf32, #tpu.memory_space<vmem_shared>> -> memref<128x128xf32, #tpu.memory_space<vmem_shared>>
      %dma_start3A_35 = arith.constant 0 : i32
      %dma_start3A_36 = tpu.memref_slice %arg7[%add3A_25, %dma_start3A_35] : memref<10240x128xf32, #tpu.memory_space<vmem_shared>> -> memref<128x128xf32, #tpu.memory_space<vmem_shared>>
      tpu.enqueue_dma source(%arg5 : memref<128x128xf32, #tpu.memory_space<vmem>>) target(%dma_start3A_36 : memref<128x128xf32, #tpu.memory_space<vmem_shared>>) target_semaphore(%run_scoped3A : memref<!tpu.dma_semaphore, #tpu.memory_space<semaphore_mem>>)
      %dma_wait3A = arith.constant 0 : i32
      %dma_wait3A_37 = tpu.memref_slice %arg7[%add3A_25, %dma_wait3A] : memref<10240x128xf32, #tpu.memory_space<vmem_shared>> -> memref<128x128xf32, #tpu.memory_space<vmem_shared>>
      %dma_wait3A_38 = arith.constant 0 : i32
      %dma_wait3A_39 = tpu.memref_slice %arg7[%add3A_25, %dma_wait3A_38] : memref<10240x128xf32, #tpu.memory_space<vmem_shared>> -> memref<128x128xf32, #tpu.memory_space<vmem_shared>>
      tpu.wait_dma2 semaphore(%run_scoped3A : memref<!tpu.dma_semaphore, #tpu.memory_space<semaphore_mem>>) src(%arg5 : memref<128x128xf32, #tpu.memory_space<vmem>>) dst(%dma_wait3A_39 : memref<128x128xf32, #tpu.memory_space<vmem_shared>>)
      tpu.yield
    }) : () -> ()
    %barrier3A = arith.constant 0 : index
    tpu.barrier barrier_id(%barrier3A)
    %scan3A_26 = arith.constant 0 : i32
    %scan3A_27 = arith.constant 0 : i32
    %scan3A_28 = arith.constant 80 : i32
    %scan3A_29 = arith.addi %scan3A_27, %scan3A_28 : i32
    %scan3A_30 = arith.constant 1 : i32
    %scan3A_31 = scf.for %scan3A_34 = %scan3A_27 to %scan3A_29 step %scan3A_30 iter_args(%scan3A_35 = %scan3A_26) -> (i32)  : i32 {
      "tpu.region"() ({
        %run_scoped3A = tpu.sem_alloc : memref<!tpu.dma_semaphore, #tpu.memory_space<semaphore_mem>>
        %dma_start3A = arith.constant 0 : i32
        %dma_start3A_37 = tpu.memref_slice %arg4[%scan3A_34, %dma_start3A] : memref<80x128xi32, #tpu.memory_space<vmem>> -> memref<1x128xi32, #tpu.memory_space<vmem>>
        %dma_start3A_38 = tpu.memref_squeeze %dma_start3A_37 : memref<1x128xi32, #tpu.memory_space<vmem>> -> memref<128xi32, #tpu.memory_space<vmem>>
        %dma_start3A_39 = arith.constant 0 : i32
        %dma_start3A_40 = arith.constant 0 : i32
        %dma_start3A_41 = tpu.memref_slice %arg7[%dma_start3A_39, %dma_start3A_40] : memref<10240x128xf32, #tpu.memory_space<vmem_shared>> -> memref<10240x128xf32, #tpu.memory_space<vmem_shared>>
        tpu.enqueue_indirect_dma source(%arg6 : memref<128x128xf32, #tpu.memory_space<vmem>>) target(%dma_start3A_41 : memref<10240x128xf32, #tpu.memory_space<vmem_shared>>) offsets(%dma_start3A_38 : memref<128xi32, #tpu.memory_space<vmem>>) semaphore(%run_scoped3A : memref<!tpu.dma_semaphore, #tpu.memory_space<semaphore_mem>>) {add = true}
        %dma_wait3A = arith.constant 0 : i32
        %dma_wait3A_42 = tpu.memref_slice %arg4[%scan3A_34, %dma_wait3A] : memref<80x128xi32, #tpu.memory_space<vmem>> -> memref<1x128xi32, #tpu.memory_space<vmem>>
        %dma_wait3A_43 = tpu.memref_squeeze %dma_wait3A_42 : memref<1x128xi32, #tpu.memory_space<vmem>> -> memref<128xi32, #tpu.memory_space<vmem>>
        %dma_wait3A_44 = arith.constant 0 : i32
        %dma_wait3A_45 = arith.constant 0 : i32
        %dma_wait3A_46 = tpu.memref_slice %arg7[%dma_wait3A_44, %dma_wait3A_45] : memref<10240x128xf32, #tpu.memory_space<vmem_shared>> -> memref<10240x128xf32, #tpu.memory_space<vmem_shared>>
        tpu.wait_indirect_dma semaphore(%run_scoped3A : memref<!tpu.dma_semaphore, #tpu.memory_space<semaphore_mem>>) src(%arg6 : memref<128x128xf32, #tpu.memory_space<vmem>>) dst(%dma_wait3A_46 : memref<10240x128xf32, #tpu.memory_space<vmem_shared>>)
        tpu.yield
      }) : () -> ()
      %scan3A_36 = arith.constant 0 : i32
      scf.yield %scan3A_36 : i32
    }
    %scan3A_32 = arith.constant 80 : i32
    %barrier3A_33 = arith.constant 0 : index
    tpu.barrier barrier_id(%barrier3A_33)
    "tpu.region"() ({
      %run_scoped3A = tpu.sem_alloc : memref<!tpu.dma_semaphore, #tpu.memory_space<semaphore_mem>>
      %dma_start3A = arith.constant 0 : i32
      %dma_start3A_34 = tpu.memref_slice %arg3[%arg0, %mul3A_2, %dma_start3A] : memref<2x10240x128xf32, #tpu.memory_space<hbm>> -> memref<1x640x128xf32, #tpu.memory_space<hbm>>
      %dma_start3A_35 = tpu.memref_squeeze %dma_start3A_34 : memref<1x640x128xf32, #tpu.memory_space<hbm>> -> memref<640x128xf32, #tpu.memory_space<hbm>>
      %dma_start3A_36 = arith.constant 0 : i32
      %dma_start3A_37 = tpu.memref_slice %arg7[%mul3A_2, %dma_start3A_36] : memref<10240x128xf32, #tpu.memory_space<vmem_shared>> -> memref<640x128xf32, #tpu.memory_space<vmem_shared>>
      tpu.enqueue_dma source(%dma_start3A_37 : memref<640x128xf32, #tpu.memory_space<vmem_shared>>) target(%dma_start3A_35 : memref<640x128xf32, #tpu.memory_space<hbm>>) target_semaphore(%run_scoped3A : memref<!tpu.dma_semaphore, #tpu.memory_space<semaphore_mem>>)
      %dma_wait3A = arith.constant 0 : i32
      %dma_wait3A_38 = tpu.memref_slice %arg3[%arg0, %mul3A_2, %dma_wait3A] : memref<2x10240x128xf32, #tpu.memory_space<hbm>> -> memref<1x640x128xf32, #tpu.memory_space<hbm>>
      %dma_wait3A_39 = tpu.memref_squeeze %dma_wait3A_38 : memref<1x640x128xf32, #tpu.memory_space<hbm>> -> memref<640x128xf32, #tpu.memory_space<hbm>>
      %dma_wait3A_40 = arith.constant 0 : i32
      %dma_wait3A_41 = tpu.memref_slice %arg7[%mul3A_2, %dma_wait3A_40] : memref<10240x128xf32, #tpu.memory_space<vmem_shared>> -> memref<640x128xf32, #tpu.memory_space<vmem_shared>>
      tpu.wait_dma2 semaphore(%run_scoped3A : memref<!tpu.dma_semaphore, #tpu.memory_space<semaphore_mem>>) src(%dma_wait3A_41 : memref<640x128xf32, #tpu.memory_space<vmem_shared>>) dst(%dma_wait3A_39 : memref<640x128xf32, #tpu.memory_space<hbm>>)
      tpu.yield
    }) : () -> ()
    return
  }
}

#map = affine_map<(d0, d1) -> (0, 0)>
#map1 = affine_map<(d0, d1) -> (0, 0, 0)>
module attributes {stable_mosaic.version = 14 : i64} {
  func.func @_sc_body(%arg0: i32, %arg1: i32, %arg2: memref<10240x128xf32, #tpu.memory_space<hbm>>, %arg3: memref<16x80x128xi32, #tpu.memory_space<hbm>>, %arg4: memref<16x80x128xi32, #tpu.memory_space<hbm>>, %arg5: memref<16x80x128xi32, #tpu.memory_space<hbm>>, %arg6: memref<16x80x128xi32, #tpu.memory_space<hbm>>, %arg7: memref<2x10240x128xf32, #tpu.memory_space<hbm>>, %arg8: memref<40x128xi32, #tpu.memory_space<vmem>>, %arg9: memref<40x128xi32, #tpu.memory_space<vmem>>, %arg10: memref<128x128xf32, #tpu.memory_space<vmem>>, %arg11: memref<128x128xf32, #tpu.memory_space<vmem>>, %arg12: memref<10240x128xf32, #tpu.memory_space<vmem_shared>>, %arg13: memref<!tpu.dma_semaphore, #tpu.memory_space<semaphore_mem>>, %arg14: memref<!tpu.dma_semaphore, #tpu.memory_space<semaphore_mem>>) attributes {dimension_semantics = [#tpu.dimension_semantics<core_parallel>, #tpu.dimension_semantics<subcore_parallel>], iteration_bounds = array<i64: 2, 16>, scalar_prefetch = 0 : i64, scratch_operands = 7 : i64, tpu.core_type = #tpu.core_type<sc_vector_subcore>, window_params = [{transform_indices = #map}, {transform_indices = #map1}, {transform_indices = #map1}, {transform_indices = #map1}, {transform_indices = #map1}, {transform_indices = #map1}]} {
    %mul3A = arith.constant 640 : i32
    %mul3A_0 = arith.muli %arg1, %mul3A : i32
    %scan3A = arith.constant 0 : i32
    %scan3A_1 = arith.constant 0 : i32
    %scan3A_2 = arith.constant 1024 : i32
    %scan3A_3 = arith.addi %scan3A_1, %scan3A_2 : i32
    %scan3A_4 = arith.constant 1 : i32
    %scan3A_5 = scf.for %scan3A_24 = %scan3A_1 to %scan3A_3 step %scan3A_4 iter_args(%scan3A_25 = %scan3A) -> (i32)  : i32 {
      %jit3A = arith.constant 8 : i32
      %div3A = arith.divsi %scan3A_24, %jit3A : i32
      %sign3A = arith.constant 0 : i32
      %sign3A_26 = arith.cmpi sgt, %scan3A_24, %sign3A : i32
      %sign3A_27 = arith.extui %sign3A_26 : i1 to i32
      %sign3A_28 = arith.constant 0 : i32
      %sign3A_29 = arith.cmpi slt, %scan3A_24, %sign3A_28 : i32
      %sign3A_30 = arith.extui %sign3A_29 : i1 to i32
      %sign3A_31 = arith.subi %sign3A_27, %sign3A_30 : i32
      %sign3A_32 = arith.constant 0 : i32
      %sign3A_33 = arith.cmpi sgt, %jit3A, %sign3A_32 : i32
      %sign3A_34 = arith.extui %sign3A_33 : i1 to i32
      %sign3A_35 = arith.constant 0 : i32
      %sign3A_36 = arith.cmpi slt, %jit3A, %sign3A_35 : i32
      %sign3A_37 = arith.extui %sign3A_36 : i1 to i32
      %sign3A_38 = arith.subi %sign3A_34, %sign3A_37 : i32
      %ne3A = arith.cmpi ne, %sign3A_31, %sign3A_38 : i32
      %rem3A = arith.remsi %scan3A_24, %jit3A : i32
      %ne3A_39 = arith.constant 0 : i32
      %ne3A_40 = arith.cmpi ne, %rem3A, %ne3A_39 : i32
      %and3A = arith.andi %ne3A, %ne3A_40 : i1
      %sub3A = arith.constant 1 : i32
      %sub3A_41 = arith.subi %div3A, %sub3A : i32
      %select_n3A = arith.select %and3A, %sub3A_41, %div3A : i32
      %jit3A_42 = arith.constant 8 : i32
      %eq3A_43 = arith.constant 0 : i32
      %eq3A_44 = arith.cmpi eq, %jit3A_42, %eq3A_43 : i32
      %jit3A_45 = arith.constant 1 : i32
      %select_n3A_46 = arith.select %eq3A_44, %jit3A_45, %jit3A_42 : i32
      %rem3A_47 = arith.remsi %scan3A_24, %select_n3A_46 : i32
      %ne3A_48 = arith.constant 0 : i32
      %ne3A_49 = arith.cmpi ne, %rem3A_47, %ne3A_48 : i32
      %lt3A = arith.constant 0 : i32
      %lt3A_50 = arith.cmpi slt, %rem3A_47, %lt3A : i32
      %lt3A_51 = arith.constant 0 : i32
      %lt3A_52 = arith.cmpi slt, %select_n3A_46, %lt3A_51 : i32
      %ne3A_53 = arith.xori %lt3A_50, %lt3A_52 : i1
      %and3A_54 = arith.andi %ne3A_53, %ne3A_49 : i1
      %add3A_55 = arith.addi %rem3A_47, %select_n3A_46 : i32
      %select_n3A_56 = arith.select %and3A_54, %add3A_55, %rem3A_47 : i32
      %mul3A_57 = arith.constant 16 : i32
      %mul3A_58 = arith.muli %select_n3A_56, %mul3A_57 : i32
      %broadcast_in_dim3A = arith.constant 0.000000e+00 : f32
      %broadcast_in_dim3A_59 = vector.broadcast %broadcast_in_dim3A : f32 to vector<16xf32>
      %swap3A = arith.index_cast %select_n3A : i32 to index
      %swap3A_60 = arith.index_cast %mul3A_58 : i32 to index
      %swap3A_61 = tpu.vector_load %arg10[%swap3A, %swap3A_60] {strides = array<i32>} : memref<128x128xf32, #tpu.memory_space<vmem>>, vector<1x16xf32>,
      %swap3A_62 = vector.shape_cast %swap3A_61 : vector<1x16xf32> to vector<16xf32>
      %swap3A_63 = vector.shape_cast %broadcast_in_dim3A_59 : vector<16xf32> to vector<1x16xf32>
      tpu.vector_store %arg10[%swap3A, %swap3A_60], %swap3A_63 {strides = array<i32>} : memref<128x128xf32, #tpu.memory_space<vmem>>, vector<1x16xf32>,
      %scan3A_64 = arith.constant 0 : i32
      scf.yield %scan3A_64 : i32
    }
    %scan3A_6 = arith.constant 1024 : i32
    %add3A = arith.constant 0 : i32
    %add3A_7 = arith.addi %mul3A_0, %add3A : i32
    "tpu.region"() ({
      %run_scoped3A = tpu.sem_alloc : memref<!tpu.dma_semaphore, #tpu.memory_space<semaphore_mem>>
      %dma_start3A = arith.constant 0 : i32
      %dma_start3A_24 = tpu.memref_slice %arg12[%add3A_7, %dma_start3A] : memref<10240x128xf32, #tpu.memory_space<vmem_shared>> -> memref<128x128xf32, #tpu.memory_space<vmem_shared>>
      %dma_start3A_25 = arith.constant 0 : i32
      %dma_start3A_26 = tpu.memref_slice %arg12[%add3A_7, %dma_start3A_25] : memref<10240x128xf32, #tpu.memory_space<vmem_shared>> -> memref<128x128xf32, #tpu.memory_space<vmem_shared>>
      tpu.enqueue_dma source(%arg10 : memref<128x128xf32, #tpu.memory_space<vmem>>) target(%dma_start3A_26 : memref<128x128xf32, #tpu.memory_space<vmem_shared>>) target_semaphore(%run_scoped3A : memref<!tpu.dma_semaphore, #tpu.memory_space<semaphore_mem>>)
      %dma_wait3A = arith.constant 0 : i32
      %dma_wait3A_27 = tpu.memref_slice %arg12[%add3A_7, %dma_wait3A] : memref<10240x128xf32, #tpu.memory_space<vmem_shared>> -> memref<128x128xf32, #tpu.memory_space<vmem_shared>>
      %dma_wait3A_28 = arith.constant 0 : i32
      %dma_wait3A_29 = tpu.memref_slice %arg12[%add3A_7, %dma_wait3A_28] : memref<10240x128xf32, #tpu.memory_space<vmem_shared>> -> memref<128x128xf32, #tpu.memory_space<vmem_shared>>
      tpu.wait_dma2 semaphore(%run_scoped3A : memref<!tpu.dma_semaphore, #tpu.memory_space<semaphore_mem>>) src(%arg10 : memref<128x128xf32, #tpu.memory_space<vmem>>) dst(%dma_wait3A_29 : memref<128x128xf32, #tpu.memory_space<vmem_shared>>)
      tpu.yield
    }) : () -> ()
    %add3A_8 = arith.constant 128 : i32
    %add3A_9 = arith.addi %mul3A_0, %add3A_8 : i32
    "tpu.region"() ({
      %run_scoped3A = tpu.sem_alloc : memref<!tpu.dma_semaphore, #tpu.memory_space<semaphore_mem>>
      %dma_start3A = arith.constant 0 : i32
      %dma_start3A_24 = tpu.memref_slice %arg12[%add3A_9, %dma_start3A] : memref<10240x128xf32, #tpu.memory_space<vmem_shared>> -> memref<128x128xf32, #tpu.memory_space<vmem_shared>>
      %dma_start3A_25 = arith.constant 0 : i32
      %dma_start3A_26 = tpu.memref_slice %arg12[%add3A_9, %dma_start3A_25] : memref<10240x128xf32, #tpu.memory_space<vmem_shared>> -> memref<128x128xf32, #tpu.memory_space<vmem_shared>>
      tpu.enqueue_dma source(%arg10 : memref<128x128xf32, #tpu.memory_space<vmem>>) target(%dma_start3A_26 : memref<128x128xf32, #tpu.memory_space<vmem_shared>>) target_semaphore(%run_scoped3A : memref<!tpu.dma_semaphore, #tpu.memory_space<semaphore_mem>>)
      %dma_wait3A = arith.constant 0 : i32
      %dma_wait3A_27 = tpu.memref_slice %arg12[%add3A_9, %dma_wait3A] : memref<10240x128xf32, #tpu.memory_space<vmem_shared>> -> memref<128x128xf32, #tpu.memory_space<vmem_shared>>
      %dma_wait3A_28 = arith.constant 0 : i32
      %dma_wait3A_29 = tpu.memref_slice %arg12[%add3A_9, %dma_wait3A_28] : memref<10240x128xf32, #tpu.memory_space<vmem_shared>> -> memref<128x128xf32, #tpu.memory_space<vmem_shared>>
      tpu.wait_dma2 semaphore(%run_scoped3A : memref<!tpu.dma_semaphore, #tpu.memory_space<semaphore_mem>>) src(%arg10 : memref<128x128xf32, #tpu.memory_space<vmem>>) dst(%dma_wait3A_29 : memref<128x128xf32, #tpu.memory_space<vmem_shared>>)
      tpu.yield
    }) : () -> ()
    %add3A_10 = arith.constant 256 : i32
    %add3A_11 = arith.addi %mul3A_0, %add3A_10 : i32
    "tpu.region"() ({
      %run_scoped3A = tpu.sem_alloc : memref<!tpu.dma_semaphore, #tpu.memory_space<semaphore_mem>>
      %dma_start3A = arith.constant 0 : i32
      %dma_start3A_24 = tpu.memref_slice %arg12[%add3A_11, %dma_start3A] : memref<10240x128xf32, #tpu.memory_space<vmem_shared>> -> memref<128x128xf32, #tpu.memory_space<vmem_shared>>
      %dma_start3A_25 = arith.constant 0 : i32
      %dma_start3A_26 = tpu.memref_slice %arg12[%add3A_11, %dma_start3A_25] : memref<10240x128xf32, #tpu.memory_space<vmem_shared>> -> memref<128x128xf32, #tpu.memory_space<vmem_shared>>
      tpu.enqueue_dma source(%arg10 : memref<128x128xf32, #tpu.memory_space<vmem>>) target(%dma_start3A_26 : memref<128x128xf32, #tpu.memory_space<vmem_shared>>) target_semaphore(%run_scoped3A : memref<!tpu.dma_semaphore, #tpu.memory_space<semaphore_mem>>)
      %dma_wait3A = arith.constant 0 : i32
      %dma_wait3A_27 = tpu.memref_slice %arg12[%add3A_11, %dma_wait3A] : memref<10240x128xf32, #tpu.memory_space<vmem_shared>> -> memref<128x128xf32, #tpu.memory_space<vmem_shared>>
      %dma_wait3A_28 = arith.constant 0 : i32
      %dma_wait3A_29 = tpu.memref_slice %arg12[%add3A_11, %dma_wait3A_28] : memref<10240x128xf32, #tpu.memory_space<vmem_shared>> -> memref<128x128xf32, #tpu.memory_space<vmem_shared>>
      tpu.wait_dma2 semaphore(%run_scoped3A : memref<!tpu.dma_semaphore, #tpu.memory_space<semaphore_mem>>) src(%arg10 : memref<128x128xf32, #tpu.memory_space<vmem>>) dst(%dma_wait3A_29 : memref<128x128xf32, #tpu.memory_space<vmem_shared>>)
      tpu.yield
    }) : () -> ()
    %add3A_12 = arith.constant 384 : i32
    %add3A_13 = arith.addi %mul3A_0, %add3A_12 : i32
    "tpu.region"() ({
      %run_scoped3A = tpu.sem_alloc : memref<!tpu.dma_semaphore, #tpu.memory_space<semaphore_mem>>
      %dma_start3A = arith.constant 0 : i32
      %dma_start3A_24 = tpu.memref_slice %arg12[%add3A_13, %dma_start3A] : memref<10240x128xf32, #tpu.memory_space<vmem_shared>> -> memref<128x128xf32, #tpu.memory_space<vmem_shared>>
      %dma_start3A_25 = arith.constant 0 : i32
      %dma_start3A_26 = tpu.memref_slice %arg12[%add3A_13, %dma_start3A_25] : memref<10240x128xf32, #tpu.memory_space<vmem_shared>> -> memref<128x128xf32, #tpu.memory_space<vmem_shared>>
      tpu.enqueue_dma source(%arg10 : memref<128x128xf32, #tpu.memory_space<vmem>>) target(%dma_start3A_26 : memref<128x128xf32, #tpu.memory_space<vmem_shared>>) target_semaphore(%run_scoped3A : memref<!tpu.dma_semaphore, #tpu.memory_space<semaphore_mem>>)
      %dma_wait3A = arith.constant 0 : i32
      %dma_wait3A_27 = tpu.memref_slice %arg12[%add3A_13, %dma_wait3A] : memref<10240x128xf32, #tpu.memory_space<vmem_shared>> -> memref<128x128xf32, #tpu.memory_space<vmem_shared>>
      %dma_wait3A_28 = arith.constant 0 : i32
      %dma_wait3A_29 = tpu.memref_slice %arg12[%add3A_13, %dma_wait3A_28] : memref<10240x128xf32, #tpu.memory_space<vmem_shared>> -> memref<128x128xf32, #tpu.memory_space<vmem_shared>>
      tpu.wait_dma2 semaphore(%run_scoped3A : memref<!tpu.dma_semaphore, #tpu.memory_space<semaphore_mem>>) src(%arg10 : memref<128x128xf32, #tpu.memory_space<vmem>>) dst(%dma_wait3A_29 : memref<128x128xf32, #tpu.memory_space<vmem_shared>>)
      tpu.yield
    }) : () -> ()
    %add3A_14 = arith.constant 512 : i32
    %add3A_15 = arith.addi %mul3A_0, %add3A_14 : i32
    "tpu.region"() ({
      %run_scoped3A = tpu.sem_alloc : memref<!tpu.dma_semaphore, #tpu.memory_space<semaphore_mem>>
      %dma_start3A = arith.constant 0 : i32
      %dma_start3A_24 = tpu.memref_slice %arg12[%add3A_15, %dma_start3A] : memref<10240x128xf32, #tpu.memory_space<vmem_shared>> -> memref<128x128xf32, #tpu.memory_space<vmem_shared>>
      %dma_start3A_25 = arith.constant 0 : i32
      %dma_start3A_26 = tpu.memref_slice %arg12[%add3A_15, %dma_start3A_25] : memref<10240x128xf32, #tpu.memory_space<vmem_shared>> -> memref<128x128xf32, #tpu.memory_space<vmem_shared>>
      tpu.enqueue_dma source(%arg10 : memref<128x128xf32, #tpu.memory_space<vmem>>) target(%dma_start3A_26 : memref<128x128xf32, #tpu.memory_space<vmem_shared>>) target_semaphore(%run_scoped3A : memref<!tpu.dma_semaphore, #tpu.memory_space<semaphore_mem>>)
      %dma_wait3A = arith.constant 0 : i32
      %dma_wait3A_27 = tpu.memref_slice %arg12[%add3A_15, %dma_wait3A] : memref<10240x128xf32, #tpu.memory_space<vmem_shared>> -> memref<128x128xf32, #tpu.memory_space<vmem_shared>>
      %dma_wait3A_28 = arith.constant 0 : i32
      %dma_wait3A_29 = tpu.memref_slice %arg12[%add3A_15, %dma_wait3A_28] : memref<10240x128xf32, #tpu.memory_space<vmem_shared>> -> memref<128x128xf32, #tpu.memory_space<vmem_shared>>
      tpu.wait_dma2 semaphore(%run_scoped3A : memref<!tpu.dma_semaphore, #tpu.memory_space<semaphore_mem>>) src(%arg10 : memref<128x128xf32, #tpu.memory_space<vmem>>) dst(%dma_wait3A_29 : memref<128x128xf32, #tpu.memory_space<vmem_shared>>)
      tpu.yield
    }) : () -> ()
    %barrier3A = arith.constant 0 : index
    tpu.barrier barrier_id(%barrier3A)
    %eq3A = arith.constant 0 : i32
    %eq3A_16 = arith.cmpi eq, %arg0, %eq3A : i32
    %convert_element_type3A = arith.extui %eq3A_16 : i1 to i32
    %cond3A = arith.constant 0 : i32
    %cond3A_17 = arith.cmpi ne, %convert_element_type3A, %cond3A : i32
    scf.if %cond3A_17 {
      "tpu.region"() ({
        %run_scoped3A = tpu.sem_alloc : memref<!tpu.dma_semaphore, #tpu.memory_space<semaphore_mem>>
        %dma_start3A_51 = arith.constant 0 : i32
        %dma_start3A_52 = arith.constant 0 : i32
        %dma_start3A_53 = tpu.memref_slice %arg3[%arg1, %dma_start3A_51, %dma_start3A_52] : memref<16x80x128xi32, #tpu.memory_space<hbm>> -> memref<1x40x128xi32, #tpu.memory_space<hbm>>
        %dma_start3A_54 = tpu.memref_squeeze %dma_start3A_53 : memref<1x40x128xi32, #tpu.memory_space<hbm>> -> memref<40x128xi32, #tpu.memory_space<hbm>>
        %dma_start3A_55 = arith.constant 0 : i32
        %dma_start3A_56 = arith.constant 0 : i32
        %dma_start3A_57 = tpu.memref_slice %arg3[%arg1, %dma_start3A_55, %dma_start3A_56] : memref<16x80x128xi32, #tpu.memory_space<hbm>> -> memref<1x40x128xi32, #tpu.memory_space<hbm>>
        %dma_start3A_58 = tpu.memref_squeeze %dma_start3A_57 : memref<1x40x128xi32, #tpu.memory_space<hbm>> -> memref<40x128xi32, #tpu.memory_space<hbm>>
        tpu.enqueue_dma source(%dma_start3A_58 : memref<40x128xi32, #tpu.memory_space<hbm>>) target(%arg8 : memref<40x128xi32, #tpu.memory_space<vmem>>) target_semaphore(%run_scoped3A : memref<!tpu.dma_semaphore, #tpu.memory_space<semaphore_mem>>)
        %dma_wait3A = arith.constant 0 : i32
        %dma_wait3A_59 = arith.constant 0 : i32
        %dma_wait3A_60 = tpu.memref_slice %arg3[%arg1, %dma_wait3A, %dma_wait3A_59] : memref<16x80x128xi32, #tpu.memory_space<hbm>> -> memref<1x40x128xi32, #tpu.memory_space<hbm>>
        %dma_wait3A_61 = tpu.memref_squeeze %dma_wait3A_60 : memref<1x40x128xi32, #tpu.memory_space<hbm>> -> memref<40x128xi32, #tpu.memory_space<hbm>>
        %dma_wait3A_62 = arith.constant 0 : i32
        %dma_wait3A_63 = arith.constant 0 : i32
        %dma_wait3A_64 = tpu.memref_slice %arg3[%arg1, %dma_wait3A_62, %dma_wait3A_63] : memref<16x80x128xi32, #tpu.memory_space<hbm>> -> memref<1x40x128xi32, #tpu.memory_space<hbm>>
        %dma_wait3A_65 = tpu.memref_squeeze %dma_wait3A_64 : memref<1x40x128xi32, #tpu.memory_space<hbm>> -> memref<40x128xi32, #tpu.memory_space<hbm>>
        tpu.wait_dma2 semaphore(%run_scoped3A : memref<!tpu.dma_semaphore, #tpu.memory_space<semaphore_mem>>) src(%dma_wait3A_65 : memref<40x128xi32, #tpu.memory_space<hbm>>) dst(%arg8 : memref<40x128xi32, #tpu.memory_space<vmem>>)
        tpu.yield
      }) : () -> ()
      "tpu.region"() ({
        %run_scoped3A = tpu.sem_alloc : memref<!tpu.dma_semaphore, #tpu.memory_space<semaphore_mem>>
        %dma_start3A_51 = arith.constant 0 : i32
        %dma_start3A_52 = arith.constant 0 : i32
        %dma_start3A_53 = tpu.memref_slice %arg4[%arg1, %dma_start3A_51, %dma_start3A_52] : memref<16x80x128xi32, #tpu.memory_space<hbm>> -> memref<1x40x128xi32, #tpu.memory_space<hbm>>
        %dma_start3A_54 = tpu.memref_squeeze %dma_start3A_53 : memref<1x40x128xi32, #tpu.memory_space<hbm>> -> memref<40x128xi32, #tpu.memory_space<hbm>>
        %dma_start3A_55 = arith.constant 0 : i32
        %dma_start3A_56 = arith.constant 0 : i32
        %dma_start3A_57 = tpu.memref_slice %arg4[%arg1, %dma_start3A_55, %dma_start3A_56] : memref<16x80x128xi32, #tpu.memory_space<hbm>> -> memref<1x40x128xi32, #tpu.memory_space<hbm>>
        %dma_start3A_58 = tpu.memref_squeeze %dma_start3A_57 : memref<1x40x128xi32, #tpu.memory_space<hbm>> -> memref<40x128xi32, #tpu.memory_space<hbm>>
        tpu.enqueue_dma source(%dma_start3A_58 : memref<40x128xi32, #tpu.memory_space<hbm>>) target(%arg9 : memref<40x128xi32, #tpu.memory_space<vmem>>) target_semaphore(%run_scoped3A : memref<!tpu.dma_semaphore, #tpu.memory_space<semaphore_mem>>)
        %dma_wait3A = arith.constant 0 : i32
        %dma_wait3A_59 = arith.constant 0 : i32
        %dma_wait3A_60 = tpu.memref_slice %arg4[%arg1, %dma_wait3A, %dma_wait3A_59] : memref<16x80x128xi32, #tpu.memory_space<hbm>> -> memref<1x40x128xi32, #tpu.memory_space<hbm>>
        %dma_wait3A_61 = tpu.memref_squeeze %dma_wait3A_60 : memref<1x40x128xi32, #tpu.memory_space<hbm>> -> memref<40x128xi32, #tpu.memory_space<hbm>>
        %dma_wait3A_62 = arith.constant 0 : i32
        %dma_wait3A_63 = arith.constant 0 : i32
        %dma_wait3A_64 = tpu.memref_slice %arg4[%arg1, %dma_wait3A_62, %dma_wait3A_63] : memref<16x80x128xi32, #tpu.memory_space<hbm>> -> memref<1x40x128xi32, #tpu.memory_space<hbm>>
        %dma_wait3A_65 = tpu.memref_squeeze %dma_wait3A_64 : memref<1x40x128xi32, #tpu.memory_space<hbm>> -> memref<40x128xi32, #tpu.memory_space<hbm>>
        tpu.wait_dma2 semaphore(%run_scoped3A : memref<!tpu.dma_semaphore, #tpu.memory_space<semaphore_mem>>) src(%dma_wait3A_65 : memref<40x128xi32, #tpu.memory_space<hbm>>) dst(%arg9 : memref<40x128xi32, #tpu.memory_space<vmem>>)
        tpu.yield
      }) : () -> ()
      %dma_start3A = arith.constant 0 : i32
      %dma_start3A_24 = arith.constant 0 : i32
      %dma_start3A_25 = tpu.memref_slice %arg8[%dma_start3A, %dma_start3A_24] : memref<40x128xi32, #tpu.memory_space<vmem>> -> memref<1x128xi32, #tpu.memory_space<vmem>>
      %dma_start3A_26 = tpu.memref_squeeze %dma_start3A_25 : memref<1x128xi32, #tpu.memory_space<vmem>> -> memref<128xi32, #tpu.memory_space<vmem>>
      %dma_start3A_27 = arith.constant 0 : i32
      %dma_start3A_28 = arith.constant 0 : i32
      %dma_start3A_29 = tpu.memref_slice %arg2[%dma_start3A_27, %dma_start3A_28] : memref<10240x128xf32, #tpu.memory_space<hbm>> -> memref<10240x128xf32, #tpu.memory_space<hbm>>
      tpu.enqueue_indirect_dma source(%dma_start3A_29 : memref<10240x128xf32, #tpu.memory_space<hbm>>) target(%arg10 : memref<128x128xf32, #tpu.memory_space<vmem>>) offsets(%dma_start3A_26 : memref<128xi32, #tpu.memory_space<vmem>>) semaphore(%arg13 : memref<!tpu.dma_semaphore, #tpu.memory_space<semaphore_mem>>)
      %scan3A_30 = arith.constant 0 : i32
      %scan3A_31 = arith.constant 0 : i32
      %scan3A_32 = arith.constant 20 : i32
      %scan3A_33 = arith.addi %scan3A_31, %scan3A_32 : i32
      %scan3A_34 = arith.constant 1 : i32
      %scan3A_35 = scf.for %scan3A_51 = %scan3A_31 to %scan3A_33 step %scan3A_34 iter_args(%scan3A_52 = %scan3A_30) -> (i32)  : i32 {
        %mul3A_53 = arith.constant 2 : i32
        %mul3A_54 = arith.muli %mul3A_53, %scan3A_51 : i32
        %dma_wait3A = arith.constant 0 : i32
        %dma_wait3A_55 = tpu.memref_slice %arg8[%mul3A_54, %dma_wait3A] : memref<40x128xi32, #tpu.memory_space<vmem>> -> memref<1x128xi32, #tpu.memory_space<vmem>>
        %dma_wait3A_56 = tpu.memref_squeeze %dma_wait3A_55 : memref<1x128xi32, #tpu.memory_space<vmem>> -> memref<128xi32, #tpu.memory_space<vmem>>
        %dma_wait3A_57 = arith.constant 0 : i32
        %dma_wait3A_58 = arith.constant 0 : i32
        %dma_wait3A_59 = tpu.memref_slice %arg2[%dma_wait3A_57, %dma_wait3A_58] : memref<10240x128xf32, #tpu.memory_space<hbm>> -> memref<10240x128xf32, #tpu.memory_space<hbm>>
        tpu.wait_indirect_dma semaphore(%arg13 : memref<!tpu.dma_semaphore, #tpu.memory_space<semaphore_mem>>) src(%dma_wait3A_59 : memref<10240x128xf32, #tpu.memory_space<hbm>>) dst(%arg10 : memref<128x128xf32, #tpu.memory_space<vmem>>)
        %add3A_60 = arith.constant 1 : i32
        %add3A_61 = arith.addi %mul3A_54, %add3A_60 : i32
        %dma_start3A_62 = arith.constant 0 : i32
        %dma_start3A_63 = tpu.memref_slice %arg8[%add3A_61, %dma_start3A_62] : memref<40x128xi32, #tpu.memory_space<vmem>> -> memref<1x128xi32, #tpu.memory_space<vmem>>
        %dma_start3A_64 = tpu.memref_squeeze %dma_start3A_63 : memref<1x128xi32, #tpu.memory_space<vmem>> -> memref<128xi32, #tpu.memory_space<vmem>>
        %dma_start3A_65 = arith.constant 0 : i32
        %dma_start3A_66 = arith.constant 0 : i32
        %dma_start3A_67 = tpu.memref_slice %arg2[%dma_start3A_65, %dma_start3A_66] : memref<10240x128xf32, #tpu.memory_space<hbm>> -> memref<10240x128xf32, #tpu.memory_space<hbm>>
        tpu.enqueue_indirect_dma source(%dma_start3A_67 : memref<10240x128xf32, #tpu.memory_space<hbm>>) target(%arg11 : memref<128x128xf32, #tpu.memory_space<vmem>>) offsets(%dma_start3A_64 : memref<128xi32, #tpu.memory_space<vmem>>) semaphore(%arg14 : memref<!tpu.dma_semaphore, #tpu.memory_space<semaphore_mem>>)
        "tpu.region"() ({
          %run_scoped3A = tpu.sem_alloc : memref<!tpu.dma_semaphore, #tpu.memory_space<semaphore_mem>>
          %dma_start3A_83 = arith.constant 0 : i32
          %dma_start3A_84 = tpu.memref_slice %arg9[%mul3A_54, %dma_start3A_83] : memref<40x128xi32, #tpu.memory_space<vmem>> -> memref<1x128xi32, #tpu.memory_space<vmem>>
          %dma_start3A_85 = tpu.memref_squeeze %dma_start3A_84 : memref<1x128xi32, #tpu.memory_space<vmem>> -> memref<128xi32, #tpu.memory_space<vmem>>
          %dma_start3A_86 = arith.constant 0 : i32
          %dma_start3A_87 = arith.constant 0 : i32
          %dma_start3A_88 = tpu.memref_slice %arg12[%dma_start3A_86, %dma_start3A_87] : memref<10240x128xf32, #tpu.memory_space<vmem_shared>> -> memref<10240x128xf32, #tpu.memory_space<vmem_shared>>
          tpu.enqueue_indirect_dma source(%arg10 : memref<128x128xf32, #tpu.memory_space<vmem>>) target(%dma_start3A_88 : memref<10240x128xf32, #tpu.memory_space<vmem_shared>>) offsets(%dma_start3A_85 : memref<128xi32, #tpu.memory_space<vmem>>) semaphore(%run_scoped3A : memref<!tpu.dma_semaphore, #tpu.memory_space<semaphore_mem>>) {add = true}
          %dma_wait3A_89 = arith.constant 0 : i32
          %dma_wait3A_90 = tpu.memref_slice %arg9[%mul3A_54, %dma_wait3A_89] : memref<40x128xi32, #tpu.memory_space<vmem>> -> memref<1x128xi32, #tpu.memory_space<vmem>>
          %dma_wait3A_91 = tpu.memref_squeeze %dma_wait3A_90 : memref<1x128xi32, #tpu.memory_space<vmem>> -> memref<128xi32, #tpu.memory_space<vmem>>
          %dma_wait3A_92 = arith.constant 0 : i32
          %dma_wait3A_93 = arith.constant 0 : i32
          %dma_wait3A_94 = tpu.memref_slice %arg12[%dma_wait3A_92, %dma_wait3A_93] : memref<10240x128xf32, #tpu.memory_space<vmem_shared>> -> memref<10240x128xf32, #tpu.memory_space<vmem_shared>>
          tpu.wait_indirect_dma semaphore(%run_scoped3A : memref<!tpu.dma_semaphore, #tpu.memory_space<semaphore_mem>>) src(%arg10 : memref<128x128xf32, #tpu.memory_space<vmem>>) dst(%dma_wait3A_94 : memref<10240x128xf32, #tpu.memory_space<vmem_shared>>)
          tpu.yield
        }) : () -> ()
        %add3A_68 = arith.constant 2 : i32
        %add3A_69 = arith.addi %mul3A_54, %add3A_68 : i32
        %lt3A = arith.constant 40 : i32
        %lt3A_70 = arith.cmpi slt, %add3A_69, %lt3A : i32
        %convert_element_type3A_71 = arith.extui %lt3A_70 : i1 to i32
        %cond3A_72 = arith.constant 0 : i32
        %cond3A_73 = arith.cmpi ne, %convert_element_type3A_71, %cond3A_72 : i32
        scf.if %cond3A_73 {
          %add3A_83 = arith.constant 2 : i32
          %add3A_84 = arith.addi %mul3A_54, %add3A_83 : i32
          %dma_start3A_85 = arith.constant 0 : i32
          %dma_start3A_86 = tpu.memref_slice %arg8[%add3A_84, %dma_start3A_85] : memref<40x128xi32, #tpu.memory_space<vmem>> -> memref<1x128xi32, #tpu.memory_space<vmem>>
          %dma_start3A_87 = tpu.memref_squeeze %dma_start3A_86 : memref<1x128xi32, #tpu.memory_space<vmem>> -> memref<128xi32, #tpu.memory_space<vmem>>
          %dma_start3A_88 = arith.constant 0 : i32
          %dma_start3A_89 = arith.constant 0 : i32
          %dma_start3A_90 = tpu.memref_slice %arg2[%dma_start3A_88, %dma_start3A_89] : memref<10240x128xf32, #tpu.memory_space<hbm>> -> memref<10240x128xf32, #tpu.memory_space<hbm>>
          tpu.enqueue_indirect_dma source(%dma_start3A_90 : memref<10240x128xf32, #tpu.memory_space<hbm>>) target(%arg10 : memref<128x128xf32, #tpu.memory_space<vmem>>) offsets(%dma_start3A_87 : memref<128xi32, #tpu.memory_space<vmem>>) semaphore(%arg13 : memref<!tpu.dma_semaphore, #tpu.memory_space<semaphore_mem>>)
        } else {
        }
        %dma_wait3A_74 = arith.constant 0 : i32
        %dma_wait3A_75 = tpu.memref_slice %arg8[%add3A_61, %dma_wait3A_74] : memref<40x128xi32, #tpu.memory_space<vmem>> -> memref<1x128xi32, #tpu.memory_space<vmem>>
        %dma_wait3A_76 = tpu.memref_squeeze %dma_wait3A_75 : memref<1x128xi32, #tpu.memory_space<vmem>> -> memref<128xi32, #tpu.memory_space<vmem>>
        %dma_wait3A_77 = arith.constant 0 : i32
        %dma_wait3A_78 = arith.constant 0 : i32
        %dma_wait3A_79 = tpu.memref_slice %arg2[%dma_wait3A_77, %dma_wait3A_78] : memref<10240x128xf32, #tpu.memory_space<hbm>> -> memref<10240x128xf32, #tpu.memory_space<hbm>>
        tpu.wait_indirect_dma semaphore(%arg14 : memref<!tpu.dma_semaphore, #tpu.memory_space<semaphore_mem>>) src(%dma_wait3A_79 : memref<10240x128xf32, #tpu.memory_space<hbm>>) dst(%arg11 : memref<128x128xf32, #tpu.memory_space<vmem>>)
        %add3A_80 = arith.constant 1 : i32
        %add3A_81 = arith.addi %mul3A_54, %add3A_80 : i32
        "tpu.region"() ({
          %run_scoped3A = tpu.sem_alloc : memref<!tpu.dma_semaphore, #tpu.memory_space<semaphore_mem>>
          %dma_start3A_83 = arith.constant 0 : i32
          %dma_start3A_84 = tpu.memref_slice %arg9[%add3A_81, %dma_start3A_83] : memref<40x128xi32, #tpu.memory_space<vmem>> -> memref<1x128xi32, #tpu.memory_space<vmem>>
          %dma_start3A_85 = tpu.memref_squeeze %dma_start3A_84 : memref<1x128xi32, #tpu.memory_space<vmem>> -> memref<128xi32, #tpu.memory_space<vmem>>
          %dma_start3A_86 = arith.constant 0 : i32
          %dma_start3A_87 = arith.constant 0 : i32
          %dma_start3A_88 = tpu.memref_slice %arg12[%dma_start3A_86, %dma_start3A_87] : memref<10240x128xf32, #tpu.memory_space<vmem_shared>> -> memref<10240x128xf32, #tpu.memory_space<vmem_shared>>
          tpu.enqueue_indirect_dma source(%arg11 : memref<128x128xf32, #tpu.memory_space<vmem>>) target(%dma_start3A_88 : memref<10240x128xf32, #tpu.memory_space<vmem_shared>>) offsets(%dma_start3A_85 : memref<128xi32, #tpu.memory_space<vmem>>) semaphore(%run_scoped3A : memref<!tpu.dma_semaphore, #tpu.memory_space<semaphore_mem>>) {add = true}
          %dma_wait3A_89 = arith.constant 0 : i32
          %dma_wait3A_90 = tpu.memref_slice %arg9[%add3A_81, %dma_wait3A_89] : memref<40x128xi32, #tpu.memory_space<vmem>> -> memref<1x128xi32, #tpu.memory_space<vmem>>
          %dma_wait3A_91 = tpu.memref_squeeze %dma_wait3A_90 : memref<1x128xi32, #tpu.memory_space<vmem>> -> memref<128xi32, #tpu.memory_space<vmem>>
          %dma_wait3A_92 = arith.constant 0 : i32
          %dma_wait3A_93 = arith.constant 0 : i32
          %dma_wait3A_94 = tpu.memref_slice %arg12[%dma_wait3A_92, %dma_wait3A_93] : memref<10240x128xf32, #tpu.memory_space<vmem_shared>> -> memref<10240x128xf32, #tpu.memory_space<vmem_shared>>
          tpu.wait_indirect_dma semaphore(%run_scoped3A : memref<!tpu.dma_semaphore, #tpu.memory_space<semaphore_mem>>) src(%arg11 : memref<128x128xf32, #tpu.memory_space<vmem>>) dst(%dma_wait3A_94 : memref<10240x128xf32, #tpu.memory_space<vmem_shared>>)
          tpu.yield
        }) : () -> ()
        %scan3A_82 = arith.constant 0 : i32
        scf.yield %scan3A_82 : i32
      }
      %scan3A_36 = arith.constant 20 : i32
      "tpu.region"() ({
        %run_scoped3A = tpu.sem_alloc : memref<!tpu.dma_semaphore, #tpu.memory_space<semaphore_mem>>
        %dma_start3A_51 = arith.constant 40 : i32
        %dma_start3A_52 = arith.constant 0 : i32
        %dma_start3A_53 = tpu.memref_slice %arg3[%arg1, %dma_start3A_51, %dma_start3A_52] : memref<16x80x128xi32, #tpu.memory_space<hbm>> -> memref<1x40x128xi32, #tpu.memory_space<hbm>>
        %dma_start3A_54 = tpu.memref_squeeze %dma_start3A_53 : memref<1x40x128xi32, #tpu.memory_space<hbm>> -> memref<40x128xi32, #tpu.memory_space<hbm>>
        %dma_start3A_55 = arith.constant 40 : i32
        %dma_start3A_56 = arith.constant 0 : i32
        %dma_start3A_57 = tpu.memref_slice %arg3[%arg1, %dma_start3A_55, %dma_start3A_56] : memref<16x80x128xi32, #tpu.memory_space<hbm>> -> memref<1x40x128xi32, #tpu.memory_space<hbm>>
        %dma_start3A_58 = tpu.memref_squeeze %dma_start3A_57 : memref<1x40x128xi32, #tpu.memory_space<hbm>> -> memref<40x128xi32, #tpu.memory_space<hbm>>
        tpu.enqueue_dma source(%dma_start3A_58 : memref<40x128xi32, #tpu.memory_space<hbm>>) target(%arg8 : memref<40x128xi32, #tpu.memory_space<vmem>>) target_semaphore(%run_scoped3A : memref<!tpu.dma_semaphore, #tpu.memory_space<semaphore_mem>>)
        %dma_wait3A = arith.constant 40 : i32
        %dma_wait3A_59 = arith.constant 0 : i32
        %dma_wait3A_60 = tpu.memref_slice %arg3[%arg1, %dma_wait3A, %dma_wait3A_59] : memref<16x80x128xi32, #tpu.memory_space<hbm>> -> memref<1x40x128xi32, #tpu.memory_space<hbm>>
        %dma_wait3A_61 = tpu.memref_squeeze %dma_wait3A_60 : memref<1x40x128xi32, #tpu.memory_space<hbm>> -> memref<40x128xi32, #tpu.memory_space<hbm>>
        %dma_wait3A_62 = arith.constant 40 : i32
        %dma_wait3A_63 = arith.constant 0 : i32
        %dma_wait3A_64 = tpu.memref_slice %arg3[%arg1, %dma_wait3A_62, %dma_wait3A_63] : memref<16x80x128xi32, #tpu.memory_space<hbm>> -> memref<1x40x128xi32, #tpu.memory_space<hbm>>
        %dma_wait3A_65 = tpu.memref_squeeze %dma_wait3A_64 : memref<1x40x128xi32, #tpu.memory_space<hbm>> -> memref<40x128xi32, #tpu.memory_space<hbm>>
        tpu.wait_dma2 semaphore(%run_scoped3A : memref<!tpu.dma_semaphore, #tpu.memory_space<semaphore_mem>>) src(%dma_wait3A_65 : memref<40x128xi32, #tpu.memory_space<hbm>>) dst(%arg8 : memref<40x128xi32, #tpu.memory_space<vmem>>)
        tpu.yield
      }) : () -> ()
      "tpu.region"() ({
        %run_scoped3A = tpu.sem_alloc : memref<!tpu.dma_semaphore, #tpu.memory_space<semaphore_mem>>
        %dma_start3A_51 = arith.constant 40 : i32
        %dma_start3A_52 = arith.constant 0 : i32
        %dma_start3A_53 = tpu.memref_slice %arg4[%arg1, %dma_start3A_51, %dma_start3A_52] : memref<16x80x128xi32, #tpu.memory_space<hbm>> -> memref<1x40x128xi32, #tpu.memory_space<hbm>>
        %dma_start3A_54 = tpu.memref_squeeze %dma_start3A_53 : memref<1x40x128xi32, #tpu.memory_space<hbm>> -> memref<40x128xi32, #tpu.memory_space<hbm>>
        %dma_start3A_55 = arith.constant 40 : i32
        %dma_start3A_56 = arith.constant 0 : i32
        %dma_start3A_57 = tpu.memref_slice %arg4[%arg1, %dma_start3A_55, %dma_start3A_56] : memref<16x80x128xi32, #tpu.memory_space<hbm>> -> memref<1x40x128xi32, #tpu.memory_space<hbm>>
        %dma_start3A_58 = tpu.memref_squeeze %dma_start3A_57 : memref<1x40x128xi32, #tpu.memory_space<hbm>> -> memref<40x128xi32, #tpu.memory_space<hbm>>
        tpu.enqueue_dma source(%dma_start3A_58 : memref<40x128xi32, #tpu.memory_space<hbm>>) target(%arg9 : memref<40x128xi32, #tpu.memory_space<vmem>>) target_semaphore(%run_scoped3A : memref<!tpu.dma_semaphore, #tpu.memory_space<semaphore_mem>>)
        %dma_wait3A = arith.constant 40 : i32
        %dma_wait3A_59 = arith.constant 0 : i32
        %dma_wait3A_60 = tpu.memref_slice %arg4[%arg1, %dma_wait3A, %dma_wait3A_59] : memref<16x80x128xi32, #tpu.memory_space<hbm>> -> memref<1x40x128xi32, #tpu.memory_space<hbm>>
        %dma_wait3A_61 = tpu.memref_squeeze %dma_wait3A_60 : memref<1x40x128xi32, #tpu.memory_space<hbm>> -> memref<40x128xi32, #tpu.memory_space<hbm>>
        %dma_wait3A_62 = arith.constant 40 : i32
        %dma_wait3A_63 = arith.constant 0 : i32
        %dma_wait3A_64 = tpu.memref_slice %arg4[%arg1, %dma_wait3A_62, %dma_wait3A_63] : memref<16x80x128xi32, #tpu.memory_space<hbm>> -> memref<1x40x128xi32, #tpu.memory_space<hbm>>
        %dma_wait3A_65 = tpu.memref_squeeze %dma_wait3A_64 : memref<1x40x128xi32, #tpu.memory_space<hbm>> -> memref<40x128xi32, #tpu.memory_space<hbm>>
        tpu.wait_dma2 semaphore(%run_scoped3A : memref<!tpu.dma_semaphore, #tpu.memory_space<semaphore_mem>>) src(%dma_wait3A_65 : memref<40x128xi32, #tpu.memory_space<hbm>>) dst(%arg9 : memref<40x128xi32, #tpu.memory_space<vmem>>)
        tpu.yield
      }) : () -> ()
      %dma_start3A_37 = arith.constant 0 : i32
      %dma_start3A_38 = arith.constant 0 : i32
      %dma_start3A_39 = tpu.memref_slice %arg8[%dma_start3A_37, %dma_start3A_38] : memref<40x128xi32, #tpu.memory_space<vmem>> -> memref<1x128xi32, #tpu.memory_space<vmem>>
      %dma_start3A_40 = tpu.memref_squeeze %dma_start3A_39 : memref<1x128xi32, #tpu.memory_space<vmem>> -> memref<128xi32, #tpu.memory_space<vmem>>
      %dma_start3A_41 = arith.constant 0 : i32
      %dma_start3A_42 = arith.constant 0 : i32
      %dma_start3A_43 = tpu.memref_slice %arg2[%dma_start3A_41, %dma_start3A_42] : memref<10240x128xf32, #tpu.memory_space<hbm>> -> memref<10240x128xf32, #tpu.memory_space<hbm>>
      tpu.enqueue_indirect_dma source(%dma_start3A_43 : memref<10240x128xf32, #tpu.memory_space<hbm>>) target(%arg10 : memref<128x128xf32, #tpu.memory_space<vmem>>) offsets(%dma_start3A_40 : memref<128xi32, #tpu.memory_space<vmem>>) semaphore(%arg13 : memref<!tpu.dma_semaphore, #tpu.memory_space<semaphore_mem>>)
      %scan3A_44 = arith.constant 0 : i32
      %scan3A_45 = arith.constant 0 : i32
      %scan3A_46 = arith.constant 20 : i32
      %scan3A_47 = arith.addi %scan3A_45, %scan3A_46 : i32
      %scan3A_48 = arith.constant 1 : i32
      %scan3A_49 = scf.for %scan3A_51 = %scan3A_45 to %scan3A_47 step %scan3A_48 iter_args(%scan3A_52 = %scan3A_44) -> (i32)  : i32 {
        %mul3A_53 = arith.constant 2 : i32
        %mul3A_54 = arith.muli %mul3A_53, %scan3A_51 : i32
        %dma_wait3A = arith.constant 0 : i32
        %dma_wait3A_55 = tpu.memref_slice %arg8[%mul3A_54, %dma_wait3A] : memref<40x128xi32, #tpu.memory_space<vmem>> -> memref<1x128xi32, #tpu.memory_space<vmem>>
        %dma_wait3A_56 = tpu.memref_squeeze %dma_wait3A_55 : memref<1x128xi32, #tpu.memory_space<vmem>> -> memref<128xi32, #tpu.memory_space<vmem>>
        %dma_wait3A_57 = arith.constant 0 : i32
        %dma_wait3A_58 = arith.constant 0 : i32
        %dma_wait3A_59 = tpu.memref_slice %arg2[%dma_wait3A_57, %dma_wait3A_58] : memref<10240x128xf32, #tpu.memory_space<hbm>> -> memref<10240x128xf32, #tpu.memory_space<hbm>>
        tpu.wait_indirect_dma semaphore(%arg13 : memref<!tpu.dma_semaphore, #tpu.memory_space<semaphore_mem>>) src(%dma_wait3A_59 : memref<10240x128xf32, #tpu.memory_space<hbm>>) dst(%arg10 : memref<128x128xf32, #tpu.memory_space<vmem>>)
        %add3A_60 = arith.constant 1 : i32
        %add3A_61 = arith.addi %mul3A_54, %add3A_60 : i32
        %dma_start3A_62 = arith.constant 0 : i32
        %dma_start3A_63 = tpu.memref_slice %arg8[%add3A_61, %dma_start3A_62] : memref<40x128xi32, #tpu.memory_space<vmem>> -> memref<1x128xi32, #tpu.memory_space<vmem>>
        %dma_start3A_64 = tpu.memref_squeeze %dma_start3A_63 : memref<1x128xi32, #tpu.memory_space<vmem>> -> memref<128xi32, #tpu.memory_space<vmem>>
        %dma_start3A_65 = arith.constant 0 : i32
        %dma_start3A_66 = arith.constant 0 : i32
        %dma_start3A_67 = tpu.memref_slice %arg2[%dma_start3A_65, %dma_start3A_66] : memref<10240x128xf32, #tpu.memory_space<hbm>> -> memref<10240x128xf32, #tpu.memory_space<hbm>>
        tpu.enqueue_indirect_dma source(%dma_start3A_67 : memref<10240x128xf32, #tpu.memory_space<hbm>>) target(%arg11 : memref<128x128xf32, #tpu.memory_space<vmem>>) offsets(%dma_start3A_64 : memref<128xi32, #tpu.memory_space<vmem>>) semaphore(%arg14 : memref<!tpu.dma_semaphore, #tpu.memory_space<semaphore_mem>>)
        "tpu.region"() ({
          %run_scoped3A = tpu.sem_alloc : memref<!tpu.dma_semaphore, #tpu.memory_space<semaphore_mem>>
          %dma_start3A_83 = arith.constant 0 : i32
          %dma_start3A_84 = tpu.memref_slice %arg9[%mul3A_54, %dma_start3A_83] : memref<40x128xi32, #tpu.memory_space<vmem>> -> memref<1x128xi32, #tpu.memory_space<vmem>>
          %dma_start3A_85 = tpu.memref_squeeze %dma_start3A_84 : memref<1x128xi32, #tpu.memory_space<vmem>> -> memref<128xi32, #tpu.memory_space<vmem>>
          %dma_start3A_86 = arith.constant 0 : i32
          %dma_start3A_87 = arith.constant 0 : i32
          %dma_start3A_88 = tpu.memref_slice %arg12[%dma_start3A_86, %dma_start3A_87] : memref<10240x128xf32, #tpu.memory_space<vmem_shared>> -> memref<10240x128xf32, #tpu.memory_space<vmem_shared>>
          tpu.enqueue_indirect_dma source(%arg10 : memref<128x128xf32, #tpu.memory_space<vmem>>) target(%dma_start3A_88 : memref<10240x128xf32, #tpu.memory_space<vmem_shared>>) offsets(%dma_start3A_85 : memref<128xi32, #tpu.memory_space<vmem>>) semaphore(%run_scoped3A : memref<!tpu.dma_semaphore, #tpu.memory_space<semaphore_mem>>) {add = true}
          %dma_wait3A_89 = arith.constant 0 : i32
          %dma_wait3A_90 = tpu.memref_slice %arg9[%mul3A_54, %dma_wait3A_89] : memref<40x128xi32, #tpu.memory_space<vmem>> -> memref<1x128xi32, #tpu.memory_space<vmem>>
          %dma_wait3A_91 = tpu.memref_squeeze %dma_wait3A_90 : memref<1x128xi32, #tpu.memory_space<vmem>> -> memref<128xi32, #tpu.memory_space<vmem>>
          %dma_wait3A_92 = arith.constant 0 : i32
          %dma_wait3A_93 = arith.constant 0 : i32
          %dma_wait3A_94 = tpu.memref_slice %arg12[%dma_wait3A_92, %dma_wait3A_93] : memref<10240x128xf32, #tpu.memory_space<vmem_shared>> -> memref<10240x128xf32, #tpu.memory_space<vmem_shared>>
          tpu.wait_indirect_dma semaphore(%run_scoped3A : memref<!tpu.dma_semaphore, #tpu.memory_space<semaphore_mem>>) src(%arg10 : memref<128x128xf32, #tpu.memory_space<vmem>>) dst(%dma_wait3A_94 : memref<10240x128xf32, #tpu.memory_space<vmem_shared>>)
          tpu.yield
        }) : () -> ()
        %add3A_68 = arith.constant 2 : i32
        %add3A_69 = arith.addi %mul3A_54, %add3A_68 : i32
        %lt3A = arith.constant 40 : i32
        %lt3A_70 = arith.cmpi slt, %add3A_69, %lt3A : i32
        %convert_element_type3A_71 = arith.extui %lt3A_70 : i1 to i32
        %cond3A_72 = arith.constant 0 : i32
        %cond3A_73 = arith.cmpi ne, %convert_element_type3A_71, %cond3A_72 : i32
        scf.if %cond3A_73 {
          %add3A_83 = arith.constant 2 : i32
          %add3A_84 = arith.addi %mul3A_54, %add3A_83 : i32
          %dma_start3A_85 = arith.constant 0 : i32
          %dma_start3A_86 = tpu.memref_slice %arg8[%add3A_84, %dma_start3A_85] : memref<40x128xi32, #tpu.memory_space<vmem>> -> memref<1x128xi32, #tpu.memory_space<vmem>>
          %dma_start3A_87 = tpu.memref_squeeze %dma_start3A_86 : memref<1x128xi32, #tpu.memory_space<vmem>> -> memref<128xi32, #tpu.memory_space<vmem>>
          %dma_start3A_88 = arith.constant 0 : i32
          %dma_start3A_89 = arith.constant 0 : i32
          %dma_start3A_90 = tpu.memref_slice %arg2[%dma_start3A_88, %dma_start3A_89] : memref<10240x128xf32, #tpu.memory_space<hbm>> -> memref<10240x128xf32, #tpu.memory_space<hbm>>
          tpu.enqueue_indirect_dma source(%dma_start3A_90 : memref<10240x128xf32, #tpu.memory_space<hbm>>) target(%arg10 : memref<128x128xf32, #tpu.memory_space<vmem>>) offsets(%dma_start3A_87 : memref<128xi32, #tpu.memory_space<vmem>>) semaphore(%arg13 : memref<!tpu.dma_semaphore, #tpu.memory_space<semaphore_mem>>)
        } else {
        }
        %dma_wait3A_74 = arith.constant 0 : i32
        %dma_wait3A_75 = tpu.memref_slice %arg8[%add3A_61, %dma_wait3A_74] : memref<40x128xi32, #tpu.memory_space<vmem>> -> memref<1x128xi32, #tpu.memory_space<vmem>>
        %dma_wait3A_76 = tpu.memref_squeeze %dma_wait3A_75 : memref<1x128xi32, #tpu.memory_space<vmem>> -> memref<128xi32, #tpu.memory_space<vmem>>
        %dma_wait3A_77 = arith.constant 0 : i32
        %dma_wait3A_78 = arith.constant 0 : i32
        %dma_wait3A_79 = tpu.memref_slice %arg2[%dma_wait3A_77, %dma_wait3A_78] : memref<10240x128xf32, #tpu.memory_space<hbm>> -> memref<10240x128xf32, #tpu.memory_space<hbm>>
        tpu.wait_indirect_dma semaphore(%arg14 : memref<!tpu.dma_semaphore, #tpu.memory_space<semaphore_mem>>) src(%dma_wait3A_79 : memref<10240x128xf32, #tpu.memory_space<hbm>>) dst(%arg11 : memref<128x128xf32, #tpu.memory_space<vmem>>)
        %add3A_80 = arith.constant 1 : i32
        %add3A_81 = arith.addi %mul3A_54, %add3A_80 : i32
        "tpu.region"() ({
          %run_scoped3A = tpu.sem_alloc : memref<!tpu.dma_semaphore, #tpu.memory_space<semaphore_mem>>
          %dma_start3A_83 = arith.constant 0 : i32
          %dma_start3A_84 = tpu.memref_slice %arg9[%add3A_81, %dma_start3A_83] : memref<40x128xi32, #tpu.memory_space<vmem>> -> memref<1x128xi32, #tpu.memory_space<vmem>>
          %dma_start3A_85 = tpu.memref_squeeze %dma_start3A_84 : memref<1x128xi32, #tpu.memory_space<vmem>> -> memref<128xi32, #tpu.memory_space<vmem>>
          %dma_start3A_86 = arith.constant 0 : i32
          %dma_start3A_87 = arith.constant 0 : i32
          %dma_start3A_88 = tpu.memref_slice %arg12[%dma_start3A_86, %dma_start3A_87] : memref<10240x128xf32, #tpu.memory_space<vmem_shared>> -> memref<10240x128xf32, #tpu.memory_space<vmem_shared>>
          tpu.enqueue_indirect_dma source(%arg11 : memref<128x128xf32, #tpu.memory_space<vmem>>) target(%dma_start3A_88 : memref<10240x128xf32, #tpu.memory_space<vmem_shared>>) offsets(%dma_start3A_85 : memref<128xi32, #tpu.memory_space<vmem>>) semaphore(%run_scoped3A : memref<!tpu.dma_semaphore, #tpu.memory_space<semaphore_mem>>) {add = true}
          %dma_wait3A_89 = arith.constant 0 : i32
          %dma_wait3A_90 = tpu.memref_slice %arg9[%add3A_81, %dma_wait3A_89] : memref<40x128xi32, #tpu.memory_space<vmem>> -> memref<1x128xi32, #tpu.memory_space<vmem>>
          %dma_wait3A_91 = tpu.memref_squeeze %dma_wait3A_90 : memref<1x128xi32, #tpu.memory_space<vmem>> -> memref<128xi32, #tpu.memory_space<vmem>>
          %dma_wait3A_92 = arith.constant 0 : i32
          %dma_wait3A_93 = arith.constant 0 : i32
          %dma_wait3A_94 = tpu.memref_slice %arg12[%dma_wait3A_92, %dma_wait3A_93] : memref<10240x128xf32, #tpu.memory_space<vmem_shared>> -> memref<10240x128xf32, #tpu.memory_space<vmem_shared>>
          tpu.wait_indirect_dma semaphore(%run_scoped3A : memref<!tpu.dma_semaphore, #tpu.memory_space<semaphore_mem>>) src(%arg11 : memref<128x128xf32, #tpu.memory_space<vmem>>) dst(%dma_wait3A_94 : memref<10240x128xf32, #tpu.memory_space<vmem_shared>>)
          tpu.yield
        }) : () -> ()
        %scan3A_82 = arith.constant 0 : i32
        scf.yield %scan3A_82 : i32
      }
      %scan3A_50 = arith.constant 20 : i32
    } else {
    }
    %eq3A_18 = arith.constant 1 : i32
    %eq3A_19 = arith.cmpi eq, %arg0, %eq3A_18 : i32
    %convert_element_type3A_20 = arith.extui %eq3A_19 : i1 to i32
    %cond3A_21 = arith.constant 0 : i32
    %cond3A_22 = arith.cmpi ne, %convert_element_type3A_20, %cond3A_21 : i32
    scf.if %cond3A_22 {
      "tpu.region"() ({
        %run_scoped3A = tpu.sem_alloc : memref<!tpu.dma_semaphore, #tpu.memory_space<semaphore_mem>>
        %dma_start3A_51 = arith.constant 0 : i32
        %dma_start3A_52 = arith.constant 0 : i32
        %dma_start3A_53 = tpu.memref_slice %arg5[%arg1, %dma_start3A_51, %dma_start3A_52] : memref<16x80x128xi32, #tpu.memory_space<hbm>> -> memref<1x40x128xi32, #tpu.memory_space<hbm>>
        %dma_start3A_54 = tpu.memref_squeeze %dma_start3A_53 : memref<1x40x128xi32, #tpu.memory_space<hbm>> -> memref<40x128xi32, #tpu.memory_space<hbm>>
        %dma_start3A_55 = arith.constant 0 : i32
        %dma_start3A_56 = arith.constant 0 : i32
        %dma_start3A_57 = tpu.memref_slice %arg5[%arg1, %dma_start3A_55, %dma_start3A_56] : memref<16x80x128xi32, #tpu.memory_space<hbm>> -> memref<1x40x128xi32, #tpu.memory_space<hbm>>
        %dma_start3A_58 = tpu.memref_squeeze %dma_start3A_57 : memref<1x40x128xi32, #tpu.memory_space<hbm>> -> memref<40x128xi32, #tpu.memory_space<hbm>>
        tpu.enqueue_dma source(%dma_start3A_58 : memref<40x128xi32, #tpu.memory_space<hbm>>) target(%arg8 : memref<40x128xi32, #tpu.memory_space<vmem>>) target_semaphore(%run_scoped3A : memref<!tpu.dma_semaphore, #tpu.memory_space<semaphore_mem>>)
        %dma_wait3A = arith.constant 0 : i32
        %dma_wait3A_59 = arith.constant 0 : i32
        %dma_wait3A_60 = tpu.memref_slice %arg5[%arg1, %dma_wait3A, %dma_wait3A_59] : memref<16x80x128xi32, #tpu.memory_space<hbm>> -> memref<1x40x128xi32, #tpu.memory_space<hbm>>
        %dma_wait3A_61 = tpu.memref_squeeze %dma_wait3A_60 : memref<1x40x128xi32, #tpu.memory_space<hbm>> -> memref<40x128xi32, #tpu.memory_space<hbm>>
        %dma_wait3A_62 = arith.constant 0 : i32
        %dma_wait3A_63 = arith.constant 0 : i32
        %dma_wait3A_64 = tpu.memref_slice %arg5[%arg1, %dma_wait3A_62, %dma_wait3A_63] : memref<16x80x128xi32, #tpu.memory_space<hbm>> -> memref<1x40x128xi32, #tpu.memory_space<hbm>>
        %dma_wait3A_65 = tpu.memref_squeeze %dma_wait3A_64 : memref<1x40x128xi32, #tpu.memory_space<hbm>> -> memref<40x128xi32, #tpu.memory_space<hbm>>
        tpu.wait_dma2 semaphore(%run_scoped3A : memref<!tpu.dma_semaphore, #tpu.memory_space<semaphore_mem>>) src(%dma_wait3A_65 : memref<40x128xi32, #tpu.memory_space<hbm>>) dst(%arg8 : memref<40x128xi32, #tpu.memory_space<vmem>>)
        tpu.yield
      }) : () -> ()
      "tpu.region"() ({
        %run_scoped3A = tpu.sem_alloc : memref<!tpu.dma_semaphore, #tpu.memory_space<semaphore_mem>>
        %dma_start3A_51 = arith.constant 0 : i32
        %dma_start3A_52 = arith.constant 0 : i32
        %dma_start3A_53 = tpu.memref_slice %arg6[%arg1, %dma_start3A_51, %dma_start3A_52] : memref<16x80x128xi32, #tpu.memory_space<hbm>> -> memref<1x40x128xi32, #tpu.memory_space<hbm>>
        %dma_start3A_54 = tpu.memref_squeeze %dma_start3A_53 : memref<1x40x128xi32, #tpu.memory_space<hbm>> -> memref<40x128xi32, #tpu.memory_space<hbm>>
        %dma_start3A_55 = arith.constant 0 : i32
        %dma_start3A_56 = arith.constant 0 : i32
        %dma_start3A_57 = tpu.memref_slice %arg6[%arg1, %dma_start3A_55, %dma_start3A_56] : memref<16x80x128xi32, #tpu.memory_space<hbm>> -> memref<1x40x128xi32, #tpu.memory_space<hbm>>
        %dma_start3A_58 = tpu.memref_squeeze %dma_start3A_57 : memref<1x40x128xi32, #tpu.memory_space<hbm>> -> memref<40x128xi32, #tpu.memory_space<hbm>>
        tpu.enqueue_dma source(%dma_start3A_58 : memref<40x128xi32, #tpu.memory_space<hbm>>) target(%arg9 : memref<40x128xi32, #tpu.memory_space<vmem>>) target_semaphore(%run_scoped3A : memref<!tpu.dma_semaphore, #tpu.memory_space<semaphore_mem>>)
        %dma_wait3A = arith.constant 0 : i32
        %dma_wait3A_59 = arith.constant 0 : i32
        %dma_wait3A_60 = tpu.memref_slice %arg6[%arg1, %dma_wait3A, %dma_wait3A_59] : memref<16x80x128xi32, #tpu.memory_space<hbm>> -> memref<1x40x128xi32, #tpu.memory_space<hbm>>
        %dma_wait3A_61 = tpu.memref_squeeze %dma_wait3A_60 : memref<1x40x128xi32, #tpu.memory_space<hbm>> -> memref<40x128xi32, #tpu.memory_space<hbm>>
        %dma_wait3A_62 = arith.constant 0 : i32
        %dma_wait3A_63 = arith.constant 0 : i32
        %dma_wait3A_64 = tpu.memref_slice %arg6[%arg1, %dma_wait3A_62, %dma_wait3A_63] : memref<16x80x128xi32, #tpu.memory_space<hbm>> -> memref<1x40x128xi32, #tpu.memory_space<hbm>>
        %dma_wait3A_65 = tpu.memref_squeeze %dma_wait3A_64 : memref<1x40x128xi32, #tpu.memory_space<hbm>> -> memref<40x128xi32, #tpu.memory_space<hbm>>
        tpu.wait_dma2 semaphore(%run_scoped3A : memref<!tpu.dma_semaphore, #tpu.memory_space<semaphore_mem>>) src(%dma_wait3A_65 : memref<40x128xi32, #tpu.memory_space<hbm>>) dst(%arg9 : memref<40x128xi32, #tpu.memory_space<vmem>>)
        tpu.yield
      }) : () -> ()
      %dma_start3A = arith.constant 0 : i32
      %dma_start3A_24 = arith.constant 0 : i32
      %dma_start3A_25 = tpu.memref_slice %arg8[%dma_start3A, %dma_start3A_24] : memref<40x128xi32, #tpu.memory_space<vmem>> -> memref<1x128xi32, #tpu.memory_space<vmem>>
      %dma_start3A_26 = tpu.memref_squeeze %dma_start3A_25 : memref<1x128xi32, #tpu.memory_space<vmem>> -> memref<128xi32, #tpu.memory_space<vmem>>
      %dma_start3A_27 = arith.constant 0 : i32
      %dma_start3A_28 = arith.constant 0 : i32
      %dma_start3A_29 = tpu.memref_slice %arg2[%dma_start3A_27, %dma_start3A_28] : memref<10240x128xf32, #tpu.memory_space<hbm>> -> memref<10240x128xf32, #tpu.memory_space<hbm>>
      tpu.enqueue_indirect_dma source(%dma_start3A_29 : memref<10240x128xf32, #tpu.memory_space<hbm>>) target(%arg10 : memref<128x128xf32, #tpu.memory_space<vmem>>) offsets(%dma_start3A_26 : memref<128xi32, #tpu.memory_space<vmem>>) semaphore(%arg13 : memref<!tpu.dma_semaphore, #tpu.memory_space<semaphore_mem>>)
      %scan3A_30 = arith.constant 0 : i32
      %scan3A_31 = arith.constant 0 : i32
      %scan3A_32 = arith.constant 20 : i32
      %scan3A_33 = arith.addi %scan3A_31, %scan3A_32 : i32
      %scan3A_34 = arith.constant 1 : i32
      %scan3A_35 = scf.for %scan3A_51 = %scan3A_31 to %scan3A_33 step %scan3A_34 iter_args(%scan3A_52 = %scan3A_30) -> (i32)  : i32 {
        %mul3A_53 = arith.constant 2 : i32
        %mul3A_54 = arith.muli %mul3A_53, %scan3A_51 : i32
        %dma_wait3A = arith.constant 0 : i32
        %dma_wait3A_55 = tpu.memref_slice %arg8[%mul3A_54, %dma_wait3A] : memref<40x128xi32, #tpu.memory_space<vmem>> -> memref<1x128xi32, #tpu.memory_space<vmem>>
        %dma_wait3A_56 = tpu.memref_squeeze %dma_wait3A_55 : memref<1x128xi32, #tpu.memory_space<vmem>> -> memref<128xi32, #tpu.memory_space<vmem>>
        %dma_wait3A_57 = arith.constant 0 : i32
        %dma_wait3A_58 = arith.constant 0 : i32
        %dma_wait3A_59 = tpu.memref_slice %arg2[%dma_wait3A_57, %dma_wait3A_58] : memref<10240x128xf32, #tpu.memory_space<hbm>> -> memref<10240x128xf32, #tpu.memory_space<hbm>>
        tpu.wait_indirect_dma semaphore(%arg13 : memref<!tpu.dma_semaphore, #tpu.memory_space<semaphore_mem>>) src(%dma_wait3A_59 : memref<10240x128xf32, #tpu.memory_space<hbm>>) dst(%arg10 : memref<128x128xf32, #tpu.memory_space<vmem>>)
        %add3A_60 = arith.constant 1 : i32
        %add3A_61 = arith.addi %mul3A_54, %add3A_60 : i32
        %dma_start3A_62 = arith.constant 0 : i32
        %dma_start3A_63 = tpu.memref_slice %arg8[%add3A_61, %dma_start3A_62] : memref<40x128xi32, #tpu.memory_space<vmem>> -> memref<1x128xi32, #tpu.memory_space<vmem>>
        %dma_start3A_64 = tpu.memref_squeeze %dma_start3A_63 : memref<1x128xi32, #tpu.memory_space<vmem>> -> memref<128xi32, #tpu.memory_space<vmem>>
        %dma_start3A_65 = arith.constant 0 : i32
        %dma_start3A_66 = arith.constant 0 : i32
        %dma_start3A_67 = tpu.memref_slice %arg2[%dma_start3A_65, %dma_start3A_66] : memref<10240x128xf32, #tpu.memory_space<hbm>> -> memref<10240x128xf32, #tpu.memory_space<hbm>>
        tpu.enqueue_indirect_dma source(%dma_start3A_67 : memref<10240x128xf32, #tpu.memory_space<hbm>>) target(%arg11 : memref<128x128xf32, #tpu.memory_space<vmem>>) offsets(%dma_start3A_64 : memref<128xi32, #tpu.memory_space<vmem>>) semaphore(%arg14 : memref<!tpu.dma_semaphore, #tpu.memory_space<semaphore_mem>>)
        "tpu.region"() ({
          %run_scoped3A = tpu.sem_alloc : memref<!tpu.dma_semaphore, #tpu.memory_space<semaphore_mem>>
          %dma_start3A_83 = arith.constant 0 : i32
          %dma_start3A_84 = tpu.memref_slice %arg9[%mul3A_54, %dma_start3A_83] : memref<40x128xi32, #tpu.memory_space<vmem>> -> memref<1x128xi32, #tpu.memory_space<vmem>>
          %dma_start3A_85 = tpu.memref_squeeze %dma_start3A_84 : memref<1x128xi32, #tpu.memory_space<vmem>> -> memref<128xi32, #tpu.memory_space<vmem>>
          %dma_start3A_86 = arith.constant 0 : i32
          %dma_start3A_87 = arith.constant 0 : i32
          %dma_start3A_88 = tpu.memref_slice %arg12[%dma_start3A_86, %dma_start3A_87] : memref<10240x128xf32, #tpu.memory_space<vmem_shared>> -> memref<10240x128xf32, #tpu.memory_space<vmem_shared>>
          tpu.enqueue_indirect_dma source(%arg10 : memref<128x128xf32, #tpu.memory_space<vmem>>) target(%dma_start3A_88 : memref<10240x128xf32, #tpu.memory_space<vmem_shared>>) offsets(%dma_start3A_85 : memref<128xi32, #tpu.memory_space<vmem>>) semaphore(%run_scoped3A : memref<!tpu.dma_semaphore, #tpu.memory_space<semaphore_mem>>) {add = true}
          %dma_wait3A_89 = arith.constant 0 : i32
          %dma_wait3A_90 = tpu.memref_slice %arg9[%mul3A_54, %dma_wait3A_89] : memref<40x128xi32, #tpu.memory_space<vmem>> -> memref<1x128xi32, #tpu.memory_space<vmem>>
          %dma_wait3A_91 = tpu.memref_squeeze %dma_wait3A_90 : memref<1x128xi32, #tpu.memory_space<vmem>> -> memref<128xi32, #tpu.memory_space<vmem>>
          %dma_wait3A_92 = arith.constant 0 : i32
          %dma_wait3A_93 = arith.constant 0 : i32
          %dma_wait3A_94 = tpu.memref_slice %arg12[%dma_wait3A_92, %dma_wait3A_93] : memref<10240x128xf32, #tpu.memory_space<vmem_shared>> -> memref<10240x128xf32, #tpu.memory_space<vmem_shared>>
          tpu.wait_indirect_dma semaphore(%run_scoped3A : memref<!tpu.dma_semaphore, #tpu.memory_space<semaphore_mem>>) src(%arg10 : memref<128x128xf32, #tpu.memory_space<vmem>>) dst(%dma_wait3A_94 : memref<10240x128xf32, #tpu.memory_space<vmem_shared>>)
          tpu.yield
        }) : () -> ()
        %add3A_68 = arith.constant 2 : i32
        %add3A_69 = arith.addi %mul3A_54, %add3A_68 : i32
        %lt3A = arith.constant 40 : i32
        %lt3A_70 = arith.cmpi slt, %add3A_69, %lt3A : i32
        %convert_element_type3A_71 = arith.extui %lt3A_70 : i1 to i32
        %cond3A_72 = arith.constant 0 : i32
        %cond3A_73 = arith.cmpi ne, %convert_element_type3A_71, %cond3A_72 : i32
        scf.if %cond3A_73 {
          %add3A_83 = arith.constant 2 : i32
          %add3A_84 = arith.addi %mul3A_54, %add3A_83 : i32
          %dma_start3A_85 = arith.constant 0 : i32
          %dma_start3A_86 = tpu.memref_slice %arg8[%add3A_84, %dma_start3A_85] : memref<40x128xi32, #tpu.memory_space<vmem>> -> memref<1x128xi32, #tpu.memory_space<vmem>>
          %dma_start3A_87 = tpu.memref_squeeze %dma_start3A_86 : memref<1x128xi32, #tpu.memory_space<vmem>> -> memref<128xi32, #tpu.memory_space<vmem>>
          %dma_start3A_88 = arith.constant 0 : i32
          %dma_start3A_89 = arith.constant 0 : i32
          %dma_start3A_90 = tpu.memref_slice %arg2[%dma_start3A_88, %dma_start3A_89] : memref<10240x128xf32, #tpu.memory_space<hbm>> -> memref<10240x128xf32, #tpu.memory_space<hbm>>
          tpu.enqueue_indirect_dma source(%dma_start3A_90 : memref<10240x128xf32, #tpu.memory_space<hbm>>) target(%arg10 : memref<128x128xf32, #tpu.memory_space<vmem>>) offsets(%dma_start3A_87 : memref<128xi32, #tpu.memory_space<vmem>>) semaphore(%arg13 : memref<!tpu.dma_semaphore, #tpu.memory_space<semaphore_mem>>)
        } else {
        }
        %dma_wait3A_74 = arith.constant 0 : i32
        %dma_wait3A_75 = tpu.memref_slice %arg8[%add3A_61, %dma_wait3A_74] : memref<40x128xi32, #tpu.memory_space<vmem>> -> memref<1x128xi32, #tpu.memory_space<vmem>>
        %dma_wait3A_76 = tpu.memref_squeeze %dma_wait3A_75 : memref<1x128xi32, #tpu.memory_space<vmem>> -> memref<128xi32, #tpu.memory_space<vmem>>
        %dma_wait3A_77 = arith.constant 0 : i32
        %dma_wait3A_78 = arith.constant 0 : i32
        %dma_wait3A_79 = tpu.memref_slice %arg2[%dma_wait3A_77, %dma_wait3A_78] : memref<10240x128xf32, #tpu.memory_space<hbm>> -> memref<10240x128xf32, #tpu.memory_space<hbm>>
        tpu.wait_indirect_dma semaphore(%arg14 : memref<!tpu.dma_semaphore, #tpu.memory_space<semaphore_mem>>) src(%dma_wait3A_79 : memref<10240x128xf32, #tpu.memory_space<hbm>>) dst(%arg11 : memref<128x128xf32, #tpu.memory_space<vmem>>)
        %add3A_80 = arith.constant 1 : i32
        %add3A_81 = arith.addi %mul3A_54, %add3A_80 : i32
        "tpu.region"() ({
          %run_scoped3A = tpu.sem_alloc : memref<!tpu.dma_semaphore, #tpu.memory_space<semaphore_mem>>
          %dma_start3A_83 = arith.constant 0 : i32
          %dma_start3A_84 = tpu.memref_slice %arg9[%add3A_81, %dma_start3A_83] : memref<40x128xi32, #tpu.memory_space<vmem>> -> memref<1x128xi32, #tpu.memory_space<vmem>>
          %dma_start3A_85 = tpu.memref_squeeze %dma_start3A_84 : memref<1x128xi32, #tpu.memory_space<vmem>> -> memref<128xi32, #tpu.memory_space<vmem>>
          %dma_start3A_86 = arith.constant 0 : i32
          %dma_start3A_87 = arith.constant 0 : i32
          %dma_start3A_88 = tpu.memref_slice %arg12[%dma_start3A_86, %dma_start3A_87] : memref<10240x128xf32, #tpu.memory_space<vmem_shared>> -> memref<10240x128xf32, #tpu.memory_space<vmem_shared>>
          tpu.enqueue_indirect_dma source(%arg11 : memref<128x128xf32, #tpu.memory_space<vmem>>) target(%dma_start3A_88 : memref<10240x128xf32, #tpu.memory_space<vmem_shared>>) offsets(%dma_start3A_85 : memref<128xi32, #tpu.memory_space<vmem>>) semaphore(%run_scoped3A : memref<!tpu.dma_semaphore, #tpu.memory_space<semaphore_mem>>) {add = true}
          %dma_wait3A_89 = arith.constant 0 : i32
          %dma_wait3A_90 = tpu.memref_slice %arg9[%add3A_81, %dma_wait3A_89] : memref<40x128xi32, #tpu.memory_space<vmem>> -> memref<1x128xi32, #tpu.memory_space<vmem>>
          %dma_wait3A_91 = tpu.memref_squeeze %dma_wait3A_90 : memref<1x128xi32, #tpu.memory_space<vmem>> -> memref<128xi32, #tpu.memory_space<vmem>>
          %dma_wait3A_92 = arith.constant 0 : i32
          %dma_wait3A_93 = arith.constant 0 : i32
          %dma_wait3A_94 = tpu.memref_slice %arg12[%dma_wait3A_92, %dma_wait3A_93] : memref<10240x128xf32, #tpu.memory_space<vmem_shared>> -> memref<10240x128xf32, #tpu.memory_space<vmem_shared>>
          tpu.wait_indirect_dma semaphore(%run_scoped3A : memref<!tpu.dma_semaphore, #tpu.memory_space<semaphore_mem>>) src(%arg11 : memref<128x128xf32, #tpu.memory_space<vmem>>) dst(%dma_wait3A_94 : memref<10240x128xf32, #tpu.memory_space<vmem_shared>>)
          tpu.yield
        }) : () -> ()
        %scan3A_82 = arith.constant 0 : i32
        scf.yield %scan3A_82 : i32
      }
      %scan3A_36 = arith.constant 20 : i32
      "tpu.region"() ({
        %run_scoped3A = tpu.sem_alloc : memref<!tpu.dma_semaphore, #tpu.memory_space<semaphore_mem>>
        %dma_start3A_51 = arith.constant 40 : i32
        %dma_start3A_52 = arith.constant 0 : i32
        %dma_start3A_53 = tpu.memref_slice %arg5[%arg1, %dma_start3A_51, %dma_start3A_52] : memref<16x80x128xi32, #tpu.memory_space<hbm>> -> memref<1x40x128xi32, #tpu.memory_space<hbm>>
        %dma_start3A_54 = tpu.memref_squeeze %dma_start3A_53 : memref<1x40x128xi32, #tpu.memory_space<hbm>> -> memref<40x128xi32, #tpu.memory_space<hbm>>
        %dma_start3A_55 = arith.constant 40 : i32
        %dma_start3A_56 = arith.constant 0 : i32
        %dma_start3A_57 = tpu.memref_slice %arg5[%arg1, %dma_start3A_55, %dma_start3A_56] : memref<16x80x128xi32, #tpu.memory_space<hbm>> -> memref<1x40x128xi32, #tpu.memory_space<hbm>>
        %dma_start3A_58 = tpu.memref_squeeze %dma_start3A_57 : memref<1x40x128xi32, #tpu.memory_space<hbm>> -> memref<40x128xi32, #tpu.memory_space<hbm>>
        tpu.enqueue_dma source(%dma_start3A_58 : memref<40x128xi32, #tpu.memory_space<hbm>>) target(%arg8 : memref<40x128xi32, #tpu.memory_space<vmem>>) target_semaphore(%run_scoped3A : memref<!tpu.dma_semaphore, #tpu.memory_space<semaphore_mem>>)
        %dma_wait3A = arith.constant 40 : i32
        %dma_wait3A_59 = arith.constant 0 : i32
        %dma_wait3A_60 = tpu.memref_slice %arg5[%arg1, %dma_wait3A, %dma_wait3A_59] : memref<16x80x128xi32, #tpu.memory_space<hbm>> -> memref<1x40x128xi32, #tpu.memory_space<hbm>>
        %dma_wait3A_61 = tpu.memref_squeeze %dma_wait3A_60 : memref<1x40x128xi32, #tpu.memory_space<hbm>> -> memref<40x128xi32, #tpu.memory_space<hbm>>
        %dma_wait3A_62 = arith.constant 40 : i32
        %dma_wait3A_63 = arith.constant 0 : i32
        %dma_wait3A_64 = tpu.memref_slice %arg5[%arg1, %dma_wait3A_62, %dma_wait3A_63] : memref<16x80x128xi32, #tpu.memory_space<hbm>> -> memref<1x40x128xi32, #tpu.memory_space<hbm>>
        %dma_wait3A_65 = tpu.memref_squeeze %dma_wait3A_64 : memref<1x40x128xi32, #tpu.memory_space<hbm>> -> memref<40x128xi32, #tpu.memory_space<hbm>>
        tpu.wait_dma2 semaphore(%run_scoped3A : memref<!tpu.dma_semaphore, #tpu.memory_space<semaphore_mem>>) src(%dma_wait3A_65 : memref<40x128xi32, #tpu.memory_space<hbm>>) dst(%arg8 : memref<40x128xi32, #tpu.memory_space<vmem>>)
        tpu.yield
      }) : () -> ()
      "tpu.region"() ({
        %run_scoped3A = tpu.sem_alloc : memref<!tpu.dma_semaphore, #tpu.memory_space<semaphore_mem>>
        %dma_start3A_51 = arith.constant 40 : i32
        %dma_start3A_52 = arith.constant 0 : i32
        %dma_start3A_53 = tpu.memref_slice %arg6[%arg1, %dma_start3A_51, %dma_start3A_52] : memref<16x80x128xi32, #tpu.memory_space<hbm>> -> memref<1x40x128xi32, #tpu.memory_space<hbm>>
        %dma_start3A_54 = tpu.memref_squeeze %dma_start3A_53 : memref<1x40x128xi32, #tpu.memory_space<hbm>> -> memref<40x128xi32, #tpu.memory_space<hbm>>
        %dma_start3A_55 = arith.constant 40 : i32
        %dma_start3A_56 = arith.constant 0 : i32
        %dma_start3A_57 = tpu.memref_slice %arg6[%arg1, %dma_start3A_55, %dma_start3A_56] : memref<16x80x128xi32, #tpu.memory_space<hbm>> -> memref<1x40x128xi32, #tpu.memory_space<hbm>>
        %dma_start3A_58 = tpu.memref_squeeze %dma_start3A_57 : memref<1x40x128xi32, #tpu.memory_space<hbm>> -> memref<40x128xi32, #tpu.memory_space<hbm>>
        tpu.enqueue_dma source(%dma_start3A_58 : memref<40x128xi32, #tpu.memory_space<hbm>>) target(%arg9 : memref<40x128xi32, #tpu.memory_space<vmem>>) target_semaphore(%run_scoped3A : memref<!tpu.dma_semaphore, #tpu.memory_space<semaphore_mem>>)
        %dma_wait3A = arith.constant 40 : i32
        %dma_wait3A_59 = arith.constant 0 : i32
        %dma_wait3A_60 = tpu.memref_slice %arg6[%arg1, %dma_wait3A, %dma_wait3A_59] : memref<16x80x128xi32, #tpu.memory_space<hbm>> -> memref<1x40x128xi32, #tpu.memory_space<hbm>>
        %dma_wait3A_61 = tpu.memref_squeeze %dma_wait3A_60 : memref<1x40x128xi32, #tpu.memory_space<hbm>> -> memref<40x128xi32, #tpu.memory_space<hbm>>
        %dma_wait3A_62 = arith.constant 40 : i32
        %dma_wait3A_63 = arith.constant 0 : i32
        %dma_wait3A_64 = tpu.memref_slice %arg6[%arg1, %dma_wait3A_62, %dma_wait3A_63] : memref<16x80x128xi32, #tpu.memory_space<hbm>> -> memref<1x40x128xi32, #tpu.memory_space<hbm>>
        %dma_wait3A_65 = tpu.memref_squeeze %dma_wait3A_64 : memref<1x40x128xi32, #tpu.memory_space<hbm>> -> memref<40x128xi32, #tpu.memory_space<hbm>>
        tpu.wait_dma2 semaphore(%run_scoped3A : memref<!tpu.dma_semaphore, #tpu.memory_space<semaphore_mem>>) src(%dma_wait3A_65 : memref<40x128xi32, #tpu.memory_space<hbm>>) dst(%arg9 : memref<40x128xi32, #tpu.memory_space<vmem>>)
        tpu.yield
      }) : () -> ()
      %dma_start3A_37 = arith.constant 0 : i32
      %dma_start3A_38 = arith.constant 0 : i32
      %dma_start3A_39 = tpu.memref_slice %arg8[%dma_start3A_37, %dma_start3A_38] : memref<40x128xi32, #tpu.memory_space<vmem>> -> memref<1x128xi32, #tpu.memory_space<vmem>>
      %dma_start3A_40 = tpu.memref_squeeze %dma_start3A_39 : memref<1x128xi32, #tpu.memory_space<vmem>> -> memref<128xi32, #tpu.memory_space<vmem>>
      %dma_start3A_41 = arith.constant 0 : i32
      %dma_start3A_42 = arith.constant 0 : i32
      %dma_start3A_43 = tpu.memref_slice %arg2[%dma_start3A_41, %dma_start3A_42] : memref<10240x128xf32, #tpu.memory_space<hbm>> -> memref<10240x128xf32, #tpu.memory_space<hbm>>
      tpu.enqueue_indirect_dma source(%dma_start3A_43 : memref<10240x128xf32, #tpu.memory_space<hbm>>) target(%arg10 : memref<128x128xf32, #tpu.memory_space<vmem>>) offsets(%dma_start3A_40 : memref<128xi32, #tpu.memory_space<vmem>>) semaphore(%arg13 : memref<!tpu.dma_semaphore, #tpu.memory_space<semaphore_mem>>)
      %scan3A_44 = arith.constant 0 : i32
      %scan3A_45 = arith.constant 0 : i32
      %scan3A_46 = arith.constant 20 : i32
      %scan3A_47 = arith.addi %scan3A_45, %scan3A_46 : i32
      %scan3A_48 = arith.constant 1 : i32
      %scan3A_49 = scf.for %scan3A_51 = %scan3A_45 to %scan3A_47 step %scan3A_48 iter_args(%scan3A_52 = %scan3A_44) -> (i32)  : i32 {
        %mul3A_53 = arith.constant 2 : i32
        %mul3A_54 = arith.muli %mul3A_53, %scan3A_51 : i32
        %dma_wait3A = arith.constant 0 : i32
        %dma_wait3A_55 = tpu.memref_slice %arg8[%mul3A_54, %dma_wait3A] : memref<40x128xi32, #tpu.memory_space<vmem>> -> memref<1x128xi32, #tpu.memory_space<vmem>>
        %dma_wait3A_56 = tpu.memref_squeeze %dma_wait3A_55 : memref<1x128xi32, #tpu.memory_space<vmem>> -> memref<128xi32, #tpu.memory_space<vmem>>
        %dma_wait3A_57 = arith.constant 0 : i32
        %dma_wait3A_58 = arith.constant 0 : i32
        %dma_wait3A_59 = tpu.memref_slice %arg2[%dma_wait3A_57, %dma_wait3A_58] : memref<10240x128xf32, #tpu.memory_space<hbm>> -> memref<10240x128xf32, #tpu.memory_space<hbm>>
        tpu.wait_indirect_dma semaphore(%arg13 : memref<!tpu.dma_semaphore, #tpu.memory_space<semaphore_mem>>) src(%dma_wait3A_59 : memref<10240x128xf32, #tpu.memory_space<hbm>>) dst(%arg10 : memref<128x128xf32, #tpu.memory_space<vmem>>)
        %add3A_60 = arith.constant 1 : i32
        %add3A_61 = arith.addi %mul3A_54, %add3A_60 : i32
        %dma_start3A_62 = arith.constant 0 : i32
        %dma_start3A_63 = tpu.memref_slice %arg8[%add3A_61, %dma_start3A_62] : memref<40x128xi32, #tpu.memory_space<vmem>> -> memref<1x128xi32, #tpu.memory_space<vmem>>
        %dma_start3A_64 = tpu.memref_squeeze %dma_start3A_63 : memref<1x128xi32, #tpu.memory_space<vmem>> -> memref<128xi32, #tpu.memory_space<vmem>>
        %dma_start3A_65 = arith.constant 0 : i32
        %dma_start3A_66 = arith.constant 0 : i32
        %dma_start3A_67 = tpu.memref_slice %arg2[%dma_start3A_65, %dma_start3A_66] : memref<10240x128xf32, #tpu.memory_space<hbm>> -> memref<10240x128xf32, #tpu.memory_space<hbm>>
        tpu.enqueue_indirect_dma source(%dma_start3A_67 : memref<10240x128xf32, #tpu.memory_space<hbm>>) target(%arg11 : memref<128x128xf32, #tpu.memory_space<vmem>>) offsets(%dma_start3A_64 : memref<128xi32, #tpu.memory_space<vmem>>) semaphore(%arg14 : memref<!tpu.dma_semaphore, #tpu.memory_space<semaphore_mem>>)
        "tpu.region"() ({
          %run_scoped3A = tpu.sem_alloc : memref<!tpu.dma_semaphore, #tpu.memory_space<semaphore_mem>>
          %dma_start3A_83 = arith.constant 0 : i32
          %dma_start3A_84 = tpu.memref_slice %arg9[%mul3A_54, %dma_start3A_83] : memref<40x128xi32, #tpu.memory_space<vmem>> -> memref<1x128xi32, #tpu.memory_space<vmem>>
          %dma_start3A_85 = tpu.memref_squeeze %dma_start3A_84 : memref<1x128xi32, #tpu.memory_space<vmem>> -> memref<128xi32, #tpu.memory_space<vmem>>
          %dma_start3A_86 = arith.constant 0 : i32
          %dma_start3A_87 = arith.constant 0 : i32
          %dma_start3A_88 = tpu.memref_slice %arg12[%dma_start3A_86, %dma_start3A_87] : memref<10240x128xf32, #tpu.memory_space<vmem_shared>> -> memref<10240x128xf32, #tpu.memory_space<vmem_shared>>
          tpu.enqueue_indirect_dma source(%arg10 : memref<128x128xf32, #tpu.memory_space<vmem>>) target(%dma_start3A_88 : memref<10240x128xf32, #tpu.memory_space<vmem_shared>>) offsets(%dma_start3A_85 : memref<128xi32, #tpu.memory_space<vmem>>) semaphore(%run_scoped3A : memref<!tpu.dma_semaphore, #tpu.memory_space<semaphore_mem>>) {add = true}
          %dma_wait3A_89 = arith.constant 0 : i32
          %dma_wait3A_90 = tpu.memref_slice %arg9[%mul3A_54, %dma_wait3A_89] : memref<40x128xi32, #tpu.memory_space<vmem>> -> memref<1x128xi32, #tpu.memory_space<vmem>>
          %dma_wait3A_91 = tpu.memref_squeeze %dma_wait3A_90 : memref<1x128xi32, #tpu.memory_space<vmem>> -> memref<128xi32, #tpu.memory_space<vmem>>
          %dma_wait3A_92 = arith.constant 0 : i32
          %dma_wait3A_93 = arith.constant 0 : i32
          %dma_wait3A_94 = tpu.memref_slice %arg12[%dma_wait3A_92, %dma_wait3A_93] : memref<10240x128xf32, #tpu.memory_space<vmem_shared>> -> memref<10240x128xf32, #tpu.memory_space<vmem_shared>>
          tpu.wait_indirect_dma semaphore(%run_scoped3A : memref<!tpu.dma_semaphore, #tpu.memory_space<semaphore_mem>>) src(%arg10 : memref<128x128xf32, #tpu.memory_space<vmem>>) dst(%dma_wait3A_94 : memref<10240x128xf32, #tpu.memory_space<vmem_shared>>)
          tpu.yield
        }) : () -> ()
        %add3A_68 = arith.constant 2 : i32
        %add3A_69 = arith.addi %mul3A_54, %add3A_68 : i32
        %lt3A = arith.constant 40 : i32
        %lt3A_70 = arith.cmpi slt, %add3A_69, %lt3A : i32
        %convert_element_type3A_71 = arith.extui %lt3A_70 : i1 to i32
        %cond3A_72 = arith.constant 0 : i32
        %cond3A_73 = arith.cmpi ne, %convert_element_type3A_71, %cond3A_72 : i32
        scf.if %cond3A_73 {
          %add3A_83 = arith.constant 2 : i32
          %add3A_84 = arith.addi %mul3A_54, %add3A_83 : i32
          %dma_start3A_85 = arith.constant 0 : i32
          %dma_start3A_86 = tpu.memref_slice %arg8[%add3A_84, %dma_start3A_85] : memref<40x128xi32, #tpu.memory_space<vmem>> -> memref<1x128xi32, #tpu.memory_space<vmem>>
          %dma_start3A_87 = tpu.memref_squeeze %dma_start3A_86 : memref<1x128xi32, #tpu.memory_space<vmem>> -> memref<128xi32, #tpu.memory_space<vmem>>
          %dma_start3A_88 = arith.constant 0 : i32
          %dma_start3A_89 = arith.constant 0 : i32
          %dma_start3A_90 = tpu.memref_slice %arg2[%dma_start3A_88, %dma_start3A_89] : memref<10240x128xf32, #tpu.memory_space<hbm>> -> memref<10240x128xf32, #tpu.memory_space<hbm>>
          tpu.enqueue_indirect_dma source(%dma_start3A_90 : memref<10240x128xf32, #tpu.memory_space<hbm>>) target(%arg10 : memref<128x128xf32, #tpu.memory_space<vmem>>) offsets(%dma_start3A_87 : memref<128xi32, #tpu.memory_space<vmem>>) semaphore(%arg13 : memref<!tpu.dma_semaphore, #tpu.memory_space<semaphore_mem>>)
        } else {
        }
        %dma_wait3A_74 = arith.constant 0 : i32
        %dma_wait3A_75 = tpu.memref_slice %arg8[%add3A_61, %dma_wait3A_74] : memref<40x128xi32, #tpu.memory_space<vmem>> -> memref<1x128xi32, #tpu.memory_space<vmem>>
        %dma_wait3A_76 = tpu.memref_squeeze %dma_wait3A_75 : memref<1x128xi32, #tpu.memory_space<vmem>> -> memref<128xi32, #tpu.memory_space<vmem>>
        %dma_wait3A_77 = arith.constant 0 : i32
        %dma_wait3A_78 = arith.constant 0 : i32
        %dma_wait3A_79 = tpu.memref_slice %arg2[%dma_wait3A_77, %dma_wait3A_78] : memref<10240x128xf32, #tpu.memory_space<hbm>> -> memref<10240x128xf32, #tpu.memory_space<hbm>>
        tpu.wait_indirect_dma semaphore(%arg14 : memref<!tpu.dma_semaphore, #tpu.memory_space<semaphore_mem>>) src(%dma_wait3A_79 : memref<10240x128xf32, #tpu.memory_space<hbm>>) dst(%arg11 : memref<128x128xf32, #tpu.memory_space<vmem>>)
        %add3A_80 = arith.constant 1 : i32
        %add3A_81 = arith.addi %mul3A_54, %add3A_80 : i32
        "tpu.region"() ({
          %run_scoped3A = tpu.sem_alloc : memref<!tpu.dma_semaphore, #tpu.memory_space<semaphore_mem>>
          %dma_start3A_83 = arith.constant 0 : i32
          %dma_start3A_84 = tpu.memref_slice %arg9[%add3A_81, %dma_start3A_83] : memref<40x128xi32, #tpu.memory_space<vmem>> -> memref<1x128xi32, #tpu.memory_space<vmem>>
          %dma_start3A_85 = tpu.memref_squeeze %dma_start3A_84 : memref<1x128xi32, #tpu.memory_space<vmem>> -> memref<128xi32, #tpu.memory_space<vmem>>
          %dma_start3A_86 = arith.constant 0 : i32
          %dma_start3A_87 = arith.constant 0 : i32
          %dma_start3A_88 = tpu.memref_slice %arg12[%dma_start3A_86, %dma_start3A_87] : memref<10240x128xf32, #tpu.memory_space<vmem_shared>> -> memref<10240x128xf32, #tpu.memory_space<vmem_shared>>
          tpu.enqueue_indirect_dma source(%arg11 : memref<128x128xf32, #tpu.memory_space<vmem>>) target(%dma_start3A_88 : memref<10240x128xf32, #tpu.memory_space<vmem_shared>>) offsets(%dma_start3A_85 : memref<128xi32, #tpu.memory_space<vmem>>) semaphore(%run_scoped3A : memref<!tpu.dma_semaphore, #tpu.memory_space<semaphore_mem>>) {add = true}
          %dma_wait3A_89 = arith.constant 0 : i32
          %dma_wait3A_90 = tpu.memref_slice %arg9[%add3A_81, %dma_wait3A_89] : memref<40x128xi32, #tpu.memory_space<vmem>> -> memref<1x128xi32, #tpu.memory_space<vmem>>
          %dma_wait3A_91 = tpu.memref_squeeze %dma_wait3A_90 : memref<1x128xi32, #tpu.memory_space<vmem>> -> memref<128xi32, #tpu.memory_space<vmem>>
          %dma_wait3A_92 = arith.constant 0 : i32
          %dma_wait3A_93 = arith.constant 0 : i32
          %dma_wait3A_94 = tpu.memref_slice %arg12[%dma_wait3A_92, %dma_wait3A_93] : memref<10240x128xf32, #tpu.memory_space<vmem_shared>> -> memref<10240x128xf32, #tpu.memory_space<vmem_shared>>
          tpu.wait_indirect_dma semaphore(%run_scoped3A : memref<!tpu.dma_semaphore, #tpu.memory_space<semaphore_mem>>) src(%arg11 : memref<128x128xf32, #tpu.memory_space<vmem>>) dst(%dma_wait3A_94 : memref<10240x128xf32, #tpu.memory_space<vmem_shared>>)
          tpu.yield
        }) : () -> ()
        %scan3A_82 = arith.constant 0 : i32
        scf.yield %scan3A_82 : i32
      }
      %scan3A_50 = arith.constant 20 : i32
    } else {
    }
    %barrier3A_23 = arith.constant 0 : index
    tpu.barrier barrier_id(%barrier3A_23)
    "tpu.region"() ({
      %run_scoped3A = tpu.sem_alloc : memref<!tpu.dma_semaphore, #tpu.memory_space<semaphore_mem>>
      %dma_start3A = arith.constant 0 : i32
      %dma_start3A_24 = tpu.memref_slice %arg7[%arg0, %mul3A_0, %dma_start3A] : memref<2x10240x128xf32, #tpu.memory_space<hbm>> -> memref<1x640x128xf32, #tpu.memory_space<hbm>>
      %dma_start3A_25 = tpu.memref_squeeze %dma_start3A_24 : memref<1x640x128xf32, #tpu.memory_space<hbm>> -> memref<640x128xf32, #tpu.memory_space<hbm>>
      %dma_start3A_26 = arith.constant 0 : i32
      %dma_start3A_27 = tpu.memref_slice %arg12[%mul3A_0, %dma_start3A_26] : memref<10240x128xf32, #tpu.memory_space<vmem_shared>> -> memref<640x128xf32, #tpu.memory_space<vmem_shared>>
      tpu.enqueue_dma source(%dma_start3A_27 : memref<640x128xf32, #tpu.memory_space<vmem_shared>>) target(%dma_start3A_25 : memref<640x128xf32, #tpu.memory_space<hbm>>) target_semaphore(%run_scoped3A : memref<!tpu.dma_semaphore, #tpu.memory_space<semaphore_mem>>)
      %dma_wait3A = arith.constant 0 : i32
      %dma_wait3A_28 = tpu.memref_slice %arg7[%arg0, %mul3A_0, %dma_wait3A] : memref<2x10240x128xf32, #tpu.memory_space<hbm>> -> memref<1x640x128xf32, #tpu.memory_space<hbm>>
      %dma_wait3A_29 = tpu.memref_squeeze %dma_wait3A_28 : memref<1x640x128xf32, #tpu.memory_space<hbm>> -> memref<640x128xf32, #tpu.memory_space<hbm>>
      %dma_wait3A_30 = arith.constant 0 : i32
      %dma_wait3A_31 = tpu.memref_slice %arg12[%mul3A_0, %dma_wait3A_30] : memref<10240x128xf32, #tpu.memory_space<vmem_shared>> -> memref<640x128xf32, #tpu.memory_space<vmem_shared>>
      tpu.wait_dma2 semaphore(%run_scoped3A : memref<!tpu.dma_semaphore, #tpu.memory_space<semaphore_mem>>) src(%dma_wait3A_31 : memref<640x128xf32, #tpu.memory_space<vmem_shared>>) dst(%dma_wait3A_29 : memref<640x128xf32, #tpu.memory_space<hbm>>)
      tpu.yield
    }) : () -> ()
    return
  }
}

#map = affine_map<(d0, d1) -> (0, 0)>
#map1 = affine_map<(d0, d1) -> (0, 0, 0)>
module attributes {stable_mosaic.version = 14 : i64} {
  func.func @_sc_body(%arg0: i32, %arg1: i32, %arg2: memref<10240x128xf32, #tpu.memory_space<hbm>>, %arg3: memref<16x80x128xi32, #tpu.memory_space<hbm>>, %arg4: memref<16x80x128xi32, #tpu.memory_space<hbm>>, %arg5: memref<16x80x128xi32, #tpu.memory_space<hbm>>, %arg6: memref<16x80x128xi32, #tpu.memory_space<hbm>>, %arg7: memref<2x10240x128xf32, #tpu.memory_space<hbm>>, %arg8: memref<40x128xi32, #tpu.memory_space<vmem>>, %arg9: memref<40x128xi32, #tpu.memory_space<vmem>>, %arg10: memref<128x128xf32, #tpu.memory_space<vmem>>, %arg11: memref<128x128xf32, #tpu.memory_space<vmem>>, %arg12: memref<10240x128xf32, #tpu.memory_space<vmem_shared>>, %arg13: memref<!tpu.dma_semaphore, #tpu.memory_space<semaphore_mem>>, %arg14: memref<!tpu.dma_semaphore, #tpu.memory_space<semaphore_mem>>) attributes {dimension_semantics = [#tpu.dimension_semantics<core_parallel>, #tpu.dimension_semantics<subcore_parallel>], iteration_bounds = array<i64: 2, 16>, scalar_prefetch = 0 : i64, scratch_operands = 7 : i64, tpu.core_type = #tpu.core_type<sc_vector_subcore>, window_params = [{transform_indices = #map}, {transform_indices = #map1}, {transform_indices = #map1}, {transform_indices = #map1}, {transform_indices = #map1}, {transform_indices = #map1}]} {
    %mul3A = arith.constant 640 : i32
    %mul3A_0 = arith.muli %arg1, %mul3A : i32
    %scan3A = arith.constant 0 : i32
    %scan3A_1 = arith.constant 0 : i32
    %scan3A_2 = arith.constant 1024 : i32
    %scan3A_3 = arith.addi %scan3A_1, %scan3A_2 : i32
    %scan3A_4 = arith.constant 1 : i32
    %scan3A_5 = scf.for %scan3A_24 = %scan3A_1 to %scan3A_3 step %scan3A_4 iter_args(%scan3A_25 = %scan3A) -> (i32)  : i32 {
      %jit3A = arith.constant 8 : i32
      %div3A = arith.divsi %scan3A_24, %jit3A : i32
      %sign3A = arith.constant 0 : i32
      %sign3A_26 = arith.cmpi sgt, %scan3A_24, %sign3A : i32
      %sign3A_27 = arith.extui %sign3A_26 : i1 to i32
      %sign3A_28 = arith.constant 0 : i32
      %sign3A_29 = arith.cmpi slt, %scan3A_24, %sign3A_28 : i32
      %sign3A_30 = arith.extui %sign3A_29 : i1 to i32
      %sign3A_31 = arith.subi %sign3A_27, %sign3A_30 : i32
      %sign3A_32 = arith.constant 0 : i32
      %sign3A_33 = arith.cmpi sgt, %jit3A, %sign3A_32 : i32
      %sign3A_34 = arith.extui %sign3A_33 : i1 to i32
      %sign3A_35 = arith.constant 0 : i32
      %sign3A_36 = arith.cmpi slt, %jit3A, %sign3A_35 : i32
      %sign3A_37 = arith.extui %sign3A_36 : i1 to i32
      %sign3A_38 = arith.subi %sign3A_34, %sign3A_37 : i32
      %ne3A = arith.cmpi ne, %sign3A_31, %sign3A_38 : i32
      %rem3A = arith.remsi %scan3A_24, %jit3A : i32
      %ne3A_39 = arith.constant 0 : i32
      %ne3A_40 = arith.cmpi ne, %rem3A, %ne3A_39 : i32
      %and3A = arith.andi %ne3A, %ne3A_40 : i1
      %sub3A = arith.constant 1 : i32
      %sub3A_41 = arith.subi %div3A, %sub3A : i32
      %select_n3A = arith.select %and3A, %sub3A_41, %div3A : i32
      %jit3A_42 = arith.constant 8 : i32
      %eq3A_43 = arith.constant 0 : i32
      %eq3A_44 = arith.cmpi eq, %jit3A_42, %eq3A_43 : i32
      %jit3A_45 = arith.constant 1 : i32
      %select_n3A_46 = arith.select %eq3A_44, %jit3A_45, %jit3A_42 : i32
      %rem3A_47 = arith.remsi %scan3A_24, %select_n3A_46 : i32
      %ne3A_48 = arith.constant 0 : i32
      %ne3A_49 = arith.cmpi ne, %rem3A_47, %ne3A_48 : i32
      %lt3A = arith.constant 0 : i32
      %lt3A_50 = arith.cmpi slt, %rem3A_47, %lt3A : i32
      %lt3A_51 = arith.constant 0 : i32
      %lt3A_52 = arith.cmpi slt, %select_n3A_46, %lt3A_51 : i32
      %ne3A_53 = arith.xori %lt3A_50, %lt3A_52 : i1
      %and3A_54 = arith.andi %ne3A_53, %ne3A_49 : i1
      %add3A_55 = arith.addi %rem3A_47, %select_n3A_46 : i32
      %select_n3A_56 = arith.select %and3A_54, %add3A_55, %rem3A_47 : i32
      %mul3A_57 = arith.constant 16 : i32
      %mul3A_58 = arith.muli %select_n3A_56, %mul3A_57 : i32
      %broadcast_in_dim3A = arith.constant 0.000000e+00 : f32
      %broadcast_in_dim3A_59 = vector.broadcast %broadcast_in_dim3A : f32 to vector<16xf32>
      %swap3A = arith.index_cast %select_n3A : i32 to index
      %swap3A_60 = arith.index_cast %mul3A_58 : i32 to index
      %swap3A_61 = tpu.vector_load %arg10[%swap3A, %swap3A_60] {strides = array<i32>} : memref<128x128xf32, #tpu.memory_space<vmem>>, vector<1x16xf32>,
      %swap3A_62 = vector.shape_cast %swap3A_61 : vector<1x16xf32> to vector<16xf32>
      %swap3A_63 = vector.shape_cast %broadcast_in_dim3A_59 : vector<16xf32> to vector<1x16xf32>
      tpu.vector_store %arg10[%swap3A, %swap3A_60], %swap3A_63 {strides = array<i32>} : memref<128x128xf32, #tpu.memory_space<vmem>>, vector<1x16xf32>,
      %scan3A_64 = arith.constant 0 : i32
      scf.yield %scan3A_64 : i32
    }
    %scan3A_6 = arith.constant 1024 : i32
    %add3A = arith.constant 0 : i32
    %add3A_7 = arith.addi %mul3A_0, %add3A : i32
    "tpu.region"() ({
      %run_scoped3A = tpu.sem_alloc : memref<!tpu.dma_semaphore, #tpu.memory_space<semaphore_mem>>
      %dma_start3A = arith.constant 0 : i32
      %dma_start3A_24 = tpu.memref_slice %arg12[%add3A_7, %dma_start3A] : memref<10240x128xf32, #tpu.memory_space<vmem_shared>> -> memref<128x128xf32, #tpu.memory_space<vmem_shared>>
      %dma_start3A_25 = arith.constant 0 : i32
      %dma_start3A_26 = tpu.memref_slice %arg12[%add3A_7, %dma_start3A_25] : memref<10240x128xf32, #tpu.memory_space<vmem_shared>> -> memref<128x128xf32, #tpu.memory_space<vmem_shared>>
      tpu.enqueue_dma source(%arg10 : memref<128x128xf32, #tpu.memory_space<vmem>>) target(%dma_start3A_26 : memref<128x128xf32, #tpu.memory_space<vmem_shared>>) target_semaphore(%run_scoped3A : memref<!tpu.dma_semaphore, #tpu.memory_space<semaphore_mem>>)
      %dma_wait3A = arith.constant 0 : i32
      %dma_wait3A_27 = tpu.memref_slice %arg12[%add3A_7, %dma_wait3A] : memref<10240x128xf32, #tpu.memory_space<vmem_shared>> -> memref<128x128xf32, #tpu.memory_space<vmem_shared>>
      %dma_wait3A_28 = arith.constant 0 : i32
      %dma_wait3A_29 = tpu.memref_slice %arg12[%add3A_7, %dma_wait3A_28] : memref<10240x128xf32, #tpu.memory_space<vmem_shared>> -> memref<128x128xf32, #tpu.memory_space<vmem_shared>>
      tpu.wait_dma2 semaphore(%run_scoped3A : memref<!tpu.dma_semaphore, #tpu.memory_space<semaphore_mem>>) src(%arg10 : memref<128x128xf32, #tpu.memory_space<vmem>>) dst(%dma_wait3A_29 : memref<128x128xf32, #tpu.memory_space<vmem_shared>>)
      tpu.yield
    }) : () -> ()
    %add3A_8 = arith.constant 128 : i32
    %add3A_9 = arith.addi %mul3A_0, %add3A_8 : i32
    "tpu.region"() ({
      %run_scoped3A = tpu.sem_alloc : memref<!tpu.dma_semaphore, #tpu.memory_space<semaphore_mem>>
      %dma_start3A = arith.constant 0 : i32
      %dma_start3A_24 = tpu.memref_slice %arg12[%add3A_9, %dma_start3A] : memref<10240x128xf32, #tpu.memory_space<vmem_shared>> -> memref<128x128xf32, #tpu.memory_space<vmem_shared>>
      %dma_start3A_25 = arith.constant 0 : i32
      %dma_start3A_26 = tpu.memref_slice %arg12[%add3A_9, %dma_start3A_25] : memref<10240x128xf32, #tpu.memory_space<vmem_shared>> -> memref<128x128xf32, #tpu.memory_space<vmem_shared>>
      tpu.enqueue_dma source(%arg10 : memref<128x128xf32, #tpu.memory_space<vmem>>) target(%dma_start3A_26 : memref<128x128xf32, #tpu.memory_space<vmem_shared>>) target_semaphore(%run_scoped3A : memref<!tpu.dma_semaphore, #tpu.memory_space<semaphore_mem>>)
      %dma_wait3A = arith.constant 0 : i32
      %dma_wait3A_27 = tpu.memref_slice %arg12[%add3A_9, %dma_wait3A] : memref<10240x128xf32, #tpu.memory_space<vmem_shared>> -> memref<128x128xf32, #tpu.memory_space<vmem_shared>>
      %dma_wait3A_28 = arith.constant 0 : i32
      %dma_wait3A_29 = tpu.memref_slice %arg12[%add3A_9, %dma_wait3A_28] : memref<10240x128xf32, #tpu.memory_space<vmem_shared>> -> memref<128x128xf32, #tpu.memory_space<vmem_shared>>
      tpu.wait_dma2 semaphore(%run_scoped3A : memref<!tpu.dma_semaphore, #tpu.memory_space<semaphore_mem>>) src(%arg10 : memref<128x128xf32, #tpu.memory_space<vmem>>) dst(%dma_wait3A_29 : memref<128x128xf32, #tpu.memory_space<vmem_shared>>)
      tpu.yield
    }) : () -> ()
    %add3A_10 = arith.constant 256 : i32
    %add3A_11 = arith.addi %mul3A_0, %add3A_10 : i32
    "tpu.region"() ({
      %run_scoped3A = tpu.sem_alloc : memref<!tpu.dma_semaphore, #tpu.memory_space<semaphore_mem>>
      %dma_start3A = arith.constant 0 : i32
      %dma_start3A_24 = tpu.memref_slice %arg12[%add3A_11, %dma_start3A] : memref<10240x128xf32, #tpu.memory_space<vmem_shared>> -> memref<128x128xf32, #tpu.memory_space<vmem_shared>>
      %dma_start3A_25 = arith.constant 0 : i32
      %dma_start3A_26 = tpu.memref_slice %arg12[%add3A_11, %dma_start3A_25] : memref<10240x128xf32, #tpu.memory_space<vmem_shared>> -> memref<128x128xf32, #tpu.memory_space<vmem_shared>>
      tpu.enqueue_dma source(%arg10 : memref<128x128xf32, #tpu.memory_space<vmem>>) target(%dma_start3A_26 : memref<128x128xf32, #tpu.memory_space<vmem_shared>>) target_semaphore(%run_scoped3A : memref<!tpu.dma_semaphore, #tpu.memory_space<semaphore_mem>>)
      %dma_wait3A = arith.constant 0 : i32
      %dma_wait3A_27 = tpu.memref_slice %arg12[%add3A_11, %dma_wait3A] : memref<10240x128xf32, #tpu.memory_space<vmem_shared>> -> memref<128x128xf32, #tpu.memory_space<vmem_shared>>
      %dma_wait3A_28 = arith.constant 0 : i32
      %dma_wait3A_29 = tpu.memref_slice %arg12[%add3A_11, %dma_wait3A_28] : memref<10240x128xf32, #tpu.memory_space<vmem_shared>> -> memref<128x128xf32, #tpu.memory_space<vmem_shared>>
      tpu.wait_dma2 semaphore(%run_scoped3A : memref<!tpu.dma_semaphore, #tpu.memory_space<semaphore_mem>>) src(%arg10 : memref<128x128xf32, #tpu.memory_space<vmem>>) dst(%dma_wait3A_29 : memref<128x128xf32, #tpu.memory_space<vmem_shared>>)
      tpu.yield
    }) : () -> ()
    %add3A_12 = arith.constant 384 : i32
    %add3A_13 = arith.addi %mul3A_0, %add3A_12 : i32
    "tpu.region"() ({
      %run_scoped3A = tpu.sem_alloc : memref<!tpu.dma_semaphore, #tpu.memory_space<semaphore_mem>>
      %dma_start3A = arith.constant 0 : i32
      %dma_start3A_24 = tpu.memref_slice %arg12[%add3A_13, %dma_start3A] : memref<10240x128xf32, #tpu.memory_space<vmem_shared>> -> memref<128x128xf32, #tpu.memory_space<vmem_shared>>
      %dma_start3A_25 = arith.constant 0 : i32
      %dma_start3A_26 = tpu.memref_slice %arg12[%add3A_13, %dma_start3A_25] : memref<10240x128xf32, #tpu.memory_space<vmem_shared>> -> memref<128x128xf32, #tpu.memory_space<vmem_shared>>
      tpu.enqueue_dma source(%arg10 : memref<128x128xf32, #tpu.memory_space<vmem>>) target(%dma_start3A_26 : memref<128x128xf32, #tpu.memory_space<vmem_shared>>) target_semaphore(%run_scoped3A : memref<!tpu.dma_semaphore, #tpu.memory_space<semaphore_mem>>)
      %dma_wait3A = arith.constant 0 : i32
      %dma_wait3A_27 = tpu.memref_slice %arg12[%add3A_13, %dma_wait3A] : memref<10240x128xf32, #tpu.memory_space<vmem_shared>> -> memref<128x128xf32, #tpu.memory_space<vmem_shared>>
      %dma_wait3A_28 = arith.constant 0 : i32
      %dma_wait3A_29 = tpu.memref_slice %arg12[%add3A_13, %dma_wait3A_28] : memref<10240x128xf32, #tpu.memory_space<vmem_shared>> -> memref<128x128xf32, #tpu.memory_space<vmem_shared>>
      tpu.wait_dma2 semaphore(%run_scoped3A : memref<!tpu.dma_semaphore, #tpu.memory_space<semaphore_mem>>) src(%arg10 : memref<128x128xf32, #tpu.memory_space<vmem>>) dst(%dma_wait3A_29 : memref<128x128xf32, #tpu.memory_space<vmem_shared>>)
      tpu.yield
    }) : () -> ()
    %add3A_14 = arith.constant 512 : i32
    %add3A_15 = arith.addi %mul3A_0, %add3A_14 : i32
    "tpu.region"() ({
      %run_scoped3A = tpu.sem_alloc : memref<!tpu.dma_semaphore, #tpu.memory_space<semaphore_mem>>
      %dma_start3A = arith.constant 0 : i32
      %dma_start3A_24 = tpu.memref_slice %arg12[%add3A_15, %dma_start3A] : memref<10240x128xf32, #tpu.memory_space<vmem_shared>> -> memref<128x128xf32, #tpu.memory_space<vmem_shared>>
      %dma_start3A_25 = arith.constant 0 : i32
      %dma_start3A_26 = tpu.memref_slice %arg12[%add3A_15, %dma_start3A_25] : memref<10240x128xf32, #tpu.memory_space<vmem_shared>> -> memref<128x128xf32, #tpu.memory_space<vmem_shared>>
      tpu.enqueue_dma source(%arg10 : memref<128x128xf32, #tpu.memory_space<vmem>>) target(%dma_start3A_26 : memref<128x128xf32, #tpu.memory_space<vmem_shared>>) target_semaphore(%run_scoped3A : memref<!tpu.dma_semaphore, #tpu.memory_space<semaphore_mem>>)
      %dma_wait3A = arith.constant 0 : i32
      %dma_wait3A_27 = tpu.memref_slice %arg12[%add3A_15, %dma_wait3A] : memref<10240x128xf32, #tpu.memory_space<vmem_shared>> -> memref<128x128xf32, #tpu.memory_space<vmem_shared>>
      %dma_wait3A_28 = arith.constant 0 : i32
      %dma_wait3A_29 = tpu.memref_slice %arg12[%add3A_15, %dma_wait3A_28] : memref<10240x128xf32, #tpu.memory_space<vmem_shared>> -> memref<128x128xf32, #tpu.memory_space<vmem_shared>>
      tpu.wait_dma2 semaphore(%run_scoped3A : memref<!tpu.dma_semaphore, #tpu.memory_space<semaphore_mem>>) src(%arg10 : memref<128x128xf32, #tpu.memory_space<vmem>>) dst(%dma_wait3A_29 : memref<128x128xf32, #tpu.memory_space<vmem_shared>>)
      tpu.yield
    }) : () -> ()
    %barrier3A = arith.constant 0 : index
    tpu.barrier barrier_id(%barrier3A)
    %eq3A = arith.constant 0 : i32
    %eq3A_16 = arith.cmpi eq, %arg0, %eq3A : i32
    %convert_element_type3A = arith.extui %eq3A_16 : i1 to i32
    %cond3A = arith.constant 0 : i32
    %cond3A_17 = arith.cmpi ne, %convert_element_type3A, %cond3A : i32
    scf.if %cond3A_17 {
      "tpu.region"() ({
        %run_scoped3A = tpu.sem_alloc : memref<!tpu.dma_semaphore, #tpu.memory_space<semaphore_mem>>
        %dma_start3A_51 = arith.constant 0 : i32
        %dma_start3A_52 = arith.constant 0 : i32
        %dma_start3A_53 = tpu.memref_slice %arg3[%arg1, %dma_start3A_51, %dma_start3A_52] : memref<16x80x128xi32, #tpu.memory_space<hbm>> -> memref<1x40x128xi32, #tpu.memory_space<hbm>>
        %dma_start3A_54 = tpu.memref_squeeze %dma_start3A_53 : memref<1x40x128xi32, #tpu.memory_space<hbm>> -> memref<40x128xi32, #tpu.memory_space<hbm>>
        %dma_start3A_55 = arith.constant 0 : i32
        %dma_start3A_56 = arith.constant 0 : i32
        %dma_start3A_57 = tpu.memref_slice %arg3[%arg1, %dma_start3A_55, %dma_start3A_56] : memref<16x80x128xi32, #tpu.memory_space<hbm>> -> memref<1x40x128xi32, #tpu.memory_space<hbm>>
        %dma_start3A_58 = tpu.memref_squeeze %dma_start3A_57 : memref<1x40x128xi32, #tpu.memory_space<hbm>> -> memref<40x128xi32, #tpu.memory_space<hbm>>
        tpu.enqueue_dma source(%dma_start3A_58 : memref<40x128xi32, #tpu.memory_space<hbm>>) target(%arg8 : memref<40x128xi32, #tpu.memory_space<vmem>>) target_semaphore(%run_scoped3A : memref<!tpu.dma_semaphore, #tpu.memory_space<semaphore_mem>>)
        %dma_wait3A = arith.constant 0 : i32
        %dma_wait3A_59 = arith.constant 0 : i32
        %dma_wait3A_60 = tpu.memref_slice %arg3[%arg1, %dma_wait3A, %dma_wait3A_59] : memref<16x80x128xi32, #tpu.memory_space<hbm>> -> memref<1x40x128xi32, #tpu.memory_space<hbm>>
        %dma_wait3A_61 = tpu.memref_squeeze %dma_wait3A_60 : memref<1x40x128xi32, #tpu.memory_space<hbm>> -> memref<40x128xi32, #tpu.memory_space<hbm>>
        %dma_wait3A_62 = arith.constant 0 : i32
        %dma_wait3A_63 = arith.constant 0 : i32
        %dma_wait3A_64 = tpu.memref_slice %arg3[%arg1, %dma_wait3A_62, %dma_wait3A_63] : memref<16x80x128xi32, #tpu.memory_space<hbm>> -> memref<1x40x128xi32, #tpu.memory_space<hbm>>
        %dma_wait3A_65 = tpu.memref_squeeze %dma_wait3A_64 : memref<1x40x128xi32, #tpu.memory_space<hbm>> -> memref<40x128xi32, #tpu.memory_space<hbm>>
        tpu.wait_dma2 semaphore(%run_scoped3A : memref<!tpu.dma_semaphore, #tpu.memory_space<semaphore_mem>>) src(%dma_wait3A_65 : memref<40x128xi32, #tpu.memory_space<hbm>>) dst(%arg8 : memref<40x128xi32, #tpu.memory_space<vmem>>)
        tpu.yield
      }) : () -> ()
      "tpu.region"() ({
        %run_scoped3A = tpu.sem_alloc : memref<!tpu.dma_semaphore, #tpu.memory_space<semaphore_mem>>
        %dma_start3A_51 = arith.constant 0 : i32
        %dma_start3A_52 = arith.constant 0 : i32
        %dma_start3A_53 = tpu.memref_slice %arg4[%arg1, %dma_start3A_51, %dma_start3A_52] : memref<16x80x128xi32, #tpu.memory_space<hbm>> -> memref<1x40x128xi32, #tpu.memory_space<hbm>>
        %dma_start3A_54 = tpu.memref_squeeze %dma_start3A_53 : memref<1x40x128xi32, #tpu.memory_space<hbm>> -> memref<40x128xi32, #tpu.memory_space<hbm>>
        %dma_start3A_55 = arith.constant 0 : i32
        %dma_start3A_56 = arith.constant 0 : i32
        %dma_start3A_57 = tpu.memref_slice %arg4[%arg1, %dma_start3A_55, %dma_start3A_56] : memref<16x80x128xi32, #tpu.memory_space<hbm>> -> memref<1x40x128xi32, #tpu.memory_space<hbm>>
        %dma_start3A_58 = tpu.memref_squeeze %dma_start3A_57 : memref<1x40x128xi32, #tpu.memory_space<hbm>> -> memref<40x128xi32, #tpu.memory_space<hbm>>
        tpu.enqueue_dma source(%dma_start3A_58 : memref<40x128xi32, #tpu.memory_space<hbm>>) target(%arg9 : memref<40x128xi32, #tpu.memory_space<vmem>>) target_semaphore(%run_scoped3A : memref<!tpu.dma_semaphore, #tpu.memory_space<semaphore_mem>>)
        %dma_wait3A = arith.constant 0 : i32
        %dma_wait3A_59 = arith.constant 0 : i32
        %dma_wait3A_60 = tpu.memref_slice %arg4[%arg1, %dma_wait3A, %dma_wait3A_59] : memref<16x80x128xi32, #tpu.memory_space<hbm>> -> memref<1x40x128xi32, #tpu.memory_space<hbm>>
        %dma_wait3A_61 = tpu.memref_squeeze %dma_wait3A_60 : memref<1x40x128xi32, #tpu.memory_space<hbm>> -> memref<40x128xi32, #tpu.memory_space<hbm>>
        %dma_wait3A_62 = arith.constant 0 : i32
        %dma_wait3A_63 = arith.constant 0 : i32
        %dma_wait3A_64 = tpu.memref_slice %arg4[%arg1, %dma_wait3A_62, %dma_wait3A_63] : memref<16x80x128xi32, #tpu.memory_space<hbm>> -> memref<1x40x128xi32, #tpu.memory_space<hbm>>
        %dma_wait3A_65 = tpu.memref_squeeze %dma_wait3A_64 : memref<1x40x128xi32, #tpu.memory_space<hbm>> -> memref<40x128xi32, #tpu.memory_space<hbm>>
        tpu.wait_dma2 semaphore(%run_scoped3A : memref<!tpu.dma_semaphore, #tpu.memory_space<semaphore_mem>>) src(%dma_wait3A_65 : memref<40x128xi32, #tpu.memory_space<hbm>>) dst(%arg9 : memref<40x128xi32, #tpu.memory_space<vmem>>)
        tpu.yield
      }) : () -> ()
      %dma_start3A = arith.constant 0 : i32
      %dma_start3A_24 = arith.constant 0 : i32
      %dma_start3A_25 = tpu.memref_slice %arg8[%dma_start3A, %dma_start3A_24] : memref<40x128xi32, #tpu.memory_space<vmem>> -> memref<1x128xi32, #tpu.memory_space<vmem>>
      %dma_start3A_26 = tpu.memref_squeeze %dma_start3A_25 : memref<1x128xi32, #tpu.memory_space<vmem>> -> memref<128xi32, #tpu.memory_space<vmem>>
      %dma_start3A_27 = arith.constant 0 : i32
      %dma_start3A_28 = arith.constant 0 : i32
      %dma_start3A_29 = tpu.memref_slice %arg2[%dma_start3A_27, %dma_start3A_28] : memref<10240x128xf32, #tpu.memory_space<hbm>> -> memref<10240x128xf32, #tpu.memory_space<hbm>>
      tpu.enqueue_indirect_dma source(%dma_start3A_29 : memref<10240x128xf32, #tpu.memory_space<hbm>>) target(%arg10 : memref<128x128xf32, #tpu.memory_space<vmem>>) offsets(%dma_start3A_26 : memref<128xi32, #tpu.memory_space<vmem>>) semaphore(%arg13 : memref<!tpu.dma_semaphore, #tpu.memory_space<semaphore_mem>>)
      %scan3A_30 = arith.constant 0 : i32
      %scan3A_31 = arith.constant 0 : i32
      %scan3A_32 = arith.constant 20 : i32
      %scan3A_33 = arith.addi %scan3A_31, %scan3A_32 : i32
      %scan3A_34 = arith.constant 1 : i32
      %scan3A_35 = scf.for %scan3A_51 = %scan3A_31 to %scan3A_33 step %scan3A_34 iter_args(%scan3A_52 = %scan3A_30) -> (i32)  : i32 {
        %mul3A_53 = arith.constant 2 : i32
        %mul3A_54 = arith.muli %mul3A_53, %scan3A_51 : i32
        %dma_wait3A = arith.constant 0 : i32
        %dma_wait3A_55 = tpu.memref_slice %arg8[%mul3A_54, %dma_wait3A] : memref<40x128xi32, #tpu.memory_space<vmem>> -> memref<1x128xi32, #tpu.memory_space<vmem>>
        %dma_wait3A_56 = tpu.memref_squeeze %dma_wait3A_55 : memref<1x128xi32, #tpu.memory_space<vmem>> -> memref<128xi32, #tpu.memory_space<vmem>>
        %dma_wait3A_57 = arith.constant 0 : i32
        %dma_wait3A_58 = arith.constant 0 : i32
        %dma_wait3A_59 = tpu.memref_slice %arg2[%dma_wait3A_57, %dma_wait3A_58] : memref<10240x128xf32, #tpu.memory_space<hbm>> -> memref<10240x128xf32, #tpu.memory_space<hbm>>
        tpu.wait_indirect_dma semaphore(%arg13 : memref<!tpu.dma_semaphore, #tpu.memory_space<semaphore_mem>>) src(%dma_wait3A_59 : memref<10240x128xf32, #tpu.memory_space<hbm>>) dst(%arg10 : memref<128x128xf32, #tpu.memory_space<vmem>>)
        %add3A_60 = arith.constant 1 : i32
        %add3A_61 = arith.addi %mul3A_54, %add3A_60 : i32
        %dma_start3A_62 = arith.constant 0 : i32
        %dma_start3A_63 = tpu.memref_slice %arg8[%add3A_61, %dma_start3A_62] : memref<40x128xi32, #tpu.memory_space<vmem>> -> memref<1x128xi32, #tpu.memory_space<vmem>>
        %dma_start3A_64 = tpu.memref_squeeze %dma_start3A_63 : memref<1x128xi32, #tpu.memory_space<vmem>> -> memref<128xi32, #tpu.memory_space<vmem>>
        %dma_start3A_65 = arith.constant 0 : i32
        %dma_start3A_66 = arith.constant 0 : i32
        %dma_start3A_67 = tpu.memref_slice %arg2[%dma_start3A_65, %dma_start3A_66] : memref<10240x128xf32, #tpu.memory_space<hbm>> -> memref<10240x128xf32, #tpu.memory_space<hbm>>
        tpu.enqueue_indirect_dma source(%dma_start3A_67 : memref<10240x128xf32, #tpu.memory_space<hbm>>) target(%arg11 : memref<128x128xf32, #tpu.memory_space<vmem>>) offsets(%dma_start3A_64 : memref<128xi32, #tpu.memory_space<vmem>>) semaphore(%arg14 : memref<!tpu.dma_semaphore, #tpu.memory_space<semaphore_mem>>)
        "tpu.region"() ({
          %run_scoped3A = tpu.sem_alloc : memref<!tpu.dma_semaphore, #tpu.memory_space<semaphore_mem>>
          %dma_start3A_83 = arith.constant 0 : i32
          %dma_start3A_84 = tpu.memref_slice %arg9[%mul3A_54, %dma_start3A_83] : memref<40x128xi32, #tpu.memory_space<vmem>> -> memref<1x128xi32, #tpu.memory_space<vmem>>
          %dma_start3A_85 = tpu.memref_squeeze %dma_start3A_84 : memref<1x128xi32, #tpu.memory_space<vmem>> -> memref<128xi32, #tpu.memory_space<vmem>>
          %dma_start3A_86 = arith.constant 0 : i32
          %dma_start3A_87 = arith.constant 0 : i32
          %dma_start3A_88 = tpu.memref_slice %arg12[%dma_start3A_86, %dma_start3A_87] : memref<10240x128xf32, #tpu.memory_space<vmem_shared>> -> memref<10240x128xf32, #tpu.memory_space<vmem_shared>>
          tpu.enqueue_indirect_dma source(%arg10 : memref<128x128xf32, #tpu.memory_space<vmem>>) target(%dma_start3A_88 : memref<10240x128xf32, #tpu.memory_space<vmem_shared>>) offsets(%dma_start3A_85 : memref<128xi32, #tpu.memory_space<vmem>>) semaphore(%run_scoped3A : memref<!tpu.dma_semaphore, #tpu.memory_space<semaphore_mem>>) {add = true}
          %dma_wait3A_89 = arith.constant 0 : i32
          %dma_wait3A_90 = tpu.memref_slice %arg9[%mul3A_54, %dma_wait3A_89] : memref<40x128xi32, #tpu.memory_space<vmem>> -> memref<1x128xi32, #tpu.memory_space<vmem>>
          %dma_wait3A_91 = tpu.memref_squeeze %dma_wait3A_90 : memref<1x128xi32, #tpu.memory_space<vmem>> -> memref<128xi32, #tpu.memory_space<vmem>>
          %dma_wait3A_92 = arith.constant 0 : i32
          %dma_wait3A_93 = arith.constant 0 : i32
          %dma_wait3A_94 = tpu.memref_slice %arg12[%dma_wait3A_92, %dma_wait3A_93] : memref<10240x128xf32, #tpu.memory_space<vmem_shared>> -> memref<10240x128xf32, #tpu.memory_space<vmem_shared>>
          tpu.wait_indirect_dma semaphore(%run_scoped3A : memref<!tpu.dma_semaphore, #tpu.memory_space<semaphore_mem>>) src(%arg10 : memref<128x128xf32, #tpu.memory_space<vmem>>) dst(%dma_wait3A_94 : memref<10240x128xf32, #tpu.memory_space<vmem_shared>>)
          tpu.yield
        }) : () -> ()
        %add3A_68 = arith.constant 2 : i32
        %add3A_69 = arith.addi %mul3A_54, %add3A_68 : i32
        %lt3A = arith.constant 40 : i32
        %lt3A_70 = arith.cmpi slt, %add3A_69, %lt3A : i32
        %convert_element_type3A_71 = arith.extui %lt3A_70 : i1 to i32
        %cond3A_72 = arith.constant 0 : i32
        %cond3A_73 = arith.cmpi ne, %convert_element_type3A_71, %cond3A_72 : i32
        scf.if %cond3A_73 {
          %add3A_83 = arith.constant 2 : i32
          %add3A_84 = arith.addi %mul3A_54, %add3A_83 : i32
          %dma_start3A_85 = arith.constant 0 : i32
          %dma_start3A_86 = tpu.memref_slice %arg8[%add3A_84, %dma_start3A_85] : memref<40x128xi32, #tpu.memory_space<vmem>> -> memref<1x128xi32, #tpu.memory_space<vmem>>
          %dma_start3A_87 = tpu.memref_squeeze %dma_start3A_86 : memref<1x128xi32, #tpu.memory_space<vmem>> -> memref<128xi32, #tpu.memory_space<vmem>>
          %dma_start3A_88 = arith.constant 0 : i32
          %dma_start3A_89 = arith.constant 0 : i32
          %dma_start3A_90 = tpu.memref_slice %arg2[%dma_start3A_88, %dma_start3A_89] : memref<10240x128xf32, #tpu.memory_space<hbm>> -> memref<10240x128xf32, #tpu.memory_space<hbm>>
          tpu.enqueue_indirect_dma source(%dma_start3A_90 : memref<10240x128xf32, #tpu.memory_space<hbm>>) target(%arg10 : memref<128x128xf32, #tpu.memory_space<vmem>>) offsets(%dma_start3A_87 : memref<128xi32, #tpu.memory_space<vmem>>) semaphore(%arg13 : memref<!tpu.dma_semaphore, #tpu.memory_space<semaphore_mem>>)
        } else {
        }
        %dma_wait3A_74 = arith.constant 0 : i32
        %dma_wait3A_75 = tpu.memref_slice %arg8[%add3A_61, %dma_wait3A_74] : memref<40x128xi32, #tpu.memory_space<vmem>> -> memref<1x128xi32, #tpu.memory_space<vmem>>
        %dma_wait3A_76 = tpu.memref_squeeze %dma_wait3A_75 : memref<1x128xi32, #tpu.memory_space<vmem>> -> memref<128xi32, #tpu.memory_space<vmem>>
        %dma_wait3A_77 = arith.constant 0 : i32
        %dma_wait3A_78 = arith.constant 0 : i32
        %dma_wait3A_79 = tpu.memref_slice %arg2[%dma_wait3A_77, %dma_wait3A_78] : memref<10240x128xf32, #tpu.memory_space<hbm>> -> memref<10240x128xf32, #tpu.memory_space<hbm>>
        tpu.wait_indirect_dma semaphore(%arg14 : memref<!tpu.dma_semaphore, #tpu.memory_space<semaphore_mem>>) src(%dma_wait3A_79 : memref<10240x128xf32, #tpu.memory_space<hbm>>) dst(%arg11 : memref<128x128xf32, #tpu.memory_space<vmem>>)
        %add3A_80 = arith.constant 1 : i32
        %add3A_81 = arith.addi %mul3A_54, %add3A_80 : i32
        "tpu.region"() ({
          %run_scoped3A = tpu.sem_alloc : memref<!tpu.dma_semaphore, #tpu.memory_space<semaphore_mem>>
          %dma_start3A_83 = arith.constant 0 : i32
          %dma_start3A_84 = tpu.memref_slice %arg9[%add3A_81, %dma_start3A_83] : memref<40x128xi32, #tpu.memory_space<vmem>> -> memref<1x128xi32, #tpu.memory_space<vmem>>
          %dma_start3A_85 = tpu.memref_squeeze %dma_start3A_84 : memref<1x128xi32, #tpu.memory_space<vmem>> -> memref<128xi32, #tpu.memory_space<vmem>>
          %dma_start3A_86 = arith.constant 0 : i32
          %dma_start3A_87 = arith.constant 0 : i32
          %dma_start3A_88 = tpu.memref_slice %arg12[%dma_start3A_86, %dma_start3A_87] : memref<10240x128xf32, #tpu.memory_space<vmem_shared>> -> memref<10240x128xf32, #tpu.memory_space<vmem_shared>>
          tpu.enqueue_indirect_dma source(%arg11 : memref<128x128xf32, #tpu.memory_space<vmem>>) target(%dma_start3A_88 : memref<10240x128xf32, #tpu.memory_space<vmem_shared>>) offsets(%dma_start3A_85 : memref<128xi32, #tpu.memory_space<vmem>>) semaphore(%run_scoped3A : memref<!tpu.dma_semaphore, #tpu.memory_space<semaphore_mem>>) {add = true}
          %dma_wait3A_89 = arith.constant 0 : i32
          %dma_wait3A_90 = tpu.memref_slice %arg9[%add3A_81, %dma_wait3A_89] : memref<40x128xi32, #tpu.memory_space<vmem>> -> memref<1x128xi32, #tpu.memory_space<vmem>>
          %dma_wait3A_91 = tpu.memref_squeeze %dma_wait3A_90 : memref<1x128xi32, #tpu.memory_space<vmem>> -> memref<128xi32, #tpu.memory_space<vmem>>
          %dma_wait3A_92 = arith.constant 0 : i32
          %dma_wait3A_93 = arith.constant 0 : i32
          %dma_wait3A_94 = tpu.memref_slice %arg12[%dma_wait3A_92, %dma_wait3A_93] : memref<10240x128xf32, #tpu.memory_space<vmem_shared>> -> memref<10240x128xf32, #tpu.memory_space<vmem_shared>>
          tpu.wait_indirect_dma semaphore(%run_scoped3A : memref<!tpu.dma_semaphore, #tpu.memory_space<semaphore_mem>>) src(%arg11 : memref<128x128xf32, #tpu.memory_space<vmem>>) dst(%dma_wait3A_94 : memref<10240x128xf32, #tpu.memory_space<vmem_shared>>)
          tpu.yield
        }) : () -> ()
        %scan3A_82 = arith.constant 0 : i32
        scf.yield %scan3A_82 : i32
      }
      %scan3A_36 = arith.constant 20 : i32
      "tpu.region"() ({
        %run_scoped3A = tpu.sem_alloc : memref<!tpu.dma_semaphore, #tpu.memory_space<semaphore_mem>>
        %dma_start3A_51 = arith.constant 40 : i32
        %dma_start3A_52 = arith.constant 0 : i32
        %dma_start3A_53 = tpu.memref_slice %arg3[%arg1, %dma_start3A_51, %dma_start3A_52] : memref<16x80x128xi32, #tpu.memory_space<hbm>> -> memref<1x40x128xi32, #tpu.memory_space<hbm>>
        %dma_start3A_54 = tpu.memref_squeeze %dma_start3A_53 : memref<1x40x128xi32, #tpu.memory_space<hbm>> -> memref<40x128xi32, #tpu.memory_space<hbm>>
        %dma_start3A_55 = arith.constant 40 : i32
        %dma_start3A_56 = arith.constant 0 : i32
        %dma_start3A_57 = tpu.memref_slice %arg3[%arg1, %dma_start3A_55, %dma_start3A_56] : memref<16x80x128xi32, #tpu.memory_space<hbm>> -> memref<1x40x128xi32, #tpu.memory_space<hbm>>
        %dma_start3A_58 = tpu.memref_squeeze %dma_start3A_57 : memref<1x40x128xi32, #tpu.memory_space<hbm>> -> memref<40x128xi32, #tpu.memory_space<hbm>>
        tpu.enqueue_dma source(%dma_start3A_58 : memref<40x128xi32, #tpu.memory_space<hbm>>) target(%arg8 : memref<40x128xi32, #tpu.memory_space<vmem>>) target_semaphore(%run_scoped3A : memref<!tpu.dma_semaphore, #tpu.memory_space<semaphore_mem>>)
        %dma_wait3A = arith.constant 40 : i32
        %dma_wait3A_59 = arith.constant 0 : i32
        %dma_wait3A_60 = tpu.memref_slice %arg3[%arg1, %dma_wait3A, %dma_wait3A_59] : memref<16x80x128xi32, #tpu.memory_space<hbm>> -> memref<1x40x128xi32, #tpu.memory_space<hbm>>
        %dma_wait3A_61 = tpu.memref_squeeze %dma_wait3A_60 : memref<1x40x128xi32, #tpu.memory_space<hbm>> -> memref<40x128xi32, #tpu.memory_space<hbm>>
        %dma_wait3A_62 = arith.constant 40 : i32
        %dma_wait3A_63 = arith.constant 0 : i32
        %dma_wait3A_64 = tpu.memref_slice %arg3[%arg1, %dma_wait3A_62, %dma_wait3A_63] : memref<16x80x128xi32, #tpu.memory_space<hbm>> -> memref<1x40x128xi32, #tpu.memory_space<hbm>>
        %dma_wait3A_65 = tpu.memref_squeeze %dma_wait3A_64 : memref<1x40x128xi32, #tpu.memory_space<hbm>> -> memref<40x128xi32, #tpu.memory_space<hbm>>
        tpu.wait_dma2 semaphore(%run_scoped3A : memref<!tpu.dma_semaphore, #tpu.memory_space<semaphore_mem>>) src(%dma_wait3A_65 : memref<40x128xi32, #tpu.memory_space<hbm>>) dst(%arg8 : memref<40x128xi32, #tpu.memory_space<vmem>>)
        tpu.yield
      }) : () -> ()
      "tpu.region"() ({
        %run_scoped3A = tpu.sem_alloc : memref<!tpu.dma_semaphore, #tpu.memory_space<semaphore_mem>>
        %dma_start3A_51 = arith.constant 40 : i32
        %dma_start3A_52 = arith.constant 0 : i32
        %dma_start3A_53 = tpu.memref_slice %arg4[%arg1, %dma_start3A_51, %dma_start3A_52] : memref<16x80x128xi32, #tpu.memory_space<hbm>> -> memref<1x40x128xi32, #tpu.memory_space<hbm>>
        %dma_start3A_54 = tpu.memref_squeeze %dma_start3A_53 : memref<1x40x128xi32, #tpu.memory_space<hbm>> -> memref<40x128xi32, #tpu.memory_space<hbm>>
        %dma_start3A_55 = arith.constant 40 : i32
        %dma_start3A_56 = arith.constant 0 : i32
        %dma_start3A_57 = tpu.memref_slice %arg4[%arg1, %dma_start3A_55, %dma_start3A_56] : memref<16x80x128xi32, #tpu.memory_space<hbm>> -> memref<1x40x128xi32, #tpu.memory_space<hbm>>
        %dma_start3A_58 = tpu.memref_squeeze %dma_start3A_57 : memref<1x40x128xi32, #tpu.memory_space<hbm>> -> memref<40x128xi32, #tpu.memory_space<hbm>>
        tpu.enqueue_dma source(%dma_start3A_58 : memref<40x128xi32, #tpu.memory_space<hbm>>) target(%arg9 : memref<40x128xi32, #tpu.memory_space<vmem>>) target_semaphore(%run_scoped3A : memref<!tpu.dma_semaphore, #tpu.memory_space<semaphore_mem>>)
        %dma_wait3A = arith.constant 40 : i32
        %dma_wait3A_59 = arith.constant 0 : i32
        %dma_wait3A_60 = tpu.memref_slice %arg4[%arg1, %dma_wait3A, %dma_wait3A_59] : memref<16x80x128xi32, #tpu.memory_space<hbm>> -> memref<1x40x128xi32, #tpu.memory_space<hbm>>
        %dma_wait3A_61 = tpu.memref_squeeze %dma_wait3A_60 : memref<1x40x128xi32, #tpu.memory_space<hbm>> -> memref<40x128xi32, #tpu.memory_space<hbm>>
        %dma_wait3A_62 = arith.constant 40 : i32
        %dma_wait3A_63 = arith.constant 0 : i32
        %dma_wait3A_64 = tpu.memref_slice %arg4[%arg1, %dma_wait3A_62, %dma_wait3A_63] : memref<16x80x128xi32, #tpu.memory_space<hbm>> -> memref<1x40x128xi32, #tpu.memory_space<hbm>>
        %dma_wait3A_65 = tpu.memref_squeeze %dma_wait3A_64 : memref<1x40x128xi32, #tpu.memory_space<hbm>> -> memref<40x128xi32, #tpu.memory_space<hbm>>
        tpu.wait_dma2 semaphore(%run_scoped3A : memref<!tpu.dma_semaphore, #tpu.memory_space<semaphore_mem>>) src(%dma_wait3A_65 : memref<40x128xi32, #tpu.memory_space<hbm>>) dst(%arg9 : memref<40x128xi32, #tpu.memory_space<vmem>>)
        tpu.yield
      }) : () -> ()
      %dma_start3A_37 = arith.constant 0 : i32
      %dma_start3A_38 = arith.constant 0 : i32
      %dma_start3A_39 = tpu.memref_slice %arg8[%dma_start3A_37, %dma_start3A_38] : memref<40x128xi32, #tpu.memory_space<vmem>> -> memref<1x128xi32, #tpu.memory_space<vmem>>
      %dma_start3A_40 = tpu.memref_squeeze %dma_start3A_39 : memref<1x128xi32, #tpu.memory_space<vmem>> -> memref<128xi32, #tpu.memory_space<vmem>>
      %dma_start3A_41 = arith.constant 0 : i32
      %dma_start3A_42 = arith.constant 0 : i32
      %dma_start3A_43 = tpu.memref_slice %arg2[%dma_start3A_41, %dma_start3A_42] : memref<10240x128xf32, #tpu.memory_space<hbm>> -> memref<10240x128xf32, #tpu.memory_space<hbm>>
      tpu.enqueue_indirect_dma source(%dma_start3A_43 : memref<10240x128xf32, #tpu.memory_space<hbm>>) target(%arg10 : memref<128x128xf32, #tpu.memory_space<vmem>>) offsets(%dma_start3A_40 : memref<128xi32, #tpu.memory_space<vmem>>) semaphore(%arg13 : memref<!tpu.dma_semaphore, #tpu.memory_space<semaphore_mem>>)
      %scan3A_44 = arith.constant 0 : i32
      %scan3A_45 = arith.constant 0 : i32
      %scan3A_46 = arith.constant 20 : i32
      %scan3A_47 = arith.addi %scan3A_45, %scan3A_46 : i32
      %scan3A_48 = arith.constant 1 : i32
      %scan3A_49 = scf.for %scan3A_51 = %scan3A_45 to %scan3A_47 step %scan3A_48 iter_args(%scan3A_52 = %scan3A_44) -> (i32)  : i32 {
        %mul3A_53 = arith.constant 2 : i32
        %mul3A_54 = arith.muli %mul3A_53, %scan3A_51 : i32
        %dma_wait3A = arith.constant 0 : i32
        %dma_wait3A_55 = tpu.memref_slice %arg8[%mul3A_54, %dma_wait3A] : memref<40x128xi32, #tpu.memory_space<vmem>> -> memref<1x128xi32, #tpu.memory_space<vmem>>
        %dma_wait3A_56 = tpu.memref_squeeze %dma_wait3A_55 : memref<1x128xi32, #tpu.memory_space<vmem>> -> memref<128xi32, #tpu.memory_space<vmem>>
        %dma_wait3A_57 = arith.constant 0 : i32
        %dma_wait3A_58 = arith.constant 0 : i32
        %dma_wait3A_59 = tpu.memref_slice %arg2[%dma_wait3A_57, %dma_wait3A_58] : memref<10240x128xf32, #tpu.memory_space<hbm>> -> memref<10240x128xf32, #tpu.memory_space<hbm>>
        tpu.wait_indirect_dma semaphore(%arg13 : memref<!tpu.dma_semaphore, #tpu.memory_space<semaphore_mem>>) src(%dma_wait3A_59 : memref<10240x128xf32, #tpu.memory_space<hbm>>) dst(%arg10 : memref<128x128xf32, #tpu.memory_space<vmem>>)
        %add3A_60 = arith.constant 1 : i32
        %add3A_61 = arith.addi %mul3A_54, %add3A_60 : i32
        %dma_start3A_62 = arith.constant 0 : i32
        %dma_start3A_63 = tpu.memref_slice %arg8[%add3A_61, %dma_start3A_62] : memref<40x128xi32, #tpu.memory_space<vmem>> -> memref<1x128xi32, #tpu.memory_space<vmem>>
        %dma_start3A_64 = tpu.memref_squeeze %dma_start3A_63 : memref<1x128xi32, #tpu.memory_space<vmem>> -> memref<128xi32, #tpu.memory_space<vmem>>
        %dma_start3A_65 = arith.constant 0 : i32
        %dma_start3A_66 = arith.constant 0 : i32
        %dma_start3A_67 = tpu.memref_slice %arg2[%dma_start3A_65, %dma_start3A_66] : memref<10240x128xf32, #tpu.memory_space<hbm>> -> memref<10240x128xf32, #tpu.memory_space<hbm>>
        tpu.enqueue_indirect_dma source(%dma_start3A_67 : memref<10240x128xf32, #tpu.memory_space<hbm>>) target(%arg11 : memref<128x128xf32, #tpu.memory_space<vmem>>) offsets(%dma_start3A_64 : memref<128xi32, #tpu.memory_space<vmem>>) semaphore(%arg14 : memref<!tpu.dma_semaphore, #tpu.memory_space<semaphore_mem>>)
        "tpu.region"() ({
          %run_scoped3A = tpu.sem_alloc : memref<!tpu.dma_semaphore, #tpu.memory_space<semaphore_mem>>
          %dma_start3A_83 = arith.constant 0 : i32
          %dma_start3A_84 = tpu.memref_slice %arg9[%mul3A_54, %dma_start3A_83] : memref<40x128xi32, #tpu.memory_space<vmem>> -> memref<1x128xi32, #tpu.memory_space<vmem>>
          %dma_start3A_85 = tpu.memref_squeeze %dma_start3A_84 : memref<1x128xi32, #tpu.memory_space<vmem>> -> memref<128xi32, #tpu.memory_space<vmem>>
          %dma_start3A_86 = arith.constant 0 : i32
          %dma_start3A_87 = arith.constant 0 : i32
          %dma_start3A_88 = tpu.memref_slice %arg12[%dma_start3A_86, %dma_start3A_87] : memref<10240x128xf32, #tpu.memory_space<vmem_shared>> -> memref<10240x128xf32, #tpu.memory_space<vmem_shared>>
          tpu.enqueue_indirect_dma source(%arg10 : memref<128x128xf32, #tpu.memory_space<vmem>>) target(%dma_start3A_88 : memref<10240x128xf32, #tpu.memory_space<vmem_shared>>) offsets(%dma_start3A_85 : memref<128xi32, #tpu.memory_space<vmem>>) semaphore(%run_scoped3A : memref<!tpu.dma_semaphore, #tpu.memory_space<semaphore_mem>>) {add = true}
          %dma_wait3A_89 = arith.constant 0 : i32
          %dma_wait3A_90 = tpu.memref_slice %arg9[%mul3A_54, %dma_wait3A_89] : memref<40x128xi32, #tpu.memory_space<vmem>> -> memref<1x128xi32, #tpu.memory_space<vmem>>
          %dma_wait3A_91 = tpu.memref_squeeze %dma_wait3A_90 : memref<1x128xi32, #tpu.memory_space<vmem>> -> memref<128xi32, #tpu.memory_space<vmem>>
          %dma_wait3A_92 = arith.constant 0 : i32
          %dma_wait3A_93 = arith.constant 0 : i32
          %dma_wait3A_94 = tpu.memref_slice %arg12[%dma_wait3A_92, %dma_wait3A_93] : memref<10240x128xf32, #tpu.memory_space<vmem_shared>> -> memref<10240x128xf32, #tpu.memory_space<vmem_shared>>
          tpu.wait_indirect_dma semaphore(%run_scoped3A : memref<!tpu.dma_semaphore, #tpu.memory_space<semaphore_mem>>) src(%arg10 : memref<128x128xf32, #tpu.memory_space<vmem>>) dst(%dma_wait3A_94 : memref<10240x128xf32, #tpu.memory_space<vmem_shared>>)
          tpu.yield
        }) : () -> ()
        %add3A_68 = arith.constant 2 : i32
        %add3A_69 = arith.addi %mul3A_54, %add3A_68 : i32
        %lt3A = arith.constant 40 : i32
        %lt3A_70 = arith.cmpi slt, %add3A_69, %lt3A : i32
        %convert_element_type3A_71 = arith.extui %lt3A_70 : i1 to i32
        %cond3A_72 = arith.constant 0 : i32
        %cond3A_73 = arith.cmpi ne, %convert_element_type3A_71, %cond3A_72 : i32
        scf.if %cond3A_73 {
          %add3A_83 = arith.constant 2 : i32
          %add3A_84 = arith.addi %mul3A_54, %add3A_83 : i32
          %dma_start3A_85 = arith.constant 0 : i32
          %dma_start3A_86 = tpu.memref_slice %arg8[%add3A_84, %dma_start3A_85] : memref<40x128xi32, #tpu.memory_space<vmem>> -> memref<1x128xi32, #tpu.memory_space<vmem>>
          %dma_start3A_87 = tpu.memref_squeeze %dma_start3A_86 : memref<1x128xi32, #tpu.memory_space<vmem>> -> memref<128xi32, #tpu.memory_space<vmem>>
          %dma_start3A_88 = arith.constant 0 : i32
          %dma_start3A_89 = arith.constant 0 : i32
          %dma_start3A_90 = tpu.memref_slice %arg2[%dma_start3A_88, %dma_start3A_89] : memref<10240x128xf32, #tpu.memory_space<hbm>> -> memref<10240x128xf32, #tpu.memory_space<hbm>>
          tpu.enqueue_indirect_dma source(%dma_start3A_90 : memref<10240x128xf32, #tpu.memory_space<hbm>>) target(%arg10 : memref<128x128xf32, #tpu.memory_space<vmem>>) offsets(%dma_start3A_87 : memref<128xi32, #tpu.memory_space<vmem>>) semaphore(%arg13 : memref<!tpu.dma_semaphore, #tpu.memory_space<semaphore_mem>>)
        } else {
        }
        %dma_wait3A_74 = arith.constant 0 : i32
        %dma_wait3A_75 = tpu.memref_slice %arg8[%add3A_61, %dma_wait3A_74] : memref<40x128xi32, #tpu.memory_space<vmem>> -> memref<1x128xi32, #tpu.memory_space<vmem>>
        %dma_wait3A_76 = tpu.memref_squeeze %dma_wait3A_75 : memref<1x128xi32, #tpu.memory_space<vmem>> -> memref<128xi32, #tpu.memory_space<vmem>>
        %dma_wait3A_77 = arith.constant 0 : i32
        %dma_wait3A_78 = arith.constant 0 : i32
        %dma_wait3A_79 = tpu.memref_slice %arg2[%dma_wait3A_77, %dma_wait3A_78] : memref<10240x128xf32, #tpu.memory_space<hbm>> -> memref<10240x128xf32, #tpu.memory_space<hbm>>
        tpu.wait_indirect_dma semaphore(%arg14 : memref<!tpu.dma_semaphore, #tpu.memory_space<semaphore_mem>>) src(%dma_wait3A_79 : memref<10240x128xf32, #tpu.memory_space<hbm>>) dst(%arg11 : memref<128x128xf32, #tpu.memory_space<vmem>>)
        %add3A_80 = arith.constant 1 : i32
        %add3A_81 = arith.addi %mul3A_54, %add3A_80 : i32
        "tpu.region"() ({
          %run_scoped3A = tpu.sem_alloc : memref<!tpu.dma_semaphore, #tpu.memory_space<semaphore_mem>>
          %dma_start3A_83 = arith.constant 0 : i32
          %dma_start3A_84 = tpu.memref_slice %arg9[%add3A_81, %dma_start3A_83] : memref<40x128xi32, #tpu.memory_space<vmem>> -> memref<1x128xi32, #tpu.memory_space<vmem>>
          %dma_start3A_85 = tpu.memref_squeeze %dma_start3A_84 : memref<1x128xi32, #tpu.memory_space<vmem>> -> memref<128xi32, #tpu.memory_space<vmem>>
          %dma_start3A_86 = arith.constant 0 : i32
          %dma_start3A_87 = arith.constant 0 : i32
          %dma_start3A_88 = tpu.memref_slice %arg12[%dma_start3A_86, %dma_start3A_87] : memref<10240x128xf32, #tpu.memory_space<vmem_shared>> -> memref<10240x128xf32, #tpu.memory_space<vmem_shared>>
          tpu.enqueue_indirect_dma source(%arg11 : memref<128x128xf32, #tpu.memory_space<vmem>>) target(%dma_start3A_88 : memref<10240x128xf32, #tpu.memory_space<vmem_shared>>) offsets(%dma_start3A_85 : memref<128xi32, #tpu.memory_space<vmem>>) semaphore(%run_scoped3A : memref<!tpu.dma_semaphore, #tpu.memory_space<semaphore_mem>>) {add = true}
          %dma_wait3A_89 = arith.constant 0 : i32
          %dma_wait3A_90 = tpu.memref_slice %arg9[%add3A_81, %dma_wait3A_89] : memref<40x128xi32, #tpu.memory_space<vmem>> -> memref<1x128xi32, #tpu.memory_space<vmem>>
          %dma_wait3A_91 = tpu.memref_squeeze %dma_wait3A_90 : memref<1x128xi32, #tpu.memory_space<vmem>> -> memref<128xi32, #tpu.memory_space<vmem>>
          %dma_wait3A_92 = arith.constant 0 : i32
          %dma_wait3A_93 = arith.constant 0 : i32
          %dma_wait3A_94 = tpu.memref_slice %arg12[%dma_wait3A_92, %dma_wait3A_93] : memref<10240x128xf32, #tpu.memory_space<vmem_shared>> -> memref<10240x128xf32, #tpu.memory_space<vmem_shared>>
          tpu.wait_indirect_dma semaphore(%run_scoped3A : memref<!tpu.dma_semaphore, #tpu.memory_space<semaphore_mem>>) src(%arg11 : memref<128x128xf32, #tpu.memory_space<vmem>>) dst(%dma_wait3A_94 : memref<10240x128xf32, #tpu.memory_space<vmem_shared>>)
          tpu.yield
        }) : () -> ()
        %scan3A_82 = arith.constant 0 : i32
        scf.yield %scan3A_82 : i32
      }
      %scan3A_50 = arith.constant 20 : i32
    } else {
    }
    %eq3A_18 = arith.constant 1 : i32
    %eq3A_19 = arith.cmpi eq, %arg0, %eq3A_18 : i32
    %convert_element_type3A_20 = arith.extui %eq3A_19 : i1 to i32
    %cond3A_21 = arith.constant 0 : i32
    %cond3A_22 = arith.cmpi ne, %convert_element_type3A_20, %cond3A_21 : i32
    scf.if %cond3A_22 {
      "tpu.region"() ({
        %run_scoped3A = tpu.sem_alloc : memref<!tpu.dma_semaphore, #tpu.memory_space<semaphore_mem>>
        %dma_start3A_51 = arith.constant 0 : i32
        %dma_start3A_52 = arith.constant 0 : i32
        %dma_start3A_53 = tpu.memref_slice %arg5[%arg1, %dma_start3A_51, %dma_start3A_52] : memref<16x80x128xi32, #tpu.memory_space<hbm>> -> memref<1x40x128xi32, #tpu.memory_space<hbm>>
        %dma_start3A_54 = tpu.memref_squeeze %dma_start3A_53 : memref<1x40x128xi32, #tpu.memory_space<hbm>> -> memref<40x128xi32, #tpu.memory_space<hbm>>
        %dma_start3A_55 = arith.constant 0 : i32
        %dma_start3A_56 = arith.constant 0 : i32
        %dma_start3A_57 = tpu.memref_slice %arg5[%arg1, %dma_start3A_55, %dma_start3A_56] : memref<16x80x128xi32, #tpu.memory_space<hbm>> -> memref<1x40x128xi32, #tpu.memory_space<hbm>>
        %dma_start3A_58 = tpu.memref_squeeze %dma_start3A_57 : memref<1x40x128xi32, #tpu.memory_space<hbm>> -> memref<40x128xi32, #tpu.memory_space<hbm>>
        tpu.enqueue_dma source(%dma_start3A_58 : memref<40x128xi32, #tpu.memory_space<hbm>>) target(%arg8 : memref<40x128xi32, #tpu.memory_space<vmem>>) target_semaphore(%run_scoped3A : memref<!tpu.dma_semaphore, #tpu.memory_space<semaphore_mem>>)
        %dma_wait3A = arith.constant 0 : i32
        %dma_wait3A_59 = arith.constant 0 : i32
        %dma_wait3A_60 = tpu.memref_slice %arg5[%arg1, %dma_wait3A, %dma_wait3A_59] : memref<16x80x128xi32, #tpu.memory_space<hbm>> -> memref<1x40x128xi32, #tpu.memory_space<hbm>>
        %dma_wait3A_61 = tpu.memref_squeeze %dma_wait3A_60 : memref<1x40x128xi32, #tpu.memory_space<hbm>> -> memref<40x128xi32, #tpu.memory_space<hbm>>
        %dma_wait3A_62 = arith.constant 0 : i32
        %dma_wait3A_63 = arith.constant 0 : i32
        %dma_wait3A_64 = tpu.memref_slice %arg5[%arg1, %dma_wait3A_62, %dma_wait3A_63] : memref<16x80x128xi32, #tpu.memory_space<hbm>> -> memref<1x40x128xi32, #tpu.memory_space<hbm>>
        %dma_wait3A_65 = tpu.memref_squeeze %dma_wait3A_64 : memref<1x40x128xi32, #tpu.memory_space<hbm>> -> memref<40x128xi32, #tpu.memory_space<hbm>>
        tpu.wait_dma2 semaphore(%run_scoped3A : memref<!tpu.dma_semaphore, #tpu.memory_space<semaphore_mem>>) src(%dma_wait3A_65 : memref<40x128xi32, #tpu.memory_space<hbm>>) dst(%arg8 : memref<40x128xi32, #tpu.memory_space<vmem>>)
        tpu.yield
      }) : () -> ()
      "tpu.region"() ({
        %run_scoped3A = tpu.sem_alloc : memref<!tpu.dma_semaphore, #tpu.memory_space<semaphore_mem>>
        %dma_start3A_51 = arith.constant 0 : i32
        %dma_start3A_52 = arith.constant 0 : i32
        %dma_start3A_53 = tpu.memref_slice %arg6[%arg1, %dma_start3A_51, %dma_start3A_52] : memref<16x80x128xi32, #tpu.memory_space<hbm>> -> memref<1x40x128xi32, #tpu.memory_space<hbm>>
        %dma_start3A_54 = tpu.memref_squeeze %dma_start3A_53 : memref<1x40x128xi32, #tpu.memory_space<hbm>> -> memref<40x128xi32, #tpu.memory_space<hbm>>
        %dma_start3A_55 = arith.constant 0 : i32
        %dma_start3A_56 = arith.constant 0 : i32
        %dma_start3A_57 = tpu.memref_slice %arg6[%arg1, %dma_start3A_55, %dma_start3A_56] : memref<16x80x128xi32, #tpu.memory_space<hbm>> -> memref<1x40x128xi32, #tpu.memory_space<hbm>>
        %dma_start3A_58 = tpu.memref_squeeze %dma_start3A_57 : memref<1x40x128xi32, #tpu.memory_space<hbm>> -> memref<40x128xi32, #tpu.memory_space<hbm>>
        tpu.enqueue_dma source(%dma_start3A_58 : memref<40x128xi32, #tpu.memory_space<hbm>>) target(%arg9 : memref<40x128xi32, #tpu.memory_space<vmem>>) target_semaphore(%run_scoped3A : memref<!tpu.dma_semaphore, #tpu.memory_space<semaphore_mem>>)
        %dma_wait3A = arith.constant 0 : i32
        %dma_wait3A_59 = arith.constant 0 : i32
        %dma_wait3A_60 = tpu.memref_slice %arg6[%arg1, %dma_wait3A, %dma_wait3A_59] : memref<16x80x128xi32, #tpu.memory_space<hbm>> -> memref<1x40x128xi32, #tpu.memory_space<hbm>>
        %dma_wait3A_61 = tpu.memref_squeeze %dma_wait3A_60 : memref<1x40x128xi32, #tpu.memory_space<hbm>> -> memref<40x128xi32, #tpu.memory_space<hbm>>
        %dma_wait3A_62 = arith.constant 0 : i32
        %dma_wait3A_63 = arith.constant 0 : i32
        %dma_wait3A_64 = tpu.memref_slice %arg6[%arg1, %dma_wait3A_62, %dma_wait3A_63] : memref<16x80x128xi32, #tpu.memory_space<hbm>> -> memref<1x40x128xi32, #tpu.memory_space<hbm>>
        %dma_wait3A_65 = tpu.memref_squeeze %dma_wait3A_64 : memref<1x40x128xi32, #tpu.memory_space<hbm>> -> memref<40x128xi32, #tpu.memory_space<hbm>>
        tpu.wait_dma2 semaphore(%run_scoped3A : memref<!tpu.dma_semaphore, #tpu.memory_space<semaphore_mem>>) src(%dma_wait3A_65 : memref<40x128xi32, #tpu.memory_space<hbm>>) dst(%arg9 : memref<40x128xi32, #tpu.memory_space<vmem>>)
        tpu.yield
      }) : () -> ()
      %dma_start3A = arith.constant 0 : i32
      %dma_start3A_24 = arith.constant 0 : i32
      %dma_start3A_25 = tpu.memref_slice %arg8[%dma_start3A, %dma_start3A_24] : memref<40x128xi32, #tpu.memory_space<vmem>> -> memref<1x128xi32, #tpu.memory_space<vmem>>
      %dma_start3A_26 = tpu.memref_squeeze %dma_start3A_25 : memref<1x128xi32, #tpu.memory_space<vmem>> -> memref<128xi32, #tpu.memory_space<vmem>>
      %dma_start3A_27 = arith.constant 0 : i32
      %dma_start3A_28 = arith.constant 0 : i32
      %dma_start3A_29 = tpu.memref_slice %arg2[%dma_start3A_27, %dma_start3A_28] : memref<10240x128xf32, #tpu.memory_space<hbm>> -> memref<10240x128xf32, #tpu.memory_space<hbm>>
      tpu.enqueue_indirect_dma source(%dma_start3A_29 : memref<10240x128xf32, #tpu.memory_space<hbm>>) target(%arg10 : memref<128x128xf32, #tpu.memory_space<vmem>>) offsets(%dma_start3A_26 : memref<128xi32, #tpu.memory_space<vmem>>) semaphore(%arg13 : memref<!tpu.dma_semaphore, #tpu.memory_space<semaphore_mem>>)
      %scan3A_30 = arith.constant 0 : i32
      %scan3A_31 = arith.constant 0 : i32
      %scan3A_32 = arith.constant 20 : i32
      %scan3A_33 = arith.addi %scan3A_31, %scan3A_32 : i32
      %scan3A_34 = arith.constant 1 : i32
      %scan3A_35 = scf.for %scan3A_51 = %scan3A_31 to %scan3A_33 step %scan3A_34 iter_args(%scan3A_52 = %scan3A_30) -> (i32)  : i32 {
        %mul3A_53 = arith.constant 2 : i32
        %mul3A_54 = arith.muli %mul3A_53, %scan3A_51 : i32
        %dma_wait3A = arith.constant 0 : i32
        %dma_wait3A_55 = tpu.memref_slice %arg8[%mul3A_54, %dma_wait3A] : memref<40x128xi32, #tpu.memory_space<vmem>> -> memref<1x128xi32, #tpu.memory_space<vmem>>
        %dma_wait3A_56 = tpu.memref_squeeze %dma_wait3A_55 : memref<1x128xi32, #tpu.memory_space<vmem>> -> memref<128xi32, #tpu.memory_space<vmem>>
        %dma_wait3A_57 = arith.constant 0 : i32
        %dma_wait3A_58 = arith.constant 0 : i32
        %dma_wait3A_59 = tpu.memref_slice %arg2[%dma_wait3A_57, %dma_wait3A_58] : memref<10240x128xf32, #tpu.memory_space<hbm>> -> memref<10240x128xf32, #tpu.memory_space<hbm>>
        tpu.wait_indirect_dma semaphore(%arg13 : memref<!tpu.dma_semaphore, #tpu.memory_space<semaphore_mem>>) src(%dma_wait3A_59 : memref<10240x128xf32, #tpu.memory_space<hbm>>) dst(%arg10 : memref<128x128xf32, #tpu.memory_space<vmem>>)
        %add3A_60 = arith.constant 1 : i32
        %add3A_61 = arith.addi %mul3A_54, %add3A_60 : i32
        %dma_start3A_62 = arith.constant 0 : i32
        %dma_start3A_63 = tpu.memref_slice %arg8[%add3A_61, %dma_start3A_62] : memref<40x128xi32, #tpu.memory_space<vmem>> -> memref<1x128xi32, #tpu.memory_space<vmem>>
        %dma_start3A_64 = tpu.memref_squeeze %dma_start3A_63 : memref<1x128xi32, #tpu.memory_space<vmem>> -> memref<128xi32, #tpu.memory_space<vmem>>
        %dma_start3A_65 = arith.constant 0 : i32
        %dma_start3A_66 = arith.constant 0 : i32
        %dma_start3A_67 = tpu.memref_slice %arg2[%dma_start3A_65, %dma_start3A_66] : memref<10240x128xf32, #tpu.memory_space<hbm>> -> memref<10240x128xf32, #tpu.memory_space<hbm>>
        tpu.enqueue_indirect_dma source(%dma_start3A_67 : memref<10240x128xf32, #tpu.memory_space<hbm>>) target(%arg11 : memref<128x128xf32, #tpu.memory_space<vmem>>) offsets(%dma_start3A_64 : memref<128xi32, #tpu.memory_space<vmem>>) semaphore(%arg14 : memref<!tpu.dma_semaphore, #tpu.memory_space<semaphore_mem>>)
        "tpu.region"() ({
          %run_scoped3A = tpu.sem_alloc : memref<!tpu.dma_semaphore, #tpu.memory_space<semaphore_mem>>
          %dma_start3A_83 = arith.constant 0 : i32
          %dma_start3A_84 = tpu.memref_slice %arg9[%mul3A_54, %dma_start3A_83] : memref<40x128xi32, #tpu.memory_space<vmem>> -> memref<1x128xi32, #tpu.memory_space<vmem>>
          %dma_start3A_85 = tpu.memref_squeeze %dma_start3A_84 : memref<1x128xi32, #tpu.memory_space<vmem>> -> memref<128xi32, #tpu.memory_space<vmem>>
          %dma_start3A_86 = arith.constant 0 : i32
          %dma_start3A_87 = arith.constant 0 : i32
          %dma_start3A_88 = tpu.memref_slice %arg12[%dma_start3A_86, %dma_start3A_87] : memref<10240x128xf32, #tpu.memory_space<vmem_shared>> -> memref<10240x128xf32, #tpu.memory_space<vmem_shared>>
          tpu.enqueue_indirect_dma source(%arg10 : memref<128x128xf32, #tpu.memory_space<vmem>>) target(%dma_start3A_88 : memref<10240x128xf32, #tpu.memory_space<vmem_shared>>) offsets(%dma_start3A_85 : memref<128xi32, #tpu.memory_space<vmem>>) semaphore(%run_scoped3A : memref<!tpu.dma_semaphore, #tpu.memory_space<semaphore_mem>>) {add = true}
          %dma_wait3A_89 = arith.constant 0 : i32
          %dma_wait3A_90 = tpu.memref_slice %arg9[%mul3A_54, %dma_wait3A_89] : memref<40x128xi32, #tpu.memory_space<vmem>> -> memref<1x128xi32, #tpu.memory_space<vmem>>
          %dma_wait3A_91 = tpu.memref_squeeze %dma_wait3A_90 : memref<1x128xi32, #tpu.memory_space<vmem>> -> memref<128xi32, #tpu.memory_space<vmem>>
          %dma_wait3A_92 = arith.constant 0 : i32
          %dma_wait3A_93 = arith.constant 0 : i32
          %dma_wait3A_94 = tpu.memref_slice %arg12[%dma_wait3A_92, %dma_wait3A_93] : memref<10240x128xf32, #tpu.memory_space<vmem_shared>> -> memref<10240x128xf32, #tpu.memory_space<vmem_shared>>
          tpu.wait_indirect_dma semaphore(%run_scoped3A : memref<!tpu.dma_semaphore, #tpu.memory_space<semaphore_mem>>) src(%arg10 : memref<128x128xf32, #tpu.memory_space<vmem>>) dst(%dma_wait3A_94 : memref<10240x128xf32, #tpu.memory_space<vmem_shared>>)
          tpu.yield
        }) : () -> ()
        %add3A_68 = arith.constant 2 : i32
        %add3A_69 = arith.addi %mul3A_54, %add3A_68 : i32
        %lt3A = arith.constant 40 : i32
        %lt3A_70 = arith.cmpi slt, %add3A_69, %lt3A : i32
        %convert_element_type3A_71 = arith.extui %lt3A_70 : i1 to i32
        %cond3A_72 = arith.constant 0 : i32
        %cond3A_73 = arith.cmpi ne, %convert_element_type3A_71, %cond3A_72 : i32
        scf.if %cond3A_73 {
          %add3A_83 = arith.constant 2 : i32
          %add3A_84 = arith.addi %mul3A_54, %add3A_83 : i32
          %dma_start3A_85 = arith.constant 0 : i32
          %dma_start3A_86 = tpu.memref_slice %arg8[%add3A_84, %dma_start3A_85] : memref<40x128xi32, #tpu.memory_space<vmem>> -> memref<1x128xi32, #tpu.memory_space<vmem>>
          %dma_start3A_87 = tpu.memref_squeeze %dma_start3A_86 : memref<1x128xi32, #tpu.memory_space<vmem>> -> memref<128xi32, #tpu.memory_space<vmem>>
          %dma_start3A_88 = arith.constant 0 : i32
          %dma_start3A_89 = arith.constant 0 : i32
          %dma_start3A_90 = tpu.memref_slice %arg2[%dma_start3A_88, %dma_start3A_89] : memref<10240x128xf32, #tpu.memory_space<hbm>> -> memref<10240x128xf32, #tpu.memory_space<hbm>>
          tpu.enqueue_indirect_dma source(%dma_start3A_90 : memref<10240x128xf32, #tpu.memory_space<hbm>>) target(%arg10 : memref<128x128xf32, #tpu.memory_space<vmem>>) offsets(%dma_start3A_87 : memref<128xi32, #tpu.memory_space<vmem>>) semaphore(%arg13 : memref<!tpu.dma_semaphore, #tpu.memory_space<semaphore_mem>>)
        } else {
        }
        %dma_wait3A_74 = arith.constant 0 : i32
        %dma_wait3A_75 = tpu.memref_slice %arg8[%add3A_61, %dma_wait3A_74] : memref<40x128xi32, #tpu.memory_space<vmem>> -> memref<1x128xi32, #tpu.memory_space<vmem>>
        %dma_wait3A_76 = tpu.memref_squeeze %dma_wait3A_75 : memref<1x128xi32, #tpu.memory_space<vmem>> -> memref<128xi32, #tpu.memory_space<vmem>>
        %dma_wait3A_77 = arith.constant 0 : i32
        %dma_wait3A_78 = arith.constant 0 : i32
        %dma_wait3A_79 = tpu.memref_slice %arg2[%dma_wait3A_77, %dma_wait3A_78] : memref<10240x128xf32, #tpu.memory_space<hbm>> -> memref<10240x128xf32, #tpu.memory_space<hbm>>
        tpu.wait_indirect_dma semaphore(%arg14 : memref<!tpu.dma_semaphore, #tpu.memory_space<semaphore_mem>>) src(%dma_wait3A_79 : memref<10240x128xf32, #tpu.memory_space<hbm>>) dst(%arg11 : memref<128x128xf32, #tpu.memory_space<vmem>>)
        %add3A_80 = arith.constant 1 : i32
        %add3A_81 = arith.addi %mul3A_54, %add3A_80 : i32
        "tpu.region"() ({
          %run_scoped3A = tpu.sem_alloc : memref<!tpu.dma_semaphore, #tpu.memory_space<semaphore_mem>>
          %dma_start3A_83 = arith.constant 0 : i32
          %dma_start3A_84 = tpu.memref_slice %arg9[%add3A_81, %dma_start3A_83] : memref<40x128xi32, #tpu.memory_space<vmem>> -> memref<1x128xi32, #tpu.memory_space<vmem>>
          %dma_start3A_85 = tpu.memref_squeeze %dma_start3A_84 : memref<1x128xi32, #tpu.memory_space<vmem>> -> memref<128xi32, #tpu.memory_space<vmem>>
          %dma_start3A_86 = arith.constant 0 : i32
          %dma_start3A_87 = arith.constant 0 : i32
          %dma_start3A_88 = tpu.memref_slice %arg12[%dma_start3A_86, %dma_start3A_87] : memref<10240x128xf32, #tpu.memory_space<vmem_shared>> -> memref<10240x128xf32, #tpu.memory_space<vmem_shared>>
          tpu.enqueue_indirect_dma source(%arg11 : memref<128x128xf32, #tpu.memory_space<vmem>>) target(%dma_start3A_88 : memref<10240x128xf32, #tpu.memory_space<vmem_shared>>) offsets(%dma_start3A_85 : memref<128xi32, #tpu.memory_space<vmem>>) semaphore(%run_scoped3A : memref<!tpu.dma_semaphore, #tpu.memory_space<semaphore_mem>>) {add = true}
          %dma_wait3A_89 = arith.constant 0 : i32
          %dma_wait3A_90 = tpu.memref_slice %arg9[%add3A_81, %dma_wait3A_89] : memref<40x128xi32, #tpu.memory_space<vmem>> -> memref<1x128xi32, #tpu.memory_space<vmem>>
          %dma_wait3A_91 = tpu.memref_squeeze %dma_wait3A_90 : memref<1x128xi32, #tpu.memory_space<vmem>> -> memref<128xi32, #tpu.memory_space<vmem>>
          %dma_wait3A_92 = arith.constant 0 : i32
          %dma_wait3A_93 = arith.constant 0 : i32
          %dma_wait3A_94 = tpu.memref_slice %arg12[%dma_wait3A_92, %dma_wait3A_93] : memref<10240x128xf32, #tpu.memory_space<vmem_shared>> -> memref<10240x128xf32, #tpu.memory_space<vmem_shared>>
          tpu.wait_indirect_dma semaphore(%run_scoped3A : memref<!tpu.dma_semaphore, #tpu.memory_space<semaphore_mem>>) src(%arg11 : memref<128x128xf32, #tpu.memory_space<vmem>>) dst(%dma_wait3A_94 : memref<10240x128xf32, #tpu.memory_space<vmem_shared>>)
          tpu.yield
        }) : () -> ()
        %scan3A_82 = arith.constant 0 : i32
        scf.yield %scan3A_82 : i32
      }
      %scan3A_36 = arith.constant 20 : i32
      "tpu.region"() ({
        %run_scoped3A = tpu.sem_alloc : memref<!tpu.dma_semaphore, #tpu.memory_space<semaphore_mem>>
        %dma_start3A_51 = arith.constant 40 : i32
        %dma_start3A_52 = arith.constant 0 : i32
        %dma_start3A_53 = tpu.memref_slice %arg5[%arg1, %dma_start3A_51, %dma_start3A_52] : memref<16x80x128xi32, #tpu.memory_space<hbm>> -> memref<1x40x128xi32, #tpu.memory_space<hbm>>
        %dma_start3A_54 = tpu.memref_squeeze %dma_start3A_53 : memref<1x40x128xi32, #tpu.memory_space<hbm>> -> memref<40x128xi32, #tpu.memory_space<hbm>>
        %dma_start3A_55 = arith.constant 40 : i32
        %dma_start3A_56 = arith.constant 0 : i32
        %dma_start3A_57 = tpu.memref_slice %arg5[%arg1, %dma_start3A_55, %dma_start3A_56] : memref<16x80x128xi32, #tpu.memory_space<hbm>> -> memref<1x40x128xi32, #tpu.memory_space<hbm>>
        %dma_start3A_58 = tpu.memref_squeeze %dma_start3A_57 : memref<1x40x128xi32, #tpu.memory_space<hbm>> -> memref<40x128xi32, #tpu.memory_space<hbm>>
        tpu.enqueue_dma source(%dma_start3A_58 : memref<40x128xi32, #tpu.memory_space<hbm>>) target(%arg8 : memref<40x128xi32, #tpu.memory_space<vmem>>) target_semaphore(%run_scoped3A : memref<!tpu.dma_semaphore, #tpu.memory_space<semaphore_mem>>)
        %dma_wait3A = arith.constant 40 : i32
        %dma_wait3A_59 = arith.constant 0 : i32
        %dma_wait3A_60 = tpu.memref_slice %arg5[%arg1, %dma_wait3A, %dma_wait3A_59] : memref<16x80x128xi32, #tpu.memory_space<hbm>> -> memref<1x40x128xi32, #tpu.memory_space<hbm>>
        %dma_wait3A_61 = tpu.memref_squeeze %dma_wait3A_60 : memref<1x40x128xi32, #tpu.memory_space<hbm>> -> memref<40x128xi32, #tpu.memory_space<hbm>>
        %dma_wait3A_62 = arith.constant 40 : i32
        %dma_wait3A_63 = arith.constant 0 : i32
        %dma_wait3A_64 = tpu.memref_slice %arg5[%arg1, %dma_wait3A_62, %dma_wait3A_63] : memref<16x80x128xi32, #tpu.memory_space<hbm>> -> memref<1x40x128xi32, #tpu.memory_space<hbm>>
        %dma_wait3A_65 = tpu.memref_squeeze %dma_wait3A_64 : memref<1x40x128xi32, #tpu.memory_space<hbm>> -> memref<40x128xi32, #tpu.memory_space<hbm>>
        tpu.wait_dma2 semaphore(%run_scoped3A : memref<!tpu.dma_semaphore, #tpu.memory_space<semaphore_mem>>) src(%dma_wait3A_65 : memref<40x128xi32, #tpu.memory_space<hbm>>) dst(%arg8 : memref<40x128xi32, #tpu.memory_space<vmem>>)
        tpu.yield
      }) : () -> ()
      "tpu.region"() ({
        %run_scoped3A = tpu.sem_alloc : memref<!tpu.dma_semaphore, #tpu.memory_space<semaphore_mem>>
        %dma_start3A_51 = arith.constant 40 : i32
        %dma_start3A_52 = arith.constant 0 : i32
        %dma_start3A_53 = tpu.memref_slice %arg6[%arg1, %dma_start3A_51, %dma_start3A_52] : memref<16x80x128xi32, #tpu.memory_space<hbm>> -> memref<1x40x128xi32, #tpu.memory_space<hbm>>
        %dma_start3A_54 = tpu.memref_squeeze %dma_start3A_53 : memref<1x40x128xi32, #tpu.memory_space<hbm>> -> memref<40x128xi32, #tpu.memory_space<hbm>>
        %dma_start3A_55 = arith.constant 40 : i32
        %dma_start3A_56 = arith.constant 0 : i32
        %dma_start3A_57 = tpu.memref_slice %arg6[%arg1, %dma_start3A_55, %dma_start3A_56] : memref<16x80x128xi32, #tpu.memory_space<hbm>> -> memref<1x40x128xi32, #tpu.memory_space<hbm>>
        %dma_start3A_58 = tpu.memref_squeeze %dma_start3A_57 : memref<1x40x128xi32, #tpu.memory_space<hbm>> -> memref<40x128xi32, #tpu.memory_space<hbm>>
        tpu.enqueue_dma source(%dma_start3A_58 : memref<40x128xi32, #tpu.memory_space<hbm>>) target(%arg9 : memref<40x128xi32, #tpu.memory_space<vmem>>) target_semaphore(%run_scoped3A : memref<!tpu.dma_semaphore, #tpu.memory_space<semaphore_mem>>)
        %dma_wait3A = arith.constant 40 : i32
        %dma_wait3A_59 = arith.constant 0 : i32
        %dma_wait3A_60 = tpu.memref_slice %arg6[%arg1, %dma_wait3A, %dma_wait3A_59] : memref<16x80x128xi32, #tpu.memory_space<hbm>> -> memref<1x40x128xi32, #tpu.memory_space<hbm>>
        %dma_wait3A_61 = tpu.memref_squeeze %dma_wait3A_60 : memref<1x40x128xi32, #tpu.memory_space<hbm>> -> memref<40x128xi32, #tpu.memory_space<hbm>>
        %dma_wait3A_62 = arith.constant 40 : i32
        %dma_wait3A_63 = arith.constant 0 : i32
        %dma_wait3A_64 = tpu.memref_slice %arg6[%arg1, %dma_wait3A_62, %dma_wait3A_63] : memref<16x80x128xi32, #tpu.memory_space<hbm>> -> memref<1x40x128xi32, #tpu.memory_space<hbm>>
        %dma_wait3A_65 = tpu.memref_squeeze %dma_wait3A_64 : memref<1x40x128xi32, #tpu.memory_space<hbm>> -> memref<40x128xi32, #tpu.memory_space<hbm>>
        tpu.wait_dma2 semaphore(%run_scoped3A : memref<!tpu.dma_semaphore, #tpu.memory_space<semaphore_mem>>) src(%dma_wait3A_65 : memref<40x128xi32, #tpu.memory_space<hbm>>) dst(%arg9 : memref<40x128xi32, #tpu.memory_space<vmem>>)
        tpu.yield
      }) : () -> ()
      %dma_start3A_37 = arith.constant 0 : i32
      %dma_start3A_38 = arith.constant 0 : i32
      %dma_start3A_39 = tpu.memref_slice %arg8[%dma_start3A_37, %dma_start3A_38] : memref<40x128xi32, #tpu.memory_space<vmem>> -> memref<1x128xi32, #tpu.memory_space<vmem>>
      %dma_start3A_40 = tpu.memref_squeeze %dma_start3A_39 : memref<1x128xi32, #tpu.memory_space<vmem>> -> memref<128xi32, #tpu.memory_space<vmem>>
      %dma_start3A_41 = arith.constant 0 : i32
      %dma_start3A_42 = arith.constant 0 : i32
      %dma_start3A_43 = tpu.memref_slice %arg2[%dma_start3A_41, %dma_start3A_42] : memref<10240x128xf32, #tpu.memory_space<hbm>> -> memref<10240x128xf32, #tpu.memory_space<hbm>>
      tpu.enqueue_indirect_dma source(%dma_start3A_43 : memref<10240x128xf32, #tpu.memory_space<hbm>>) target(%arg10 : memref<128x128xf32, #tpu.memory_space<vmem>>) offsets(%dma_start3A_40 : memref<128xi32, #tpu.memory_space<vmem>>) semaphore(%arg13 : memref<!tpu.dma_semaphore, #tpu.memory_space<semaphore_mem>>)
      %scan3A_44 = arith.constant 0 : i32
      %scan3A_45 = arith.constant 0 : i32
      %scan3A_46 = arith.constant 20 : i32
      %scan3A_47 = arith.addi %scan3A_45, %scan3A_46 : i32
      %scan3A_48 = arith.constant 1 : i32
      %scan3A_49 = scf.for %scan3A_51 = %scan3A_45 to %scan3A_47 step %scan3A_48 iter_args(%scan3A_52 = %scan3A_44) -> (i32)  : i32 {
        %mul3A_53 = arith.constant 2 : i32
        %mul3A_54 = arith.muli %mul3A_53, %scan3A_51 : i32
        %dma_wait3A = arith.constant 0 : i32
        %dma_wait3A_55 = tpu.memref_slice %arg8[%mul3A_54, %dma_wait3A] : memref<40x128xi32, #tpu.memory_space<vmem>> -> memref<1x128xi32, #tpu.memory_space<vmem>>
        %dma_wait3A_56 = tpu.memref_squeeze %dma_wait3A_55 : memref<1x128xi32, #tpu.memory_space<vmem>> -> memref<128xi32, #tpu.memory_space<vmem>>
        %dma_wait3A_57 = arith.constant 0 : i32
        %dma_wait3A_58 = arith.constant 0 : i32
        %dma_wait3A_59 = tpu.memref_slice %arg2[%dma_wait3A_57, %dma_wait3A_58] : memref<10240x128xf32, #tpu.memory_space<hbm>> -> memref<10240x128xf32, #tpu.memory_space<hbm>>
        tpu.wait_indirect_dma semaphore(%arg13 : memref<!tpu.dma_semaphore, #tpu.memory_space<semaphore_mem>>) src(%dma_wait3A_59 : memref<10240x128xf32, #tpu.memory_space<hbm>>) dst(%arg10 : memref<128x128xf32, #tpu.memory_space<vmem>>)
        %add3A_60 = arith.constant 1 : i32
        %add3A_61 = arith.addi %mul3A_54, %add3A_60 : i32
        %dma_start3A_62 = arith.constant 0 : i32
        %dma_start3A_63 = tpu.memref_slice %arg8[%add3A_61, %dma_start3A_62] : memref<40x128xi32, #tpu.memory_space<vmem>> -> memref<1x128xi32, #tpu.memory_space<vmem>>
        %dma_start3A_64 = tpu.memref_squeeze %dma_start3A_63 : memref<1x128xi32, #tpu.memory_space<vmem>> -> memref<128xi32, #tpu.memory_space<vmem>>
        %dma_start3A_65 = arith.constant 0 : i32
        %dma_start3A_66 = arith.constant 0 : i32
        %dma_start3A_67 = tpu.memref_slice %arg2[%dma_start3A_65, %dma_start3A_66] : memref<10240x128xf32, #tpu.memory_space<hbm>> -> memref<10240x128xf32, #tpu.memory_space<hbm>>
        tpu.enqueue_indirect_dma source(%dma_start3A_67 : memref<10240x128xf32, #tpu.memory_space<hbm>>) target(%arg11 : memref<128x128xf32, #tpu.memory_space<vmem>>) offsets(%dma_start3A_64 : memref<128xi32, #tpu.memory_space<vmem>>) semaphore(%arg14 : memref<!tpu.dma_semaphore, #tpu.memory_space<semaphore_mem>>)
        "tpu.region"() ({
          %run_scoped3A = tpu.sem_alloc : memref<!tpu.dma_semaphore, #tpu.memory_space<semaphore_mem>>
          %dma_start3A_83 = arith.constant 0 : i32
          %dma_start3A_84 = tpu.memref_slice %arg9[%mul3A_54, %dma_start3A_83] : memref<40x128xi32, #tpu.memory_space<vmem>> -> memref<1x128xi32, #tpu.memory_space<vmem>>
          %dma_start3A_85 = tpu.memref_squeeze %dma_start3A_84 : memref<1x128xi32, #tpu.memory_space<vmem>> -> memref<128xi32, #tpu.memory_space<vmem>>
          %dma_start3A_86 = arith.constant 0 : i32
          %dma_start3A_87 = arith.constant 0 : i32
          %dma_start3A_88 = tpu.memref_slice %arg12[%dma_start3A_86, %dma_start3A_87] : memref<10240x128xf32, #tpu.memory_space<vmem_shared>> -> memref<10240x128xf32, #tpu.memory_space<vmem_shared>>
          tpu.enqueue_indirect_dma source(%arg10 : memref<128x128xf32, #tpu.memory_space<vmem>>) target(%dma_start3A_88 : memref<10240x128xf32, #tpu.memory_space<vmem_shared>>) offsets(%dma_start3A_85 : memref<128xi32, #tpu.memory_space<vmem>>) semaphore(%run_scoped3A : memref<!tpu.dma_semaphore, #tpu.memory_space<semaphore_mem>>) {add = true}
          %dma_wait3A_89 = arith.constant 0 : i32
          %dma_wait3A_90 = tpu.memref_slice %arg9[%mul3A_54, %dma_wait3A_89] : memref<40x128xi32, #tpu.memory_space<vmem>> -> memref<1x128xi32, #tpu.memory_space<vmem>>
          %dma_wait3A_91 = tpu.memref_squeeze %dma_wait3A_90 : memref<1x128xi32, #tpu.memory_space<vmem>> -> memref<128xi32, #tpu.memory_space<vmem>>
          %dma_wait3A_92 = arith.constant 0 : i32
          %dma_wait3A_93 = arith.constant 0 : i32
          %dma_wait3A_94 = tpu.memref_slice %arg12[%dma_wait3A_92, %dma_wait3A_93] : memref<10240x128xf32, #tpu.memory_space<vmem_shared>> -> memref<10240x128xf32, #tpu.memory_space<vmem_shared>>
          tpu.wait_indirect_dma semaphore(%run_scoped3A : memref<!tpu.dma_semaphore, #tpu.memory_space<semaphore_mem>>) src(%arg10 : memref<128x128xf32, #tpu.memory_space<vmem>>) dst(%dma_wait3A_94 : memref<10240x128xf32, #tpu.memory_space<vmem_shared>>)
          tpu.yield
        }) : () -> ()
        %add3A_68 = arith.constant 2 : i32
        %add3A_69 = arith.addi %mul3A_54, %add3A_68 : i32
        %lt3A = arith.constant 40 : i32
        %lt3A_70 = arith.cmpi slt, %add3A_69, %lt3A : i32
        %convert_element_type3A_71 = arith.extui %lt3A_70 : i1 to i32
        %cond3A_72 = arith.constant 0 : i32
        %cond3A_73 = arith.cmpi ne, %convert_element_type3A_71, %cond3A_72 : i32
        scf.if %cond3A_73 {
          %add3A_83 = arith.constant 2 : i32
          %add3A_84 = arith.addi %mul3A_54, %add3A_83 : i32
          %dma_start3A_85 = arith.constant 0 : i32
          %dma_start3A_86 = tpu.memref_slice %arg8[%add3A_84, %dma_start3A_85] : memref<40x128xi32, #tpu.memory_space<vmem>> -> memref<1x128xi32, #tpu.memory_space<vmem>>
          %dma_start3A_87 = tpu.memref_squeeze %dma_start3A_86 : memref<1x128xi32, #tpu.memory_space<vmem>> -> memref<128xi32, #tpu.memory_space<vmem>>
          %dma_start3A_88 = arith.constant 0 : i32
          %dma_start3A_89 = arith.constant 0 : i32
          %dma_start3A_90 = tpu.memref_slice %arg2[%dma_start3A_88, %dma_start3A_89] : memref<10240x128xf32, #tpu.memory_space<hbm>> -> memref<10240x128xf32, #tpu.memory_space<hbm>>
          tpu.enqueue_indirect_dma source(%dma_start3A_90 : memref<10240x128xf32, #tpu.memory_space<hbm>>) target(%arg10 : memref<128x128xf32, #tpu.memory_space<vmem>>) offsets(%dma_start3A_87 : memref<128xi32, #tpu.memory_space<vmem>>) semaphore(%arg13 : memref<!tpu.dma_semaphore, #tpu.memory_space<semaphore_mem>>)
        } else {
        }
        %dma_wait3A_74 = arith.constant 0 : i32
        %dma_wait3A_75 = tpu.memref_slice %arg8[%add3A_61, %dma_wait3A_74] : memref<40x128xi32, #tpu.memory_space<vmem>> -> memref<1x128xi32, #tpu.memory_space<vmem>>
        %dma_wait3A_76 = tpu.memref_squeeze %dma_wait3A_75 : memref<1x128xi32, #tpu.memory_space<vmem>> -> memref<128xi32, #tpu.memory_space<vmem>>
        %dma_wait3A_77 = arith.constant 0 : i32
        %dma_wait3A_78 = arith.constant 0 : i32
        %dma_wait3A_79 = tpu.memref_slice %arg2[%dma_wait3A_77, %dma_wait3A_78] : memref<10240x128xf32, #tpu.memory_space<hbm>> -> memref<10240x128xf32, #tpu.memory_space<hbm>>
        tpu.wait_indirect_dma semaphore(%arg14 : memref<!tpu.dma_semaphore, #tpu.memory_space<semaphore_mem>>) src(%dma_wait3A_79 : memref<10240x128xf32, #tpu.memory_space<hbm>>) dst(%arg11 : memref<128x128xf32, #tpu.memory_space<vmem>>)
        %add3A_80 = arith.constant 1 : i32
        %add3A_81 = arith.addi %mul3A_54, %add3A_80 : i32
        "tpu.region"() ({
          %run_scoped3A = tpu.sem_alloc : memref<!tpu.dma_semaphore, #tpu.memory_space<semaphore_mem>>
          %dma_start3A_83 = arith.constant 0 : i32
          %dma_start3A_84 = tpu.memref_slice %arg9[%add3A_81, %dma_start3A_83] : memref<40x128xi32, #tpu.memory_space<vmem>> -> memref<1x128xi32, #tpu.memory_space<vmem>>
          %dma_start3A_85 = tpu.memref_squeeze %dma_start3A_84 : memref<1x128xi32, #tpu.memory_space<vmem>> -> memref<128xi32, #tpu.memory_space<vmem>>
          %dma_start3A_86 = arith.constant 0 : i32
          %dma_start3A_87 = arith.constant 0 : i32
          %dma_start3A_88 = tpu.memref_slice %arg12[%dma_start3A_86, %dma_start3A_87] : memref<10240x128xf32, #tpu.memory_space<vmem_shared>> -> memref<10240x128xf32, #tpu.memory_space<vmem_shared>>
          tpu.enqueue_indirect_dma source(%arg11 : memref<128x128xf32, #tpu.memory_space<vmem>>) target(%dma_start3A_88 : memref<10240x128xf32, #tpu.memory_space<vmem_shared>>) offsets(%dma_start3A_85 : memref<128xi32, #tpu.memory_space<vmem>>) semaphore(%run_scoped3A : memref<!tpu.dma_semaphore, #tpu.memory_space<semaphore_mem>>) {add = true}
          %dma_wait3A_89 = arith.constant 0 : i32
          %dma_wait3A_90 = tpu.memref_slice %arg9[%add3A_81, %dma_wait3A_89] : memref<40x128xi32, #tpu.memory_space<vmem>> -> memref<1x128xi32, #tpu.memory_space<vmem>>
          %dma_wait3A_91 = tpu.memref_squeeze %dma_wait3A_90 : memref<1x128xi32, #tpu.memory_space<vmem>> -> memref<128xi32, #tpu.memory_space<vmem>>
          %dma_wait3A_92 = arith.constant 0 : i32
          %dma_wait3A_93 = arith.constant 0 : i32
          %dma_wait3A_94 = tpu.memref_slice %arg12[%dma_wait3A_92, %dma_wait3A_93] : memref<10240x128xf32, #tpu.memory_space<vmem_shared>> -> memref<10240x128xf32, #tpu.memory_space<vmem_shared>>
          tpu.wait_indirect_dma semaphore(%run_scoped3A : memref<!tpu.dma_semaphore, #tpu.memory_space<semaphore_mem>>) src(%arg11 : memref<128x128xf32, #tpu.memory_space<vmem>>) dst(%dma_wait3A_94 : memref<10240x128xf32, #tpu.memory_space<vmem_shared>>)
          tpu.yield
        }) : () -> ()
        %scan3A_82 = arith.constant 0 : i32
        scf.yield %scan3A_82 : i32
      }
      %scan3A_50 = arith.constant 20 : i32
    } else {
    }
    %barrier3A_23 = arith.constant 0 : index
    tpu.barrier barrier_id(%barrier3A_23)
    "tpu.region"() ({
      %run_scoped3A = tpu.sem_alloc : memref<!tpu.dma_semaphore, #tpu.memory_space<semaphore_mem>>
      %dma_start3A = arith.constant 0 : i32
      %dma_start3A_24 = tpu.memref_slice %arg7[%arg0, %mul3A_0, %dma_start3A] : memref<2x10240x128xf32, #tpu.memory_space<hbm>> -> memref<1x640x128xf32, #tpu.memory_space<hbm>>
      %dma_start3A_25 = tpu.memref_squeeze %dma_start3A_24 : memref<1x640x128xf32, #tpu.memory_space<hbm>> -> memref<640x128xf32, #tpu.memory_space<hbm>>
      %dma_start3A_26 = arith.constant 0 : i32
      %dma_start3A_27 = tpu.memref_slice %arg12[%mul3A_0, %dma_start3A_26] : memref<10240x128xf32, #tpu.memory_space<vmem_shared>> -> memref<640x128xf32, #tpu.memory_space<vmem_shared>>
      tpu.enqueue_dma source(%dma_start3A_27 : memref<640x128xf32, #tpu.memory_space<vmem_shared>>) target(%dma_start3A_25 : memref<640x128xf32, #tpu.memory_space<hbm>>) target_semaphore(%run_scoped3A : memref<!tpu.dma_semaphore, #tpu.memory_space<semaphore_mem>>)
      %dma_wait3A = arith.constant 0 : i32
      %dma_wait3A_28 = tpu.memref_slice %arg7[%arg0, %mul3A_0, %dma_wait3A] : memref<2x10240x128xf32, #tpu.memory_space<hbm>> -> memref<1x640x128xf32, #tpu.memory_space<hbm>>
      %dma_wait3A_29 = tpu.memref_squeeze %dma_wait3A_28 : memref<1x640x128xf32, #tpu.memory_space<hbm>> -> memref<640x128xf32, #tpu.memory_space<hbm>>
      %dma_wait3A_30 = arith.constant 0 : i32
      %dma_wait3A_31 = tpu.memref_slice %arg12[%mul3A_0, %dma_wait3A_30] : memref<10240x128xf32, #tpu.memory_space<vmem_shared>> -> memref<640x128xf32, #tpu.memory_space<vmem_shared>>
      tpu.wait_dma2 semaphore(%run_scoped3A : memref<!tpu.dma_semaphore, #tpu.memory_space<semaphore_mem>>) src(%dma_wait3A_31 : memref<640x128xf32, #tpu.memory_space<vmem_shared>>) dst(%dma_wait3A_29 : memref<640x128xf32, #tpu.memory_space<hbm>>)
      tpu.yield
    }) : () -> ()
    return
  }
}

#map = affine_map<(d0, d1) -> (0, 0)>
#map1 = affine_map<(d0, d1) -> (0, 0, 0)>
module attributes {stable_mosaic.version = 14 : i64} {
  func.func @_sc_body(%arg0: i32, %arg1: i32, %arg2: memref<10240x128xf32, #tpu.memory_space<hbm>>, %arg3: memref<16x80x128xi32, #tpu.memory_space<hbm>>, %arg4: memref<16x80x128xi32, #tpu.memory_space<hbm>>, %arg5: memref<16x80x128xi32, #tpu.memory_space<hbm>>, %arg6: memref<16x80x128xi32, #tpu.memory_space<hbm>>, %arg7: memref<2x10240x128xf32, #tpu.memory_space<hbm>>, %arg8: memref<40x128xi32, #tpu.memory_space<vmem>>, %arg9: memref<40x128xi32, #tpu.memory_space<vmem>>, %arg10: memref<128x128xf32, #tpu.memory_space<vmem>>, %arg11: memref<128x128xf32, #tpu.memory_space<vmem>>, %arg12: memref<10240x128xf32, #tpu.memory_space<vmem_shared>>, %arg13: memref<!tpu.dma_semaphore, #tpu.memory_space<semaphore_mem>>, %arg14: memref<!tpu.dma_semaphore, #tpu.memory_space<semaphore_mem>>) attributes {dimension_semantics = [#tpu.dimension_semantics<core_parallel>, #tpu.dimension_semantics<subcore_parallel>], iteration_bounds = array<i64: 2, 16>, scalar_prefetch = 0 : i64, scratch_operands = 7 : i64, tpu.core_type = #tpu.core_type<sc_vector_subcore>, window_params = [{transform_indices = #map}, {transform_indices = #map1}, {transform_indices = #map1}, {transform_indices = #map1}, {transform_indices = #map1}, {transform_indices = #map1}]} {
    %mul3A = arith.constant 640 : i32
    %mul3A_0 = arith.muli %arg1, %mul3A : i32
    %scan3A = arith.constant 0 : i32
    %scan3A_1 = arith.constant 0 : i32
    %scan3A_2 = arith.constant 1024 : i32
    %scan3A_3 = arith.addi %scan3A_1, %scan3A_2 : i32
    %scan3A_4 = arith.constant 1 : i32
    %scan3A_5 = scf.for %scan3A_24 = %scan3A_1 to %scan3A_3 step %scan3A_4 iter_args(%scan3A_25 = %scan3A) -> (i32)  : i32 {
      %jit3A = arith.constant 8 : i32
      %div3A = arith.divsi %scan3A_24, %jit3A : i32
      %sign3A = arith.constant 0 : i32
      %sign3A_26 = arith.cmpi sgt, %scan3A_24, %sign3A : i32
      %sign3A_27 = arith.extui %sign3A_26 : i1 to i32
      %sign3A_28 = arith.constant 0 : i32
      %sign3A_29 = arith.cmpi slt, %scan3A_24, %sign3A_28 : i32
      %sign3A_30 = arith.extui %sign3A_29 : i1 to i32
      %sign3A_31 = arith.subi %sign3A_27, %sign3A_30 : i32
      %sign3A_32 = arith.constant 0 : i32
      %sign3A_33 = arith.cmpi sgt, %jit3A, %sign3A_32 : i32
      %sign3A_34 = arith.extui %sign3A_33 : i1 to i32
      %sign3A_35 = arith.constant 0 : i32
      %sign3A_36 = arith.cmpi slt, %jit3A, %sign3A_35 : i32
      %sign3A_37 = arith.extui %sign3A_36 : i1 to i32
      %sign3A_38 = arith.subi %sign3A_34, %sign3A_37 : i32
      %ne3A = arith.cmpi ne, %sign3A_31, %sign3A_38 : i32
      %rem3A = arith.remsi %scan3A_24, %jit3A : i32
      %ne3A_39 = arith.constant 0 : i32
      %ne3A_40 = arith.cmpi ne, %rem3A, %ne3A_39 : i32
      %and3A = arith.andi %ne3A, %ne3A_40 : i1
      %sub3A = arith.constant 1 : i32
      %sub3A_41 = arith.subi %div3A, %sub3A : i32
      %select_n3A = arith.select %and3A, %sub3A_41, %div3A : i32
      %jit3A_42 = arith.constant 8 : i32
      %eq3A_43 = arith.constant 0 : i32
      %eq3A_44 = arith.cmpi eq, %jit3A_42, %eq3A_43 : i32
      %jit3A_45 = arith.constant 1 : i32
      %select_n3A_46 = arith.select %eq3A_44, %jit3A_45, %jit3A_42 : i32
      %rem3A_47 = arith.remsi %scan3A_24, %select_n3A_46 : i32
      %ne3A_48 = arith.constant 0 : i32
      %ne3A_49 = arith.cmpi ne, %rem3A_47, %ne3A_48 : i32
      %lt3A = arith.constant 0 : i32
      %lt3A_50 = arith.cmpi slt, %rem3A_47, %lt3A : i32
      %lt3A_51 = arith.constant 0 : i32
      %lt3A_52 = arith.cmpi slt, %select_n3A_46, %lt3A_51 : i32
      %ne3A_53 = arith.xori %lt3A_50, %lt3A_52 : i1
      %and3A_54 = arith.andi %ne3A_53, %ne3A_49 : i1
      %add3A_55 = arith.addi %rem3A_47, %select_n3A_46 : i32
      %select_n3A_56 = arith.select %and3A_54, %add3A_55, %rem3A_47 : i32
      %mul3A_57 = arith.constant 16 : i32
      %mul3A_58 = arith.muli %select_n3A_56, %mul3A_57 : i32
      %broadcast_in_dim3A = arith.constant 0.000000e+00 : f32
      %broadcast_in_dim3A_59 = vector.broadcast %broadcast_in_dim3A : f32 to vector<16xf32>
      %swap3A = arith.index_cast %select_n3A : i32 to index
      %swap3A_60 = arith.index_cast %mul3A_58 : i32 to index
      %swap3A_61 = tpu.vector_load %arg10[%swap3A, %swap3A_60] {strides = array<i32>} : memref<128x128xf32, #tpu.memory_space<vmem>>, vector<1x16xf32>,
      %swap3A_62 = vector.shape_cast %swap3A_61 : vector<1x16xf32> to vector<16xf32>
      %swap3A_63 = vector.shape_cast %broadcast_in_dim3A_59 : vector<16xf32> to vector<1x16xf32>
      tpu.vector_store %arg10[%swap3A, %swap3A_60], %swap3A_63 {strides = array<i32>} : memref<128x128xf32, #tpu.memory_space<vmem>>, vector<1x16xf32>,
      %scan3A_64 = arith.constant 0 : i32
      scf.yield %scan3A_64 : i32
    }
    %scan3A_6 = arith.constant 1024 : i32
    %add3A = arith.constant 0 : i32
    %add3A_7 = arith.addi %mul3A_0, %add3A : i32
    "tpu.region"() ({
      %run_scoped3A = tpu.sem_alloc : memref<!tpu.dma_semaphore, #tpu.memory_space<semaphore_mem>>
      %dma_start3A = arith.constant 0 : i32
      %dma_start3A_24 = tpu.memref_slice %arg12[%add3A_7, %dma_start3A] : memref<10240x128xf32, #tpu.memory_space<vmem_shared>> -> memref<128x128xf32, #tpu.memory_space<vmem_shared>>
      %dma_start3A_25 = arith.constant 0 : i32
      %dma_start3A_26 = tpu.memref_slice %arg12[%add3A_7, %dma_start3A_25] : memref<10240x128xf32, #tpu.memory_space<vmem_shared>> -> memref<128x128xf32, #tpu.memory_space<vmem_shared>>
      tpu.enqueue_dma source(%arg10 : memref<128x128xf32, #tpu.memory_space<vmem>>) target(%dma_start3A_26 : memref<128x128xf32, #tpu.memory_space<vmem_shared>>) target_semaphore(%run_scoped3A : memref<!tpu.dma_semaphore, #tpu.memory_space<semaphore_mem>>)
      %dma_wait3A = arith.constant 0 : i32
      %dma_wait3A_27 = tpu.memref_slice %arg12[%add3A_7, %dma_wait3A] : memref<10240x128xf32, #tpu.memory_space<vmem_shared>> -> memref<128x128xf32, #tpu.memory_space<vmem_shared>>
      %dma_wait3A_28 = arith.constant 0 : i32
      %dma_wait3A_29 = tpu.memref_slice %arg12[%add3A_7, %dma_wait3A_28] : memref<10240x128xf32, #tpu.memory_space<vmem_shared>> -> memref<128x128xf32, #tpu.memory_space<vmem_shared>>
      tpu.wait_dma2 semaphore(%run_scoped3A : memref<!tpu.dma_semaphore, #tpu.memory_space<semaphore_mem>>) src(%arg10 : memref<128x128xf32, #tpu.memory_space<vmem>>) dst(%dma_wait3A_29 : memref<128x128xf32, #tpu.memory_space<vmem_shared>>)
      tpu.yield
    }) : () -> ()
    %add3A_8 = arith.constant 128 : i32
    %add3A_9 = arith.addi %mul3A_0, %add3A_8 : i32
    "tpu.region"() ({
      %run_scoped3A = tpu.sem_alloc : memref<!tpu.dma_semaphore, #tpu.memory_space<semaphore_mem>>
      %dma_start3A = arith.constant 0 : i32
      %dma_start3A_24 = tpu.memref_slice %arg12[%add3A_9, %dma_start3A] : memref<10240x128xf32, #tpu.memory_space<vmem_shared>> -> memref<128x128xf32, #tpu.memory_space<vmem_shared>>
      %dma_start3A_25 = arith.constant 0 : i32
      %dma_start3A_26 = tpu.memref_slice %arg12[%add3A_9, %dma_start3A_25] : memref<10240x128xf32, #tpu.memory_space<vmem_shared>> -> memref<128x128xf32, #tpu.memory_space<vmem_shared>>
      tpu.enqueue_dma source(%arg10 : memref<128x128xf32, #tpu.memory_space<vmem>>) target(%dma_start3A_26 : memref<128x128xf32, #tpu.memory_space<vmem_shared>>) target_semaphore(%run_scoped3A : memref<!tpu.dma_semaphore, #tpu.memory_space<semaphore_mem>>)
      %dma_wait3A = arith.constant 0 : i32
      %dma_wait3A_27 = tpu.memref_slice %arg12[%add3A_9, %dma_wait3A] : memref<10240x128xf32, #tpu.memory_space<vmem_shared>> -> memref<128x128xf32, #tpu.memory_space<vmem_shared>>
      %dma_wait3A_28 = arith.constant 0 : i32
      %dma_wait3A_29 = tpu.memref_slice %arg12[%add3A_9, %dma_wait3A_28] : memref<10240x128xf32, #tpu.memory_space<vmem_shared>> -> memref<128x128xf32, #tpu.memory_space<vmem_shared>>
      tpu.wait_dma2 semaphore(%run_scoped3A : memref<!tpu.dma_semaphore, #tpu.memory_space<semaphore_mem>>) src(%arg10 : memref<128x128xf32, #tpu.memory_space<vmem>>) dst(%dma_wait3A_29 : memref<128x128xf32, #tpu.memory_space<vmem_shared>>)
      tpu.yield
    }) : () -> ()
    %add3A_10 = arith.constant 256 : i32
    %add3A_11 = arith.addi %mul3A_0, %add3A_10 : i32
    "tpu.region"() ({
      %run_scoped3A = tpu.sem_alloc : memref<!tpu.dma_semaphore, #tpu.memory_space<semaphore_mem>>
      %dma_start3A = arith.constant 0 : i32
      %dma_start3A_24 = tpu.memref_slice %arg12[%add3A_11, %dma_start3A] : memref<10240x128xf32, #tpu.memory_space<vmem_shared>> -> memref<128x128xf32, #tpu.memory_space<vmem_shared>>
      %dma_start3A_25 = arith.constant 0 : i32
      %dma_start3A_26 = tpu.memref_slice %arg12[%add3A_11, %dma_start3A_25] : memref<10240x128xf32, #tpu.memory_space<vmem_shared>> -> memref<128x128xf32, #tpu.memory_space<vmem_shared>>
      tpu.enqueue_dma source(%arg10 : memref<128x128xf32, #tpu.memory_space<vmem>>) target(%dma_start3A_26 : memref<128x128xf32, #tpu.memory_space<vmem_shared>>) target_semaphore(%run_scoped3A : memref<!tpu.dma_semaphore, #tpu.memory_space<semaphore_mem>>)
      %dma_wait3A = arith.constant 0 : i32
      %dma_wait3A_27 = tpu.memref_slice %arg12[%add3A_11, %dma_wait3A] : memref<10240x128xf32, #tpu.memory_space<vmem_shared>> -> memref<128x128xf32, #tpu.memory_space<vmem_shared>>
      %dma_wait3A_28 = arith.constant 0 : i32
      %dma_wait3A_29 = tpu.memref_slice %arg12[%add3A_11, %dma_wait3A_28] : memref<10240x128xf32, #tpu.memory_space<vmem_shared>> -> memref<128x128xf32, #tpu.memory_space<vmem_shared>>
      tpu.wait_dma2 semaphore(%run_scoped3A : memref<!tpu.dma_semaphore, #tpu.memory_space<semaphore_mem>>) src(%arg10 : memref<128x128xf32, #tpu.memory_space<vmem>>) dst(%dma_wait3A_29 : memref<128x128xf32, #tpu.memory_space<vmem_shared>>)
      tpu.yield
    }) : () -> ()
    %add3A_12 = arith.constant 384 : i32
    %add3A_13 = arith.addi %mul3A_0, %add3A_12 : i32
    "tpu.region"() ({
      %run_scoped3A = tpu.sem_alloc : memref<!tpu.dma_semaphore, #tpu.memory_space<semaphore_mem>>
      %dma_start3A = arith.constant 0 : i32
      %dma_start3A_24 = tpu.memref_slice %arg12[%add3A_13, %dma_start3A] : memref<10240x128xf32, #tpu.memory_space<vmem_shared>> -> memref<128x128xf32, #tpu.memory_space<vmem_shared>>
      %dma_start3A_25 = arith.constant 0 : i32
      %dma_start3A_26 = tpu.memref_slice %arg12[%add3A_13, %dma_start3A_25] : memref<10240x128xf32, #tpu.memory_space<vmem_shared>> -> memref<128x128xf32, #tpu.memory_space<vmem_shared>>
      tpu.enqueue_dma source(%arg10 : memref<128x128xf32, #tpu.memory_space<vmem>>) target(%dma_start3A_26 : memref<128x128xf32, #tpu.memory_space<vmem_shared>>) target_semaphore(%run_scoped3A : memref<!tpu.dma_semaphore, #tpu.memory_space<semaphore_mem>>)
      %dma_wait3A = arith.constant 0 : i32
      %dma_wait3A_27 = tpu.memref_slice %arg12[%add3A_13, %dma_wait3A] : memref<10240x128xf32, #tpu.memory_space<vmem_shared>> -> memref<128x128xf32, #tpu.memory_space<vmem_shared>>
      %dma_wait3A_28 = arith.constant 0 : i32
      %dma_wait3A_29 = tpu.memref_slice %arg12[%add3A_13, %dma_wait3A_28] : memref<10240x128xf32, #tpu.memory_space<vmem_shared>> -> memref<128x128xf32, #tpu.memory_space<vmem_shared>>
      tpu.wait_dma2 semaphore(%run_scoped3A : memref<!tpu.dma_semaphore, #tpu.memory_space<semaphore_mem>>) src(%arg10 : memref<128x128xf32, #tpu.memory_space<vmem>>) dst(%dma_wait3A_29 : memref<128x128xf32, #tpu.memory_space<vmem_shared>>)
      tpu.yield
    }) : () -> ()
    %add3A_14 = arith.constant 512 : i32
    %add3A_15 = arith.addi %mul3A_0, %add3A_14 : i32
    "tpu.region"() ({
      %run_scoped3A = tpu.sem_alloc : memref<!tpu.dma_semaphore, #tpu.memory_space<semaphore_mem>>
      %dma_start3A = arith.constant 0 : i32
      %dma_start3A_24 = tpu.memref_slice %arg12[%add3A_15, %dma_start3A] : memref<10240x128xf32, #tpu.memory_space<vmem_shared>> -> memref<128x128xf32, #tpu.memory_space<vmem_shared>>
      %dma_start3A_25 = arith.constant 0 : i32
      %dma_start3A_26 = tpu.memref_slice %arg12[%add3A_15, %dma_start3A_25] : memref<10240x128xf32, #tpu.memory_space<vmem_shared>> -> memref<128x128xf32, #tpu.memory_space<vmem_shared>>
      tpu.enqueue_dma source(%arg10 : memref<128x128xf32, #tpu.memory_space<vmem>>) target(%dma_start3A_26 : memref<128x128xf32, #tpu.memory_space<vmem_shared>>) target_semaphore(%run_scoped3A : memref<!tpu.dma_semaphore, #tpu.memory_space<semaphore_mem>>)
      %dma_wait3A = arith.constant 0 : i32
      %dma_wait3A_27 = tpu.memref_slice %arg12[%add3A_15, %dma_wait3A] : memref<10240x128xf32, #tpu.memory_space<vmem_shared>> -> memref<128x128xf32, #tpu.memory_space<vmem_shared>>
      %dma_wait3A_28 = arith.constant 0 : i32
      %dma_wait3A_29 = tpu.memref_slice %arg12[%add3A_15, %dma_wait3A_28] : memref<10240x128xf32, #tpu.memory_space<vmem_shared>> -> memref<128x128xf32, #tpu.memory_space<vmem_shared>>
      tpu.wait_dma2 semaphore(%run_scoped3A : memref<!tpu.dma_semaphore, #tpu.memory_space<semaphore_mem>>) src(%arg10 : memref<128x128xf32, #tpu.memory_space<vmem>>) dst(%dma_wait3A_29 : memref<128x128xf32, #tpu.memory_space<vmem_shared>>)
      tpu.yield
    }) : () -> ()
    %barrier3A = arith.constant 0 : index
    tpu.barrier barrier_id(%barrier3A)
    %eq3A = arith.constant 0 : i32
    %eq3A_16 = arith.cmpi eq, %arg0, %eq3A : i32
    %convert_element_type3A = arith.extui %eq3A_16 : i1 to i32
    %cond3A = arith.constant 0 : i32
    %cond3A_17 = arith.cmpi ne, %convert_element_type3A, %cond3A : i32
    scf.if %cond3A_17 {
      "tpu.region"() ({
        %run_scoped3A = tpu.sem_alloc : memref<!tpu.dma_semaphore, #tpu.memory_space<semaphore_mem>>
        %dma_start3A_51 = arith.constant 0 : i32
        %dma_start3A_52 = arith.constant 0 : i32
        %dma_start3A_53 = tpu.memref_slice %arg3[%arg1, %dma_start3A_51, %dma_start3A_52] : memref<16x80x128xi32, #tpu.memory_space<hbm>> -> memref<1x40x128xi32, #tpu.memory_space<hbm>>
        %dma_start3A_54 = tpu.memref_squeeze %dma_start3A_53 : memref<1x40x128xi32, #tpu.memory_space<hbm>> -> memref<40x128xi32, #tpu.memory_space<hbm>>
        %dma_start3A_55 = arith.constant 0 : i32
        %dma_start3A_56 = arith.constant 0 : i32
        %dma_start3A_57 = tpu.memref_slice %arg3[%arg1, %dma_start3A_55, %dma_start3A_56] : memref<16x80x128xi32, #tpu.memory_space<hbm>> -> memref<1x40x128xi32, #tpu.memory_space<hbm>>
        %dma_start3A_58 = tpu.memref_squeeze %dma_start3A_57 : memref<1x40x128xi32, #tpu.memory_space<hbm>> -> memref<40x128xi32, #tpu.memory_space<hbm>>
        tpu.enqueue_dma source(%dma_start3A_58 : memref<40x128xi32, #tpu.memory_space<hbm>>) target(%arg8 : memref<40x128xi32, #tpu.memory_space<vmem>>) target_semaphore(%run_scoped3A : memref<!tpu.dma_semaphore, #tpu.memory_space<semaphore_mem>>)
        %dma_wait3A = arith.constant 0 : i32
        %dma_wait3A_59 = arith.constant 0 : i32
        %dma_wait3A_60 = tpu.memref_slice %arg3[%arg1, %dma_wait3A, %dma_wait3A_59] : memref<16x80x128xi32, #tpu.memory_space<hbm>> -> memref<1x40x128xi32, #tpu.memory_space<hbm>>
        %dma_wait3A_61 = tpu.memref_squeeze %dma_wait3A_60 : memref<1x40x128xi32, #tpu.memory_space<hbm>> -> memref<40x128xi32, #tpu.memory_space<hbm>>
        %dma_wait3A_62 = arith.constant 0 : i32
        %dma_wait3A_63 = arith.constant 0 : i32
        %dma_wait3A_64 = tpu.memref_slice %arg3[%arg1, %dma_wait3A_62, %dma_wait3A_63] : memref<16x80x128xi32, #tpu.memory_space<hbm>> -> memref<1x40x128xi32, #tpu.memory_space<hbm>>
        %dma_wait3A_65 = tpu.memref_squeeze %dma_wait3A_64 : memref<1x40x128xi32, #tpu.memory_space<hbm>> -> memref<40x128xi32, #tpu.memory_space<hbm>>
        tpu.wait_dma2 semaphore(%run_scoped3A : memref<!tpu.dma_semaphore, #tpu.memory_space<semaphore_mem>>) src(%dma_wait3A_65 : memref<40x128xi32, #tpu.memory_space<hbm>>) dst(%arg8 : memref<40x128xi32, #tpu.memory_space<vmem>>)
        tpu.yield
      }) : () -> ()
      "tpu.region"() ({
        %run_scoped3A = tpu.sem_alloc : memref<!tpu.dma_semaphore, #tpu.memory_space<semaphore_mem>>
        %dma_start3A_51 = arith.constant 0 : i32
        %dma_start3A_52 = arith.constant 0 : i32
        %dma_start3A_53 = tpu.memref_slice %arg4[%arg1, %dma_start3A_51, %dma_start3A_52] : memref<16x80x128xi32, #tpu.memory_space<hbm>> -> memref<1x40x128xi32, #tpu.memory_space<hbm>>
        %dma_start3A_54 = tpu.memref_squeeze %dma_start3A_53 : memref<1x40x128xi32, #tpu.memory_space<hbm>> -> memref<40x128xi32, #tpu.memory_space<hbm>>
        %dma_start3A_55 = arith.constant 0 : i32
        %dma_start3A_56 = arith.constant 0 : i32
        %dma_start3A_57 = tpu.memref_slice %arg4[%arg1, %dma_start3A_55, %dma_start3A_56] : memref<16x80x128xi32, #tpu.memory_space<hbm>> -> memref<1x40x128xi32, #tpu.memory_space<hbm>>
        %dma_start3A_58 = tpu.memref_squeeze %dma_start3A_57 : memref<1x40x128xi32, #tpu.memory_space<hbm>> -> memref<40x128xi32, #tpu.memory_space<hbm>>
        tpu.enqueue_dma source(%dma_start3A_58 : memref<40x128xi32, #tpu.memory_space<hbm>>) target(%arg9 : memref<40x128xi32, #tpu.memory_space<vmem>>) target_semaphore(%run_scoped3A : memref<!tpu.dma_semaphore, #tpu.memory_space<semaphore_mem>>)
        %dma_wait3A = arith.constant 0 : i32
        %dma_wait3A_59 = arith.constant 0 : i32
        %dma_wait3A_60 = tpu.memref_slice %arg4[%arg1, %dma_wait3A, %dma_wait3A_59] : memref<16x80x128xi32, #tpu.memory_space<hbm>> -> memref<1x40x128xi32, #tpu.memory_space<hbm>>
        %dma_wait3A_61 = tpu.memref_squeeze %dma_wait3A_60 : memref<1x40x128xi32, #tpu.memory_space<hbm>> -> memref<40x128xi32, #tpu.memory_space<hbm>>
        %dma_wait3A_62 = arith.constant 0 : i32
        %dma_wait3A_63 = arith.constant 0 : i32
        %dma_wait3A_64 = tpu.memref_slice %arg4[%arg1, %dma_wait3A_62, %dma_wait3A_63] : memref<16x80x128xi32, #tpu.memory_space<hbm>> -> memref<1x40x128xi32, #tpu.memory_space<hbm>>
        %dma_wait3A_65 = tpu.memref_squeeze %dma_wait3A_64 : memref<1x40x128xi32, #tpu.memory_space<hbm>> -> memref<40x128xi32, #tpu.memory_space<hbm>>
        tpu.wait_dma2 semaphore(%run_scoped3A : memref<!tpu.dma_semaphore, #tpu.memory_space<semaphore_mem>>) src(%dma_wait3A_65 : memref<40x128xi32, #tpu.memory_space<hbm>>) dst(%arg9 : memref<40x128xi32, #tpu.memory_space<vmem>>)
        tpu.yield
      }) : () -> ()
      %dma_start3A = arith.constant 0 : i32
      %dma_start3A_24 = arith.constant 0 : i32
      %dma_start3A_25 = tpu.memref_slice %arg8[%dma_start3A, %dma_start3A_24] : memref<40x128xi32, #tpu.memory_space<vmem>> -> memref<1x128xi32, #tpu.memory_space<vmem>>
      %dma_start3A_26 = tpu.memref_squeeze %dma_start3A_25 : memref<1x128xi32, #tpu.memory_space<vmem>> -> memref<128xi32, #tpu.memory_space<vmem>>
      %dma_start3A_27 = arith.constant 0 : i32
      %dma_start3A_28 = arith.constant 0 : i32
      %dma_start3A_29 = tpu.memref_slice %arg2[%dma_start3A_27, %dma_start3A_28] : memref<10240x128xf32, #tpu.memory_space<hbm>> -> memref<10240x128xf32, #tpu.memory_space<hbm>>
      tpu.enqueue_indirect_dma source(%dma_start3A_29 : memref<10240x128xf32, #tpu.memory_space<hbm>>) target(%arg10 : memref<128x128xf32, #tpu.memory_space<vmem>>) offsets(%dma_start3A_26 : memref<128xi32, #tpu.memory_space<vmem>>) semaphore(%arg13 : memref<!tpu.dma_semaphore, #tpu.memory_space<semaphore_mem>>)
      %scan3A_30 = arith.constant 0 : i32
      %scan3A_31 = arith.constant 0 : i32
      %scan3A_32 = arith.constant 20 : i32
      %scan3A_33 = arith.addi %scan3A_31, %scan3A_32 : i32
      %scan3A_34 = arith.constant 1 : i32
      %scan3A_35 = scf.for %scan3A_51 = %scan3A_31 to %scan3A_33 step %scan3A_34 iter_args(%scan3A_52 = %scan3A_30) -> (i32)  : i32 {
        %mul3A_53 = arith.constant 2 : i32
        %mul3A_54 = arith.muli %mul3A_53, %scan3A_51 : i32
        %dma_wait3A = arith.constant 0 : i32
        %dma_wait3A_55 = tpu.memref_slice %arg8[%mul3A_54, %dma_wait3A] : memref<40x128xi32, #tpu.memory_space<vmem>> -> memref<1x128xi32, #tpu.memory_space<vmem>>
        %dma_wait3A_56 = tpu.memref_squeeze %dma_wait3A_55 : memref<1x128xi32, #tpu.memory_space<vmem>> -> memref<128xi32, #tpu.memory_space<vmem>>
        %dma_wait3A_57 = arith.constant 0 : i32
        %dma_wait3A_58 = arith.constant 0 : i32
        %dma_wait3A_59 = tpu.memref_slice %arg2[%dma_wait3A_57, %dma_wait3A_58] : memref<10240x128xf32, #tpu.memory_space<hbm>> -> memref<10240x128xf32, #tpu.memory_space<hbm>>
        tpu.wait_indirect_dma semaphore(%arg13 : memref<!tpu.dma_semaphore, #tpu.memory_space<semaphore_mem>>) src(%dma_wait3A_59 : memref<10240x128xf32, #tpu.memory_space<hbm>>) dst(%arg10 : memref<128x128xf32, #tpu.memory_space<vmem>>)
        %add3A_60 = arith.constant 1 : i32
        %add3A_61 = arith.addi %mul3A_54, %add3A_60 : i32
        %dma_start3A_62 = arith.constant 0 : i32
        %dma_start3A_63 = tpu.memref_slice %arg8[%add3A_61, %dma_start3A_62] : memref<40x128xi32, #tpu.memory_space<vmem>> -> memref<1x128xi32, #tpu.memory_space<vmem>>
        %dma_start3A_64 = tpu.memref_squeeze %dma_start3A_63 : memref<1x128xi32, #tpu.memory_space<vmem>> -> memref<128xi32, #tpu.memory_space<vmem>>
        %dma_start3A_65 = arith.constant 0 : i32
        %dma_start3A_66 = arith.constant 0 : i32
        %dma_start3A_67 = tpu.memref_slice %arg2[%dma_start3A_65, %dma_start3A_66] : memref<10240x128xf32, #tpu.memory_space<hbm>> -> memref<10240x128xf32, #tpu.memory_space<hbm>>
        tpu.enqueue_indirect_dma source(%dma_start3A_67 : memref<10240x128xf32, #tpu.memory_space<hbm>>) target(%arg11 : memref<128x128xf32, #tpu.memory_space<vmem>>) offsets(%dma_start3A_64 : memref<128xi32, #tpu.memory_space<vmem>>) semaphore(%arg14 : memref<!tpu.dma_semaphore, #tpu.memory_space<semaphore_mem>>)
        "tpu.region"() ({
          %run_scoped3A = tpu.sem_alloc : memref<!tpu.dma_semaphore, #tpu.memory_space<semaphore_mem>>
          %dma_start3A_83 = arith.constant 0 : i32
          %dma_start3A_84 = tpu.memref_slice %arg9[%mul3A_54, %dma_start3A_83] : memref<40x128xi32, #tpu.memory_space<vmem>> -> memref<1x128xi32, #tpu.memory_space<vmem>>
          %dma_start3A_85 = tpu.memref_squeeze %dma_start3A_84 : memref<1x128xi32, #tpu.memory_space<vmem>> -> memref<128xi32, #tpu.memory_space<vmem>>
          %dma_start3A_86 = arith.constant 0 : i32
          %dma_start3A_87 = arith.constant 0 : i32
          %dma_start3A_88 = tpu.memref_slice %arg12[%dma_start3A_86, %dma_start3A_87] : memref<10240x128xf32, #tpu.memory_space<vmem_shared>> -> memref<10240x128xf32, #tpu.memory_space<vmem_shared>>
          tpu.enqueue_indirect_dma source(%arg10 : memref<128x128xf32, #tpu.memory_space<vmem>>) target(%dma_start3A_88 : memref<10240x128xf32, #tpu.memory_space<vmem_shared>>) offsets(%dma_start3A_85 : memref<128xi32, #tpu.memory_space<vmem>>) semaphore(%run_scoped3A : memref<!tpu.dma_semaphore, #tpu.memory_space<semaphore_mem>>) {add = true}
          %dma_wait3A_89 = arith.constant 0 : i32
          %dma_wait3A_90 = tpu.memref_slice %arg9[%mul3A_54, %dma_wait3A_89] : memref<40x128xi32, #tpu.memory_space<vmem>> -> memref<1x128xi32, #tpu.memory_space<vmem>>
          %dma_wait3A_91 = tpu.memref_squeeze %dma_wait3A_90 : memref<1x128xi32, #tpu.memory_space<vmem>> -> memref<128xi32, #tpu.memory_space<vmem>>
          %dma_wait3A_92 = arith.constant 0 : i32
          %dma_wait3A_93 = arith.constant 0 : i32
          %dma_wait3A_94 = tpu.memref_slice %arg12[%dma_wait3A_92, %dma_wait3A_93] : memref<10240x128xf32, #tpu.memory_space<vmem_shared>> -> memref<10240x128xf32, #tpu.memory_space<vmem_shared>>
          tpu.wait_indirect_dma semaphore(%run_scoped3A : memref<!tpu.dma_semaphore, #tpu.memory_space<semaphore_mem>>) src(%arg10 : memref<128x128xf32, #tpu.memory_space<vmem>>) dst(%dma_wait3A_94 : memref<10240x128xf32, #tpu.memory_space<vmem_shared>>)
          tpu.yield
        }) : () -> ()
        %add3A_68 = arith.constant 2 : i32
        %add3A_69 = arith.addi %mul3A_54, %add3A_68 : i32
        %lt3A = arith.constant 40 : i32
        %lt3A_70 = arith.cmpi slt, %add3A_69, %lt3A : i32
        %convert_element_type3A_71 = arith.extui %lt3A_70 : i1 to i32
        %cond3A_72 = arith.constant 0 : i32
        %cond3A_73 = arith.cmpi ne, %convert_element_type3A_71, %cond3A_72 : i32
        scf.if %cond3A_73 {
          %add3A_83 = arith.constant 2 : i32
          %add3A_84 = arith.addi %mul3A_54, %add3A_83 : i32
          %dma_start3A_85 = arith.constant 0 : i32
          %dma_start3A_86 = tpu.memref_slice %arg8[%add3A_84, %dma_start3A_85] : memref<40x128xi32, #tpu.memory_space<vmem>> -> memref<1x128xi32, #tpu.memory_space<vmem>>
          %dma_start3A_87 = tpu.memref_squeeze %dma_start3A_86 : memref<1x128xi32, #tpu.memory_space<vmem>> -> memref<128xi32, #tpu.memory_space<vmem>>
          %dma_start3A_88 = arith.constant 0 : i32
          %dma_start3A_89 = arith.constant 0 : i32
          %dma_start3A_90 = tpu.memref_slice %arg2[%dma_start3A_88, %dma_start3A_89] : memref<10240x128xf32, #tpu.memory_space<hbm>> -> memref<10240x128xf32, #tpu.memory_space<hbm>>
          tpu.enqueue_indirect_dma source(%dma_start3A_90 : memref<10240x128xf32, #tpu.memory_space<hbm>>) target(%arg10 : memref<128x128xf32, #tpu.memory_space<vmem>>) offsets(%dma_start3A_87 : memref<128xi32, #tpu.memory_space<vmem>>) semaphore(%arg13 : memref<!tpu.dma_semaphore, #tpu.memory_space<semaphore_mem>>)
        } else {
        }
        %dma_wait3A_74 = arith.constant 0 : i32
        %dma_wait3A_75 = tpu.memref_slice %arg8[%add3A_61, %dma_wait3A_74] : memref<40x128xi32, #tpu.memory_space<vmem>> -> memref<1x128xi32, #tpu.memory_space<vmem>>
        %dma_wait3A_76 = tpu.memref_squeeze %dma_wait3A_75 : memref<1x128xi32, #tpu.memory_space<vmem>> -> memref<128xi32, #tpu.memory_space<vmem>>
        %dma_wait3A_77 = arith.constant 0 : i32
        %dma_wait3A_78 = arith.constant 0 : i32
        %dma_wait3A_79 = tpu.memref_slice %arg2[%dma_wait3A_77, %dma_wait3A_78] : memref<10240x128xf32, #tpu.memory_space<hbm>> -> memref<10240x128xf32, #tpu.memory_space<hbm>>
        tpu.wait_indirect_dma semaphore(%arg14 : memref<!tpu.dma_semaphore, #tpu.memory_space<semaphore_mem>>) src(%dma_wait3A_79 : memref<10240x128xf32, #tpu.memory_space<hbm>>) dst(%arg11 : memref<128x128xf32, #tpu.memory_space<vmem>>)
        %add3A_80 = arith.constant 1 : i32
        %add3A_81 = arith.addi %mul3A_54, %add3A_80 : i32
        "tpu.region"() ({
          %run_scoped3A = tpu.sem_alloc : memref<!tpu.dma_semaphore, #tpu.memory_space<semaphore_mem>>
          %dma_start3A_83 = arith.constant 0 : i32
          %dma_start3A_84 = tpu.memref_slice %arg9[%add3A_81, %dma_start3A_83] : memref<40x128xi32, #tpu.memory_space<vmem>> -> memref<1x128xi32, #tpu.memory_space<vmem>>
          %dma_start3A_85 = tpu.memref_squeeze %dma_start3A_84 : memref<1x128xi32, #tpu.memory_space<vmem>> -> memref<128xi32, #tpu.memory_space<vmem>>
          %dma_start3A_86 = arith.constant 0 : i32
          %dma_start3A_87 = arith.constant 0 : i32
          %dma_start3A_88 = tpu.memref_slice %arg12[%dma_start3A_86, %dma_start3A_87] : memref<10240x128xf32, #tpu.memory_space<vmem_shared>> -> memref<10240x128xf32, #tpu.memory_space<vmem_shared>>
          tpu.enqueue_indirect_dma source(%arg11 : memref<128x128xf32, #tpu.memory_space<vmem>>) target(%dma_start3A_88 : memref<10240x128xf32, #tpu.memory_space<vmem_shared>>) offsets(%dma_start3A_85 : memref<128xi32, #tpu.memory_space<vmem>>) semaphore(%run_scoped3A : memref<!tpu.dma_semaphore, #tpu.memory_space<semaphore_mem>>) {add = true}
          %dma_wait3A_89 = arith.constant 0 : i32
          %dma_wait3A_90 = tpu.memref_slice %arg9[%add3A_81, %dma_wait3A_89] : memref<40x128xi32, #tpu.memory_space<vmem>> -> memref<1x128xi32, #tpu.memory_space<vmem>>
          %dma_wait3A_91 = tpu.memref_squeeze %dma_wait3A_90 : memref<1x128xi32, #tpu.memory_space<vmem>> -> memref<128xi32, #tpu.memory_space<vmem>>
          %dma_wait3A_92 = arith.constant 0 : i32
          %dma_wait3A_93 = arith.constant 0 : i32
          %dma_wait3A_94 = tpu.memref_slice %arg12[%dma_wait3A_92, %dma_wait3A_93] : memref<10240x128xf32, #tpu.memory_space<vmem_shared>> -> memref<10240x128xf32, #tpu.memory_space<vmem_shared>>
          tpu.wait_indirect_dma semaphore(%run_scoped3A : memref<!tpu.dma_semaphore, #tpu.memory_space<semaphore_mem>>) src(%arg11 : memref<128x128xf32, #tpu.memory_space<vmem>>) dst(%dma_wait3A_94 : memref<10240x128xf32, #tpu.memory_space<vmem_shared>>)
          tpu.yield
        }) : () -> ()
        %scan3A_82 = arith.constant 0 : i32
        scf.yield %scan3A_82 : i32
      }
      %scan3A_36 = arith.constant 20 : i32
      "tpu.region"() ({
        %run_scoped3A = tpu.sem_alloc : memref<!tpu.dma_semaphore, #tpu.memory_space<semaphore_mem>>
        %dma_start3A_51 = arith.constant 40 : i32
        %dma_start3A_52 = arith.constant 0 : i32
        %dma_start3A_53 = tpu.memref_slice %arg3[%arg1, %dma_start3A_51, %dma_start3A_52] : memref<16x80x128xi32, #tpu.memory_space<hbm>> -> memref<1x40x128xi32, #tpu.memory_space<hbm>>
        %dma_start3A_54 = tpu.memref_squeeze %dma_start3A_53 : memref<1x40x128xi32, #tpu.memory_space<hbm>> -> memref<40x128xi32, #tpu.memory_space<hbm>>
        %dma_start3A_55 = arith.constant 40 : i32
        %dma_start3A_56 = arith.constant 0 : i32
        %dma_start3A_57 = tpu.memref_slice %arg3[%arg1, %dma_start3A_55, %dma_start3A_56] : memref<16x80x128xi32, #tpu.memory_space<hbm>> -> memref<1x40x128xi32, #tpu.memory_space<hbm>>
        %dma_start3A_58 = tpu.memref_squeeze %dma_start3A_57 : memref<1x40x128xi32, #tpu.memory_space<hbm>> -> memref<40x128xi32, #tpu.memory_space<hbm>>
        tpu.enqueue_dma source(%dma_start3A_58 : memref<40x128xi32, #tpu.memory_space<hbm>>) target(%arg8 : memref<40x128xi32, #tpu.memory_space<vmem>>) target_semaphore(%run_scoped3A : memref<!tpu.dma_semaphore, #tpu.memory_space<semaphore_mem>>)
        %dma_wait3A = arith.constant 40 : i32
        %dma_wait3A_59 = arith.constant 0 : i32
        %dma_wait3A_60 = tpu.memref_slice %arg3[%arg1, %dma_wait3A, %dma_wait3A_59] : memref<16x80x128xi32, #tpu.memory_space<hbm>> -> memref<1x40x128xi32, #tpu.memory_space<hbm>>
        %dma_wait3A_61 = tpu.memref_squeeze %dma_wait3A_60 : memref<1x40x128xi32, #tpu.memory_space<hbm>> -> memref<40x128xi32, #tpu.memory_space<hbm>>
        %dma_wait3A_62 = arith.constant 40 : i32
        %dma_wait3A_63 = arith.constant 0 : i32
        %dma_wait3A_64 = tpu.memref_slice %arg3[%arg1, %dma_wait3A_62, %dma_wait3A_63] : memref<16x80x128xi32, #tpu.memory_space<hbm>> -> memref<1x40x128xi32, #tpu.memory_space<hbm>>
        %dma_wait3A_65 = tpu.memref_squeeze %dma_wait3A_64 : memref<1x40x128xi32, #tpu.memory_space<hbm>> -> memref<40x128xi32, #tpu.memory_space<hbm>>
        tpu.wait_dma2 semaphore(%run_scoped3A : memref<!tpu.dma_semaphore, #tpu.memory_space<semaphore_mem>>) src(%dma_wait3A_65 : memref<40x128xi32, #tpu.memory_space<hbm>>) dst(%arg8 : memref<40x128xi32, #tpu.memory_space<vmem>>)
        tpu.yield
      }) : () -> ()
      "tpu.region"() ({
        %run_scoped3A = tpu.sem_alloc : memref<!tpu.dma_semaphore, #tpu.memory_space<semaphore_mem>>
        %dma_start3A_51 = arith.constant 40 : i32
        %dma_start3A_52 = arith.constant 0 : i32
        %dma_start3A_53 = tpu.memref_slice %arg4[%arg1, %dma_start3A_51, %dma_start3A_52] : memref<16x80x128xi32, #tpu.memory_space<hbm>> -> memref<1x40x128xi32, #tpu.memory_space<hbm>>
        %dma_start3A_54 = tpu.memref_squeeze %dma_start3A_53 : memref<1x40x128xi32, #tpu.memory_space<hbm>> -> memref<40x128xi32, #tpu.memory_space<hbm>>
        %dma_start3A_55 = arith.constant 40 : i32
        %dma_start3A_56 = arith.constant 0 : i32
        %dma_start3A_57 = tpu.memref_slice %arg4[%arg1, %dma_start3A_55, %dma_start3A_56] : memref<16x80x128xi32, #tpu.memory_space<hbm>> -> memref<1x40x128xi32, #tpu.memory_space<hbm>>
        %dma_start3A_58 = tpu.memref_squeeze %dma_start3A_57 : memref<1x40x128xi32, #tpu.memory_space<hbm>> -> memref<40x128xi32, #tpu.memory_space<hbm>>
        tpu.enqueue_dma source(%dma_start3A_58 : memref<40x128xi32, #tpu.memory_space<hbm>>) target(%arg9 : memref<40x128xi32, #tpu.memory_space<vmem>>) target_semaphore(%run_scoped3A : memref<!tpu.dma_semaphore, #tpu.memory_space<semaphore_mem>>)
        %dma_wait3A = arith.constant 40 : i32
        %dma_wait3A_59 = arith.constant 0 : i32
        %dma_wait3A_60 = tpu.memref_slice %arg4[%arg1, %dma_wait3A, %dma_wait3A_59] : memref<16x80x128xi32, #tpu.memory_space<hbm>> -> memref<1x40x128xi32, #tpu.memory_space<hbm>>
        %dma_wait3A_61 = tpu.memref_squeeze %dma_wait3A_60 : memref<1x40x128xi32, #tpu.memory_space<hbm>> -> memref<40x128xi32, #tpu.memory_space<hbm>>
        %dma_wait3A_62 = arith.constant 40 : i32
        %dma_wait3A_63 = arith.constant 0 : i32
        %dma_wait3A_64 = tpu.memref_slice %arg4[%arg1, %dma_wait3A_62, %dma_wait3A_63] : memref<16x80x128xi32, #tpu.memory_space<hbm>> -> memref<1x40x128xi32, #tpu.memory_space<hbm>>
        %dma_wait3A_65 = tpu.memref_squeeze %dma_wait3A_64 : memref<1x40x128xi32, #tpu.memory_space<hbm>> -> memref<40x128xi32, #tpu.memory_space<hbm>>
        tpu.wait_dma2 semaphore(%run_scoped3A : memref<!tpu.dma_semaphore, #tpu.memory_space<semaphore_mem>>) src(%dma_wait3A_65 : memref<40x128xi32, #tpu.memory_space<hbm>>) dst(%arg9 : memref<40x128xi32, #tpu.memory_space<vmem>>)
        tpu.yield
      }) : () -> ()
      %dma_start3A_37 = arith.constant 0 : i32
      %dma_start3A_38 = arith.constant 0 : i32
      %dma_start3A_39 = tpu.memref_slice %arg8[%dma_start3A_37, %dma_start3A_38] : memref<40x128xi32, #tpu.memory_space<vmem>> -> memref<1x128xi32, #tpu.memory_space<vmem>>
      %dma_start3A_40 = tpu.memref_squeeze %dma_start3A_39 : memref<1x128xi32, #tpu.memory_space<vmem>> -> memref<128xi32, #tpu.memory_space<vmem>>
      %dma_start3A_41 = arith.constant 0 : i32
      %dma_start3A_42 = arith.constant 0 : i32
      %dma_start3A_43 = tpu.memref_slice %arg2[%dma_start3A_41, %dma_start3A_42] : memref<10240x128xf32, #tpu.memory_space<hbm>> -> memref<10240x128xf32, #tpu.memory_space<hbm>>
      tpu.enqueue_indirect_dma source(%dma_start3A_43 : memref<10240x128xf32, #tpu.memory_space<hbm>>) target(%arg10 : memref<128x128xf32, #tpu.memory_space<vmem>>) offsets(%dma_start3A_40 : memref<128xi32, #tpu.memory_space<vmem>>) semaphore(%arg13 : memref<!tpu.dma_semaphore, #tpu.memory_space<semaphore_mem>>)
      %scan3A_44 = arith.constant 0 : i32
      %scan3A_45 = arith.constant 0 : i32
      %scan3A_46 = arith.constant 20 : i32
      %scan3A_47 = arith.addi %scan3A_45, %scan3A_46 : i32
      %scan3A_48 = arith.constant 1 : i32
      %scan3A_49 = scf.for %scan3A_51 = %scan3A_45 to %scan3A_47 step %scan3A_48 iter_args(%scan3A_52 = %scan3A_44) -> (i32)  : i32 {
        %mul3A_53 = arith.constant 2 : i32
        %mul3A_54 = arith.muli %mul3A_53, %scan3A_51 : i32
        %dma_wait3A = arith.constant 0 : i32
        %dma_wait3A_55 = tpu.memref_slice %arg8[%mul3A_54, %dma_wait3A] : memref<40x128xi32, #tpu.memory_space<vmem>> -> memref<1x128xi32, #tpu.memory_space<vmem>>
        %dma_wait3A_56 = tpu.memref_squeeze %dma_wait3A_55 : memref<1x128xi32, #tpu.memory_space<vmem>> -> memref<128xi32, #tpu.memory_space<vmem>>
        %dma_wait3A_57 = arith.constant 0 : i32
        %dma_wait3A_58 = arith.constant 0 : i32
        %dma_wait3A_59 = tpu.memref_slice %arg2[%dma_wait3A_57, %dma_wait3A_58] : memref<10240x128xf32, #tpu.memory_space<hbm>> -> memref<10240x128xf32, #tpu.memory_space<hbm>>
        tpu.wait_indirect_dma semaphore(%arg13 : memref<!tpu.dma_semaphore, #tpu.memory_space<semaphore_mem>>) src(%dma_wait3A_59 : memref<10240x128xf32, #tpu.memory_space<hbm>>) dst(%arg10 : memref<128x128xf32, #tpu.memory_space<vmem>>)
        %add3A_60 = arith.constant 1 : i32
        %add3A_61 = arith.addi %mul3A_54, %add3A_60 : i32
        %dma_start3A_62 = arith.constant 0 : i32
        %dma_start3A_63 = tpu.memref_slice %arg8[%add3A_61, %dma_start3A_62] : memref<40x128xi32, #tpu.memory_space<vmem>> -> memref<1x128xi32, #tpu.memory_space<vmem>>
        %dma_start3A_64 = tpu.memref_squeeze %dma_start3A_63 : memref<1x128xi32, #tpu.memory_space<vmem>> -> memref<128xi32, #tpu.memory_space<vmem>>
        %dma_start3A_65 = arith.constant 0 : i32
        %dma_start3A_66 = arith.constant 0 : i32
        %dma_start3A_67 = tpu.memref_slice %arg2[%dma_start3A_65, %dma_start3A_66] : memref<10240x128xf32, #tpu.memory_space<hbm>> -> memref<10240x128xf32, #tpu.memory_space<hbm>>
        tpu.enqueue_indirect_dma source(%dma_start3A_67 : memref<10240x128xf32, #tpu.memory_space<hbm>>) target(%arg11 : memref<128x128xf32, #tpu.memory_space<vmem>>) offsets(%dma_start3A_64 : memref<128xi32, #tpu.memory_space<vmem>>) semaphore(%arg14 : memref<!tpu.dma_semaphore, #tpu.memory_space<semaphore_mem>>)
        "tpu.region"() ({
          %run_scoped3A = tpu.sem_alloc : memref<!tpu.dma_semaphore, #tpu.memory_space<semaphore_mem>>
          %dma_start3A_83 = arith.constant 0 : i32
          %dma_start3A_84 = tpu.memref_slice %arg9[%mul3A_54, %dma_start3A_83] : memref<40x128xi32, #tpu.memory_space<vmem>> -> memref<1x128xi32, #tpu.memory_space<vmem>>
          %dma_start3A_85 = tpu.memref_squeeze %dma_start3A_84 : memref<1x128xi32, #tpu.memory_space<vmem>> -> memref<128xi32, #tpu.memory_space<vmem>>
          %dma_start3A_86 = arith.constant 0 : i32
          %dma_start3A_87 = arith.constant 0 : i32
          %dma_start3A_88 = tpu.memref_slice %arg12[%dma_start3A_86, %dma_start3A_87] : memref<10240x128xf32, #tpu.memory_space<vmem_shared>> -> memref<10240x128xf32, #tpu.memory_space<vmem_shared>>
          tpu.enqueue_indirect_dma source(%arg10 : memref<128x128xf32, #tpu.memory_space<vmem>>) target(%dma_start3A_88 : memref<10240x128xf32, #tpu.memory_space<vmem_shared>>) offsets(%dma_start3A_85 : memref<128xi32, #tpu.memory_space<vmem>>) semaphore(%run_scoped3A : memref<!tpu.dma_semaphore, #tpu.memory_space<semaphore_mem>>) {add = true}
          %dma_wait3A_89 = arith.constant 0 : i32
          %dma_wait3A_90 = tpu.memref_slice %arg9[%mul3A_54, %dma_wait3A_89] : memref<40x128xi32, #tpu.memory_space<vmem>> -> memref<1x128xi32, #tpu.memory_space<vmem>>
          %dma_wait3A_91 = tpu.memref_squeeze %dma_wait3A_90 : memref<1x128xi32, #tpu.memory_space<vmem>> -> memref<128xi32, #tpu.memory_space<vmem>>
          %dma_wait3A_92 = arith.constant 0 : i32
          %dma_wait3A_93 = arith.constant 0 : i32
          %dma_wait3A_94 = tpu.memref_slice %arg12[%dma_wait3A_92, %dma_wait3A_93] : memref<10240x128xf32, #tpu.memory_space<vmem_shared>> -> memref<10240x128xf32, #tpu.memory_space<vmem_shared>>
          tpu.wait_indirect_dma semaphore(%run_scoped3A : memref<!tpu.dma_semaphore, #tpu.memory_space<semaphore_mem>>) src(%arg10 : memref<128x128xf32, #tpu.memory_space<vmem>>) dst(%dma_wait3A_94 : memref<10240x128xf32, #tpu.memory_space<vmem_shared>>)
          tpu.yield
        }) : () -> ()
        %add3A_68 = arith.constant 2 : i32
        %add3A_69 = arith.addi %mul3A_54, %add3A_68 : i32
        %lt3A = arith.constant 40 : i32
        %lt3A_70 = arith.cmpi slt, %add3A_69, %lt3A : i32
        %convert_element_type3A_71 = arith.extui %lt3A_70 : i1 to i32
        %cond3A_72 = arith.constant 0 : i32
        %cond3A_73 = arith.cmpi ne, %convert_element_type3A_71, %cond3A_72 : i32
        scf.if %cond3A_73 {
          %add3A_83 = arith.constant 2 : i32
          %add3A_84 = arith.addi %mul3A_54, %add3A_83 : i32
          %dma_start3A_85 = arith.constant 0 : i32
          %dma_start3A_86 = tpu.memref_slice %arg8[%add3A_84, %dma_start3A_85] : memref<40x128xi32, #tpu.memory_space<vmem>> -> memref<1x128xi32, #tpu.memory_space<vmem>>
          %dma_start3A_87 = tpu.memref_squeeze %dma_start3A_86 : memref<1x128xi32, #tpu.memory_space<vmem>> -> memref<128xi32, #tpu.memory_space<vmem>>
          %dma_start3A_88 = arith.constant 0 : i32
          %dma_start3A_89 = arith.constant 0 : i32
          %dma_start3A_90 = tpu.memref_slice %arg2[%dma_start3A_88, %dma_start3A_89] : memref<10240x128xf32, #tpu.memory_space<hbm>> -> memref<10240x128xf32, #tpu.memory_space<hbm>>
          tpu.enqueue_indirect_dma source(%dma_start3A_90 : memref<10240x128xf32, #tpu.memory_space<hbm>>) target(%arg10 : memref<128x128xf32, #tpu.memory_space<vmem>>) offsets(%dma_start3A_87 : memref<128xi32, #tpu.memory_space<vmem>>) semaphore(%arg13 : memref<!tpu.dma_semaphore, #tpu.memory_space<semaphore_mem>>)
        } else {
        }
        %dma_wait3A_74 = arith.constant 0 : i32
        %dma_wait3A_75 = tpu.memref_slice %arg8[%add3A_61, %dma_wait3A_74] : memref<40x128xi32, #tpu.memory_space<vmem>> -> memref<1x128xi32, #tpu.memory_space<vmem>>
        %dma_wait3A_76 = tpu.memref_squeeze %dma_wait3A_75 : memref<1x128xi32, #tpu.memory_space<vmem>> -> memref<128xi32, #tpu.memory_space<vmem>>
        %dma_wait3A_77 = arith.constant 0 : i32
        %dma_wait3A_78 = arith.constant 0 : i32
        %dma_wait3A_79 = tpu.memref_slice %arg2[%dma_wait3A_77, %dma_wait3A_78] : memref<10240x128xf32, #tpu.memory_space<hbm>> -> memref<10240x128xf32, #tpu.memory_space<hbm>>
        tpu.wait_indirect_dma semaphore(%arg14 : memref<!tpu.dma_semaphore, #tpu.memory_space<semaphore_mem>>) src(%dma_wait3A_79 : memref<10240x128xf32, #tpu.memory_space<hbm>>) dst(%arg11 : memref<128x128xf32, #tpu.memory_space<vmem>>)
        %add3A_80 = arith.constant 1 : i32
        %add3A_81 = arith.addi %mul3A_54, %add3A_80 : i32
        "tpu.region"() ({
          %run_scoped3A = tpu.sem_alloc : memref<!tpu.dma_semaphore, #tpu.memory_space<semaphore_mem>>
          %dma_start3A_83 = arith.constant 0 : i32
          %dma_start3A_84 = tpu.memref_slice %arg9[%add3A_81, %dma_start3A_83] : memref<40x128xi32, #tpu.memory_space<vmem>> -> memref<1x128xi32, #tpu.memory_space<vmem>>
          %dma_start3A_85 = tpu.memref_squeeze %dma_start3A_84 : memref<1x128xi32, #tpu.memory_space<vmem>> -> memref<128xi32, #tpu.memory_space<vmem>>
          %dma_start3A_86 = arith.constant 0 : i32
          %dma_start3A_87 = arith.constant 0 : i32
          %dma_start3A_88 = tpu.memref_slice %arg12[%dma_start3A_86, %dma_start3A_87] : memref<10240x128xf32, #tpu.memory_space<vmem_shared>> -> memref<10240x128xf32, #tpu.memory_space<vmem_shared>>
          tpu.enqueue_indirect_dma source(%arg11 : memref<128x128xf32, #tpu.memory_space<vmem>>) target(%dma_start3A_88 : memref<10240x128xf32, #tpu.memory_space<vmem_shared>>) offsets(%dma_start3A_85 : memref<128xi32, #tpu.memory_space<vmem>>) semaphore(%run_scoped3A : memref<!tpu.dma_semaphore, #tpu.memory_space<semaphore_mem>>) {add = true}
          %dma_wait3A_89 = arith.constant 0 : i32
          %dma_wait3A_90 = tpu.memref_slice %arg9[%add3A_81, %dma_wait3A_89] : memref<40x128xi32, #tpu.memory_space<vmem>> -> memref<1x128xi32, #tpu.memory_space<vmem>>
          %dma_wait3A_91 = tpu.memref_squeeze %dma_wait3A_90 : memref<1x128xi32, #tpu.memory_space<vmem>> -> memref<128xi32, #tpu.memory_space<vmem>>
          %dma_wait3A_92 = arith.constant 0 : i32
          %dma_wait3A_93 = arith.constant 0 : i32
          %dma_wait3A_94 = tpu.memref_slice %arg12[%dma_wait3A_92, %dma_wait3A_93] : memref<10240x128xf32, #tpu.memory_space<vmem_shared>> -> memref<10240x128xf32, #tpu.memory_space<vmem_shared>>
          tpu.wait_indirect_dma semaphore(%run_scoped3A : memref<!tpu.dma_semaphore, #tpu.memory_space<semaphore_mem>>) src(%arg11 : memref<128x128xf32, #tpu.memory_space<vmem>>) dst(%dma_wait3A_94 : memref<10240x128xf32, #tpu.memory_space<vmem_shared>>)
          tpu.yield
        }) : () -> ()
        %scan3A_82 = arith.constant 0 : i32
        scf.yield %scan3A_82 : i32
      }
      %scan3A_50 = arith.constant 20 : i32
    } else {
    }
    %eq3A_18 = arith.constant 1 : i32
    %eq3A_19 = arith.cmpi eq, %arg0, %eq3A_18 : i32
    %convert_element_type3A_20 = arith.extui %eq3A_19 : i1 to i32
    %cond3A_21 = arith.constant 0 : i32
    %cond3A_22 = arith.cmpi ne, %convert_element_type3A_20, %cond3A_21 : i32
    scf.if %cond3A_22 {
      "tpu.region"() ({
        %run_scoped3A = tpu.sem_alloc : memref<!tpu.dma_semaphore, #tpu.memory_space<semaphore_mem>>
        %dma_start3A_51 = arith.constant 0 : i32
        %dma_start3A_52 = arith.constant 0 : i32
        %dma_start3A_53 = tpu.memref_slice %arg5[%arg1, %dma_start3A_51, %dma_start3A_52] : memref<16x80x128xi32, #tpu.memory_space<hbm>> -> memref<1x40x128xi32, #tpu.memory_space<hbm>>
        %dma_start3A_54 = tpu.memref_squeeze %dma_start3A_53 : memref<1x40x128xi32, #tpu.memory_space<hbm>> -> memref<40x128xi32, #tpu.memory_space<hbm>>
        %dma_start3A_55 = arith.constant 0 : i32
        %dma_start3A_56 = arith.constant 0 : i32
        %dma_start3A_57 = tpu.memref_slice %arg5[%arg1, %dma_start3A_55, %dma_start3A_56] : memref<16x80x128xi32, #tpu.memory_space<hbm>> -> memref<1x40x128xi32, #tpu.memory_space<hbm>>
        %dma_start3A_58 = tpu.memref_squeeze %dma_start3A_57 : memref<1x40x128xi32, #tpu.memory_space<hbm>> -> memref<40x128xi32, #tpu.memory_space<hbm>>
        tpu.enqueue_dma source(%dma_start3A_58 : memref<40x128xi32, #tpu.memory_space<hbm>>) target(%arg8 : memref<40x128xi32, #tpu.memory_space<vmem>>) target_semaphore(%run_scoped3A : memref<!tpu.dma_semaphore, #tpu.memory_space<semaphore_mem>>)
        %dma_wait3A = arith.constant 0 : i32
        %dma_wait3A_59 = arith.constant 0 : i32
        %dma_wait3A_60 = tpu.memref_slice %arg5[%arg1, %dma_wait3A, %dma_wait3A_59] : memref<16x80x128xi32, #tpu.memory_space<hbm>> -> memref<1x40x128xi32, #tpu.memory_space<hbm>>
        %dma_wait3A_61 = tpu.memref_squeeze %dma_wait3A_60 : memref<1x40x128xi32, #tpu.memory_space<hbm>> -> memref<40x128xi32, #tpu.memory_space<hbm>>
        %dma_wait3A_62 = arith.constant 0 : i32
        %dma_wait3A_63 = arith.constant 0 : i32
        %dma_wait3A_64 = tpu.memref_slice %arg5[%arg1, %dma_wait3A_62, %dma_wait3A_63] : memref<16x80x128xi32, #tpu.memory_space<hbm>> -> memref<1x40x128xi32, #tpu.memory_space<hbm>>
        %dma_wait3A_65 = tpu.memref_squeeze %dma_wait3A_64 : memref<1x40x128xi32, #tpu.memory_space<hbm>> -> memref<40x128xi32, #tpu.memory_space<hbm>>
        tpu.wait_dma2 semaphore(%run_scoped3A : memref<!tpu.dma_semaphore, #tpu.memory_space<semaphore_mem>>) src(%dma_wait3A_65 : memref<40x128xi32, #tpu.memory_space<hbm>>) dst(%arg8 : memref<40x128xi32, #tpu.memory_space<vmem>>)
        tpu.yield
      }) : () -> ()
      "tpu.region"() ({
        %run_scoped3A = tpu.sem_alloc : memref<!tpu.dma_semaphore, #tpu.memory_space<semaphore_mem>>
        %dma_start3A_51 = arith.constant 0 : i32
        %dma_start3A_52 = arith.constant 0 : i32
        %dma_start3A_53 = tpu.memref_slice %arg6[%arg1, %dma_start3A_51, %dma_start3A_52] : memref<16x80x128xi32, #tpu.memory_space<hbm>> -> memref<1x40x128xi32, #tpu.memory_space<hbm>>
        %dma_start3A_54 = tpu.memref_squeeze %dma_start3A_53 : memref<1x40x128xi32, #tpu.memory_space<hbm>> -> memref<40x128xi32, #tpu.memory_space<hbm>>
        %dma_start3A_55 = arith.constant 0 : i32
        %dma_start3A_56 = arith.constant 0 : i32
        %dma_start3A_57 = tpu.memref_slice %arg6[%arg1, %dma_start3A_55, %dma_start3A_56] : memref<16x80x128xi32, #tpu.memory_space<hbm>> -> memref<1x40x128xi32, #tpu.memory_space<hbm>>
        %dma_start3A_58 = tpu.memref_squeeze %dma_start3A_57 : memref<1x40x128xi32, #tpu.memory_space<hbm>> -> memref<40x128xi32, #tpu.memory_space<hbm>>
        tpu.enqueue_dma source(%dma_start3A_58 : memref<40x128xi32, #tpu.memory_space<hbm>>) target(%arg9 : memref<40x128xi32, #tpu.memory_space<vmem>>) target_semaphore(%run_scoped3A : memref<!tpu.dma_semaphore, #tpu.memory_space<semaphore_mem>>)
        %dma_wait3A = arith.constant 0 : i32
        %dma_wait3A_59 = arith.constant 0 : i32
        %dma_wait3A_60 = tpu.memref_slice %arg6[%arg1, %dma_wait3A, %dma_wait3A_59] : memref<16x80x128xi32, #tpu.memory_space<hbm>> -> memref<1x40x128xi32, #tpu.memory_space<hbm>>
        %dma_wait3A_61 = tpu.memref_squeeze %dma_wait3A_60 : memref<1x40x128xi32, #tpu.memory_space<hbm>> -> memref<40x128xi32, #tpu.memory_space<hbm>>
        %dma_wait3A_62 = arith.constant 0 : i32
        %dma_wait3A_63 = arith.constant 0 : i32
        %dma_wait3A_64 = tpu.memref_slice %arg6[%arg1, %dma_wait3A_62, %dma_wait3A_63] : memref<16x80x128xi32, #tpu.memory_space<hbm>> -> memref<1x40x128xi32, #tpu.memory_space<hbm>>
        %dma_wait3A_65 = tpu.memref_squeeze %dma_wait3A_64 : memref<1x40x128xi32, #tpu.memory_space<hbm>> -> memref<40x128xi32, #tpu.memory_space<hbm>>
        tpu.wait_dma2 semaphore(%run_scoped3A : memref<!tpu.dma_semaphore, #tpu.memory_space<semaphore_mem>>) src(%dma_wait3A_65 : memref<40x128xi32, #tpu.memory_space<hbm>>) dst(%arg9 : memref<40x128xi32, #tpu.memory_space<vmem>>)
        tpu.yield
      }) : () -> ()
      %dma_start3A = arith.constant 0 : i32
      %dma_start3A_24 = arith.constant 0 : i32
      %dma_start3A_25 = tpu.memref_slice %arg8[%dma_start3A, %dma_start3A_24] : memref<40x128xi32, #tpu.memory_space<vmem>> -> memref<1x128xi32, #tpu.memory_space<vmem>>
      %dma_start3A_26 = tpu.memref_squeeze %dma_start3A_25 : memref<1x128xi32, #tpu.memory_space<vmem>> -> memref<128xi32, #tpu.memory_space<vmem>>
      %dma_start3A_27 = arith.constant 0 : i32
      %dma_start3A_28 = arith.constant 0 : i32
      %dma_start3A_29 = tpu.memref_slice %arg2[%dma_start3A_27, %dma_start3A_28] : memref<10240x128xf32, #tpu.memory_space<hbm>> -> memref<10240x128xf32, #tpu.memory_space<hbm>>
      tpu.enqueue_indirect_dma source(%dma_start3A_29 : memref<10240x128xf32, #tpu.memory_space<hbm>>) target(%arg10 : memref<128x128xf32, #tpu.memory_space<vmem>>) offsets(%dma_start3A_26 : memref<128xi32, #tpu.memory_space<vmem>>) semaphore(%arg13 : memref<!tpu.dma_semaphore, #tpu.memory_space<semaphore_mem>>)
      %scan3A_30 = arith.constant 0 : i32
      %scan3A_31 = arith.constant 0 : i32
      %scan3A_32 = arith.constant 20 : i32
      %scan3A_33 = arith.addi %scan3A_31, %scan3A_32 : i32
      %scan3A_34 = arith.constant 1 : i32
      %scan3A_35 = scf.for %scan3A_51 = %scan3A_31 to %scan3A_33 step %scan3A_34 iter_args(%scan3A_52 = %scan3A_30) -> (i32)  : i32 {
        %mul3A_53 = arith.constant 2 : i32
        %mul3A_54 = arith.muli %mul3A_53, %scan3A_51 : i32
        %dma_wait3A = arith.constant 0 : i32
        %dma_wait3A_55 = tpu.memref_slice %arg8[%mul3A_54, %dma_wait3A] : memref<40x128xi32, #tpu.memory_space<vmem>> -> memref<1x128xi32, #tpu.memory_space<vmem>>
        %dma_wait3A_56 = tpu.memref_squeeze %dma_wait3A_55 : memref<1x128xi32, #tpu.memory_space<vmem>> -> memref<128xi32, #tpu.memory_space<vmem>>
        %dma_wait3A_57 = arith.constant 0 : i32
        %dma_wait3A_58 = arith.constant 0 : i32
        %dma_wait3A_59 = tpu.memref_slice %arg2[%dma_wait3A_57, %dma_wait3A_58] : memref<10240x128xf32, #tpu.memory_space<hbm>> -> memref<10240x128xf32, #tpu.memory_space<hbm>>
        tpu.wait_indirect_dma semaphore(%arg13 : memref<!tpu.dma_semaphore, #tpu.memory_space<semaphore_mem>>) src(%dma_wait3A_59 : memref<10240x128xf32, #tpu.memory_space<hbm>>) dst(%arg10 : memref<128x128xf32, #tpu.memory_space<vmem>>)
        %add3A_60 = arith.constant 1 : i32
        %add3A_61 = arith.addi %mul3A_54, %add3A_60 : i32
        %dma_start3A_62 = arith.constant 0 : i32
        %dma_start3A_63 = tpu.memref_slice %arg8[%add3A_61, %dma_start3A_62] : memref<40x128xi32, #tpu.memory_space<vmem>> -> memref<1x128xi32, #tpu.memory_space<vmem>>
        %dma_start3A_64 = tpu.memref_squeeze %dma_start3A_63 : memref<1x128xi32, #tpu.memory_space<vmem>> -> memref<128xi32, #tpu.memory_space<vmem>>
        %dma_start3A_65 = arith.constant 0 : i32
        %dma_start3A_66 = arith.constant 0 : i32
        %dma_start3A_67 = tpu.memref_slice %arg2[%dma_start3A_65, %dma_start3A_66] : memref<10240x128xf32, #tpu.memory_space<hbm>> -> memref<10240x128xf32, #tpu.memory_space<hbm>>
        tpu.enqueue_indirect_dma source(%dma_start3A_67 : memref<10240x128xf32, #tpu.memory_space<hbm>>) target(%arg11 : memref<128x128xf32, #tpu.memory_space<vmem>>) offsets(%dma_start3A_64 : memref<128xi32, #tpu.memory_space<vmem>>) semaphore(%arg14 : memref<!tpu.dma_semaphore, #tpu.memory_space<semaphore_mem>>)
        "tpu.region"() ({
          %run_scoped3A = tpu.sem_alloc : memref<!tpu.dma_semaphore, #tpu.memory_space<semaphore_mem>>
          %dma_start3A_83 = arith.constant 0 : i32
          %dma_start3A_84 = tpu.memref_slice %arg9[%mul3A_54, %dma_start3A_83] : memref<40x128xi32, #tpu.memory_space<vmem>> -> memref<1x128xi32, #tpu.memory_space<vmem>>
          %dma_start3A_85 = tpu.memref_squeeze %dma_start3A_84 : memref<1x128xi32, #tpu.memory_space<vmem>> -> memref<128xi32, #tpu.memory_space<vmem>>
          %dma_start3A_86 = arith.constant 0 : i32
          %dma_start3A_87 = arith.constant 0 : i32
          %dma_start3A_88 = tpu.memref_slice %arg12[%dma_start3A_86, %dma_start3A_87] : memref<10240x128xf32, #tpu.memory_space<vmem_shared>> -> memref<10240x128xf32, #tpu.memory_space<vmem_shared>>
          tpu.enqueue_indirect_dma source(%arg10 : memref<128x128xf32, #tpu.memory_space<vmem>>) target(%dma_start3A_88 : memref<10240x128xf32, #tpu.memory_space<vmem_shared>>) offsets(%dma_start3A_85 : memref<128xi32, #tpu.memory_space<vmem>>) semaphore(%run_scoped3A : memref<!tpu.dma_semaphore, #tpu.memory_space<semaphore_mem>>) {add = true}
          %dma_wait3A_89 = arith.constant 0 : i32
          %dma_wait3A_90 = tpu.memref_slice %arg9[%mul3A_54, %dma_wait3A_89] : memref<40x128xi32, #tpu.memory_space<vmem>> -> memref<1x128xi32, #tpu.memory_space<vmem>>
          %dma_wait3A_91 = tpu.memref_squeeze %dma_wait3A_90 : memref<1x128xi32, #tpu.memory_space<vmem>> -> memref<128xi32, #tpu.memory_space<vmem>>
          %dma_wait3A_92 = arith.constant 0 : i32
          %dma_wait3A_93 = arith.constant 0 : i32
          %dma_wait3A_94 = tpu.memref_slice %arg12[%dma_wait3A_92, %dma_wait3A_93] : memref<10240x128xf32, #tpu.memory_space<vmem_shared>> -> memref<10240x128xf32, #tpu.memory_space<vmem_shared>>
          tpu.wait_indirect_dma semaphore(%run_scoped3A : memref<!tpu.dma_semaphore, #tpu.memory_space<semaphore_mem>>) src(%arg10 : memref<128x128xf32, #tpu.memory_space<vmem>>) dst(%dma_wait3A_94 : memref<10240x128xf32, #tpu.memory_space<vmem_shared>>)
          tpu.yield
        }) : () -> ()
        %add3A_68 = arith.constant 2 : i32
        %add3A_69 = arith.addi %mul3A_54, %add3A_68 : i32
        %lt3A = arith.constant 40 : i32
        %lt3A_70 = arith.cmpi slt, %add3A_69, %lt3A : i32
        %convert_element_type3A_71 = arith.extui %lt3A_70 : i1 to i32
        %cond3A_72 = arith.constant 0 : i32
        %cond3A_73 = arith.cmpi ne, %convert_element_type3A_71, %cond3A_72 : i32
        scf.if %cond3A_73 {
          %add3A_83 = arith.constant 2 : i32
          %add3A_84 = arith.addi %mul3A_54, %add3A_83 : i32
          %dma_start3A_85 = arith.constant 0 : i32
          %dma_start3A_86 = tpu.memref_slice %arg8[%add3A_84, %dma_start3A_85] : memref<40x128xi32, #tpu.memory_space<vmem>> -> memref<1x128xi32, #tpu.memory_space<vmem>>
          %dma_start3A_87 = tpu.memref_squeeze %dma_start3A_86 : memref<1x128xi32, #tpu.memory_space<vmem>> -> memref<128xi32, #tpu.memory_space<vmem>>
          %dma_start3A_88 = arith.constant 0 : i32
          %dma_start3A_89 = arith.constant 0 : i32
          %dma_start3A_90 = tpu.memref_slice %arg2[%dma_start3A_88, %dma_start3A_89] : memref<10240x128xf32, #tpu.memory_space<hbm>> -> memref<10240x128xf32, #tpu.memory_space<hbm>>
          tpu.enqueue_indirect_dma source(%dma_start3A_90 : memref<10240x128xf32, #tpu.memory_space<hbm>>) target(%arg10 : memref<128x128xf32, #tpu.memory_space<vmem>>) offsets(%dma_start3A_87 : memref<128xi32, #tpu.memory_space<vmem>>) semaphore(%arg13 : memref<!tpu.dma_semaphore, #tpu.memory_space<semaphore_mem>>)
        } else {
        }
        %dma_wait3A_74 = arith.constant 0 : i32
        %dma_wait3A_75 = tpu.memref_slice %arg8[%add3A_61, %dma_wait3A_74] : memref<40x128xi32, #tpu.memory_space<vmem>> -> memref<1x128xi32, #tpu.memory_space<vmem>>
        %dma_wait3A_76 = tpu.memref_squeeze %dma_wait3A_75 : memref<1x128xi32, #tpu.memory_space<vmem>> -> memref<128xi32, #tpu.memory_space<vmem>>
        %dma_wait3A_77 = arith.constant 0 : i32
        %dma_wait3A_78 = arith.constant 0 : i32
        %dma_wait3A_79 = tpu.memref_slice %arg2[%dma_wait3A_77, %dma_wait3A_78] : memref<10240x128xf32, #tpu.memory_space<hbm>> -> memref<10240x128xf32, #tpu.memory_space<hbm>>
        tpu.wait_indirect_dma semaphore(%arg14 : memref<!tpu.dma_semaphore, #tpu.memory_space<semaphore_mem>>) src(%dma_wait3A_79 : memref<10240x128xf32, #tpu.memory_space<hbm>>) dst(%arg11 : memref<128x128xf32, #tpu.memory_space<vmem>>)
        %add3A_80 = arith.constant 1 : i32
        %add3A_81 = arith.addi %mul3A_54, %add3A_80 : i32
        "tpu.region"() ({
          %run_scoped3A = tpu.sem_alloc : memref<!tpu.dma_semaphore, #tpu.memory_space<semaphore_mem>>
          %dma_start3A_83 = arith.constant 0 : i32
          %dma_start3A_84 = tpu.memref_slice %arg9[%add3A_81, %dma_start3A_83] : memref<40x128xi32, #tpu.memory_space<vmem>> -> memref<1x128xi32, #tpu.memory_space<vmem>>
          %dma_start3A_85 = tpu.memref_squeeze %dma_start3A_84 : memref<1x128xi32, #tpu.memory_space<vmem>> -> memref<128xi32, #tpu.memory_space<vmem>>
          %dma_start3A_86 = arith.constant 0 : i32
          %dma_start3A_87 = arith.constant 0 : i32
          %dma_start3A_88 = tpu.memref_slice %arg12[%dma_start3A_86, %dma_start3A_87] : memref<10240x128xf32, #tpu.memory_space<vmem_shared>> -> memref<10240x128xf32, #tpu.memory_space<vmem_shared>>
          tpu.enqueue_indirect_dma source(%arg11 : memref<128x128xf32, #tpu.memory_space<vmem>>) target(%dma_start3A_88 : memref<10240x128xf32, #tpu.memory_space<vmem_shared>>) offsets(%dma_start3A_85 : memref<128xi32, #tpu.memory_space<vmem>>) semaphore(%run_scoped3A : memref<!tpu.dma_semaphore, #tpu.memory_space<semaphore_mem>>) {add = true}
          %dma_wait3A_89 = arith.constant 0 : i32
          %dma_wait3A_90 = tpu.memref_slice %arg9[%add3A_81, %dma_wait3A_89] : memref<40x128xi32, #tpu.memory_space<vmem>> -> memref<1x128xi32, #tpu.memory_space<vmem>>
          %dma_wait3A_91 = tpu.memref_squeeze %dma_wait3A_90 : memref<1x128xi32, #tpu.memory_space<vmem>> -> memref<128xi32, #tpu.memory_space<vmem>>
          %dma_wait3A_92 = arith.constant 0 : i32
          %dma_wait3A_93 = arith.constant 0 : i32
          %dma_wait3A_94 = tpu.memref_slice %arg12[%dma_wait3A_92, %dma_wait3A_93] : memref<10240x128xf32, #tpu.memory_space<vmem_shared>> -> memref<10240x128xf32, #tpu.memory_space<vmem_shared>>
          tpu.wait_indirect_dma semaphore(%run_scoped3A : memref<!tpu.dma_semaphore, #tpu.memory_space<semaphore_mem>>) src(%arg11 : memref<128x128xf32, #tpu.memory_space<vmem>>) dst(%dma_wait3A_94 : memref<10240x128xf32, #tpu.memory_space<vmem_shared>>)
          tpu.yield
        }) : () -> ()
        %scan3A_82 = arith.constant 0 : i32
        scf.yield %scan3A_82 : i32
      }
      %scan3A_36 = arith.constant 20 : i32
      "tpu.region"() ({
        %run_scoped3A = tpu.sem_alloc : memref<!tpu.dma_semaphore, #tpu.memory_space<semaphore_mem>>
        %dma_start3A_51 = arith.constant 40 : i32
        %dma_start3A_52 = arith.constant 0 : i32
        %dma_start3A_53 = tpu.memref_slice %arg5[%arg1, %dma_start3A_51, %dma_start3A_52] : memref<16x80x128xi32, #tpu.memory_space<hbm>> -> memref<1x40x128xi32, #tpu.memory_space<hbm>>
        %dma_start3A_54 = tpu.memref_squeeze %dma_start3A_53 : memref<1x40x128xi32, #tpu.memory_space<hbm>> -> memref<40x128xi32, #tpu.memory_space<hbm>>
        %dma_start3A_55 = arith.constant 40 : i32
        %dma_start3A_56 = arith.constant 0 : i32
        %dma_start3A_57 = tpu.memref_slice %arg5[%arg1, %dma_start3A_55, %dma_start3A_56] : memref<16x80x128xi32, #tpu.memory_space<hbm>> -> memref<1x40x128xi32, #tpu.memory_space<hbm>>
        %dma_start3A_58 = tpu.memref_squeeze %dma_start3A_57 : memref<1x40x128xi32, #tpu.memory_space<hbm>> -> memref<40x128xi32, #tpu.memory_space<hbm>>
        tpu.enqueue_dma source(%dma_start3A_58 : memref<40x128xi32, #tpu.memory_space<hbm>>) target(%arg8 : memref<40x128xi32, #tpu.memory_space<vmem>>) target_semaphore(%run_scoped3A : memref<!tpu.dma_semaphore, #tpu.memory_space<semaphore_mem>>)
        %dma_wait3A = arith.constant 40 : i32
        %dma_wait3A_59 = arith.constant 0 : i32
        %dma_wait3A_60 = tpu.memref_slice %arg5[%arg1, %dma_wait3A, %dma_wait3A_59] : memref<16x80x128xi32, #tpu.memory_space<hbm>> -> memref<1x40x128xi32, #tpu.memory_space<hbm>>
        %dma_wait3A_61 = tpu.memref_squeeze %dma_wait3A_60 : memref<1x40x128xi32, #tpu.memory_space<hbm>> -> memref<40x128xi32, #tpu.memory_space<hbm>>
        %dma_wait3A_62 = arith.constant 40 : i32
        %dma_wait3A_63 = arith.constant 0 : i32
        %dma_wait3A_64 = tpu.memref_slice %arg5[%arg1, %dma_wait3A_62, %dma_wait3A_63] : memref<16x80x128xi32, #tpu.memory_space<hbm>> -> memref<1x40x128xi32, #tpu.memory_space<hbm>>
        %dma_wait3A_65 = tpu.memref_squeeze %dma_wait3A_64 : memref<1x40x128xi32, #tpu.memory_space<hbm>> -> memref<40x128xi32, #tpu.memory_space<hbm>>
        tpu.wait_dma2 semaphore(%run_scoped3A : memref<!tpu.dma_semaphore, #tpu.memory_space<semaphore_mem>>) src(%dma_wait3A_65 : memref<40x128xi32, #tpu.memory_space<hbm>>) dst(%arg8 : memref<40x128xi32, #tpu.memory_space<vmem>>)
        tpu.yield
      }) : () -> ()
      "tpu.region"() ({
        %run_scoped3A = tpu.sem_alloc : memref<!tpu.dma_semaphore, #tpu.memory_space<semaphore_mem>>
        %dma_start3A_51 = arith.constant 40 : i32
        %dma_start3A_52 = arith.constant 0 : i32
        %dma_start3A_53 = tpu.memref_slice %arg6[%arg1, %dma_start3A_51, %dma_start3A_52] : memref<16x80x128xi32, #tpu.memory_space<hbm>> -> memref<1x40x128xi32, #tpu.memory_space<hbm>>
        %dma_start3A_54 = tpu.memref_squeeze %dma_start3A_53 : memref<1x40x128xi32, #tpu.memory_space<hbm>> -> memref<40x128xi32, #tpu.memory_space<hbm>>
        %dma_start3A_55 = arith.constant 40 : i32
        %dma_start3A_56 = arith.constant 0 : i32
        %dma_start3A_57 = tpu.memref_slice %arg6[%arg1, %dma_start3A_55, %dma_start3A_56] : memref<16x80x128xi32, #tpu.memory_space<hbm>> -> memref<1x40x128xi32, #tpu.memory_space<hbm>>
        %dma_start3A_58 = tpu.memref_squeeze %dma_start3A_57 : memref<1x40x128xi32, #tpu.memory_space<hbm>> -> memref<40x128xi32, #tpu.memory_space<hbm>>
        tpu.enqueue_dma source(%dma_start3A_58 : memref<40x128xi32, #tpu.memory_space<hbm>>) target(%arg9 : memref<40x128xi32, #tpu.memory_space<vmem>>) target_semaphore(%run_scoped3A : memref<!tpu.dma_semaphore, #tpu.memory_space<semaphore_mem>>)
        %dma_wait3A = arith.constant 40 : i32
        %dma_wait3A_59 = arith.constant 0 : i32
        %dma_wait3A_60 = tpu.memref_slice %arg6[%arg1, %dma_wait3A, %dma_wait3A_59] : memref<16x80x128xi32, #tpu.memory_space<hbm>> -> memref<1x40x128xi32, #tpu.memory_space<hbm>>
        %dma_wait3A_61 = tpu.memref_squeeze %dma_wait3A_60 : memref<1x40x128xi32, #tpu.memory_space<hbm>> -> memref<40x128xi32, #tpu.memory_space<hbm>>
        %dma_wait3A_62 = arith.constant 40 : i32
        %dma_wait3A_63 = arith.constant 0 : i32
        %dma_wait3A_64 = tpu.memref_slice %arg6[%arg1, %dma_wait3A_62, %dma_wait3A_63] : memref<16x80x128xi32, #tpu.memory_space<hbm>> -> memref<1x40x128xi32, #tpu.memory_space<hbm>>
        %dma_wait3A_65 = tpu.memref_squeeze %dma_wait3A_64 : memref<1x40x128xi32, #tpu.memory_space<hbm>> -> memref<40x128xi32, #tpu.memory_space<hbm>>
        tpu.wait_dma2 semaphore(%run_scoped3A : memref<!tpu.dma_semaphore, #tpu.memory_space<semaphore_mem>>) src(%dma_wait3A_65 : memref<40x128xi32, #tpu.memory_space<hbm>>) dst(%arg9 : memref<40x128xi32, #tpu.memory_space<vmem>>)
        tpu.yield
      }) : () -> ()
      %dma_start3A_37 = arith.constant 0 : i32
      %dma_start3A_38 = arith.constant 0 : i32
      %dma_start3A_39 = tpu.memref_slice %arg8[%dma_start3A_37, %dma_start3A_38] : memref<40x128xi32, #tpu.memory_space<vmem>> -> memref<1x128xi32, #tpu.memory_space<vmem>>
      %dma_start3A_40 = tpu.memref_squeeze %dma_start3A_39 : memref<1x128xi32, #tpu.memory_space<vmem>> -> memref<128xi32, #tpu.memory_space<vmem>>
      %dma_start3A_41 = arith.constant 0 : i32
      %dma_start3A_42 = arith.constant 0 : i32
      %dma_start3A_43 = tpu.memref_slice %arg2[%dma_start3A_41, %dma_start3A_42] : memref<10240x128xf32, #tpu.memory_space<hbm>> -> memref<10240x128xf32, #tpu.memory_space<hbm>>
      tpu.enqueue_indirect_dma source(%dma_start3A_43 : memref<10240x128xf32, #tpu.memory_space<hbm>>) target(%arg10 : memref<128x128xf32, #tpu.memory_space<vmem>>) offsets(%dma_start3A_40 : memref<128xi32, #tpu.memory_space<vmem>>) semaphore(%arg13 : memref<!tpu.dma_semaphore, #tpu.memory_space<semaphore_mem>>)
      %scan3A_44 = arith.constant 0 : i32
      %scan3A_45 = arith.constant 0 : i32
      %scan3A_46 = arith.constant 20 : i32
      %scan3A_47 = arith.addi %scan3A_45, %scan3A_46 : i32
      %scan3A_48 = arith.constant 1 : i32
      %scan3A_49 = scf.for %scan3A_51 = %scan3A_45 to %scan3A_47 step %scan3A_48 iter_args(%scan3A_52 = %scan3A_44) -> (i32)  : i32 {
        %mul3A_53 = arith.constant 2 : i32
        %mul3A_54 = arith.muli %mul3A_53, %scan3A_51 : i32
        %dma_wait3A = arith.constant 0 : i32
        %dma_wait3A_55 = tpu.memref_slice %arg8[%mul3A_54, %dma_wait3A] : memref<40x128xi32, #tpu.memory_space<vmem>> -> memref<1x128xi32, #tpu.memory_space<vmem>>
        %dma_wait3A_56 = tpu.memref_squeeze %dma_wait3A_55 : memref<1x128xi32, #tpu.memory_space<vmem>> -> memref<128xi32, #tpu.memory_space<vmem>>
        %dma_wait3A_57 = arith.constant 0 : i32
        %dma_wait3A_58 = arith.constant 0 : i32
        %dma_wait3A_59 = tpu.memref_slice %arg2[%dma_wait3A_57, %dma_wait3A_58] : memref<10240x128xf32, #tpu.memory_space<hbm>> -> memref<10240x128xf32, #tpu.memory_space<hbm>>
        tpu.wait_indirect_dma semaphore(%arg13 : memref<!tpu.dma_semaphore, #tpu.memory_space<semaphore_mem>>) src(%dma_wait3A_59 : memref<10240x128xf32, #tpu.memory_space<hbm>>) dst(%arg10 : memref<128x128xf32, #tpu.memory_space<vmem>>)
        %add3A_60 = arith.constant 1 : i32
        %add3A_61 = arith.addi %mul3A_54, %add3A_60 : i32
        %dma_start3A_62 = arith.constant 0 : i32
        %dma_start3A_63 = tpu.memref_slice %arg8[%add3A_61, %dma_start3A_62] : memref<40x128xi32, #tpu.memory_space<vmem>> -> memref<1x128xi32, #tpu.memory_space<vmem>>
        %dma_start3A_64 = tpu.memref_squeeze %dma_start3A_63 : memref<1x128xi32, #tpu.memory_space<vmem>> -> memref<128xi32, #tpu.memory_space<vmem>>
        %dma_start3A_65 = arith.constant 0 : i32
        %dma_start3A_66 = arith.constant 0 : i32
        %dma_start3A_67 = tpu.memref_slice %arg2[%dma_start3A_65, %dma_start3A_66] : memref<10240x128xf32, #tpu.memory_space<hbm>> -> memref<10240x128xf32, #tpu.memory_space<hbm>>
        tpu.enqueue_indirect_dma source(%dma_start3A_67 : memref<10240x128xf32, #tpu.memory_space<hbm>>) target(%arg11 : memref<128x128xf32, #tpu.memory_space<vmem>>) offsets(%dma_start3A_64 : memref<128xi32, #tpu.memory_space<vmem>>) semaphore(%arg14 : memref<!tpu.dma_semaphore, #tpu.memory_space<semaphore_mem>>)
        "tpu.region"() ({
          %run_scoped3A = tpu.sem_alloc : memref<!tpu.dma_semaphore, #tpu.memory_space<semaphore_mem>>
          %dma_start3A_83 = arith.constant 0 : i32
          %dma_start3A_84 = tpu.memref_slice %arg9[%mul3A_54, %dma_start3A_83] : memref<40x128xi32, #tpu.memory_space<vmem>> -> memref<1x128xi32, #tpu.memory_space<vmem>>
          %dma_start3A_85 = tpu.memref_squeeze %dma_start3A_84 : memref<1x128xi32, #tpu.memory_space<vmem>> -> memref<128xi32, #tpu.memory_space<vmem>>
          %dma_start3A_86 = arith.constant 0 : i32
          %dma_start3A_87 = arith.constant 0 : i32
          %dma_start3A_88 = tpu.memref_slice %arg12[%dma_start3A_86, %dma_start3A_87] : memref<10240x128xf32, #tpu.memory_space<vmem_shared>> -> memref<10240x128xf32, #tpu.memory_space<vmem_shared>>
          tpu.enqueue_indirect_dma source(%arg10 : memref<128x128xf32, #tpu.memory_space<vmem>>) target(%dma_start3A_88 : memref<10240x128xf32, #tpu.memory_space<vmem_shared>>) offsets(%dma_start3A_85 : memref<128xi32, #tpu.memory_space<vmem>>) semaphore(%run_scoped3A : memref<!tpu.dma_semaphore, #tpu.memory_space<semaphore_mem>>) {add = true}
          %dma_wait3A_89 = arith.constant 0 : i32
          %dma_wait3A_90 = tpu.memref_slice %arg9[%mul3A_54, %dma_wait3A_89] : memref<40x128xi32, #tpu.memory_space<vmem>> -> memref<1x128xi32, #tpu.memory_space<vmem>>
          %dma_wait3A_91 = tpu.memref_squeeze %dma_wait3A_90 : memref<1x128xi32, #tpu.memory_space<vmem>> -> memref<128xi32, #tpu.memory_space<vmem>>
          %dma_wait3A_92 = arith.constant 0 : i32
          %dma_wait3A_93 = arith.constant 0 : i32
          %dma_wait3A_94 = tpu.memref_slice %arg12[%dma_wait3A_92, %dma_wait3A_93] : memref<10240x128xf32, #tpu.memory_space<vmem_shared>> -> memref<10240x128xf32, #tpu.memory_space<vmem_shared>>
          tpu.wait_indirect_dma semaphore(%run_scoped3A : memref<!tpu.dma_semaphore, #tpu.memory_space<semaphore_mem>>) src(%arg10 : memref<128x128xf32, #tpu.memory_space<vmem>>) dst(%dma_wait3A_94 : memref<10240x128xf32, #tpu.memory_space<vmem_shared>>)
          tpu.yield
        }) : () -> ()
        %add3A_68 = arith.constant 2 : i32
        %add3A_69 = arith.addi %mul3A_54, %add3A_68 : i32
        %lt3A = arith.constant 40 : i32
        %lt3A_70 = arith.cmpi slt, %add3A_69, %lt3A : i32
        %convert_element_type3A_71 = arith.extui %lt3A_70 : i1 to i32
        %cond3A_72 = arith.constant 0 : i32
        %cond3A_73 = arith.cmpi ne, %convert_element_type3A_71, %cond3A_72 : i32
        scf.if %cond3A_73 {
          %add3A_83 = arith.constant 2 : i32
          %add3A_84 = arith.addi %mul3A_54, %add3A_83 : i32
          %dma_start3A_85 = arith.constant 0 : i32
          %dma_start3A_86 = tpu.memref_slice %arg8[%add3A_84, %dma_start3A_85] : memref<40x128xi32, #tpu.memory_space<vmem>> -> memref<1x128xi32, #tpu.memory_space<vmem>>
          %dma_start3A_87 = tpu.memref_squeeze %dma_start3A_86 : memref<1x128xi32, #tpu.memory_space<vmem>> -> memref<128xi32, #tpu.memory_space<vmem>>
          %dma_start3A_88 = arith.constant 0 : i32
          %dma_start3A_89 = arith.constant 0 : i32
          %dma_start3A_90 = tpu.memref_slice %arg2[%dma_start3A_88, %dma_start3A_89] : memref<10240x128xf32, #tpu.memory_space<hbm>> -> memref<10240x128xf32, #tpu.memory_space<hbm>>
          tpu.enqueue_indirect_dma source(%dma_start3A_90 : memref<10240x128xf32, #tpu.memory_space<hbm>>) target(%arg10 : memref<128x128xf32, #tpu.memory_space<vmem>>) offsets(%dma_start3A_87 : memref<128xi32, #tpu.memory_space<vmem>>) semaphore(%arg13 : memref<!tpu.dma_semaphore, #tpu.memory_space<semaphore_mem>>)
        } else {
        }
        %dma_wait3A_74 = arith.constant 0 : i32
        %dma_wait3A_75 = tpu.memref_slice %arg8[%add3A_61, %dma_wait3A_74] : memref<40x128xi32, #tpu.memory_space<vmem>> -> memref<1x128xi32, #tpu.memory_space<vmem>>
        %dma_wait3A_76 = tpu.memref_squeeze %dma_wait3A_75 : memref<1x128xi32, #tpu.memory_space<vmem>> -> memref<128xi32, #tpu.memory_space<vmem>>
        %dma_wait3A_77 = arith.constant 0 : i32
        %dma_wait3A_78 = arith.constant 0 : i32
        %dma_wait3A_79 = tpu.memref_slice %arg2[%dma_wait3A_77, %dma_wait3A_78] : memref<10240x128xf32, #tpu.memory_space<hbm>> -> memref<10240x128xf32, #tpu.memory_space<hbm>>
        tpu.wait_indirect_dma semaphore(%arg14 : memref<!tpu.dma_semaphore, #tpu.memory_space<semaphore_mem>>) src(%dma_wait3A_79 : memref<10240x128xf32, #tpu.memory_space<hbm>>) dst(%arg11 : memref<128x128xf32, #tpu.memory_space<vmem>>)
        %add3A_80 = arith.constant 1 : i32
        %add3A_81 = arith.addi %mul3A_54, %add3A_80 : i32
        "tpu.region"() ({
          %run_scoped3A = tpu.sem_alloc : memref<!tpu.dma_semaphore, #tpu.memory_space<semaphore_mem>>
          %dma_start3A_83 = arith.constant 0 : i32
          %dma_start3A_84 = tpu.memref_slice %arg9[%add3A_81, %dma_start3A_83] : memref<40x128xi32, #tpu.memory_space<vmem>> -> memref<1x128xi32, #tpu.memory_space<vmem>>
          %dma_start3A_85 = tpu.memref_squeeze %dma_start3A_84 : memref<1x128xi32, #tpu.memory_space<vmem>> -> memref<128xi32, #tpu.memory_space<vmem>>
          %dma_start3A_86 = arith.constant 0 : i32
          %dma_start3A_87 = arith.constant 0 : i32
          %dma_start3A_88 = tpu.memref_slice %arg12[%dma_start3A_86, %dma_start3A_87] : memref<10240x128xf32, #tpu.memory_space<vmem_shared>> -> memref<10240x128xf32, #tpu.memory_space<vmem_shared>>
          tpu.enqueue_indirect_dma source(%arg11 : memref<128x128xf32, #tpu.memory_space<vmem>>) target(%dma_start3A_88 : memref<10240x128xf32, #tpu.memory_space<vmem_shared>>) offsets(%dma_start3A_85 : memref<128xi32, #tpu.memory_space<vmem>>) semaphore(%run_scoped3A : memref<!tpu.dma_semaphore, #tpu.memory_space<semaphore_mem>>) {add = true}
          %dma_wait3A_89 = arith.constant 0 : i32
          %dma_wait3A_90 = tpu.memref_slice %arg9[%add3A_81, %dma_wait3A_89] : memref<40x128xi32, #tpu.memory_space<vmem>> -> memref<1x128xi32, #tpu.memory_space<vmem>>
          %dma_wait3A_91 = tpu.memref_squeeze %dma_wait3A_90 : memref<1x128xi32, #tpu.memory_space<vmem>> -> memref<128xi32, #tpu.memory_space<vmem>>
          %dma_wait3A_92 = arith.constant 0 : i32
          %dma_wait3A_93 = arith.constant 0 : i32
          %dma_wait3A_94 = tpu.memref_slice %arg12[%dma_wait3A_92, %dma_wait3A_93] : memref<10240x128xf32, #tpu.memory_space<vmem_shared>> -> memref<10240x128xf32, #tpu.memory_space<vmem_shared>>
          tpu.wait_indirect_dma semaphore(%run_scoped3A : memref<!tpu.dma_semaphore, #tpu.memory_space<semaphore_mem>>) src(%arg11 : memref<128x128xf32, #tpu.memory_space<vmem>>) dst(%dma_wait3A_94 : memref<10240x128xf32, #tpu.memory_space<vmem_shared>>)
          tpu.yield
        }) : () -> ()
        %scan3A_82 = arith.constant 0 : i32
        scf.yield %scan3A_82 : i32
      }
      %scan3A_50 = arith.constant 20 : i32
    } else {
    }
    %barrier3A_23 = arith.constant 0 : index
    tpu.barrier barrier_id(%barrier3A_23)
    "tpu.region"() ({
      %run_scoped3A = tpu.sem_alloc : memref<!tpu.dma_semaphore, #tpu.memory_space<semaphore_mem>>
      %dma_start3A = arith.constant 0 : i32
      %dma_start3A_24 = tpu.memref_slice %arg7[%arg0, %mul3A_0, %dma_start3A] : memref<2x10240x128xf32, #tpu.memory_space<hbm>> -> memref<1x640x128xf32, #tpu.memory_space<hbm>>
      %dma_start3A_25 = tpu.memref_squeeze %dma_start3A_24 : memref<1x640x128xf32, #tpu.memory_space<hbm>> -> memref<640x128xf32, #tpu.memory_space<hbm>>
      %dma_start3A_26 = arith.constant 0 : i32
      %dma_start3A_27 = tpu.memref_slice %arg12[%mul3A_0, %dma_start3A_26] : memref<10240x128xf32, #tpu.memory_space<vmem_shared>> -> memref<640x128xf32, #tpu.memory_space<vmem_shared>>
      tpu.enqueue_dma source(%dma_start3A_27 : memref<640x128xf32, #tpu.memory_space<vmem_shared>>) target(%dma_start3A_25 : memref<640x128xf32, #tpu.memory_space<hbm>>) target_semaphore(%run_scoped3A : memref<!tpu.dma_semaphore, #tpu.memory_space<semaphore_mem>>)
      %dma_wait3A = arith.constant 0 : i32
      %dma_wait3A_28 = tpu.memref_slice %arg7[%arg0, %mul3A_0, %dma_wait3A] : memref<2x10240x128xf32, #tpu.memory_space<hbm>> -> memref<1x640x128xf32, #tpu.memory_space<hbm>>
      %dma_wait3A_29 = tpu.memref_squeeze %dma_wait3A_28 : memref<1x640x128xf32, #tpu.memory_space<hbm>> -> memref<640x128xf32, #tpu.memory_space<hbm>>
      %dma_wait3A_30 = arith.constant 0 : i32
      %dma_wait3A_31 = tpu.memref_slice %arg12[%mul3A_0, %dma_wait3A_30] : memref<10240x128xf32, #tpu.memory_space<vmem_shared>> -> memref<640x128xf32, #tpu.memory_space<vmem_shared>>
      tpu.wait_dma2 semaphore(%run_scoped3A : memref<!tpu.dma_semaphore, #tpu.memory_space<semaphore_mem>>) src(%dma_wait3A_31 : memref<640x128xf32, #tpu.memory_space<vmem_shared>>) dst(%dma_wait3A_29 : memref<640x128xf32, #tpu.memory_space<hbm>>)
      tpu.yield
    }) : () -> ()
    return
  }
}

module attributes {stable_mosaic.version = 14 : i64} {
  func.func @_tc_mm_body(%arg0: i32, %arg1: memref<256x128xf32, #tpu.memory_space<vmem>>, %arg2: memref<128x128xf32, #tpu.memory_space<vmem>>, %arg3: memref<256x128xf32, #tpu.memory_space<vmem>>) attributes {dimension_semantics = [#tpu.dimension_semantics<arbitrary>], iteration_bounds = array<i64: 40>, scalar_prefetch = 0 : i64, scratch_operands = 0 : i64, tpu.core_type = #tpu.core_type<tc>, window_params = [{transform_indices = @transform_0, window_bounds = array<i64: 256, 128>}, {pipeline_mode = #tpu.pipeline_mode<synchronous>, transform_indices = @transform_1, window_bounds = array<i64: 128, 128>}, {transform_indices = @transform_2, window_bounds = array<i64: 256, 128>}]} {
    %get3A = arith.constant 0 : index
    %get3A_0 = arith.constant 0 : index
    %get3A_1 = vector.load %arg1[%get3A, %get3A_0] : memref<256x128xf32, #tpu.memory_space<vmem>>, vector<256x128xf32>
    %get3A_2 = arith.constant 0 : index
    %get3A_3 = arith.constant 0 : index
    %get3A_4 = vector.load %arg2[%get3A_2, %get3A_3] : memref<128x128xf32, #tpu.memory_space<vmem>>, vector<128x128xf32>
    %dot_general3A = arith.constant dense<0.000000e+00> : vector<256x128xf32>
    %dot_general3A_5 = tpu.matmul %get3A_1, %get3A_4, %dot_general3A {dimension_numbers = #tpu.dot_dimension_numbers<[1], [0], [0], [1], [0, 0, 1, 1], [], []>, transpose_lhs_hint = false} : vector<256x128xf32>, vector<128x128xf32>, vector<256x128xf32> -> vector<256x128xf32>
    %swap3A = arith.constant 0 : index
    %swap3A_6 = arith.constant 0 : index
    %swap3A_7 = vector.load %arg3[%swap3A, %swap3A_6] : memref<256x128xf32, #tpu.memory_space<vmem>>, vector<256x128xf32>
    tpu.vector_store %arg3[%swap3A, %swap3A_6], %dot_general3A_5 {strides = array<i32>} : memref<256x128xf32, #tpu.memory_space<vmem>>, vector<256x128xf32>,
    return
  }
  func.func @transform_0(%arg0: i32) -> (i32, i32) {
    %c0_i32 = arith.constant 0 : i32
    %c0_i32_0 = arith.constant 0 : i32
    return %arg0, %c0_i32 : i32, i32
  }
  func.func @transform_1(%arg0: i32) -> (i32, i32) {
    %c0_i32 = arith.constant 0 : i32
    %c0_i32_0 = arith.constant 0 : i32
    %c0_i32_1 = arith.constant 0 : i32
    return %c0_i32, %c0_i32_0 : i32, i32
  }
  func.func @transform_2(%arg0: i32) -> (i32, i32) {
    %c0_i32 = arith.constant 0 : i32
    %c0_i32_0 = arith.constant 0 : i32
    return %arg0, %c0_i32 : i32, i32
  }
}

module attributes {stable_mosaic.version = 14 : i64} {
  func.func @_tc_scale_body(%arg0: i32, %arg1: memref<256x128xf32, #tpu.memory_space<vmem>>, %arg2: memref<256x128xf32, #tpu.memory_space<vmem>>, %arg3: memref<256x128xf32, #tpu.memory_space<vmem>>, %arg4: memref<256x128xf32, #tpu.memory_space<vmem>>) attributes {dimension_semantics = [#tpu.dimension_semantics<arbitrary>], iteration_bounds = array<i64: 40>, scalar_prefetch = 0 : i64, scratch_operands = 0 : i64, tpu.core_type = #tpu.core_type<tc>, window_params = [{transform_indices = @transform_0, window_bounds = array<i64: 256, 128>}, {transform_indices = @transform_1, window_bounds = array<i64: 256, 128>}, {transform_indices = @transform_2, window_bounds = array<i64: 256, 128>}, {transform_indices = @transform_3, window_bounds = array<i64: 256, 128>}]} {
    %get3A = arith.constant 0 : index
    %get3A_0 = arith.constant 0 : index
    %get3A_1 = vector.load %arg1[%get3A, %get3A_0] : memref<256x128xf32, #tpu.memory_space<vmem>>, vector<256x128xf32>
    %get3A_2 = arith.constant 0 : index
    %get3A_3 = arith.constant 0 : index
    %get3A_4 = vector.load %arg2[%get3A_2, %get3A_3] : memref<256x128xf32, #tpu.memory_space<vmem>>, vector<256x128xf32>
    %get3A_5 = arith.constant 0 : index
    %get3A_6 = arith.constant 0 : index
    %get3A_7 = vector.load %arg3[%get3A_5, %get3A_6] : memref<256x128xf32, #tpu.memory_space<vmem>>, vector<256x128xf32>
    %slice3A = vector.extract_strided_slice %get3A_4 {offsets = [0, 0], sizes = [256, 1], strides = [1, 1]} : vector<256x128xf32> to vector<256x1xf32>
    %slice3A_8 = vector.extract_strided_slice %get3A_7 {offsets = [0, 0], sizes = [256, 1], strides = [1, 1]} : vector<256x128xf32> to vector<256x1xf32>
    %add3A = arith.addf %slice3A, %slice3A_8 : vector<256x1xf32>
    %add3A_9 = arith.constant 1.000000e+00 : f32
    %add3A_10 = vector.broadcast %add3A_9 : f32 to vector<256x1xf32>
    %add3A_11 = arith.addf %add3A, %add3A_10 : vector<256x1xf32>
    %rsqrt3A = math.rsqrt %add3A_11 : vector<256x1xf32>
    %mul3A = vector.broadcast %rsqrt3A : vector<256x1xf32> to vector<256x128xf32>
    %mul3A_12 = arith.mulf %get3A_1, %mul3A : vector<256x128xf32>
    %swap3A = arith.constant 0 : index
    %swap3A_13 = arith.constant 0 : index
    %swap3A_14 = vector.load %arg4[%swap3A, %swap3A_13] : memref<256x128xf32, #tpu.memory_space<vmem>>, vector<256x128xf32>
    tpu.vector_store %arg4[%swap3A, %swap3A_13], %mul3A_12 {strides = array<i32>} : memref<256x128xf32, #tpu.memory_space<vmem>>, vector<256x128xf32>,
    return
  }
  func.func @transform_0(%arg0: i32) -> (i32, i32) {
    %c0_i32 = arith.constant 0 : i32
    %c0_i32_0 = arith.constant 0 : i32
    return %arg0, %c0_i32 : i32, i32
  }
  func.func @transform_1(%arg0: i32) -> (i32, i32) {
    %c0_i32 = arith.constant 0 : i32
    %c0_i32_0 = arith.constant 0 : i32
    return %arg0, %c0_i32 : i32, i32
  }
  func.func @transform_2(%arg0: i32) -> (i32, i32) {
    %c0_i32 = arith.constant 0 : i32
    %c0_i32_0 = arith.constant 0 : i32
    return %arg0, %c0_i32 : i32, i32
  }
  func.func @transform_3(%arg0: i32) -> (i32, i32) {
    %c0_i32 = arith.constant 0 : i32
    %c0_i32_0 = arith.constant 0 : i32
    return %arg0, %c0_i32 : i32, i32
  }
}

module attributes {stable_mosaic.version = 14 : i64} {
  func.func @_tc_mid_body(%arg0: i32, %arg1: memref<256x128xf32, #tpu.memory_space<vmem>>, %arg2: memref<256x128xf32, #tpu.memory_space<vmem>>, %arg3: memref<256x128xf32, #tpu.memory_space<vmem>>, %arg4: memref<256x128xf32, #tpu.memory_space<vmem>>, %arg5: memref<256x128xf32, #tpu.memory_space<vmem>>, %arg6: memref<256x128xf32, #tpu.memory_space<vmem>>, %arg7: memref<128xf32, #tpu.memory_space<vmem>>, %arg8: memref<128xf32, #tpu.memory_space<vmem>>, %arg9: memref<128xf32, #tpu.memory_space<vmem>>, %arg10: memref<128x128xf32, #tpu.memory_space<vmem>>, %arg11: memref<256x128xf32, #tpu.memory_space<vmem>>, %arg12: memref<256x128xf32, #tpu.memory_space<vmem>>) attributes {dimension_semantics = [#tpu.dimension_semantics<arbitrary>], iteration_bounds = array<i64: 40>, scalar_prefetch = 0 : i64, scratch_operands = 0 : i64, tpu.core_type = #tpu.core_type<tc>, window_params = [{transform_indices = @transform_0, window_bounds = array<i64: 256, 128>}, {transform_indices = @transform_1, window_bounds = array<i64: 256, 128>}, {transform_indices = @transform_2, window_bounds = array<i64: 256, 128>}, {transform_indices = @transform_3, window_bounds = array<i64: 256, 128>}, {transform_indices = @transform_4, window_bounds = array<i64: 256, 128>}, {transform_indices = @transform_5, window_bounds = array<i64: 256, 128>}, {pipeline_mode = #tpu.pipeline_mode<synchronous>, transform_indices = @transform_6, window_bounds = array<i64: 128>}, {pipeline_mode = #tpu.pipeline_mode<synchronous>, transform_indices = @transform_7, window_bounds = array<i64: 128>}, {pipeline_mode = #tpu.pipeline_mode<synchronous>, transform_indices = @transform_8, window_bounds = array<i64: 128>}, {pipeline_mode = #tpu.pipeline_mode<synchronous>, transform_indices = @transform_9, window_bounds = array<i64: 128, 128>}, {transform_indices = @transform_10, window_bounds = array<i64: 256, 128>}, {transform_indices = @transform_11, window_bounds = array<i64: 256, 128>}]} {
    %get3A = arith.constant 0 : index
    %get3A_0 = arith.constant 0 : index
    %get3A_1 = vector.load %arg4[%get3A, %get3A_0] : memref<256x128xf32, #tpu.memory_space<vmem>>, vector<256x128xf32>
    %get3A_2 = arith.constant 0 : index
    %get3A_3 = arith.constant 0 : index
    %get3A_4 = vector.load %arg5[%get3A_2, %get3A_3] : memref<256x128xf32, #tpu.memory_space<vmem>>, vector<256x128xf32>
    %slice3A = vector.extract_strided_slice %get3A_1 {offsets = [0, 0], sizes = [256, 1], strides = [1, 1]} : vector<256x128xf32> to vector<256x1xf32>
    %slice3A_5 = vector.extract_strided_slice %get3A_4 {offsets = [0, 0], sizes = [256, 1], strides = [1, 1]} : vector<256x128xf32> to vector<256x1xf32>
    %add3A = arith.addf %slice3A, %slice3A_5 : vector<256x1xf32>
    %add3A_6 = arith.constant 1.000000e+00 : f32
    %add3A_7 = vector.broadcast %add3A_6 : f32 to vector<256x1xf32>
    %add3A_8 = arith.addf %add3A, %add3A_7 : vector<256x1xf32>
    %rsqrt3A = math.rsqrt %add3A_8 : vector<256x1xf32>
    %get3A_9 = arith.constant 0 : index
    %get3A_10 = arith.constant 0 : index
    %get3A_11 = vector.load %arg1[%get3A_9, %get3A_10] : memref<256x128xf32, #tpu.memory_space<vmem>>, vector<256x128xf32>
    %get3A_12 = arith.constant 0 : index
    %get3A_13 = arith.constant 0 : index
    %get3A_14 = vector.load %arg2[%get3A_12, %get3A_13] : memref<256x128xf32, #tpu.memory_space<vmem>>, vector<256x128xf32>
    %get3A_15 = arith.constant 0 : index
    %get3A_16 = arith.constant 0 : index
    %get3A_17 = vector.load %arg3[%get3A_15, %get3A_16] : memref<256x128xf32, #tpu.memory_space<vmem>>, vector<256x128xf32>
    %get3A_18 = arith.constant 0 : index
    %get3A_19 = vector.load %arg7[%get3A_18] : memref<128xf32, #tpu.memory_space<vmem>>, vector<128xf32>
    %get3A_20 = arith.constant 0 : index
    %get3A_21 = vector.load %arg8[%get3A_20] : memref<128xf32, #tpu.memory_space<vmem>>, vector<128xf32>
    %get3A_22 = arith.constant 0 : index
    %get3A_23 = vector.load %arg9[%get3A_22] : memref<128xf32, #tpu.memory_space<vmem>>, vector<128xf32>
    %add3A_24 = arith.addf %get3A_14, %get3A_17 : vector<256x128xf32>
    %add3A_25 = arith.addf %add3A_24, %get3A_11 : vector<256x128xf32>
    %mul3A = vector.broadcast %rsqrt3A : vector<256x1xf32> to vector<256x128xf32>
    %mul3A_26 = arith.mulf %mul3A, %add3A_25 : vector<256x128xf32>
    %broadcast_in_dim3A = vector.shape_cast %get3A_19 : vector<128xf32> to vector<1x128xf32>
    %add3A_27 = vector.broadcast %broadcast_in_dim3A : vector<1x128xf32> to vector<256x128xf32>
    %add3A_28 = arith.addf %mul3A_26, %add3A_27 : vector<256x128xf32>
    %reduce_sum3A = arith.constant dense<0.000000e+00> : vector<256xf32>
    %reduce_sum3A_29 = vector.multi_reduction <add>, %add3A_28, %reduce_sum3A [1] : vector<256x128xf32> to vector<256xf32>
    %broadcast_in_dim3A_30 = vector.shape_cast %reduce_sum3A_29 : vector<256xf32> to vector<256x1xf32>
    %div3A = arith.constant 1.280000e+02 : f32
    %div3A_31 = vector.broadcast %div3A : f32 to vector<256x1xf32>
    %div3A_32 = arith.divf %broadcast_in_dim3A_30, %div3A_31 : vector<256x1xf32>
    %sub3A = vector.broadcast %div3A_32 : vector<256x1xf32> to vector<256x128xf32>
    %sub3A_33 = arith.subf %add3A_28, %sub3A : vector<256x128xf32>
    %integer_pow3A = arith.mulf %sub3A_33, %sub3A_33 : vector<256x128xf32>
    %reduce_sum3A_34 = arith.constant dense<0.000000e+00> : vector<256xf32>
    %reduce_sum3A_35 = vector.multi_reduction <add>, %integer_pow3A, %reduce_sum3A_34 [1] : vector<256x128xf32> to vector<256xf32>
    %broadcast_in_dim3A_36 = vector.shape_cast %reduce_sum3A_35 : vector<256xf32> to vector<256x1xf32>
    %div3A_37 = arith.constant 1.280000e+02 : f32
    %div3A_38 = vector.broadcast %div3A_37 : f32 to vector<256x1xf32>
    %div3A_39 = arith.divf %broadcast_in_dim3A_36, %div3A_38 : vector<256x1xf32>
    %sub3A_40 = vector.broadcast %div3A_32 : vector<256x1xf32> to vector<256x128xf32>
    %sub3A_41 = arith.subf %add3A_28, %sub3A_40 : vector<256x128xf32>
    %add3A_42 = arith.constant 9.99999974E-6 : f32
    %add3A_43 = vector.broadcast %add3A_42 : f32 to vector<256x1xf32>
    %add3A_44 = arith.addf %div3A_39, %add3A_43 : vector<256x1xf32>
    %rsqrt3A_45 = math.rsqrt %add3A_44 : vector<256x1xf32>
    %mul3A_46 = vector.broadcast %rsqrt3A_45 : vector<256x1xf32> to vector<256x128xf32>
    %mul3A_47 = arith.mulf %sub3A_41, %mul3A_46 : vector<256x128xf32>
    %broadcast_in_dim3A_48 = vector.shape_cast %get3A_21 : vector<128xf32> to vector<1x128xf32>
    %mul3A_49 = vector.broadcast %broadcast_in_dim3A_48 : vector<1x128xf32> to vector<256x128xf32>
    %mul3A_50 = arith.mulf %mul3A_47, %mul3A_49 : vector<256x128xf32>
    %broadcast_in_dim3A_51 = vector.shape_cast %get3A_23 : vector<128xf32> to vector<1x128xf32>
    %add3A_52 = vector.broadcast %broadcast_in_dim3A_51 : vector<1x128xf32> to vector<256x128xf32>
    %add3A_53 = arith.addf %mul3A_50, %add3A_52 : vector<256x128xf32>
    %max3A = arith.constant 0.000000e+00 : f32
    %max3A_54 = vector.broadcast %max3A : f32 to vector<256x128xf32>
    %max3A_55 = arith.maximumf %add3A_53, %max3A_54 : vector<256x128xf32>
    %swap3A = arith.constant 0 : index
    %swap3A_56 = arith.constant 0 : index
    %swap3A_57 = vector.load %arg11[%swap3A, %swap3A_56] : memref<256x128xf32, #tpu.memory_space<vmem>>, vector<256x128xf32>
    tpu.vector_store %arg11[%swap3A, %swap3A_56], %max3A_55 {strides = array<i32>} : memref<256x128xf32, #tpu.memory_space<vmem>>, vector<256x128xf32>,
    %get3A_58 = arith.constant 0 : index
    %get3A_59 = arith.constant 0 : index
    %get3A_60 = vector.load %arg10[%get3A_58, %get3A_59] : memref<128x128xf32, #tpu.memory_space<vmem>>, vector<128x128xf32>
    %dot_general3A = arith.constant dense<0.000000e+00> : vector<256x128xf32>
    %dot_general3A_61 = tpu.matmul %max3A_55, %get3A_60, %dot_general3A {dimension_numbers = #tpu.dot_dimension_numbers<[1], [0], [0], [1], [0, 0, 1, 1], [], []>, transpose_lhs_hint = false} : vector<256x128xf32>, vector<128x128xf32>, vector<256x128xf32> -> vector<256x128xf32>
    %mul3A_62 = vector.broadcast %rsqrt3A : vector<256x1xf32> to vector<256x128xf32>
    %mul3A_63 = arith.mulf %dot_general3A_61, %mul3A_62 : vector<256x128xf32>
    %swap3A_64 = arith.constant 0 : index
    %swap3A_65 = arith.constant 0 : index
    %swap3A_66 = vector.load %arg12[%swap3A_64, %swap3A_65] : memref<256x128xf32, #tpu.memory_space<vmem>>, vector<256x128xf32>
    tpu.vector_store %arg12[%swap3A_64, %swap3A_65], %mul3A_63 {strides = array<i32>} : memref<256x128xf32, #tpu.memory_space<vmem>>, vector<256x128xf32>,
    return
  }
  func.func @transform_0(%arg0: i32) -> (i32, i32) {
    %c0_i32 = arith.constant 0 : i32
    %c0_i32_0 = arith.constant 0 : i32
    return %arg0, %c0_i32 : i32, i32
  }
  func.func @transform_1(%arg0: i32) -> (i32, i32) {
    %c0_i32 = arith.constant 0 : i32
    %c0_i32_0 = arith.constant 0 : i32
    return %arg0, %c0_i32 : i32, i32
  }
  func.func @transform_2(%arg0: i32) -> (i32, i32) {
    %c0_i32 = arith.constant 0 : i32
    %c0_i32_0 = arith.constant 0 : i32
    return %arg0, %c0_i32 : i32, i32
  }
  func.func @transform_3(%arg0: i32) -> (i32, i32) {
    %c0_i32 = arith.constant 0 : i32
    %c0_i32_0 = arith.constant 0 : i32
    return %arg0, %c0_i32 : i32, i32
  }
  func.func @transform_4(%arg0: i32) -> (i32, i32) {
    %c0_i32 = arith.constant 0 : i32
    %c0_i32_0 = arith.constant 0 : i32
    return %arg0, %c0_i32 : i32, i32
  }
  func.func @transform_5(%arg0: i32) -> (i32, i32) {
    %c0_i32 = arith.constant 0 : i32
    %c0_i32_0 = arith.constant 0 : i32
    return %arg0, %c0_i32 : i32, i32
  }
  func.func @transform_6(%arg0: i32) -> i32 {
    %c0_i32 = arith.constant 0 : i32
    %c0_i32_0 = arith.constant 0 : i32
    return %c0_i32 : i32
  }
  func.func @transform_7(%arg0: i32) -> i32 {
    %c0_i32 = arith.constant 0 : i32
    %c0_i32_0 = arith.constant 0 : i32
    return %c0_i32 : i32
  }
  func.func @transform_8(%arg0: i32) -> i32 {
    %c0_i32 = arith.constant 0 : i32
    %c0_i32_0 = arith.constant 0 : i32
    return %c0_i32 : i32
  }
  func.func @transform_9(%arg0: i32) -> (i32, i32) {
    %c0_i32 = arith.constant 0 : i32
    %c0_i32_0 = arith.constant 0 : i32
    %c0_i32_1 = arith.constant 0 : i32
    return %c0_i32, %c0_i32_0 : i32, i32
  }
  func.func @transform_10(%arg0: i32) -> (i32, i32) {
    %c0_i32 = arith.constant 0 : i32
    %c0_i32_0 = arith.constant 0 : i32
    return %arg0, %c0_i32 : i32, i32
  }
  func.func @transform_11(%arg0: i32) -> (i32, i32) {
    %c0_i32 = arith.constant 0 : i32
    %c0_i32_0 = arith.constant 0 : i32
    return %arg0, %c0_i32 : i32, i32
  }
}

module attributes {stable_mosaic.version = 14 : i64} {
  func.func @_tc_mid_body(%arg0: i32, %arg1: memref<256x128xf32, #tpu.memory_space<vmem>>, %arg2: memref<256x128xf32, #tpu.memory_space<vmem>>, %arg3: memref<256x128xf32, #tpu.memory_space<vmem>>, %arg4: memref<256x128xf32, #tpu.memory_space<vmem>>, %arg5: memref<256x128xf32, #tpu.memory_space<vmem>>, %arg6: memref<256x128xf32, #tpu.memory_space<vmem>>, %arg7: memref<128xf32, #tpu.memory_space<vmem>>, %arg8: memref<128xf32, #tpu.memory_space<vmem>>, %arg9: memref<128xf32, #tpu.memory_space<vmem>>, %arg10: memref<128x128xf32, #tpu.memory_space<vmem>>, %arg11: memref<256x128xf32, #tpu.memory_space<vmem>>, %arg12: memref<256x128xf32, #tpu.memory_space<vmem>>) attributes {dimension_semantics = [#tpu.dimension_semantics<arbitrary>], iteration_bounds = array<i64: 40>, scalar_prefetch = 0 : i64, scratch_operands = 0 : i64, tpu.core_type = #tpu.core_type<tc>, window_params = [{transform_indices = @transform_0, window_bounds = array<i64: 256, 128>}, {transform_indices = @transform_1, window_bounds = array<i64: 256, 128>}, {transform_indices = @transform_2, window_bounds = array<i64: 256, 128>}, {transform_indices = @transform_3, window_bounds = array<i64: 256, 128>}, {transform_indices = @transform_4, window_bounds = array<i64: 256, 128>}, {transform_indices = @transform_5, window_bounds = array<i64: 256, 128>}, {pipeline_mode = #tpu.pipeline_mode<synchronous>, transform_indices = @transform_6, window_bounds = array<i64: 128>}, {pipeline_mode = #tpu.pipeline_mode<synchronous>, transform_indices = @transform_7, window_bounds = array<i64: 128>}, {pipeline_mode = #tpu.pipeline_mode<synchronous>, transform_indices = @transform_8, window_bounds = array<i64: 128>}, {pipeline_mode = #tpu.pipeline_mode<synchronous>, transform_indices = @transform_9, window_bounds = array<i64: 128, 128>}, {transform_indices = @transform_10, window_bounds = array<i64: 256, 128>}, {transform_indices = @transform_11, window_bounds = array<i64: 256, 128>}]} {
    %get3A = arith.constant 0 : index
    %get3A_0 = arith.constant 0 : index
    %get3A_1 = vector.load %arg4[%get3A, %get3A_0] : memref<256x128xf32, #tpu.memory_space<vmem>>, vector<256x128xf32>
    %get3A_2 = arith.constant 0 : index
    %get3A_3 = arith.constant 0 : index
    %get3A_4 = vector.load %arg5[%get3A_2, %get3A_3] : memref<256x128xf32, #tpu.memory_space<vmem>>, vector<256x128xf32>
    %slice3A = vector.extract_strided_slice %get3A_1 {offsets = [0, 0], sizes = [256, 1], strides = [1, 1]} : vector<256x128xf32> to vector<256x1xf32>
    %slice3A_5 = vector.extract_strided_slice %get3A_4 {offsets = [0, 0], sizes = [256, 1], strides = [1, 1]} : vector<256x128xf32> to vector<256x1xf32>
    %add3A = arith.addf %slice3A, %slice3A_5 : vector<256x1xf32>
    %add3A_6 = arith.constant 1.000000e+00 : f32
    %add3A_7 = vector.broadcast %add3A_6 : f32 to vector<256x1xf32>
    %add3A_8 = arith.addf %add3A, %add3A_7 : vector<256x1xf32>
    %rsqrt3A = math.rsqrt %add3A_8 : vector<256x1xf32>
    %get3A_9 = arith.constant 0 : index
    %get3A_10 = arith.constant 0 : index
    %get3A_11 = vector.load %arg1[%get3A_9, %get3A_10] : memref<256x128xf32, #tpu.memory_space<vmem>>, vector<256x128xf32>
    %get3A_12 = arith.constant 0 : index
    %get3A_13 = arith.constant 0 : index
    %get3A_14 = vector.load %arg2[%get3A_12, %get3A_13] : memref<256x128xf32, #tpu.memory_space<vmem>>, vector<256x128xf32>
    %get3A_15 = arith.constant 0 : index
    %get3A_16 = arith.constant 0 : index
    %get3A_17 = vector.load %arg3[%get3A_15, %get3A_16] : memref<256x128xf32, #tpu.memory_space<vmem>>, vector<256x128xf32>
    %get3A_18 = arith.constant 0 : index
    %get3A_19 = vector.load %arg7[%get3A_18] : memref<128xf32, #tpu.memory_space<vmem>>, vector<128xf32>
    %get3A_20 = arith.constant 0 : index
    %get3A_21 = vector.load %arg8[%get3A_20] : memref<128xf32, #tpu.memory_space<vmem>>, vector<128xf32>
    %get3A_22 = arith.constant 0 : index
    %get3A_23 = vector.load %arg9[%get3A_22] : memref<128xf32, #tpu.memory_space<vmem>>, vector<128xf32>
    %add3A_24 = arith.addf %get3A_14, %get3A_17 : vector<256x128xf32>
    %add3A_25 = arith.addf %add3A_24, %get3A_11 : vector<256x128xf32>
    %mul3A = vector.broadcast %rsqrt3A : vector<256x1xf32> to vector<256x128xf32>
    %mul3A_26 = arith.mulf %mul3A, %add3A_25 : vector<256x128xf32>
    %broadcast_in_dim3A = vector.shape_cast %get3A_19 : vector<128xf32> to vector<1x128xf32>
    %add3A_27 = vector.broadcast %broadcast_in_dim3A : vector<1x128xf32> to vector<256x128xf32>
    %add3A_28 = arith.addf %mul3A_26, %add3A_27 : vector<256x128xf32>
    %reduce_sum3A = arith.constant dense<0.000000e+00> : vector<256xf32>
    %reduce_sum3A_29 = vector.multi_reduction <add>, %add3A_28, %reduce_sum3A [1] : vector<256x128xf32> to vector<256xf32>
    %broadcast_in_dim3A_30 = vector.shape_cast %reduce_sum3A_29 : vector<256xf32> to vector<256x1xf32>
    %div3A = arith.constant 1.280000e+02 : f32
    %div3A_31 = vector.broadcast %div3A : f32 to vector<256x1xf32>
    %div3A_32 = arith.divf %broadcast_in_dim3A_30, %div3A_31 : vector<256x1xf32>
    %sub3A = vector.broadcast %div3A_32 : vector<256x1xf32> to vector<256x128xf32>
    %sub3A_33 = arith.subf %add3A_28, %sub3A : vector<256x128xf32>
    %integer_pow3A = arith.mulf %sub3A_33, %sub3A_33 : vector<256x128xf32>
    %reduce_sum3A_34 = arith.constant dense<0.000000e+00> : vector<256xf32>
    %reduce_sum3A_35 = vector.multi_reduction <add>, %integer_pow3A, %reduce_sum3A_34 [1] : vector<256x128xf32> to vector<256xf32>
    %broadcast_in_dim3A_36 = vector.shape_cast %reduce_sum3A_35 : vector<256xf32> to vector<256x1xf32>
    %div3A_37 = arith.constant 1.280000e+02 : f32
    %div3A_38 = vector.broadcast %div3A_37 : f32 to vector<256x1xf32>
    %div3A_39 = arith.divf %broadcast_in_dim3A_36, %div3A_38 : vector<256x1xf32>
    %sub3A_40 = vector.broadcast %div3A_32 : vector<256x1xf32> to vector<256x128xf32>
    %sub3A_41 = arith.subf %add3A_28, %sub3A_40 : vector<256x128xf32>
    %add3A_42 = arith.constant 9.99999974E-6 : f32
    %add3A_43 = vector.broadcast %add3A_42 : f32 to vector<256x1xf32>
    %add3A_44 = arith.addf %div3A_39, %add3A_43 : vector<256x1xf32>
    %rsqrt3A_45 = math.rsqrt %add3A_44 : vector<256x1xf32>
    %mul3A_46 = vector.broadcast %rsqrt3A_45 : vector<256x1xf32> to vector<256x128xf32>
    %mul3A_47 = arith.mulf %sub3A_41, %mul3A_46 : vector<256x128xf32>
    %broadcast_in_dim3A_48 = vector.shape_cast %get3A_21 : vector<128xf32> to vector<1x128xf32>
    %mul3A_49 = vector.broadcast %broadcast_in_dim3A_48 : vector<1x128xf32> to vector<256x128xf32>
    %mul3A_50 = arith.mulf %mul3A_47, %mul3A_49 : vector<256x128xf32>
    %broadcast_in_dim3A_51 = vector.shape_cast %get3A_23 : vector<128xf32> to vector<1x128xf32>
    %add3A_52 = vector.broadcast %broadcast_in_dim3A_51 : vector<1x128xf32> to vector<256x128xf32>
    %add3A_53 = arith.addf %mul3A_50, %add3A_52 : vector<256x128xf32>
    %max3A = arith.constant 0.000000e+00 : f32
    %max3A_54 = vector.broadcast %max3A : f32 to vector<256x128xf32>
    %max3A_55 = arith.maximumf %add3A_53, %max3A_54 : vector<256x128xf32>
    %get3A_56 = arith.constant 0 : index
    %get3A_57 = arith.constant 0 : index
    %get3A_58 = vector.load %arg6[%get3A_56, %get3A_57] : memref<256x128xf32, #tpu.memory_space<vmem>>, vector<256x128xf32>
    %add3A_59 = arith.addf %max3A_55, %get3A_58 : vector<256x128xf32>
    %swap3A = arith.constant 0 : index
    %swap3A_60 = arith.constant 0 : index
    %swap3A_61 = vector.load %arg11[%swap3A, %swap3A_60] : memref<256x128xf32, #tpu.memory_space<vmem>>, vector<256x128xf32>
    tpu.vector_store %arg11[%swap3A, %swap3A_60], %add3A_59 {strides = array<i32>} : memref<256x128xf32, #tpu.memory_space<vmem>>, vector<256x128xf32>,
    %get3A_62 = arith.constant 0 : index
    %get3A_63 = arith.constant 0 : index
    %get3A_64 = vector.load %arg10[%get3A_62, %get3A_63] : memref<128x128xf32, #tpu.memory_space<vmem>>, vector<128x128xf32>
    %dot_general3A = arith.constant dense<0.000000e+00> : vector<256x128xf32>
    %dot_general3A_65 = tpu.matmul %add3A_59, %get3A_64, %dot_general3A {dimension_numbers = #tpu.dot_dimension_numbers<[1], [0], [0], [1], [0, 0, 1, 1], [], []>, transpose_lhs_hint = false} : vector<256x128xf32>, vector<128x128xf32>, vector<256x128xf32> -> vector<256x128xf32>
    %mul3A_66 = vector.broadcast %rsqrt3A : vector<256x1xf32> to vector<256x128xf32>
    %mul3A_67 = arith.mulf %dot_general3A_65, %mul3A_66 : vector<256x128xf32>
    %swap3A_68 = arith.constant 0 : index
    %swap3A_69 = arith.constant 0 : index
    %swap3A_70 = vector.load %arg12[%swap3A_68, %swap3A_69] : memref<256x128xf32, #tpu.memory_space<vmem>>, vector<256x128xf32>
    tpu.vector_store %arg12[%swap3A_68, %swap3A_69], %mul3A_67 {strides = array<i32>} : memref<256x128xf32, #tpu.memory_space<vmem>>, vector<256x128xf32>,
    return
  }
  func.func @transform_0(%arg0: i32) -> (i32, i32) {
    %c0_i32 = arith.constant 0 : i32
    %c0_i32_0 = arith.constant 0 : i32
    return %arg0, %c0_i32 : i32, i32
  }
  func.func @transform_1(%arg0: i32) -> (i32, i32) {
    %c0_i32 = arith.constant 0 : i32
    %c0_i32_0 = arith.constant 0 : i32
    return %arg0, %c0_i32 : i32, i32
  }
  func.func @transform_2(%arg0: i32) -> (i32, i32) {
    %c0_i32 = arith.constant 0 : i32
    %c0_i32_0 = arith.constant 0 : i32
    return %arg0, %c0_i32 : i32, i32
  }
  func.func @transform_3(%arg0: i32) -> (i32, i32) {
    %c0_i32 = arith.constant 0 : i32
    %c0_i32_0 = arith.constant 0 : i32
    return %arg0, %c0_i32 : i32, i32
  }
  func.func @transform_4(%arg0: i32) -> (i32, i32) {
    %c0_i32 = arith.constant 0 : i32
    %c0_i32_0 = arith.constant 0 : i32
    return %arg0, %c0_i32 : i32, i32
  }
  func.func @transform_5(%arg0: i32) -> (i32, i32) {
    %c0_i32 = arith.constant 0 : i32
    %c0_i32_0 = arith.constant 0 : i32
    return %arg0, %c0_i32 : i32, i32
  }
  func.func @transform_6(%arg0: i32) -> i32 {
    %c0_i32 = arith.constant 0 : i32
    %c0_i32_0 = arith.constant 0 : i32
    return %c0_i32 : i32
  }
  func.func @transform_7(%arg0: i32) -> i32 {
    %c0_i32 = arith.constant 0 : i32
    %c0_i32_0 = arith.constant 0 : i32
    return %c0_i32 : i32
  }
  func.func @transform_8(%arg0: i32) -> i32 {
    %c0_i32 = arith.constant 0 : i32
    %c0_i32_0 = arith.constant 0 : i32
    return %c0_i32 : i32
  }
  func.func @transform_9(%arg0: i32) -> (i32, i32) {
    %c0_i32 = arith.constant 0 : i32
    %c0_i32_0 = arith.constant 0 : i32
    %c0_i32_1 = arith.constant 0 : i32
    return %c0_i32, %c0_i32_0 : i32, i32
  }
  func.func @transform_10(%arg0: i32) -> (i32, i32) {
    %c0_i32 = arith.constant 0 : i32
    %c0_i32_0 = arith.constant 0 : i32
    return %arg0, %c0_i32 : i32, i32
  }
  func.func @transform_11(%arg0: i32) -> (i32, i32) {
    %c0_i32 = arith.constant 0 : i32
    %c0_i32_0 = arith.constant 0 : i32
    return %arg0, %c0_i32 : i32, i32
  }
}

module attributes {stable_mosaic.version = 14 : i64} {
  func.func @_tc_final_body(%arg0: i32, %arg1: memref<256x128xf32, #tpu.memory_space<vmem>>, %arg2: memref<256x128xf32, #tpu.memory_space<vmem>>, %arg3: memref<256x128xf32, #tpu.memory_space<vmem>>, %arg4: memref<256x128xf32, #tpu.memory_space<vmem>>, %arg5: memref<256x128xf32, #tpu.memory_space<vmem>>, %arg6: memref<256x128xf32, #tpu.memory_space<vmem>>, %arg7: memref<128xf32, #tpu.memory_space<vmem>>, %arg8: memref<128xf32, #tpu.memory_space<vmem>>, %arg9: memref<128xf32, #tpu.memory_space<vmem>>, %arg10: memref<256x128xf32, #tpu.memory_space<vmem>>) attributes {dimension_semantics = [#tpu.dimension_semantics<arbitrary>], iteration_bounds = array<i64: 40>, scalar_prefetch = 0 : i64, scratch_operands = 0 : i64, tpu.core_type = #tpu.core_type<tc>, window_params = [{transform_indices = @transform_0, window_bounds = array<i64: 256, 128>}, {transform_indices = @transform_1, window_bounds = array<i64: 256, 128>}, {transform_indices = @transform_2, window_bounds = array<i64: 256, 128>}, {transform_indices = @transform_3, window_bounds = array<i64: 256, 128>}, {transform_indices = @transform_4, window_bounds = array<i64: 256, 128>}, {transform_indices = @transform_5, window_bounds = array<i64: 256, 128>}, {pipeline_mode = #tpu.pipeline_mode<synchronous>, transform_indices = @transform_6, window_bounds = array<i64: 128>}, {pipeline_mode = #tpu.pipeline_mode<synchronous>, transform_indices = @transform_7, window_bounds = array<i64: 128>}, {pipeline_mode = #tpu.pipeline_mode<synchronous>, transform_indices = @transform_8, window_bounds = array<i64: 128>}, {transform_indices = @transform_9, window_bounds = array<i64: 256, 128>}]} {
    %get3A = arith.constant 0 : index
    %get3A_0 = arith.constant 0 : index
    %get3A_1 = vector.load %arg4[%get3A, %get3A_0] : memref<256x128xf32, #tpu.memory_space<vmem>>, vector<256x128xf32>
    %get3A_2 = arith.constant 0 : index
    %get3A_3 = arith.constant 0 : index
    %get3A_4 = vector.load %arg5[%get3A_2, %get3A_3] : memref<256x128xf32, #tpu.memory_space<vmem>>, vector<256x128xf32>
    %slice3A = vector.extract_strided_slice %get3A_1 {offsets = [0, 0], sizes = [256, 1], strides = [1, 1]} : vector<256x128xf32> to vector<256x1xf32>
    %slice3A_5 = vector.extract_strided_slice %get3A_4 {offsets = [0, 0], sizes = [256, 1], strides = [1, 1]} : vector<256x128xf32> to vector<256x1xf32>
    %add3A = arith.addf %slice3A, %slice3A_5 : vector<256x1xf32>
    %add3A_6 = arith.constant 1.000000e+00 : f32
    %add3A_7 = vector.broadcast %add3A_6 : f32 to vector<256x1xf32>
    %add3A_8 = arith.addf %add3A, %add3A_7 : vector<256x1xf32>
    %rsqrt3A = math.rsqrt %add3A_8 : vector<256x1xf32>
    %get3A_9 = arith.constant 0 : index
    %get3A_10 = arith.constant 0 : index
    %get3A_11 = vector.load %arg1[%get3A_9, %get3A_10] : memref<256x128xf32, #tpu.memory_space<vmem>>, vector<256x128xf32>
    %get3A_12 = arith.constant 0 : index
    %get3A_13 = arith.constant 0 : index
    %get3A_14 = vector.load %arg2[%get3A_12, %get3A_13] : memref<256x128xf32, #tpu.memory_space<vmem>>, vector<256x128xf32>
    %get3A_15 = arith.constant 0 : index
    %get3A_16 = arith.constant 0 : index
    %get3A_17 = vector.load %arg3[%get3A_15, %get3A_16] : memref<256x128xf32, #tpu.memory_space<vmem>>, vector<256x128xf32>
    %get3A_18 = arith.constant 0 : index
    %get3A_19 = vector.load %arg7[%get3A_18] : memref<128xf32, #tpu.memory_space<vmem>>, vector<128xf32>
    %get3A_20 = arith.constant 0 : index
    %get3A_21 = vector.load %arg8[%get3A_20] : memref<128xf32, #tpu.memory_space<vmem>>, vector<128xf32>
    %get3A_22 = arith.constant 0 : index
    %get3A_23 = vector.load %arg9[%get3A_22] : memref<128xf32, #tpu.memory_space<vmem>>, vector<128xf32>
    %add3A_24 = arith.addf %get3A_14, %get3A_17 : vector<256x128xf32>
    %add3A_25 = arith.addf %add3A_24, %get3A_11 : vector<256x128xf32>
    %mul3A = vector.broadcast %rsqrt3A : vector<256x1xf32> to vector<256x128xf32>
    %mul3A_26 = arith.mulf %mul3A, %add3A_25 : vector<256x128xf32>
    %broadcast_in_dim3A = vector.shape_cast %get3A_19 : vector<128xf32> to vector<1x128xf32>
    %add3A_27 = vector.broadcast %broadcast_in_dim3A : vector<1x128xf32> to vector<256x128xf32>
    %add3A_28 = arith.addf %mul3A_26, %add3A_27 : vector<256x128xf32>
    %reduce_sum3A = arith.constant dense<0.000000e+00> : vector<256xf32>
    %reduce_sum3A_29 = vector.multi_reduction <add>, %add3A_28, %reduce_sum3A [1] : vector<256x128xf32> to vector<256xf32>
    %broadcast_in_dim3A_30 = vector.shape_cast %reduce_sum3A_29 : vector<256xf32> to vector<256x1xf32>
    %div3A = arith.constant 1.280000e+02 : f32
    %div3A_31 = vector.broadcast %div3A : f32 to vector<256x1xf32>
    %div3A_32 = arith.divf %broadcast_in_dim3A_30, %div3A_31 : vector<256x1xf32>
    %sub3A = vector.broadcast %div3A_32 : vector<256x1xf32> to vector<256x128xf32>
    %sub3A_33 = arith.subf %add3A_28, %sub3A : vector<256x128xf32>
    %integer_pow3A = arith.mulf %sub3A_33, %sub3A_33 : vector<256x128xf32>
    %reduce_sum3A_34 = arith.constant dense<0.000000e+00> : vector<256xf32>
    %reduce_sum3A_35 = vector.multi_reduction <add>, %integer_pow3A, %reduce_sum3A_34 [1] : vector<256x128xf32> to vector<256xf32>
    %broadcast_in_dim3A_36 = vector.shape_cast %reduce_sum3A_35 : vector<256xf32> to vector<256x1xf32>
    %div3A_37 = arith.constant 1.280000e+02 : f32
    %div3A_38 = vector.broadcast %div3A_37 : f32 to vector<256x1xf32>
    %div3A_39 = arith.divf %broadcast_in_dim3A_36, %div3A_38 : vector<256x1xf32>
    %sub3A_40 = vector.broadcast %div3A_32 : vector<256x1xf32> to vector<256x128xf32>
    %sub3A_41 = arith.subf %add3A_28, %sub3A_40 : vector<256x128xf32>
    %add3A_42 = arith.constant 9.99999974E-6 : f32
    %add3A_43 = vector.broadcast %add3A_42 : f32 to vector<256x1xf32>
    %add3A_44 = arith.addf %div3A_39, %add3A_43 : vector<256x1xf32>
    %rsqrt3A_45 = math.rsqrt %add3A_44 : vector<256x1xf32>
    %mul3A_46 = vector.broadcast %rsqrt3A_45 : vector<256x1xf32> to vector<256x128xf32>
    %mul3A_47 = arith.mulf %sub3A_41, %mul3A_46 : vector<256x128xf32>
    %broadcast_in_dim3A_48 = vector.shape_cast %get3A_21 : vector<128xf32> to vector<1x128xf32>
    %mul3A_49 = vector.broadcast %broadcast_in_dim3A_48 : vector<1x128xf32> to vector<256x128xf32>
    %mul3A_50 = arith.mulf %mul3A_47, %mul3A_49 : vector<256x128xf32>
    %broadcast_in_dim3A_51 = vector.shape_cast %get3A_23 : vector<128xf32> to vector<1x128xf32>
    %add3A_52 = vector.broadcast %broadcast_in_dim3A_51 : vector<1x128xf32> to vector<256x128xf32>
    %add3A_53 = arith.addf %mul3A_50, %add3A_52 : vector<256x128xf32>
    %max3A = arith.constant 0.000000e+00 : f32
    %max3A_54 = vector.broadcast %max3A : f32 to vector<256x128xf32>
    %max3A_55 = arith.maximumf %add3A_53, %max3A_54 : vector<256x128xf32>
    %get3A_56 = arith.constant 0 : index
    %get3A_57 = arith.constant 0 : index
    %get3A_58 = vector.load %arg6[%get3A_56, %get3A_57] : memref<256x128xf32, #tpu.memory_space<vmem>>, vector<256x128xf32>
    %add3A_59 = arith.addf %max3A_55, %get3A_58 : vector<256x128xf32>
    %swap3A = arith.constant 0 : index
    %swap3A_60 = arith.constant 0 : index
    %swap3A_61 = vector.load %arg10[%swap3A, %swap3A_60] : memref<256x128xf32, #tpu.memory_space<vmem>>, vector<256x128xf32>
    tpu.vector_store %arg10[%swap3A, %swap3A_60], %add3A_59 {strides = array<i32>} : memref<256x128xf32, #tpu.memory_space<vmem>>, vector<256x128xf32>,
    return
  }
  func.func @transform_0(%arg0: i32) -> (i32, i32) {
    %c0_i32 = arith.constant 0 : i32
    %c0_i32_0 = arith.constant 0 : i32
    return %arg0, %c0_i32 : i32, i32
  }
  func.func @transform_1(%arg0: i32) -> (i32, i32) {
    %c0_i32 = arith.constant 0 : i32
    %c0_i32_0 = arith.constant 0 : i32
    return %arg0, %c0_i32 : i32, i32
  }
  func.func @transform_2(%arg0: i32) -> (i32, i32) {
    %c0_i32 = arith.constant 0 : i32
    %c0_i32_0 = arith.constant 0 : i32
    return %arg0, %c0_i32 : i32, i32
  }
  func.func @transform_3(%arg0: i32) -> (i32, i32) {
    %c0_i32 = arith.constant 0 : i32
    %c0_i32_0 = arith.constant 0 : i32
    return %arg0, %c0_i32 : i32, i32
  }
  func.func @transform_4(%arg0: i32) -> (i32, i32) {
    %c0_i32 = arith.constant 0 : i32
    %c0_i32_0 = arith.constant 0 : i32
    return %arg0, %c0_i32 : i32, i32
  }
  func.func @transform_5(%arg0: i32) -> (i32, i32) {
    %c0_i32 = arith.constant 0 : i32
    %c0_i32_0 = arith.constant 0 : i32
    return %arg0, %c0_i32 : i32, i32
  }
  func.func @transform_6(%arg0: i32) -> i32 {
    %c0_i32 = arith.constant 0 : i32
    %c0_i32_0 = arith.constant 0 : i32
    return %c0_i32 : i32
  }
  func.func @transform_7(%arg0: i32) -> i32 {
    %c0_i32 = arith.constant 0 : i32
    %c0_i32_0 = arith.constant 0 : i32
    return %c0_i32 : i32
  }
  func.func @transform_8(%arg0: i32) -> i32 {
    %c0_i32 = arith.constant 0 : i32
    %c0_i32_0 = arith.constant 0 : i32
    return %c0_i32 : i32
  }
  func.func @transform_9(%arg0: i32) -> (i32, i32) {
    %c0_i32 = arith.constant 0 : i32
    %c0_i32_0 = arith.constant 0 : i32
    return %arg0, %c0_i32 : i32, i32
  }
}

</mosaic_0001>

<sc_bundles>
// kernel: kernel.11.cloned.1.call-start
scs
__scs_entry_jumppad:
0x0: {  	(pc) =	sbr.rel $0x88, $3  }
0x1: {  	(tag) =	ssettag $0x0;
	lr =	simm.s32 $0x1  }
0x2: {  	[smem:$0x3F93] =	sst lr;
	_ =	strace $0xD0000000  }
0x3: {  	_ = 	snop  }
0x4: {  	_ = 	snop  }
0x5: {  	_ = 	snop  }
0x6: {  	_ = 	snop  }
0x7: {  	_ = 	snop  }
__scs_overlays_trampoline_lowered:
0x8: {  	[smem:$0x3FA2] =	sst s0  }
0x9: {  	[smem:$0x3FA3] =	sst s1  }
0xa: {  	[smem:$0x3FA4] =	sst s2  }
0xb: {  	[smem:$0x3FA5] =	sst s3  }
0xc: {  	[smem:$0x3FA6] =	sst s4  }
0xd: {  	[smem:$0x3FA7] =	sst s5  }
0xe: {  	[smem:$0x3FA8] =	sst s6  }
0xf: {  	[smem:$0x3FA9] =	sst s7  }
0x10: {  	[smem:$0x3FAA] =	sst s8  }
0x11: {  	[smem:$0x3FAB] =	sst s9;
	s0 =	simm.s32 @!p0 $0x0  }
0x12: {  	s1 =	sld [smem:$0x3F91];
	s0 =	simm.s32 @p0 $0x1  }
0x13: {  	[smem:$0x3FAC] =	sst s0;
	s0 =	simm.s32 @!p1 $0x0  }
0x14: {  	s2 =	sld [smem:$0x3F90];
	s0 =	simm.s32 @p1 $0x1  }
0x15: {  	[smem:$0x3FAD] =	sst s0;
	s0 =	simm.s32 @!p2 $0x0  }
0x16: {  	s3 =	sld [smem:$0x3FDB];
	s0 =	simm.s32 @p2 $0x1  }
0x17: {  	s4 =	simm.s32 $0x1BF5;
	[smem:$0x3FAF] =	sst s0  }
0x18: {  	s0 =	sld [smem:$0x3F92];
	_ =	swait.ge [sflag:s4], $0x0  }
0x19: {  	s7 =	sld [smem:$0x3F93]  }
0x1a: {  	s8 =	sadd.s32 $0xFFFFE003, lr  }
0x1b: {  	s9 =	sadd.s32 $0xFFFFFEF7, lr;
	s5 =	simm.s32 $0xFFFFFFFF;
	p2 =	slt.u32 s8, $0xFFFFF086  }
0x1c: {  	p1 =	slt.u32 s9, $0xF7A;
	s5 =	simm.s32 @!p2 $0x0  }
0x1d: {  	s5 =	simm.s32 @p1 $0x1;
	p0 =	seq.s32 s7, s2  }
0x1e: {  	s7 =	smul.u32 @!p0 $0xF7A, s2;
	p2 =	seq.s32 @!p0 s5, $0x0  }
0x1f: {  	s9 =	smul.u32 $0xF7A, s1;
	s8 =	simm.s32 @!p0 $0x1BF5;
	p2 =	por !p2, p0  }
0x20: {  	[sflag:s8] =	ssyncset.s32 @!p0 $0xFFFFF086;
	s6 =	sadd.s32 @!p0 s3, s7;
	s7 =	simm.s32 @!p0 $0x108  }
0x21: {  	s3 =	sadd.s32 s3, s9;
	s6 =	sadd.s32 @!p0 $0x88, s6;
	s7 =	simm.s32 @p2 $0x1082  }
0x22: {  	[simem:s7], [sflag:s8] =	dma.local @!p0 [hbm:s6], $0xF7A  }
0x23: {  	s9 =	sor.u32 $0xD0000000, s2;
	s6 =	simm.s32 $0x108;
	_ =	swait.ge @!p0 [sflag:s8], $0x0  }
0x24: {  	s3 =	sadd.s32 $0x88, s3;
	s6 =	simm.s32 @!p1 $0x1082;
	[sflag:s4] =	ssyncset.s32 $0xFFFFF086  }
0x25: {  	[simem:s6], [sflag:s4] =	dma.local [hbm:s3], $0xF7A  }
0x26: {  	[smem:$0x3F93] =	sst s1;
	(tag) =	ssettag s2;
	_ =	strace s9  }
0x27: {  	s1 =	sld [smem:$0x3FA3]  }
0x28: {  	s2 =	sld [smem:$0x3FA4]  }
0x29: {  	s4 =	sld [smem:$0x3FA6]  }
0x2a: {  	p0 =	seq.s32 s5, $0x0;
	s5 =	sld [smem:$0x3FA7]  }
0x2b: {  	s6 =	sld [smem:$0x3FA8]  }
0x2c: {  	s7 =	sld [smem:$0x3FA9]  }
0x2d: {  	s3 =	simm.s32 $0x108;
	s8 =	sld [smem:$0x3FAA]  }
0x2e: {  	s3 =	simm.s32 @!p0 $0x1082;
	s9 =	sld [smem:$0x3FAB]  }
0x2f: {  	lr =	sadd.s32 s0, s3;
	s0 =	sld [smem:$0x3FA2]  }
0x30: {  	s3 =	sld [smem:$0x3FA5]  }
0x31: {  	[smem:$0x3FAE] =	sst s10  }
0x32: {  	s10 =	sld [smem:$0x3FAC];
	_ =	sdelay $0x3  }
0x33: {  	p0 =	seq.s32 s10, $0x1;
	s10 =	sld [smem:$0x3FAE];
	_ =	sdelay $0x3  }
0x34: {  	[smem:$0x3FAE] =	sst s10  }
0x35: {  	s10 =	sld [smem:$0x3FAD];
	_ =	sdelay $0x3  }
0x36: {  	p1 =	seq.s32 s10, $0x1;
	s10 =	sld [smem:$0x3FAE];
	_ =	sdelay $0x3  }
0x37: {  	[smem:$0x3FAE] =	sst s10  }
0x38: {  	s10 =	sld [smem:$0x3FAF]  }
0x39: {  	_ = 	snop;
	(pc) =	sbr.ind lr, $3  }
0x3a: {  	_ = 	snop  }
0x3b: {  	_ = 	snop  }
0x3c: {  	p2 =	seq.s32 s10, $0x1;
	s10 =	sld [smem:$0x3FAE]  }
0x3d: {  	_ =	shalt  }
0x3e: {  	_ =	shalt  }
0x3f: {  	_ =	shalt  }
0x40: {  	_ =	shalt  }
0x41: {  	_ =	shalt  }
0x42: {  	_ =	shalt  }
0x43: {  	_ =	shalt  }
0x44: {  	_ =	shalt  }
0x45: {  	_ =	shalt  }
0x46: {  	_ =	shalt  }
0x47: {  	_ =	shalt  }
0x48: {  	_ =	shalt  }
0x49: {  	_ =	shalt  }
0x4a: {  	_ =	shalt  }
0x4b: {  	_ =	shalt  }
0x4c: {  	_ =	shalt  }
0x4d: {  	_ =	shalt  }
0x4e: {  	_ =	shalt  }
0x4f: {  	_ =	shalt  }
0x50: {  	_ =	shalt  }
0x51: {  	_ =	shalt  }
0x52: {  	_ =	shalt  }
0x53: {  	_ =	shalt  }
0x54: {  	_ =	shalt  }
0x55: {  	_ =	shalt  }
0x56: {  	_ =	shalt  }
0x57: {  	_ =	shalt  }
0x58: {  	_ =	shalt  }
0x59: {  	_ =	shalt  }
0x5a: {  	_ =	shalt  }
0x5b: {  	_ =	shalt  }
0x5c: {  	_ =	shalt  }
0x5d: {  	_ =	shalt  }
0x5e: {  	_ =	shalt  }
0x5f: {  	_ =	shalt  }
0x60: {  	_ =	shalt  }
0x61: {  	_ =	shalt  }
0x62: {  	_ =	shalt  }
0x63: {  	_ =	shalt  }
0x64: {  	_ =	shalt  }
0x65: {  	_ =	shalt  }
0x66: {  	_ =	shalt  }
0x67: {  	_ =	shalt  }
0x68: {  	_ =	shalt  }
0x69: {  	_ =	shalt  }
0x6a: {  	_ =	shalt  }
0x6b: {  	_ =	shalt  }
0x6c: {  	_ =	shalt  }
0x6d: {  	_ =	shalt  }
0x6e: {  	_ =	shalt  }
0x6f: {  	_ =	shalt  }
0x70: {  	_ =	shalt  }
0x71: {  	_ =	shalt  }
0x72: {  	_ =	shalt  }
0x73: {  	_ =	shalt  }
0x74: {  	_ =	shalt  }
0x75: {  	_ =	shalt  }
0x76: {  	_ =	shalt  }
0x77: {  	_ =	shalt  }
0x78: {  	_ =	shalt  }
0x79: {  	_ =	shalt  }
0x7a: {  	_ =	shalt  }
0x7b: {  	_ =	shalt  }
0x7c: {  	_ =	shalt  }
0x7d: {  	_ =	shalt  }
0x7e: {  	_ =	shalt  }
0x7f: {  	_ =	shalt  }
0x80: {  	_ =	shalt  }
0x81: {  	_ =	shalt  }
0x82: {  	_ =	shalt  }
0x83: {  	_ =	shalt  }
0x84: {  	_ =	shalt  }
0x85: {  	_ =	shalt  }
0x86: {  	_ =	shalt  }
0x87: {  	_ =	shalt  }
.Lfunc_end0:
.L_simem_size_0:
called_computation_lowered:
.L_overlay_start_0:
0x88: {  	s2 =	sld [smem:$0x3FD9]  }
0x89: {  	s3 =	sld [smem:$0x3FFE];
	_ =	sdelay $0x1  }
0x8a: {  	s1 =	srdreg.scid  }
0x8b: {  	s0 =	sand.u32 $0x1, s1  }
0x8c: {  	s17 =	sshll.u32 s0, $0xA;
	s2 =	sadd.s32 s3, s2  }
0x8d: {  	s2 =	sadd.s32 s2, s17  }
0x8e: {  	[smem:$0x3FBA] =	sst s2  }
0x8f: {  	_ = 	snop  }
0x90: {  	s2 =	sld [smem:$0x3FD0];
	(tm) =	ssettm $0x1  }
0x91: {  	s18 =	sld [smem:$0x3FFB];
	_ =	sdelay $0x3  }
0x92: {  	_ =	strace s18  }
0x93: {  	s3 =	sld [smem:$0x3FFC];
	_ =	sdelay $0x3  }
0x94: {  	_ =	strace s3  }
0x95: {  	s3 =	sld [smem:$0x3FFD];
	_ =	sdelay $0x3  }
0x96: {  	_ =	strace s3  }
0x97: {  	_ =	strace $0x8FFFFFFF  }
0x98: {  	s19 =	sld [smem:$0x3FDB];
	_ =	sdelay $0x1  }
0x99: {  	s4 =	simm.s32 $_scs_section_size  }
0x9a: {  	s5 =	simm.s32 $_size__tile_overlayer_lowered;
	s6 =	simm.s32 $_tile_overlayer_lowered  }
0x9b: {  	s22 =	simm.s32 $0x1BFF;
	s21 =	sshll.u32 s6, $0x1;
	s3 =	sadd.s32 s4, s19  }
0x9c: {  	s7 =	simm.s32 $0x0;
	s20 =	sshll.u32 s5, $0x1;
	s5 =	sadd.s32 s21, s3  }
0x9d: {  	[timem:s7], [sflag:s22] =	dma.local [hbm:s5], s20  }
0x9e: {  	_ =	swait.ge [sflag:s22], s20  }
0x9f: {  	s4 =	ssub.s32 $0x0, s20;
	[sflag:s22] =	ssyncset.done $0x0  }
0xa0: {  	[sflag:s22] =	ssyncadd.s32 s4;
	_ =	sdelay $0x1  }
0xa1: {  	s23 =	simm.s32 $0x1B8B  }
0xa2: {  	_ =	swait.ge [sflag:s23], $0x1  }
0xa3: {  	[sflag:s23] =	ssyncset.done $0x0  }
0xa4: {  	s25 =	simm.s32 $0x1B8E;
	s24 =	sld [smem:$0x3FFE];
	[sflag:s23] =	ssyncadd.s32 $0xFFFFFFFF  }
0xa5: {  	s26 =	simm.s32 $execute0_lowered;
	[smem:$0x3FD2] =	sst s25  }
0xa6: {  	s5 =	sshll.u32 s26, $0x1;
	_ =	strace $0x80000046;
	[dreg:$0x1] =	wrdreg $0xFFFFFFFF  }
0xa7: {  	s28 =	simm.s32 $_size_execute0_lowered;
	s3 =	sadd.s32 s3, s5;
	[dreg:$0x0] =	wrdreg $0x0  }
0xa8: {  	s5 =	sshll.u32 s28, $0x1;
	[dreg:$0x2] =	wrdreg s3  }
0xa9: {  	[dreg:$0x3] =	wrdreg s5  }
0xaa: {  	[dreg:$0x4] =	wrdreg $0xC0  }
0xab: {  	_ =	task [dreg:s7], $0x5FFFF  }
0xac: {  	[dreg:$0x1] =	wrdreg $0xFFFFFFFF  }
0xad: {  	[dreg:$0x0] =	wrdreg $0x60  }
0xae: {  	[dreg:$0x2] =	wrdreg s2  }
0xaf: {  	[dreg:$0x3] =	wrdreg s24  }
0xb0: {  	[dreg:$0x4] =	wrdreg $0xA8000  }
0xb1: {  	[dreg:$0x5] =	wrdreg $0x9  }
0xb2: {  	_ =	task.clear_ibuf [dreg:s7], $0x6FFFF;
	_ =	strace $0x90000046  }
0xb3: {  	s29 =	simm.s32 $0x9;
	_ =	strace $0x80000048  }
0xb4: {  	_ =	swait.ge [sflag:s29], $0x1  }
0xb5: {  	[sflag:s29] =	ssyncadd.s32 $0xFFFFFFFF  }
0xb6: {  	_ =	strace $0x90000048  }
0xb7: {  	_ =	sfence  }
0xb8: {  	s30 =	sld [smem:$0x0];
	_ =	sdelay $0x2  }
0xb9: {  	s31 =	sshll.u32 s1, $0xD;
	s1 =	sshrl.u32 s1, $0x2  }
0xba: {  	s3 =	sand.u32 $0x4000, s31;
	s1 =	sadd.s32 s1, s30  }
0xbb: {  	s0 =	sor.u32 s3, s0;
	s1 =	sshll.u32 s1, $0x11  }
0xbc: {  	s0 =	sor.u32 s1, s0  }
0xbd: {  	s0 =	sadd.s32 $0x8F2B, s0  }
0xbe: {  	[sflag:s0] =	ssyncadd.remote.s32 $0x1  }
0xbf: {  	_ =	sfence.sel $0xFFFF  }
0xc0: {  	[dreg:$0x0] =	wrdreg $0xFFFFFFFF;
	(pc) =	sbr.abs _section_cstart, $3  }
0xc1: {  	[dreg:$0x1] =	wrdreg $0xFFFFFFFF  }
0xc2: {  	_ =	task.clear_ibuf [dreg:s7], $0x2FFFF;
	_ =	strace $0x9FFFFFFF  }
0xc3: {  	(tm) =	ssettm $0x7FFFFFFF  }
tec
execute0_lowered:
.L_overlay_start_1:
0x0: {  	(tag) =	ssettag $0x1  }
0x1: {  	s5 =	rddreg [dreg:$0x0]  }
0x2: {  	s4 =	rddreg [dreg:$0x1]  }
0x3: {  	s1 =	rddreg [dreg:$0x2]  }
0x4: {  	s2 =	srdreg.scid;
	s0 =	rddreg [dreg:$0x3];
	s3 =	simm.s32 $0x0  }
0x5: {  	s13 =	simm.s32 $0x2800;
	s14 =	simm.s32 $0x80;
	s6 =	sand.u32 $0x1, s2  }
0x6: {  	s15 =	simm.s32 $0x6800;
	s2 =	stileid.u32;
	s7 =	smul.u32 $0x140000, s6  }
0x7: {  	s18 =	simm.s32 $0x0;
	[smem:$0x7FF] =	sst s3;
	s8 =	smul.u32 $0x14000, s2  }
0x8: {  	_ =	strace $0x80000047;
	s31 =	sshll.u32 s6, $0x4;
	s6 =	ssub.s32 $0x2, s6  }
0x9: {  	s9 =	smul.u32 $0x50000, s2;
	s16 =	sshll.u32 s2, $0x6;
	s10 =	sshrl.u32 s6, $0x1  }
0xa: {  	s16 =	sor.u32 $0x1C01, s16;
	s7 =	sadd.s32 s8, s7;
	s8 =	sor.u32 s2, s31  }
0xb: {  	s9 =	sshrl.u32 s9, $0x2;
	s7 =	sshrl.u32 s7, $0x3;
	s8 =	smul.u32 $0x500, s8  }
0xc: {  	s12 =	ssub.s32 s6, s10;
	s11 =	sadd.s32 s7, s4;
	s4 =	sadd.s32 s9, s1  }
0xd: {  	s5 =	sadd.s32 s5, s8;
	s6 =	sadd.s32 $0x4000, s4;
	s7 =	sadd.s32 $0x8000, s4  }
0xe: {  	s8 =	sadd.s32 $0xC000, s4;
	s9 =	sadd.s32 $0x10000, s4;
	s10 =	sadd.s32 $0x5E00, s11  }
0xf: {  	v0 =	vimm.f32 $0.0e+00;
	v1 =	vimm.f32 $1.000000000e+00;
	s11 =	smax.u32 s12, $0x1;
	s12 =	simm.s32 $0x1;
	s17 =	sshrl.u32 s4, $0x3  }
.LBB2_1:
0x10: {  	[tilespmem:s3], [sflag:$0x1] =	stream.linear.gather [hbm4b:s5+s3], $0x2800, $0x38;
	[tilespmem:$0x1E800] =	vst v63  }
0x11: {  	_ =	swait.ge [sflag:s12], $0x2800  }
0x12: {  	[sflag:s12] =	ssyncset.done $0x0  }
0x13: {  	s19 =	simm.s32 $0x0;
	s20 =	simm.s32 $0x0;
	[sflag:s12] =	ssyncadd.s32 $0xFFFFD800  }
.LBB2_2:
0x14: {  	p0 =	sne.s32 s20, $0xFFC0  }
.Ltmp0:
0x15: {  	_ = 	snop;
	(pc) =	sbr.rel @p0 .LBB2_2-.Ltmp0, $4  }
0x16: {  	s21 =	sand.u32 $0xFE00, s20  }
0x17: {  	s22 =	sand.u32 $0x70, s19;
	s21 =	sshrl.u32 s21, $0x2  }
0x18: {  	s21 =	sor.u32 s22, s21  }
0x19: {  	s19 =	sadd.s32 $0x10, s19;
	s20 =	sadd.s32 $0x40, s20;
	[tilespmem:s21+$0x2800] =	vst v0  }
0x1a: {  	s19 =	simm.s32 $0x0  }
0x1b: {  	s20 =	sand.u32 $0xFE00, s19  }
0x1c: {  	s21 =	sand.u32 $0x70, s19;
	s22 =	sshrl.u32 s20, $0x2  }
0x1d: {  	s20 =	simm.s32 $0x40;
	s21 =	sor.u32 s21, s22  }
.LBB2_4:
0x1e: {  	p0 =	sne.s32 s20, $0xFFC0  }
0x1f: {  	[tilespmem:s21+$0x6800] =	vst v1;
	s19 =	sadd.s32 $0x10, s19;
	s21 =	smov.u32 s20;
	s20 =	sadd.s32 $0x40, s20  }
.Ltmp1:
0x20: {  	(pc) =	sbr.rel @p0 .LBB2_4-.Ltmp1, $4  }
0x21: {  	_ = 	snop  }
0x22: {  	s21 =	sand.u32 $0xFE00, s21  }
0x23: {  	s22 =	sand.u32 $0x70, s19;
	s21 =	sshrl.u32 s21, $0x2  }
0x24: {  	s21 =	sor.u32 s22, s21  }
0x25: {  	[tilespmem:s21+$0x6800] =	vst v1  }
0x26: {  	[spmem:s4] =	stream.linear.scatter [tilespmem:s13], [sflag:$0x1], $0x4000, $0x38;
	[tilespmem:$0x1E800] =	vst v63  }
0x27: {  	_ =	swait.ge [sflag:s12], $0x4000  }
0x28: {  	[sflag:s12] =	ssyncset.done $0x0  }
0x29: {  	[sflag:s12] =	ssyncadd.s32 $0xFFFFC000  }
0x2a: {  	[spmem:s6] =	stream.linear.scatter [tilespmem:s13], [sflag:$0x1], $0x4000, $0x38;
	[tilespmem:$0x1E800] =	vst v63  }
0x2b: {  	_ =	swait.ge [sflag:s12], $0x4000  }
0x2c: {  	[sflag:s12] =	ssyncset.done $0x0  }
0x2d: {  	[sflag:s12] =	ssyncadd.s32 $0xFFFFC000  }
0x2e: {  	[spmem:s7] =	stream.linear.scatter [tilespmem:s13], [sflag:$0x1], $0x4000, $0x38;
	[tilespmem:$0x1E800] =	vst v63  }
0x2f: {  	_ =	swait.ge [sflag:s12], $0x4000  }
0x30: {  	[sflag:s12] =	ssyncset.done $0x0  }
0x31: {  	[sflag:s12] =	ssyncadd.s32 $0xFFFFC000  }
0x32: {  	[spmem:s8] =	stream.linear.scatter [tilespmem:s13], [sflag:$0x1], $0x4000, $0x38;
	[tilespmem:$0x1E800] =	vst v63  }
0x33: {  	_ =	swait.ge [sflag:s12], $0x4000  }
0x34: {  	[sflag:s12] =	ssyncset.done $0x0  }
0x35: {  	[sflag:s12] =	ssyncadd.s32 $0xFFFFC000  }
0x36: {  	[spmem:s9] =	stream.linear.scatter [tilespmem:s13], [sflag:$0x1], $0x4000, $0x38;
	[tilespmem:$0x1E800] =	vst v63  }
0x37: {  	_ =	swait.ge [sflag:s12], $0x4000  }
0x38: {  	[sflag:s12] =	ssyncset.done $0x0  }
0x39: {  	[sflag:s12] =	ssyncadd.s32 $0xFFFFC000  }
0x3a: {  	s19 =	simm.s32 $0x0;
	[bflag:$0x0] =	sbarrier.arrive $0xFFFF  }
0x3b: {  	[spmem:s1] =	stream.indirect.scatter.add.f32 [tilespmem:s15], [sflag:$0x1], $0x80, s19, s14, $0xb8;
	[tilespmem:$0x1E800] =	vst v63  }
0x3c: {  	_ =	swait.ge [sflag:s12], $0x4000  }
0x3d: {  	s19 =	simm.s32 $0x200;
	[sflag:s12] =	ssyncset.done $0x0  }
.LBB2_6:
0x3e: {  	s20 =	sshra.s32 s19, $0x2;
	[sflag:s12] =	ssyncadd.s32 $0xFFFFC000;
	p0 =	sne.s32 s19, $0x9E00  }
0x3f: {  	[spmem:s1] =	stream.indirect.scatter.add.f32 [tilespmem:s15], [sflag:$0x1], $0x80, s20, s14, $0xb8;
	[tilespmem:$0x1E800] =	vst v63  }
.Ltmp2:
0x40: {  	_ = 	snop;
	(pc) =	sbr.rel @p0 .LBB2_6-.Ltmp2, $4  }
0x41: {  	_ = 	snop  }
0x42: {  	s19 =	sadd.s32 $0x200, s19  }
0x43: {  	_ =	swait.ge [sflag:s12], $0x4000  }
0x44: {  	[sflag:s12] =	ssyncset.done $0x0  }
0x45: {  	s18 =	sadd.s32 $0x1, s18  }
0x46: {  	[sflag:s12] =	ssyncadd.s32 $0xFFFFC000;
	p0 =	sne.s32 s18, s11  }
.Ltmp3:
0x47: {  	[bflag:$0x0] =	sbarrier.arrive $0xFFFF;
	(pc) =	sbr.rel @p0 .LBB2_1-.Ltmp3, $4  }
0x48: {  	[hbm:s10], [sflag:s16] =	dma.local [spmem:s17], $0x2800  }
0x49: {  	_ =	swait.ge [sflag:s12], $0x2800  }
0x4a: {  	[sflag:s12] =	ssyncset.done $0x0  }
0x4b: {  	[sflag:s12] =	ssyncadd.s32 $0xFFFFD800  }
0x4c: {  	_ =	sfence.sel $0x180000  }
0x4d: {  	[bflag:$0x0] =	sbarrier.arrive $0xFFFF  }
0x4e: {  	p0 =	sne.s32 s2, $0x0;
	_ =	strace $0x90000047  }
0x4f: {  	s0 =	sadd.s32 @!p0 $0x100000, s0;
	[bflag:$0x2] =	sbarrier.arrive $0xFFFF  }
0x50: {  	[sflag:s0] =	ssyncadd.tile.s32 @!p0 $0x1;
	_ =	shalt  }
.Lfunc_end2:
_tile_overlayer_lowered:
.L_overlay_start_2:
0x51: {  	(tag) =	ssettag $0x2  }
0x52: {  	s0 =	rddreg [dreg:$0x0];
	s2 =	stileid.u32  }
0x53: {  	s1 =	rddreg [dreg:$0x1];
	p0 =	sne.s32 s2, $0x0  }
0x54: {  	s3 =	rddreg [dreg:$0x2];
	[bflag:$0x3] =	sbarrier.arrive $0xFFFF;
	s2 =	simm.s32 @!p0 $0x1C01  }
0x55: {  	[timem:s3], [sflag:s2] =	dma.local @!p0 [hbm:s0], s1  }
0x56: {  	s0 =	simm.s32 @!p0 $0x1  }
0x57: {  	_ =	swait.ge @!p0 [sflag:s0], s1  }
0x58: {  	s1 =	ssub.s32 @!p0 $0x0, s1;
	[sflag:s0] =	ssyncset.done @!p0 $0x0  }
0x59: {  	[sflag:s0] =	ssyncadd.s32 @!p0 s1  }
0x5a: {  	[bflag:$0x3] =	sbarrier.arrive $0xFFFF  }
0x5b: {  	_ =	shalt  }

// kernel: kernel.14.cloned.1.call-start
scs
__scs_entry_jumppad:
0x0: {  	(pc) =	sbr.rel $0x88, $3  }
0x1: {  	(tag) =	ssettag $0x0;
	lr =	simm.s32 $0x1  }
0x2: {  	[smem:$0x3F93] =	sst lr;
	_ =	strace $0xD0000000  }
0x3: {  	_ = 	snop  }
0x4: {  	_ = 	snop  }
0x5: {  	_ = 	snop  }
0x6: {  	_ = 	snop  }
0x7: {  	_ = 	snop  }
__scs_overlays_trampoline_lowered:
0x8: {  	[smem:$0x3FA2] =	sst s0  }
0x9: {  	[smem:$0x3FA3] =	sst s1  }
0xa: {  	[smem:$0x3FA4] =	sst s2  }
0xb: {  	[smem:$0x3FA5] =	sst s3  }
0xc: {  	[smem:$0x3FA6] =	sst s4  }
0xd: {  	[smem:$0x3FA7] =	sst s5  }
0xe: {  	[smem:$0x3FA8] =	sst s6  }
0xf: {  	[smem:$0x3FA9] =	sst s7  }
0x10: {  	[smem:$0x3FAA] =	sst s8  }
0x11: {  	[smem:$0x3FAB] =	sst s9;
	s0 =	simm.s32 @!p0 $0x0  }
0x12: {  	s1 =	sld [smem:$0x3F91];
	s0 =	simm.s32 @p0 $0x1  }
0x13: {  	[smem:$0x3FAC] =	sst s0;
	s0 =	simm.s32 @!p1 $0x0  }
0x14: {  	s2 =	sld [smem:$0x3F90];
	s0 =	simm.s32 @p1 $0x1  }
0x15: {  	[smem:$0x3FAD] =	sst s0;
	s0 =	simm.s32 @!p2 $0x0  }
0x16: {  	s3 =	sld [smem:$0x3FDB];
	s0 =	simm.s32 @p2 $0x1  }
0x17: {  	s4 =	simm.s32 $0x1BF5;
	[smem:$0x3FAF] =	sst s0  }
0x18: {  	s0 =	sld [smem:$0x3F92];
	_ =	swait.ge [sflag:s4], $0x0  }
0x19: {  	s7 =	sld [smem:$0x3F93]  }
0x1a: {  	s8 =	sadd.s32 $0xFFFFE003, lr  }
0x1b: {  	s9 =	sadd.s32 $0xFFFFFEF7, lr;
	s5 =	simm.s32 $0xFFFFFFFF;
	p2 =	slt.u32 s8, $0xFFFFF086  }
0x1c: {  	p1 =	slt.u32 s9, $0xF7A;
	s5 =	simm.s32 @!p2 $0x0  }
0x1d: {  	s5 =	simm.s32 @p1 $0x1;
	p0 =	seq.s32 s7, s2  }
0x1e: {  	s7 =	smul.u32 @!p0 $0xF7A, s2;
	p2 =	seq.s32 @!p0 s5, $0x0  }
0x1f: {  	s9 =	smul.u32 $0xF7A, s1;
	s8 =	simm.s32 @!p0 $0x1BF5;
	p2 =	por !p2, p0  }
0x20: {  	[sflag:s8] =	ssyncset.s32 @!p0 $0xFFFFF086;
	s6 =	sadd.s32 @!p0 s3, s7;
	s7 =	simm.s32 @!p0 $0x108  }
0x21: {  	s3 =	sadd.s32 s3, s9;
	s6 =	sadd.s32 @!p0 $0x88, s6;
	s7 =	simm.s32 @p2 $0x1082  }
0x22: {  	[simem:s7], [sflag:s8] =	dma.local @!p0 [hbm:s6], $0xF7A  }
0x23: {  	s9 =	sor.u32 $0xD0000000, s2;
	s6 =	simm.s32 $0x108;
	_ =	swait.ge @!p0 [sflag:s8], $0x0  }
0x24: {  	s3 =	sadd.s32 $0x88, s3;
	s6 =	simm.s32 @!p1 $0x1082;
	[sflag:s4] =	ssyncset.s32 $0xFFFFF086  }
0x25: {  	[simem:s6], [sflag:s4] =	dma.local [hbm:s3], $0xF7A  }
0x26: {  	[smem:$0x3F93] =	sst s1;
	(tag) =	ssettag s2;
	_ =	strace s9  }
0x27: {  	s1 =	sld [smem:$0x3FA3]  }
0x28: {  	s2 =	sld [smem:$0x3FA4]  }
0x29: {  	s4 =	sld [smem:$0x3FA6]  }
0x2a: {  	p0 =	seq.s32 s5, $0x0;
	s5 =	sld [smem:$0x3FA7]  }
0x2b: {  	s6 =	sld [smem:$0x3FA8]  }
0x2c: {  	s7 =	sld [smem:$0x3FA9]  }
0x2d: {  	s3 =	simm.s32 $0x108;
	s8 =	sld [smem:$0x3FAA]  }
0x2e: {  	s3 =	simm.s32 @!p0 $0x1082;
	s9 =	sld [smem:$0x3FAB]  }
0x2f: {  	lr =	sadd.s32 s0, s3;
	s0 =	sld [smem:$0x3FA2]  }
0x30: {  	s3 =	sld [smem:$0x3FA5]  }
0x31: {  	[smem:$0x3FAE] =	sst s10  }
0x32: {  	s10 =	sld [smem:$0x3FAC];
	_ =	sdelay $0x3  }
0x33: {  	p0 =	seq.s32 s10, $0x1;
	s10 =	sld [smem:$0x3FAE];
	_ =	sdelay $0x3  }
0x34: {  	[smem:$0x3FAE] =	sst s10  }
0x35: {  	s10 =	sld [smem:$0x3FAD];
	_ =	sdelay $0x3  }
0x36: {  	p1 =	seq.s32 s10, $0x1;
	s10 =	sld [smem:$0x3FAE];
	_ =	sdelay $0x3  }
0x37: {  	[smem:$0x3FAE] =	sst s10  }
0x38: {  	s10 =	sld [smem:$0x3FAF]  }
0x39: {  	_ = 	snop;
	(pc) =	sbr.ind lr, $3  }
0x3a: {  	_ = 	snop  }
0x3b: {  	_ = 	snop  }
0x3c: {  	p2 =	seq.s32 s10, $0x1;
	s10 =	sld [smem:$0x3FAE]  }
0x3d: {  	_ =	shalt  }
0x3e: {  	_ =	shalt  }
0x3f: {  	_ =	shalt  }
0x40: {  	_ =	shalt  }
0x41: {  	_ =	shalt  }
0x42: {  	_ =	shalt  }
0x43: {  	_ =	shalt  }
0x44: {  	_ =	shalt  }
0x45: {  	_ =	shalt  }
0x46: {  	_ =	shalt  }
0x47: {  	_ =	shalt  }
0x48: {  	_ =	shalt  }
0x49: {  	_ =	shalt  }
0x4a: {  	_ =	shalt  }
0x4b: {  	_ =	shalt  }
0x4c: {  	_ =	shalt  }
0x4d: {  	_ =	shalt  }
0x4e: {  	_ =	shalt  }
0x4f: {  	_ =	shalt  }
0x50: {  	_ =	shalt  }
0x51: {  	_ =	shalt  }
0x52: {  	_ =	shalt  }
0x53: {  	_ =	shalt  }
0x54: {  	_ =	shalt  }
0x55: {  	_ =	shalt  }
0x56: {  	_ =	shalt  }
0x57: {  	_ =	shalt  }
0x58: {  	_ =	shalt  }
0x59: {  	_ =	shalt  }
0x5a: {  	_ =	shalt  }
0x5b: {  	_ =	shalt  }
0x5c: {  	_ =	shalt  }
0x5d: {  	_ =	shalt  }
0x5e: {  	_ =	shalt  }
0x5f: {  	_ =	shalt  }
0x60: {  	_ =	shalt  }
0x61: {  	_ =	shalt  }
0x62: {  	_ =	shalt  }
0x63: {  	_ =	shalt  }
0x64: {  	_ =	shalt  }
0x65: {  	_ =	shalt  }
0x66: {  	_ =	shalt  }
0x67: {  	_ =	shalt  }
0x68: {  	_ =	shalt  }
0x69: {  	_ =	shalt  }
0x6a: {  	_ =	shalt  }
0x6b: {  	_ =	shalt  }
0x6c: {  	_ =	shalt  }
0x6d: {  	_ =	shalt  }
0x6e: {  	_ =	shalt  }
0x6f: {  	_ =	shalt  }
0x70: {  	_ =	shalt  }
0x71: {  	_ =	shalt  }
0x72: {  	_ =	shalt  }
0x73: {  	_ =	shalt  }
0x74: {  	_ =	shalt  }
0x75: {  	_ =	shalt  }
0x76: {  	_ =	shalt  }
0x77: {  	_ =	shalt  }
0x78: {  	_ =	shalt  }
0x79: {  	_ =	shalt  }
0x7a: {  	_ =	shalt  }
0x7b: {  	_ =	shalt  }
0x7c: {  	_ =	shalt  }
0x7d: {  	_ =	shalt  }
0x7e: {  	_ =	shalt  }
0x7f: {  	_ =	shalt  }
0x80: {  	_ =	shalt  }
0x81: {  	_ =	shalt  }
0x82: {  	_ =	shalt  }
0x83: {  	_ =	shalt  }
0x84: {  	_ =	shalt  }
0x85: {  	_ =	shalt  }
0x86: {  	_ =	shalt  }
0x87: {  	_ =	shalt  }
.Lfunc_end0:
.L_simem_size_0:
called_computation.1_lowered:
.L_overlay_start_0:
0x88: {  	s2 =	sld [smem:$0x3FD9]  }
0x89: {  	s3 =	sld [smem:$0x3FFE];
	_ =	sdelay $0x1  }
0x8a: {  	s1 =	srdreg.scid  }
0x8b: {  	s0 =	sand.u32 $0x1, s1  }
0x8c: {  	s16 =	sshll.u32 s0, $0xA;
	s2 =	sadd.s32 s3, s2  }
0x8d: {  	s2 =	sadd.s32 s2, s16  }
0x8e: {  	[smem:$0x3FBA] =	sst s2  }
0x8f: {  	_ = 	snop  }
0x90: {  	(tm) =	ssettm $0x1  }
0x91: {  	s17 =	sld [smem:$0x3FFB];
	_ =	sdelay $0x3  }
0x92: {  	_ =	strace s17  }
0x93: {  	s2 =	sld [smem:$0x3FFC];
	_ =	sdelay $0x3  }
0x94: {  	_ =	strace s2  }
0x95: {  	s2 =	sld [smem:$0x3FFD];
	_ =	sdelay $0x3  }
0x96: {  	_ =	strace s2  }
0x97: {  	_ =	strace $0x8FFFFFFF  }
0x98: {  	s18 =	sld [smem:$0x3FDB];
	_ =	sdelay $0x1  }
0x99: {  	s19 =	simm.s32 $_scs_section_size  }
0x9a: {  	s4 =	simm.s32 $_size__tile_overlayer_lowered;
	s5 =	simm.s32 $_tile_overlayer_lowered  }
0x9b: {  	s22 =	simm.s32 $0x1BFF;
	s21 =	sshll.u32 s5, $0x1;
	s2 =	sadd.s32 s19, s18  }
0x9c: {  	s6 =	simm.s32 $0x0;
	s20 =	sshll.u32 s4, $0x1;
	s4 =	sadd.s32 s21, s2  }
0x9d: {  	[timem:s6], [sflag:s22] =	dma.local [hbm:s4], s20  }
0x9e: {  	_ =	swait.ge [sflag:s22], s20  }
0x9f: {  	s3 =	ssub.s32 $0x0, s20;
	[sflag:s22] =	ssyncset.done $0x0  }
0xa0: {  	[sflag:s22] =	ssyncadd.s32 s3;
	_ =	sdelay $0x1  }
0xa1: {  	s23 =	simm.s32 $0x1B8B  }
0xa2: {  	_ =	swait.ge [sflag:s23], $0x1  }
0xa3: {  	[sflag:s23] =	ssyncset.done $0x0  }
0xa4: {  	s25 =	simm.s32 $0x1B8E;
	s24 =	sld [smem:$0x3FFE];
	[sflag:s23] =	ssyncadd.s32 $0xFFFFFFFF  }
0xa5: {  	s26 =	simm.s32 $execute0_lowered;
	[smem:$0x3FD2] =	sst s25  }
0xa6: {  	s4 =	sshll.u32 s26, $0x1;
	_ =	strace $0x80000049;
	[dreg:$0x1] =	wrdreg $0xFFFFFFFF  }
0xa7: {  	s28 =	simm.s32 $_size_execute0_lowered;
	s2 =	sadd.s32 s2, s4;
	[dreg:$0x0] =	wrdreg $0x0  }
0xa8: {  	s4 =	sshll.u32 s28, $0x1;
	[dreg:$0x2] =	wrdreg s2  }
0xa9: {  	[dreg:$0x3] =	wrdreg s4  }
0xaa: {  	[dreg:$0x4] =	wrdreg $0xC0  }
0xab: {  	_ =	task [dreg:s6], $0x5FFFF  }
0xac: {  	[dreg:$0x1] =	wrdreg $0xFFFFFFFF  }
0xad: {  	[dreg:$0x0] =	wrdreg $0x60  }
0xae: {  	[dreg:$0x2] =	wrdreg s24  }
0xaf: {  	[dreg:$0x3] =	wrdreg $0xA8000  }
0xb0: {  	[dreg:$0x4] =	wrdreg $0x9  }
0xb1: {  	_ =	task.clear_ibuf [dreg:s6], $0x5FFFF;
	_ =	strace $0x90000049  }
0xb2: {  	s29 =	simm.s32 $0x9;
	_ =	strace $0x8000004B  }
0xb3: {  	_ =	swait.ge [sflag:s29], $0x1  }
0xb4: {  	[sflag:s29] =	ssyncadd.s32 $0xFFFFFFFF  }
0xb5: {  	_ =	strace $0x9000004B  }
0xb6: {  	_ =	sfence  }
0xb7: {  	s30 =	sld [smem:$0x0];
	_ =	sdelay $0x2  }
0xb8: {  	s31 =	sshll.u32 s1, $0xD;
	s1 =	sshrl.u32 s1, $0x2  }
0xb9: {  	s3 =	sand.u32 $0x4000, s31;
	s1 =	sadd.s32 s1, s30  }
0xba: {  	s0 =	sor.u32 s3, s0;
	s1 =	sshll.u32 s1, $0x11  }
0xbb: {  	s0 =	sor.u32 s1, s0  }
0xbc: {  	s0 =	sadd.s32 $0x8F2B, s0  }
0xbd: {  	[sflag:s0] =	ssyncadd.remote.s32 $0x1  }
0xbe: {  	_ =	sfence.sel $0xFFFF  }
0xbf: {  	[dreg:$0x0] =	wrdreg $0xFFFFFFFF;
	(pc) =	sbr.abs _section_cstart, $3  }
0xc0: {  	[dreg:$0x1] =	wrdreg $0xFFFFFFFF  }
0xc1: {  	_ =	task.clear_ibuf [dreg:s6], $0x2FFFF;
	_ =	strace $0x9FFFFFFF  }
0xc2: {  	(tm) =	ssettm $0x7FFFFFFF  }
0xc3: {  	_ =	shalt  }
tec
execute0_lowered:
.L_overlay_start_1:
0x0: {  	(tag) =	ssettag $0x1  }
0x1: {  	s0 =	rddreg [dreg:$0x0]  }
0x2: {  	s1 =	rddreg [dreg:$0x1];
	s3 =	simm.s32 $0x0  }
0x3: {  	s2 =	srdreg.scid;
	s20 =	simm.s32 $0x2800;
	s21 =	simm.s32 $0x3  }
0x4: {  	s22 =	simm.s32 $0x1400;
	s28 =	simm.s32 $0x1380;
	s29 =	simm.s32 $0x2700  }
0x5: {  	s30 =	simm.s32 $0x2780;
	s31 =	simm.s32 $0x0;
	[smem:$0x7FF] =	sst s3  }
0x6: {  	s10 =	sand.u32 $0x1, s2;
	s2 =	stileid.u32;
	s4 =	sadd.s32 $0x91E00, s0  }
0x7: {  	s11 =	sadd.s32 $0x8CE00, s0;
	s13 =	sadd.s32 $0x87E00, s0;
	s5 =	smul.u32 $0x140000, s10  }
0x8: {  	s16 =	sadd.s32 $0x5AE00, s0;
	s17 =	sadd.s32 $0x55E00, s0;
	s6 =	smul.u32 $0x14000, s2  }
0x9: {  	_ =	strace $0x8000004A;
	s7 =	smul.u32 $0x50000, s2;
	s8 =	ssub.s32 $0x2, s10  }
0xa: {  	s9 =	smul.u32 $0x2800, s2;
	p0 =	seq.s32 s10, $0x1;
	s24 =	sshrl.u32 s8, $0x1  }
0xb: {  	s5 =	sadd.s32 s6, s5;
	s23 =	sshrl.u32 s7, $0x2;
	s19 =	ssub.s32 s8, s24  }
0xc: {  	s15 =	sshrl.u32 s9, $0x3;
	s24 =	simm.s32 $0x1;
	s6 =	sshrl.u32 s5, $0x3  }
0xd: {  	s5 =	sadd.s32 s23, s1;
	s25 =	sadd.s32 $0x280, s15;
	s12 =	sadd.s32 s11, s15  }
0xe: {  	s26 =	sadd.s32 s13, s15;
	s14 =	sadd.s32 s16, s15;
	s15 =	sadd.s32 s17, s15  }
0xf: {  	s19 =	smax.u32 s19, $0x1;
	s23 =	simm.s32 $0x80;
	s0 =	sadd.s32 s6, s0  }
.Ltmp0:
0x10: {  	s6 =	sadd.s32 $0x4000, s5;
	s7 =	sadd.s32 $0x8000, s5;
	(pc) =	sbr.rel .LBB2_1-.Ltmp0, $4  }
0x11: {  	s8 =	sadd.s32 $0xC000, s5;
	s9 =	sadd.s32 $0x10000, s5;
	[dreg:$0x3] =	wrdreg s12  }
0x12: {  	[dreg:$0x4] =	wrdreg s26;
	s11 =	sadd.s32 s11, s25;
	s13 =	sadd.s32 s13, s25  }
0x13: {  	s16 =	sadd.s32 s16, s25;
	s17 =	sadd.s32 s17, s25;
	s25 =	simm.s32 $0x6800  }
0x14: {  	v0 =	vimm.f32 $0.0e+00;
	s26 =	simm.s32 $0x2;
	[dreg:$0x5] =	wrdreg s11;
	s18 =	sadd.s32 $0xB9E00, s0  }
.LBB2_8:
0x15: {  	[sflag:s21] =	ssyncadd.s32 $0xFFFFC000  }
.LBB2_14:
0x16: {  	_ =	swait.ge [sflag:s24], $0x4000  }
0x17: {  	[sflag:s24] =	ssyncset.done $0x0  }
0x18: {  	[sflag:s24] =	ssyncadd.s32 $0xFFFFC000  }
0x19: {  	[tilespmem:s25], [sflag:$0x2] =	stream.indirect.gather [hbm4b:s4+s23], $0x80, s28, s23, $0xb8;
	[tilespmem:$0x1E800] =	vst v63  }
0x1a: {  	_ = 	snop  }
0x1b: {  	[spmem:s1] =	stream.indirect.scatter.add.f32 [tilespmem:s20], [sflag:$0x3], $0x80, s29, s23, $0xb8;
	[tilespmem:$0x1E800] =	vst v63  }
0x1c: {  	_ =	swait.ge [sflag:s21], $0x4000  }
0x1d: {  	[sflag:s21] =	ssyncset.done $0x0  }
0x1e: {  	[sflag:s21] =	ssyncadd.s32 $0xFFFFC000  }
0x1f: {  	_ =	swait.ge [sflag:s26], $0x4000  }
0x20: {  	[sflag:s26] =	ssyncset.done $0x0  }
0x21: {  	[sflag:s26] =	ssyncadd.s32 $0xFFFFC000  }
0x22: {  	[spmem:s1] =	stream.indirect.scatter.add.f32 [tilespmem:s25], [sflag:$0x3], $0x80, s30, s23, $0xb8;
	[tilespmem:$0x1E800] =	vst v63  }
0x23: {  	_ =	swait.ge [sflag:s21], $0x4000  }
0x24: {  	s0 =	sshll.u32 s2, $0x6;
	s31 =	sadd.s32 $0x1, s31;
	[sflag:s21] =	ssyncset.done $0x0  }
0x25: {  	s10 =	sshrl.u32 s5, $0x3;
	p1 =	sne.s32 s31, s19;
	[sflag:s21] =	ssyncadd.s32 $0xFFFFC000  }
.Ltmp1:
0x26: {  	s0 =	sor.u32 $0x1C03, s0;
	[bflag:$0x0] =	sbarrier.arrive $0xFFFF;
	(pc) =	sbr.rel @!p1 .LBB2_15-.Ltmp1, $4  }
0x27: {  	[hbm:s18], [sflag:s0] =	dma.local [spmem:s10], $0x2800  }
0x28: {  	_ =	swait.ge [sflag:s21], $0x2800  }
0x29: {  	[sflag:s21] =	ssyncset.done $0x0  }
0x2a: {  	[sflag:s21] =	ssyncadd.s32 $0xFFFFD800  }
.LBB2_1:
0x2b: {  	s0 =	sand.u32 $0xFE00, s3  }
0x2c: {  	s10 =	sand.u32 $0x70, s3;
	s11 =	sshrl.u32 s0, $0x2  }
0x2d: {  	s0 =	simm.s32 $0x40;
	s11 =	sor.u32 s10, s11;
	s10 =	simm.s32 $0x0  }
.LBB2_2:
0x2e: {  	p1 =	sne.s32 s0, $0xFFC0  }
0x2f: {  	[tilespmem:s11+$0x2800] =	vst v0;
	s10 =	sadd.s32 $0x10, s10;
	s11 =	smov.u32 s0;
	s0 =	sadd.s32 $0x40, s0  }
.Ltmp2:
0x30: {  	(pc) =	sbr.rel @p1 .LBB2_2-.Ltmp2, $4  }
0x31: {  	_ = 	snop  }
0x32: {  	s11 =	sand.u32 $0xFE00, s11  }
0x33: {  	s12 =	sand.u32 $0x70, s10;
	s11 =	sshrl.u32 s11, $0x2  }
0x34: {  	s11 =	sor.u32 s12, s11  }
0x35: {  	[tilespmem:s11+$0x2800] =	vst v0  }
0x36: {  	[spmem:s5] =	stream.linear.scatter [tilespmem:s20], [sflag:$0x3], $0x4000, $0x38;
	[tilespmem:$0x1E800] =	vst v63  }
0x37: {  	_ =	swait.ge [sflag:s21], $0x4000  }
0x38: {  	[sflag:s21] =	ssyncset.done $0x0  }
0x39: {  	[sflag:s21] =	ssyncadd.s32 $0xFFFFC000  }
0x3a: {  	[spmem:s6] =	stream.linear.scatter [tilespmem:s20], [sflag:$0x3], $0x4000, $0x38;
	[tilespmem:$0x1E800] =	vst v63  }
0x3b: {  	_ =	swait.ge [sflag:s21], $0x4000  }
0x3c: {  	[sflag:s21] =	ssyncset.done $0x0  }
0x3d: {  	[sflag:s21] =	ssyncadd.s32 $0xFFFFC000  }
0x3e: {  	[spmem:s7] =	stream.linear.scatter [tilespmem:s20], [sflag:$0x3], $0x4000, $0x38;
	[tilespmem:$0x1E800] =	vst v63  }
0x3f: {  	_ =	swait.ge [sflag:s21], $0x4000  }
0x40: {  	[sflag:s21] =	ssyncset.done $0x0  }
0x41: {  	[sflag:s21] =	ssyncadd.s32 $0xFFFFC000  }
0x42: {  	[spmem:s8] =	stream.linear.scatter [tilespmem:s20], [sflag:$0x3], $0x4000, $0x38;
	[tilespmem:$0x1E800] =	vst v63  }
0x43: {  	_ =	swait.ge [sflag:s21], $0x4000  }
0x44: {  	[sflag:s21] =	ssyncset.done $0x0  }
0x45: {  	[sflag:s21] =	ssyncadd.s32 $0xFFFFC000  }
0x46: {  	[spmem:s9] =	stream.linear.scatter [tilespmem:s20], [sflag:$0x3], $0x4000, $0x38;
	[tilespmem:$0x1E800] =	vst v63  }
.Ltmp3:
0x47: {  	_ =	swait.ge [sflag:s21], $0x4000;
	(pc) =	sbr.rel @!p0 .LBB2_4-.Ltmp3, $4  }
0x48: {  	[sflag:s21] =	ssyncset.done $0x0  }
0x49: {  	[sflag:s21] =	ssyncadd.s32 $0xFFFFC000  }
0x4a: {  	[bflag:$0x0] =	sbarrier.arrive $0xFFFF  }
0x4b: {  	s0 =	simm.s32 $0x0  }
0x4c: {  	[tilespmem:s0], [sflag:$0x3] =	stream.linear.gather [hbm4b:s14+s0], $0x1400, $0x38;
	[tilespmem:$0x1E800] =	vst v63  }
0x4d: {  	_ =	swait.ge [sflag:s21], $0x1400  }
0x4e: {  	[sflag:s21] =	ssyncset.done $0x0  }
0x4f: {  	[sflag:s21] =	ssyncadd.s32 $0xFFFFEC00  }
0x50: {  	[tilespmem:s22], [sflag:$0x3] =	stream.linear.gather [hbm4b:s15+s0], $0x1400, $0x38;
	[tilespmem:$0x1E800] =	vst v63  }
0x51: {  	_ =	swait.ge [sflag:s21], $0x1400  }
0x52: {  	[sflag:s21] =	ssyncset.done $0x0  }
0x53: {  	[sflag:s21] =	ssyncadd.s32 $0xFFFFEC00  }
0x54: {  	[tilespmem:s20], [sflag:$0x1] =	stream.indirect.gather [hbm4b:s4+s23], $0x80, s0, s23, $0xb8;
	[tilespmem:$0x1E800] =	vst v63  }
0x55: {  	_ =	swait.ge [sflag:s24], $0x4000  }
0x56: {  	[sflag:s24] =	ssyncset.done $0x0  }
0x57: {  	s12 =	simm.s32 $0x80;
	[sflag:s24] =	ssyncadd.s32 $0xFFFFC000  }
0x58: {  	[tilespmem:s25], [sflag:$0x2] =	stream.indirect.gather [hbm4b:s4+s23], $0x80, s12, s23, $0xb8;
	[tilespmem:$0x1E800] =	vst v63  }
0x59: {  	s10 =	simm.s32 $0x1400  }
0x5a: {  	[spmem:s1] =	stream.indirect.scatter.add.f32 [tilespmem:s20], [sflag:$0x3], $0x80, s10, s23, $0xb8;
	[tilespmem:$0x1E800] =	vst v63  }
0x5b: {  	_ =	swait.ge [sflag:s21], $0x4000  }
0x5c: {  	[sflag:s21] =	ssyncset.done $0x0  }
0x5d: {  	s11 =	simm.s32 $0x100;
	[sflag:s21] =	ssyncadd.s32 $0xFFFFC000  }
0x5e: {  	[tilespmem:s20], [sflag:$0x1] =	stream.indirect.gather [hbm4b:s4+s23], $0x80, s11, s23, $0xb8;
	[tilespmem:$0x1E800] =	vst v63  }
0x5f: {  	_ =	swait.ge [sflag:s26], $0x4000  }
0x60: {  	[sflag:s26] =	ssyncset.done $0x0  }
0x61: {  	s12 =	simm.s32 $0x1480;
	[sflag:s26] =	ssyncadd.s32 $0xFFFFC000  }
0x62: {  	[spmem:s1] =	stream.indirect.scatter.add.f32 [tilespmem:s25], [sflag:$0x3], $0x80, s12, s23, $0xb8;
	[tilespmem:$0x1E800] =	vst v63  }
0x63: {  	_ =	swait.ge [sflag:s21], $0x4000  }
0x64: {  	s0 =	simm.s32 $0x400;
	[sflag:s21] =	ssyncset.done $0x0  }
.LBB2_10:
0x65: {  	p1 =	sne.s32 s0, $0x4800  }
0x66: {  	[sflag:s21] =	ssyncadd.s32 $0xFFFFC000;
	s10 =	smov.u32 s0;
	s0 =	sadd.s32 $0x400, s0  }
0x67: {  	_ =	swait.ge [sflag:s24], $0x4000  }
0x68: {  	s10 =	sshra.s32 s10, $0x2;
	[sflag:s24] =	ssyncset.done $0x0  }
0x69: {  	s11 =	sadd.s32 $0x80, s10;
	[sflag:s24] =	ssyncadd.s32 $0xFFFFC000  }
0x6a: {  	[tilespmem:s25], [sflag:$0x2] =	stream.indirect.gather [hbm4b:s4+s23], $0x80, s11, s23, $0xb8;
	[tilespmem:$0x1E800] =	vst v63  }
0x6b: {  	s11 =	sadd.s32 $0x1400, s10  }
0x6c: {  	[spmem:s1] =	stream.indirect.scatter.add.f32 [tilespmem:s20], [sflag:$0x3], $0x80, s11, s23, $0xb8;
	[tilespmem:$0x1E800] =	vst v63  }
0x6d: {  	_ =	swait.ge [sflag:s21], $0x4000  }
0x6e: {  	[sflag:s21] =	ssyncset.done $0x0  }
0x6f: {  	s11 =	sadd.s32 $0x100, s10;
	[sflag:s21] =	ssyncadd.s32 $0xFFFFC000  }
0x70: {  	[tilespmem:s20], [sflag:$0x1] =	stream.indirect.gather [hbm4b:s4+s23], $0x80, s11, s23, $0xb8;
	[tilespmem:$0x1E800] =	vst v63  }
0x71: {  	_ =	swait.ge [sflag:s26], $0x4000  }
.Ltmp4:
0x72: {  	[sflag:s26] =	ssyncset.done $0x0;
	(pc) =	sbr.rel @p1 .LBB2_10-.Ltmp4, $4  }
0x73: {  	s10 =	sadd.s32 $0x1480, s10;
	[sflag:s26] =	ssyncadd.s32 $0xFFFFC000  }
0x74: {  	[spmem:s1] =	stream.indirect.scatter.add.f32 [tilespmem:s25], [sflag:$0x3], $0x80, s10, s23, $0xb8;
	[tilespmem:$0x1E800] =	vst v63  }
0x75: {  	_ =	swait.ge [sflag:s21], $0x4000  }
0x76: {  	[sflag:s21] =	ssyncset.done $0x0  }
0x77: {  	[sflag:s21] =	ssyncadd.s32 $0xFFFFC000  }
0x78: {  	_ =	swait.ge [sflag:s24], $0x4000  }
0x79: {  	[sflag:s24] =	ssyncset.done $0x0  }
0x7a: {  	[sflag:s24] =	ssyncadd.s32 $0xFFFFC000  }
0x7b: {  	[tilespmem:s25], [sflag:$0x2] =	stream.indirect.gather [hbm4b:s4+s23], $0x80, s28, s23, $0xb8;
	[tilespmem:$0x1E800] =	vst v63  }
0x7c: {  	_ = 	snop  }
0x7d: {  	[spmem:s1] =	stream.indirect.scatter.add.f32 [tilespmem:s20], [sflag:$0x3], $0x80, s29, s23, $0xb8;
	[tilespmem:$0x1E800] =	vst v63  }
0x7e: {  	_ =	swait.ge [sflag:s21], $0x4000  }
0x7f: {  	[sflag:s21] =	ssyncset.done $0x0  }
0x80: {  	[sflag:s21] =	ssyncadd.s32 $0xFFFFC000  }
0x81: {  	_ =	swait.ge [sflag:s26], $0x4000  }
0x82: {  	[sflag:s26] =	ssyncset.done $0x0  }
0x83: {  	[sflag:s26] =	ssyncadd.s32 $0xFFFFC000  }
0x84: {  	[spmem:s1] =	stream.indirect.scatter.add.f32 [tilespmem:s25], [sflag:$0x3], $0x80, s30, s23, $0xb8;
	[tilespmem:$0x1E800] =	vst v63  }
0x85: {  	_ =	swait.ge [sflag:s21], $0x4000  }
0x86: {  	[sflag:s21] =	ssyncset.done $0x0  }
0x87: {  	s0 =	simm.s32 $0x0;
	[sflag:s21] =	ssyncadd.s32 $0xFFFFC000  }
0x88: {  	[tilespmem:s0], [sflag:$0x3] =	stream.linear.gather [hbm4b:s16+s0], $0x1400, $0x38;
	[tilespmem:$0x1E800] =	vst v63  }
0x89: {  	_ =	swait.ge [sflag:s21], $0x1400  }
0x8a: {  	[sflag:s21] =	ssyncset.done $0x0  }
0x8b: {  	[sflag:s21] =	ssyncadd.s32 $0xFFFFEC00  }
0x8c: {  	[tilespmem:s22], [sflag:$0x3] =	stream.linear.gather [hbm4b:s17+s0], $0x1400, $0x38;
	[tilespmem:$0x1E800] =	vst v63  }
0x8d: {  	_ =	swait.ge [sflag:s21], $0x1400  }
0x8e: {  	[sflag:s21] =	ssyncset.done $0x0  }
0x8f: {  	[sflag:s21] =	ssyncadd.s32 $0xFFFFEC00  }
0x90: {  	[tilespmem:s20], [sflag:$0x1] =	stream.indirect.gather [hbm4b:s4+s23], $0x80, s0, s23, $0xb8;
	[tilespmem:$0x1E800] =	vst v63  }
0x91: {  	_ =	swait.ge [sflag:s24], $0x4000  }
0x92: {  	[sflag:s24] =	ssyncset.done $0x0  }
0x93: {  	s12 =	simm.s32 $0x80;
	[sflag:s24] =	ssyncadd.s32 $0xFFFFC000  }
0x94: {  	[tilespmem:s25], [sflag:$0x2] =	stream.indirect.gather [hbm4b:s4+s23], $0x80, s12, s23, $0xb8;
	[tilespmem:$0x1E800] =	vst v63  }
0x95: {  	s10 =	simm.s32 $0x1400  }
0x96: {  	[spmem:s1] =	stream.indirect.scatter.add.f32 [tilespmem:s20], [sflag:$0x3], $0x80, s10, s23, $0xb8;
	[tilespmem:$0x1E800] =	vst v63  }
0x97: {  	_ =	swait.ge [sflag:s21], $0x4000  }
0x98: {  	[sflag:s21] =	ssyncset.done $0x0  }
0x99: {  	s11 =	simm.s32 $0x100;
	[sflag:s21] =	ssyncadd.s32 $0xFFFFC000  }
0x9a: {  	[tilespmem:s20], [sflag:$0x1] =	stream.indirect.gather [hbm4b:s4+s23], $0x80, s11, s23, $0xb8;
	[tilespmem:$0x1E800] =	vst v63  }
0x9b: {  	_ =	swait.ge [sflag:s26], $0x4000  }
0x9c: {  	[sflag:s26] =	ssyncset.done $0x0  }
0x9d: {  	s12 =	simm.s32 $0x1480;
	[sflag:s26] =	ssyncadd.s32 $0xFFFFC000  }
0x9e: {  	[spmem:s1] =	stream.indirect.scatter.add.f32 [tilespmem:s25], [sflag:$0x3], $0x80, s12, s23, $0xb8;
	[tilespmem:$0x1E800] =	vst v63  }
0x9f: {  	_ =	swait.ge [sflag:s21], $0x4000  }
0xa0: {  	s0 =	simm.s32 $0x400;
	[sflag:s21] =	ssyncset.done $0x0  }
.LBB2_12:
0xa1: {  	p1 =	sne.s32 s0, $0x4800  }
0xa2: {  	[sflag:s21] =	ssyncadd.s32 $0xFFFFC000;
	s10 =	smov.u32 s0;
	s0 =	sadd.s32 $0x400, s0  }
0xa3: {  	_ =	swait.ge [sflag:s24], $0x4000  }
0xa4: {  	s10 =	sshra.s32 s10, $0x2;
	[sflag:s24] =	ssyncset.done $0x0  }
0xa5: {  	s11 =	sadd.s32 $0x80, s10;
	[sflag:s24] =	ssyncadd.s32 $0xFFFFC000  }
0xa6: {  	[tilespmem:s25], [sflag:$0x2] =	stream.indirect.gather [hbm4b:s4+s23], $0x80, s11, s23, $0xb8;
	[tilespmem:$0x1E800] =	vst v63  }
0xa7: {  	s11 =	sadd.s32 $0x1400, s10  }
0xa8: {  	[spmem:s1] =	stream.indirect.scatter.add.f32 [tilespmem:s20], [sflag:$0x3], $0x80, s11, s23, $0xb8;
	[tilespmem:$0x1E800] =	vst v63  }
0xa9: {  	_ =	swait.ge [sflag:s21], $0x4000  }
0xaa: {  	[sflag:s21] =	ssyncset.done $0x0  }
0xab: {  	s11 =	sadd.s32 $0x100, s10;
	[sflag:s21] =	ssyncadd.s32 $0xFFFFC000  }
0xac: {  	[tilespmem:s20], [sflag:$0x1] =	stream.indirect.gather [hbm4b:s4+s23], $0x80, s11, s23, $0xb8;
	[tilespmem:$0x1E800] =	vst v63  }
0xad: {  	_ =	swait.ge [sflag:s26], $0x4000  }
.Ltmp5:
0xae: {  	[sflag:s26] =	ssyncset.done $0x0;
	(pc) =	sbr.rel @p1 .LBB2_12-.Ltmp5, $4  }
0xaf: {  	s10 =	sadd.s32 $0x1480, s10;
	[sflag:s26] =	ssyncadd.s32 $0xFFFFC000  }
0xb0: {  	[spmem:s1] =	stream.indirect.scatter.add.f32 [tilespmem:s25], [sflag:$0x3], $0x80, s10, s23, $0xb8;
	[tilespmem:$0x1E800] =	vst v63  }
0xb1: {  	_ =	swait.ge [sflag:s21], $0x4000  }
0xb2: {  	[sflag:s21] =	ssyncset.done $0x0  }
.Ltmp6:
0xb3: {  	(pc) =	sbr.rel .LBB2_14-.Ltmp6, $2  }
0xb4: {  	_ =	sdelay $0x2  }
0xb5: {  	[sflag:s21] =	ssyncadd.s32 $0xFFFFC000  }
.LBB2_4:
0xb6: {  	s10 =	rddreg [dreg:$0x3]  }
0xb7: {  	[tilespmem:s0], [sflag:$0x3] =	stream.linear.gather [hbm4b:s10+s0], $0x1400, $0x38;
	[tilespmem:$0x1E800] =	vst v63  }
0xb8: {  	_ =	swait.ge [sflag:s21], $0x1400  }
0xb9: {  	[sflag:s21] =	ssyncset.done $0x0  }
0xba: {  	s11 =	rddreg [dreg:$0x4];
	[sflag:s21] =	ssyncadd.s32 $0xFFFFEC00  }
0xbb: {  	[tilespmem:s22], [sflag:$0x3] =	stream.linear.gather [hbm4b:s11+s0], $0x1400, $0x38;
	[tilespmem:$0x1E800] =	vst v63  }
0xbc: {  	_ =	swait.ge [sflag:s21], $0x1400  }
0xbd: {  	[sflag:s21] =	ssyncset.done $0x0  }
0xbe: {  	[sflag:s21] =	ssyncadd.s32 $0xFFFFEC00  }
0xbf: {  	[tilespmem:s20], [sflag:$0x1] =	stream.indirect.gather [hbm4b:s4+s23], $0x80, s0, s23, $0xb8;
	[tilespmem:$0x1E800] =	vst v63  }
0xc0: {  	_ =	swait.ge [sflag:s24], $0x4000  }
0xc1: {  	[sflag:s24] =	ssyncset.done $0x0  }
0xc2: {  	s12 =	simm.s32 $0x80;
	[sflag:s24] =	ssyncadd.s32 $0xFFFFC000  }
0xc3: {  	[tilespmem:s25], [sflag:$0x2] =	stream.indirect.gather [hbm4b:s4+s23], $0x80, s12, s23, $0xb8;
	[tilespmem:$0x1E800] =	vst v63  }
0xc4: {  	s10 =	simm.s32 $0x1400  }
0xc5: {  	[spmem:s1] =	stream.indirect.scatter.add.f32 [tilespmem:s20], [sflag:$0x3], $0x80, s10, s23, $0xb8;
	[tilespmem:$0x1E800] =	vst v63  }
0xc6: {  	_ =	swait.ge [sflag:s21], $0x4000  }
0xc7: {  	[sflag:s21] =	ssyncset.done $0x0  }
0xc8: {  	s11 =	simm.s32 $0x100;
	[sflag:s21] =	ssyncadd.s32 $0xFFFFC000  }
0xc9: {  	[tilespmem:s20], [sflag:$0x1] =	stream.indirect.gather [hbm4b:s4+s23], $0x80, s11, s23, $0xb8;
	[tilespmem:$0x1E800] =	vst v63  }
0xca: {  	_ =	swait.ge [sflag:s26], $0x4000  }
0xcb: {  	[sflag:s26] =	ssyncset.done $0x0  }
0xcc: {  	s12 =	simm.s32 $0x1480;
	[sflag:s26] =	ssyncadd.s32 $0xFFFFC000  }
0xcd: {  	[spmem:s1] =	stream.indirect.scatter.add.f32 [tilespmem:s25], [sflag:$0x3], $0x80, s12, s23, $0xb8;
	[tilespmem:$0x1E800] =	vst v63  }
0xce: {  	_ =	swait.ge [sflag:s21], $0x4000  }
0xcf: {  	s0 =	simm.s32 $0x400;
	[sflag:s21] =	ssyncset.done $0x0  }
.LBB2_5:
0xd0: {  	p1 =	sne.s32 s0, $0x4800  }
0xd1: {  	[sflag:s21] =	ssyncadd.s32 $0xFFFFC000;
	s10 =	smov.u32 s0;
	s0 =	sadd.s32 $0x400, s0  }
0xd2: {  	_ =	swait.ge [sflag:s24], $0x4000  }
0xd3: {  	s10 =	sshra.s32 s10, $0x2;
	[sflag:s24] =	ssyncset.done $0x0  }
0xd4: {  	s11 =	sadd.s32 $0x80, s10;
	[sflag:s24] =	ssyncadd.s32 $0xFFFFC000  }
0xd5: {  	[tilespmem:s25], [sflag:$0x2] =	stream.indirect.gather [hbm4b:s4+s23], $0x80, s11, s23, $0xb8;
	[tilespmem:$0x1E800] =	vst v63  }
0xd6: {  	s11 =	sadd.s32 $0x1400, s10  }
0xd7: {  	[spmem:s1] =	stream.indirect.scatter.add.f32 [tilespmem:s20], [sflag:$0x3], $0x80, s11, s23, $0xb8;
	[tilespmem:$0x1E800] =	vst v63  }
0xd8: {  	_ =	swait.ge [sflag:s21], $0x4000  }
0xd9: {  	[sflag:s21] =	ssyncset.done $0x0  }
0xda: {  	s11 =	sadd.s32 $0x100, s10;
	[sflag:s21] =	ssyncadd.s32 $0xFFFFC000  }
0xdb: {  	[tilespmem:s20], [sflag:$0x1] =	stream.indirect.gather [hbm4b:s4+s23], $0x80, s11, s23, $0xb8;
	[tilespmem:$0x1E800] =	vst v63  }
0xdc: {  	_ =	swait.ge [sflag:s26], $0x4000  }
.Ltmp7:
0xdd: {  	[sflag:s26] =	ssyncset.done $0x0;
	(pc) =	sbr.rel @p1 .LBB2_5-.Ltmp7, $4  }
0xde: {  	s10 =	sadd.s32 $0x1480, s10;
	[sflag:s26] =	ssyncadd.s32 $0xFFFFC000  }
0xdf: {  	[spmem:s1] =	stream.indirect.scatter.add.f32 [tilespmem:s25], [sflag:$0x3], $0x80, s10, s23, $0xb8;
	[tilespmem:$0x1E800] =	vst v63  }
0xe0: {  	_ =	swait.ge [sflag:s21], $0x4000  }
0xe1: {  	[sflag:s21] =	ssyncset.done $0x0  }
0xe2: {  	[sflag:s21] =	ssyncadd.s32 $0xFFFFC000  }
0xe3: {  	_ =	swait.ge [sflag:s24], $0x4000  }
0xe4: {  	[sflag:s24] =	ssyncset.done $0x0  }
0xe5: {  	[sflag:s24] =	ssyncadd.s32 $0xFFFFC000  }
0xe6: {  	[tilespmem:s25], [sflag:$0x2] =	stream.indirect.gather [hbm4b:s4+s23], $0x80, s28, s23, $0xb8;
	[tilespmem:$0x1E800] =	vst v63  }
0xe7: {  	_ = 	snop  }
0xe8: {  	[spmem:s1] =	stream.indirect.scatter.add.f32 [tilespmem:s20], [sflag:$0x3], $0x80, s29, s23, $0xb8;
	[tilespmem:$0x1E800] =	vst v63  }
0xe9: {  	_ =	swait.ge [sflag:s21], $0x4000  }
0xea: {  	[sflag:s21] =	ssyncset.done $0x0  }
0xeb: {  	[sflag:s21] =	ssyncadd.s32 $0xFFFFC000  }
0xec: {  	_ =	swait.ge [sflag:s26], $0x4000  }
0xed: {  	[sflag:s26] =	ssyncset.done $0x0  }
0xee: {  	[sflag:s26] =	ssyncadd.s32 $0xFFFFC000  }
0xef: {  	[spmem:s1] =	stream.indirect.scatter.add.f32 [tilespmem:s25], [sflag:$0x3], $0x80, s30, s23, $0xb8;
	[tilespmem:$0x1E800] =	vst v63  }
0xf0: {  	_ =	swait.ge [sflag:s21], $0x4000  }
0xf1: {  	[sflag:s21] =	ssyncset.done $0x0  }
0xf2: {  	s0 =	simm.s32 $0x0;
	s10 =	rddreg [dreg:$0x5];
	[sflag:s21] =	ssyncadd.s32 $0xFFFFC000  }
0xf3: {  	[tilespmem:s0], [sflag:$0x3] =	stream.linear.gather [hbm4b:s10+s0], $0x1400, $0x38;
	[tilespmem:$0x1E800] =	vst v63  }
0xf4: {  	_ =	swait.ge [sflag:s21], $0x1400  }
0xf5: {  	[sflag:s21] =	ssyncset.done $0x0  }
0xf6: {  	[sflag:s21] =	ssyncadd.s32 $0xFFFFEC00  }
0xf7: {  	[tilespmem:s22], [sflag:$0x3] =	stream.linear.gather [hbm4b:s13+s0], $0x1400, $0x38;
	[tilespmem:$0x1E800] =	vst v63  }
0xf8: {  	_ =	swait.ge [sflag:s21], $0x1400  }
0xf9: {  	[sflag:s21] =	ssyncset.done $0x0  }
0xfa: {  	[sflag:s21] =	ssyncadd.s32 $0xFFFFEC00  }
0xfb: {  	[tilespmem:s20], [sflag:$0x1] =	stream.indirect.gather [hbm4b:s4+s23], $0x80, s0, s23, $0xb8;
	[tilespmem:$0x1E800] =	vst v63  }
0xfc: {  	_ =	swait.ge [sflag:s24], $0x4000  }
0xfd: {  	[sflag:s24] =	ssyncset.done $0x0  }
0xfe: {  	s12 =	simm.s32 $0x80;
	[sflag:s24] =	ssyncadd.s32 $0xFFFFC000  }
0xff: {  	[tilespmem:s25], [sflag:$0x2] =	stream.indirect.gather [hbm4b:s4+s23], $0x80, s12, s23, $0xb8;
	[tilespmem:$0x1E800] =	vst v63  }
0x100: {  	s10 =	simm.s32 $0x1400  }
0x101: {  	[spmem:s1] =	stream.indirect.scatter.add.f32 [tilespmem:s20], [sflag:$0x3], $0x80, s10, s23, $0xb8;
	[tilespmem:$0x1E800] =	vst v63  }
0x102: {  	_ =	swait.ge [sflag:s21], $0x4000  }
0x103: {  	[sflag:s21] =	ssyncset.done $0x0  }
0x104: {  	s11 =	simm.s32 $0x100;
	[sflag:s21] =	ssyncadd.s32 $0xFFFFC000  }
0x105: {  	[tilespmem:s20], [sflag:$0x1] =	stream.indirect.gather [hbm4b:s4+s23], $0x80, s11, s23, $0xb8;
	[tilespmem:$0x1E800] =	vst v63  }
0x106: {  	_ =	swait.ge [sflag:s26], $0x4000  }
0x107: {  	[sflag:s26] =	ssyncset.done $0x0  }
0x108: {  	s12 =	simm.s32 $0x1480;
	[sflag:s26] =	ssyncadd.s32 $0xFFFFC000  }
0x109: {  	[spmem:s1] =	stream.indirect.scatter.add.f32 [tilespmem:s25], [sflag:$0x3], $0x80, s12, s23, $0xb8;
	[tilespmem:$0x1E800] =	vst v63  }
0x10a: {  	_ =	swait.ge [sflag:s21], $0x4000  }
0x10b: {  	s0 =	simm.s32 $0x400;
	[sflag:s21] =	ssyncset.done $0x0  }
.LBB2_7:
0x10c: {  	p1 =	seq.s32 s0, $0x4800  }
0x10d: {  	[sflag:s21] =	ssyncadd.s32 $0xFFFFC000;
	s10 =	smov.u32 s0;
	s0 =	sadd.s32 $0x400, s0  }
0x10e: {  	_ =	swait.ge [sflag:s24], $0x4000  }
0x10f: {  	s10 =	sshra.s32 s10, $0x2;
	[sflag:s24] =	ssyncset.done $0x0  }
0x110: {  	s11 =	sadd.s32 $0x80, s10;
	[sflag:s24] =	ssyncadd.s32 $0xFFFFC000  }
0x111: {  	[tilespmem:s25], [sflag:$0x2] =	stream.indirect.gather [hbm4b:s4+s23], $0x80, s11, s23, $0xb8;
	[tilespmem:$0x1E800] =	vst v63  }
0x112: {  	s11 =	sadd.s32 $0x1400, s10  }
0x113: {  	[spmem:s1] =	stream.indirect.scatter.add.f32 [tilespmem:s20], [sflag:$0x3], $0x80, s11, s23, $0xb8;
	[tilespmem:$0x1E800] =	vst v63  }
0x114: {  	_ =	swait.ge [sflag:s21], $0x4000  }
0x115: {  	[sflag:s21] =	ssyncset.done $0x0  }
0x116: {  	s11 =	sadd.s32 $0x100, s10;
	[sflag:s21] =	ssyncadd.s32 $0xFFFFC000  }
0x117: {  	[tilespmem:s20], [sflag:$0x1] =	stream.indirect.gather [hbm4b:s4+s23], $0x80, s11, s23, $0xb8;
	[tilespmem:$0x1E800] =	vst v63  }
0x118: {  	_ =	swait.ge [sflag:s26], $0x4000  }
.Ltmp8:
0x119: {  	[sflag:s26] =	ssyncset.done $0x0;
	(pc) =	sbr.rel @!p1 .LBB2_7-.Ltmp8, $4  }
0x11a: {  	s10 =	sadd.s32 $0x1480, s10;
	[sflag:s26] =	ssyncadd.s32 $0xFFFFC000  }
0x11b: {  	[spmem:s1] =	stream.indirect.scatter.add.f32 [tilespmem:s25], [sflag:$0x3], $0x80, s10, s23, $0xb8;
	[tilespmem:$0x1E800] =	vst v63  }
0x11c: {  	_ =	swait.ge [sflag:s21], $0x4000  }
0x11d: {  	[sflag:s21] =	ssyncset.done $0x0  }
.Ltmp9:
0x11e: {  	_ = 	snop;
	(pc) =	sbr.rel .LBB2_8-.Ltmp9, $1  }
0x11f: {  	_ =	sdelay $0x3  }
.LBB2_15:
0x120: {  	_ =	sfence.sel $0x180000  }
0x121: {  	[bflag:$0x0] =	sbarrier.arrive $0xFFFF  }
0x122: {  	_ =	strace $0x9000004A  }
0x123: {  	[bflag:$0x2] =	sbarrier.arrive $0xFFFF  }
0x124: {  	p0 =	sne.s32 s2, $0x0;
	s0 =	rddreg [dreg:$0x2]  }
0x125: {  	s0 =	sadd.s32 @!p0 $0x100000, s0  }
0x126: {  	[sflag:s0] =	ssyncadd.tile.s32 @!p0 $0x1;
	_ =	shalt  }
.Lfunc_end2:
_tile_overlayer_lowered:
.L_overlay_start_2:
0x127: {  	(tag) =	ssettag $0x2  }
0x128: {  	s0 =	rddreg [dreg:$0x0];
	s2 =	stileid.u32  }
0x129: {  	s1 =	rddreg [dreg:$0x1];
	p0 =	sne.s32 s2, $0x0  }
0x12a: {  	s3 =	rddreg [dreg:$0x2];
	[bflag:$0x3] =	sbarrier.arrive $0xFFFF;
	s2 =	simm.s32 @!p0 $0x1C03  }
0x12b: {  	[timem:s3], [sflag:s2] =	dma.local @!p0 [hbm:s0], s1  }
0x12c: {  	s0 =	simm.s32 @!p0 $0x3  }
0x12d: {  	_ =	swait.ge @!p0 [sflag:s0], s1  }
0x12e: {  	s1 =	ssub.s32 @!p0 $0x0, s1;
	[sflag:s0] =	ssyncset.done @!p0 $0x0  }
0x12f: {  	[sflag:s0] =	ssyncadd.s32 @!p0 s1  }
0x130: {  	[bflag:$0x3] =	sbarrier.arrive $0xFFFF  }
0x131: {  	_ =	shalt  }

// kernel: kernel.17.cloned.1.call-start
scs
__scs_entry_jumppad:
0x0: {  	(pc) =	sbr.rel $0x88, $3  }
0x1: {  	(tag) =	ssettag $0x0;
	lr =	simm.s32 $0x1  }
0x2: {  	[smem:$0x3F93] =	sst lr;
	_ =	strace $0xD0000000  }
0x3: {  	_ = 	snop  }
0x4: {  	_ = 	snop  }
0x5: {  	_ = 	snop  }
0x6: {  	_ = 	snop  }
0x7: {  	_ = 	snop  }
__scs_overlays_trampoline_lowered:
0x8: {  	[smem:$0x3FA2] =	sst s0  }
0x9: {  	[smem:$0x3FA3] =	sst s1  }
0xa: {  	[smem:$0x3FA4] =	sst s2  }
0xb: {  	[smem:$0x3FA5] =	sst s3  }
0xc: {  	[smem:$0x3FA6] =	sst s4  }
0xd: {  	[smem:$0x3FA7] =	sst s5  }
0xe: {  	[smem:$0x3FA8] =	sst s6  }
0xf: {  	[smem:$0x3FA9] =	sst s7  }
0x10: {  	[smem:$0x3FAA] =	sst s8  }
0x11: {  	[smem:$0x3FAB] =	sst s9;
	s0 =	simm.s32 @!p0 $0x0  }
0x12: {  	s1 =	sld [smem:$0x3F91];
	s0 =	simm.s32 @p0 $0x1  }
0x13: {  	[smem:$0x3FAC] =	sst s0;
	s0 =	simm.s32 @!p1 $0x0  }
0x14: {  	s2 =	sld [smem:$0x3F90];
	s0 =	simm.s32 @p1 $0x1  }
0x15: {  	[smem:$0x3FAD] =	sst s0;
	s0 =	simm.s32 @!p2 $0x0  }
0x16: {  	s3 =	sld [smem:$0x3FDB];
	s0 =	simm.s32 @p2 $0x1  }
0x17: {  	s4 =	simm.s32 $0x1BF5;
	[smem:$0x3FAF] =	sst s0  }
0x18: {  	s0 =	sld [smem:$0x3F92];
	_ =	swait.ge [sflag:s4], $0x0  }
0x19: {  	s7 =	sld [smem:$0x3F93]  }
0x1a: {  	s8 =	sadd.s32 $0xFFFFE003, lr  }
0x1b: {  	s9 =	sadd.s32 $0xFFFFFEF7, lr;
	s5 =	simm.s32 $0xFFFFFFFF;
	p2 =	slt.u32 s8, $0xFFFFF086  }
0x1c: {  	p1 =	slt.u32 s9, $0xF7A;
	s5 =	simm.s32 @!p2 $0x0  }
0x1d: {  	s5 =	simm.s32 @p1 $0x1;
	p0 =	seq.s32 s7, s2  }
0x1e: {  	s7 =	smul.u32 @!p0 $0xF7A, s2;
	p2 =	seq.s32 @!p0 s5, $0x0  }
0x1f: {  	s9 =	smul.u32 $0xF7A, s1;
	s8 =	simm.s32 @!p0 $0x1BF5;
	p2 =	por !p2, p0  }
0x20: {  	[sflag:s8] =	ssyncset.s32 @!p0 $0xFFFFF086;
	s6 =	sadd.s32 @!p0 s3, s7;
	s7 =	simm.s32 @!p0 $0x108  }
0x21: {  	s3 =	sadd.s32 s3, s9;
	s6 =	sadd.s32 @!p0 $0x88, s6;
	s7 =	simm.s32 @p2 $0x1082  }
0x22: {  	[simem:s7], [sflag:s8] =	dma.local @!p0 [hbm:s6], $0xF7A  }
0x23: {  	s9 =	sor.u32 $0xD0000000, s2;
	s6 =	simm.s32 $0x108;
	_ =	swait.ge @!p0 [sflag:s8], $0x0  }
0x24: {  	s3 =	sadd.s32 $0x88, s3;
	s6 =	simm.s32 @!p1 $0x1082;
	[sflag:s4] =	ssyncset.s32 $0xFFFFF086  }
0x25: {  	[simem:s6], [sflag:s4] =	dma.local [hbm:s3], $0xF7A  }
0x26: {  	[smem:$0x3F93] =	sst s1;
	(tag) =	ssettag s2;
	_ =	strace s9  }
0x27: {  	s1 =	sld [smem:$0x3FA3]  }
0x28: {  	s2 =	sld [smem:$0x3FA4]  }
0x29: {  	s4 =	sld [smem:$0x3FA6]  }
0x2a: {  	p0 =	seq.s32 s5, $0x0;
	s5 =	sld [smem:$0x3FA7]  }
0x2b: {  	s6 =	sld [smem:$0x3FA8]  }
0x2c: {  	s7 =	sld [smem:$0x3FA9]  }
0x2d: {  	s3 =	simm.s32 $0x108;
	s8 =	sld [smem:$0x3FAA]  }
0x2e: {  	s3 =	simm.s32 @!p0 $0x1082;
	s9 =	sld [smem:$0x3FAB]  }
0x2f: {  	lr =	sadd.s32 s0, s3;
	s0 =	sld [smem:$0x3FA2]  }
0x30: {  	s3 =	sld [smem:$0x3FA5]  }
0x31: {  	[smem:$0x3FAE] =	sst s10  }
0x32: {  	s10 =	sld [smem:$0x3FAC];
	_ =	sdelay $0x3  }
0x33: {  	p0 =	seq.s32 s10, $0x1;
	s10 =	sld [smem:$0x3FAE];
	_ =	sdelay $0x3  }
0x34: {  	[smem:$0x3FAE] =	sst s10  }
0x35: {  	s10 =	sld [smem:$0x3FAD];
	_ =	sdelay $0x3  }
0x36: {  	p1 =	seq.s32 s10, $0x1;
	s10 =	sld [smem:$0x3FAE];
	_ =	sdelay $0x3  }
0x37: {  	[smem:$0x3FAE] =	sst s10  }
0x38: {  	s10 =	sld [smem:$0x3FAF]  }
0x39: {  	_ = 	snop;
	(pc) =	sbr.ind lr, $3  }
0x3a: {  	_ = 	snop  }
0x3b: {  	_ = 	snop  }
0x3c: {  	p2 =	seq.s32 s10, $0x1;
	s10 =	sld [smem:$0x3FAE]  }
0x3d: {  	_ =	shalt  }
0x3e: {  	_ =	shalt  }
0x3f: {  	_ =	shalt  }
0x40: {  	_ =	shalt  }
0x41: {  	_ =	shalt  }
0x42: {  	_ =	shalt  }
0x43: {  	_ =	shalt  }
0x44: {  	_ =	shalt  }
0x45: {  	_ =	shalt  }
0x46: {  	_ =	shalt  }
0x47: {  	_ =	shalt  }
0x48: {  	_ =	shalt  }
0x49: {  	_ =	shalt  }
0x4a: {  	_ =	shalt  }
0x4b: {  	_ =	shalt  }
0x4c: {  	_ =	shalt  }
0x4d: {  	_ =	shalt  }
0x4e: {  	_ =	shalt  }
0x4f: {  	_ =	shalt  }
0x50: {  	_ =	shalt  }
0x51: {  	_ =	shalt  }
0x52: {  	_ =	shalt  }
0x53: {  	_ =	shalt  }
0x54: {  	_ =	shalt  }
0x55: {  	_ =	shalt  }
0x56: {  	_ =	shalt  }
0x57: {  	_ =	shalt  }
0x58: {  	_ =	shalt  }
0x59: {  	_ =	shalt  }
0x5a: {  	_ =	shalt  }
0x5b: {  	_ =	shalt  }
0x5c: {  	_ =	shalt  }
0x5d: {  	_ =	shalt  }
0x5e: {  	_ =	shalt  }
0x5f: {  	_ =	shalt  }
0x60: {  	_ =	shalt  }
0x61: {  	_ =	shalt  }
0x62: {  	_ =	shalt  }
0x63: {  	_ =	shalt  }
0x64: {  	_ =	shalt  }
0x65: {  	_ =	shalt  }
0x66: {  	_ =	shalt  }
0x67: {  	_ =	shalt  }
0x68: {  	_ =	shalt  }
0x69: {  	_ =	shalt  }
0x6a: {  	_ =	shalt  }
0x6b: {  	_ =	shalt  }
0x6c: {  	_ =	shalt  }
0x6d: {  	_ =	shalt  }
0x6e: {  	_ =	shalt  }
0x6f: {  	_ =	shalt  }
0x70: {  	_ =	shalt  }
0x71: {  	_ =	shalt  }
0x72: {  	_ =	shalt  }
0x73: {  	_ =	shalt  }
0x74: {  	_ =	shalt  }
0x75: {  	_ =	shalt  }
0x76: {  	_ =	shalt  }
0x77: {  	_ =	shalt  }
0x78: {  	_ =	shalt  }
0x79: {  	_ =	shalt  }
0x7a: {  	_ =	shalt  }
0x7b: {  	_ =	shalt  }
0x7c: {  	_ =	shalt  }
0x7d: {  	_ =	shalt  }
0x7e: {  	_ =	shalt  }
0x7f: {  	_ =	shalt  }
0x80: {  	_ =	shalt  }
0x81: {  	_ =	shalt  }
0x82: {  	_ =	shalt  }
0x83: {  	_ =	shalt  }
0x84: {  	_ =	shalt  }
0x85: {  	_ =	shalt  }
0x86: {  	_ =	shalt  }
0x87: {  	_ =	shalt  }
.Lfunc_end0:
.L_simem_size_0:
called_computation.2_lowered:
.L_overlay_start_0:
0x88: {  	s2 =	sld [smem:$0x3FD9]  }
0x89: {  	s3 =	sld [smem:$0x3FFE];
	_ =	sdelay $0x1  }
0x8a: {  	s1 =	srdreg.scid  }
0x8b: {  	s0 =	sand.u32 $0x1, s1  }
0x8c: {  	s16 =	sshll.u32 s0, $0xA;
	s2 =	sadd.s32 s3, s2  }
0x8d: {  	s2 =	sadd.s32 s2, s16  }
0x8e: {  	[smem:$0x3FBA] =	sst s2  }
0x8f: {  	_ = 	snop  }
0x90: {  	(tm) =	ssettm $0x1  }
0x91: {  	s17 =	sld [smem:$0x3FFB];
	_ =	sdelay $0x3  }
0x92: {  	_ =	strace s17  }
0x93: {  	s2 =	sld [smem:$0x3FFC];
	_ =	sdelay $0x3  }
0x94: {  	_ =	strace s2  }
0x95: {  	s2 =	sld [smem:$0x3FFD];
	_ =	sdelay $0x3  }
0x96: {  	_ =	strace s2  }
0x97: {  	_ =	strace $0x8FFFFFFF  }
0x98: {  	s18 =	sld [smem:$0x3FDB];
	_ =	sdelay $0x1  }
0x99: {  	s19 =	simm.s32 $_scs_section_size  }
0x9a: {  	s4 =	simm.s32 $_size__tile_overlayer_lowered;
	s5 =	simm.s32 $_tile_overlayer_lowered  }
0x9b: {  	s22 =	simm.s32 $0x1BFF;
	s21 =	sshll.u32 s5, $0x1;
	s2 =	sadd.s32 s19, s18  }
0x9c: {  	s6 =	simm.s32 $0x0;
	s20 =	sshll.u32 s4, $0x1;
	s4 =	sadd.s32 s21, s2  }
0x9d: {  	[timem:s6], [sflag:s22] =	dma.local [hbm:s4], s20  }
0x9e: {  	_ =	swait.ge [sflag:s22], s20  }
0x9f: {  	s3 =	ssub.s32 $0x0, s20;
	[sflag:s22] =	ssyncset.done $0x0  }
0xa0: {  	[sflag:s22] =	ssyncadd.s32 s3;
	_ =	sdelay $0x1  }
0xa1: {  	s23 =	simm.s32 $0x1B8B  }
0xa2: {  	_ =	swait.ge [sflag:s23], $0x1  }
0xa3: {  	[sflag:s23] =	ssyncset.done $0x0  }
0xa4: {  	s25 =	simm.s32 $0x1B8E;
	s24 =	sld [smem:$0x3FFE];
	[sflag:s23] =	ssyncadd.s32 $0xFFFFFFFF  }
0xa5: {  	s26 =	simm.s32 $execute0_lowered;
	[smem:$0x3FD2] =	sst s25  }
0xa6: {  	s4 =	sshll.u32 s26, $0x1;
	_ =	strace $0x8000004C;
	[dreg:$0x1] =	wrdreg $0xFFFFFFFF  }
0xa7: {  	s28 =	simm.s32 $_size_execute0_lowered;
	s2 =	sadd.s32 s2, s4;
	[dreg:$0x0] =	wrdreg $0x0  }
0xa8: {  	s4 =	sshll.u32 s28, $0x1;
	[dreg:$0x2] =	wrdreg s2  }
0xa9: {  	[dreg:$0x3] =	wrdreg s4  }
0xaa: {  	[dreg:$0x4] =	wrdreg $0xC0  }
0xab: {  	_ =	task [dreg:s6], $0x5FFFF  }
0xac: {  	[dreg:$0x1] =	wrdreg $0xFFFFFFFF  }
0xad: {  	[dreg:$0x0] =	wrdreg $0x60  }
0xae: {  	[dreg:$0x2] =	wrdreg s24  }
0xaf: {  	[dreg:$0x3] =	wrdreg $0xA8000  }
0xb0: {  	[dreg:$0x4] =	wrdreg $0x9  }
0xb1: {  	_ =	task.clear_ibuf [dreg:s6], $0x5FFFF;
	_ =	strace $0x9000004C  }
0xb2: {  	s29 =	simm.s32 $0x9;
	_ =	strace $0x8000004E  }
0xb3: {  	_ =	swait.ge [sflag:s29], $0x1  }
0xb4: {  	[sflag:s29] =	ssyncadd.s32 $0xFFFFFFFF  }
0xb5: {  	_ =	strace $0x9000004E  }
0xb6: {  	_ =	sfence  }
0xb7: {  	s30 =	sld [smem:$0x0];
	_ =	sdelay $0x2  }
0xb8: {  	s31 =	sshll.u32 s1, $0xD;
	s1 =	sshrl.u32 s1, $0x2  }
0xb9: {  	s3 =	sand.u32 $0x4000, s31;
	s1 =	sadd.s32 s1, s30  }
0xba: {  	s0 =	sor.u32 s3, s0;
	s1 =	sshll.u32 s1, $0x11  }
0xbb: {  	s0 =	sor.u32 s1, s0  }
0xbc: {  	s0 =	sadd.s32 $0x8F2B, s0  }
0xbd: {  	[sflag:s0] =	ssyncadd.remote.s32 $0x1  }
0xbe: {  	_ =	sfence.sel $0xFFFF  }
0xbf: {  	[dreg:$0x0] =	wrdreg $0xFFFFFFFF;
	(pc) =	sbr.abs _section_cstart, $3  }
0xc0: {  	[dreg:$0x1] =	wrdreg $0xFFFFFFFF  }
0xc1: {  	_ =	task.clear_ibuf [dreg:s6], $0x2FFFF;
	_ =	strace $0x9FFFFFFF  }
0xc2: {  	(tm) =	ssettm $0x7FFFFFFF  }
0xc3: {  	_ =	shalt  }
tec
execute0_lowered:
.L_overlay_start_1:
0x0: {  	(tag) =	ssettag $0x1  }
0x1: {  	s0 =	rddreg [dreg:$0x0]  }
0x2: {  	s1 =	rddreg [dreg:$0x1];
	s3 =	simm.s32 $0x0  }
0x3: {  	s2 =	srdreg.scid;
	s20 =	simm.s32 $0x2800;
	s21 =	simm.s32 $0x3  }
0x4: {  	s22 =	simm.s32 $0x1400;
	s28 =	simm.s32 $0x1380;
	s29 =	simm.s32 $0x2700  }
0x5: {  	s30 =	simm.s32 $0x2780;
	s31 =	simm.s32 $0x0;
	[smem:$0x7FF] =	sst s3  }
0x6: {  	s10 =	sand.u32 $0x1, s2;
	s2 =	stileid.u32;
	s4 =	sadd.s32 $0x5FE00, s0  }
0x7: {  	s11 =	sadd.s32 $0x8CE00, s0;
	s13 =	sadd.s32 $0x87E00, s0;
	s5 =	smul.u32 $0x140000, s10  }
0x8: {  	s16 =	sadd.s32 $0x5AE00, s0;
	s17 =	sadd.s32 $0x55E00, s0;
	s6 =	smul.u32 $0x14000, s2  }
0x9: {  	_ =	strace $0x8000004D;
	s7 =	smul.u32 $0x50000, s2;
	s8 =	ssub.s32 $0x2, s10  }
0xa: {  	s9 =	smul.u32 $0x2800, s2;
	p0 =	seq.s32 s10, $0x1;
	s24 =	sshrl.u32 s8, $0x1  }
0xb: {  	s5 =	sadd.s32 s6, s5;
	s23 =	sshrl.u32 s7, $0x2;
	s19 =	ssub.s32 s8, s24  }
0xc: {  	s15 =	sshrl.u32 s9, $0x3;
	s24 =	simm.s32 $0x1;
	s6 =	sshrl.u32 s5, $0x3  }
0xd: {  	s5 =	sadd.s32 s23, s1;
	s25 =	sadd.s32 $0x280, s15;
	s12 =	sadd.s32 s11, s15  }
0xe: {  	s26 =	sadd.s32 s13, s15;
	s14 =	sadd.s32 s16, s15;
	s15 =	sadd.s32 s17, s15  }
0xf: {  	s19 =	smax.u32 s19, $0x1;
	s23 =	simm.s32 $0x80;
	s0 =	sadd.s32 s6, s0  }
.Ltmp0:
0x10: {  	s6 =	sadd.s32 $0x4000, s5;
	s7 =	sadd.s32 $0x8000, s5;
	(pc) =	sbr.rel .LBB2_1-.Ltmp0, $4  }
0x11: {  	s8 =	sadd.s32 $0xC000, s5;
	s9 =	sadd.s32 $0x10000, s5;
	[dreg:$0x3] =	wrdreg s12  }
0x12: {  	[dreg:$0x4] =	wrdreg s26;
	s11 =	sadd.s32 s11, s25;
	s13 =	sadd.s32 s13, s25  }
0x13: {  	s16 =	sadd.s32 s16, s25;
	s17 =	sadd.s32 s17, s25;
	s25 =	simm.s32 $0x6800  }
0x14: {  	v0 =	vimm.f32 $0.0e+00;
	s26 =	simm.s32 $0x2;
	[dreg:$0x5] =	wrdreg s11;
	s18 =	sadd.s32 $0xB9E00, s0  }
.LBB2_8:
0x15: {  	[sflag:s21] =	ssyncadd.s32 $0xFFFFC000  }
.LBB2_14:
0x16: {  	_ =	swait.ge [sflag:s24], $0x4000  }
0x17: {  	[sflag:s24] =	ssyncset.done $0x0  }
0x18: {  	[sflag:s24] =	ssyncadd.s32 $0xFFFFC000  }
0x19: {  	[tilespmem:s25], [sflag:$0x2] =	stream.indirect.gather [hbm4b:s4+s23], $0x80, s28, s23, $0xb8;
	[tilespmem:$0x1E800] =	vst v63  }
0x1a: {  	_ = 	snop  }
0x1b: {  	[spmem:s1] =	stream.indirect.scatter.add.f32 [tilespmem:s20], [sflag:$0x3], $0x80, s29, s23, $0xb8;
	[tilespmem:$0x1E800] =	vst v63  }
0x1c: {  	_ =	swait.ge [sflag:s21], $0x4000  }
0x1d: {  	[sflag:s21] =	ssyncset.done $0x0  }
0x1e: {  	[sflag:s21] =	ssyncadd.s32 $0xFFFFC000  }
0x1f: {  	_ =	swait.ge [sflag:s26], $0x4000  }
0x20: {  	[sflag:s26] =	ssyncset.done $0x0  }
0x21: {  	[sflag:s26] =	ssyncadd.s32 $0xFFFFC000  }
0x22: {  	[spmem:s1] =	stream.indirect.scatter.add.f32 [tilespmem:s25], [sflag:$0x3], $0x80, s30, s23, $0xb8;
	[tilespmem:$0x1E800] =	vst v63  }
0x23: {  	_ =	swait.ge [sflag:s21], $0x4000  }
0x24: {  	s0 =	sshll.u32 s2, $0x6;
	s31 =	sadd.s32 $0x1, s31;
	[sflag:s21] =	ssyncset.done $0x0  }
0x25: {  	s10 =	sshrl.u32 s5, $0x3;
	p1 =	sne.s32 s31, s19;
	[sflag:s21] =	ssyncadd.s32 $0xFFFFC000  }
.Ltmp1:
0x26: {  	s0 =	sor.u32 $0x1C03, s0;
	[bflag:$0x0] =	sbarrier.arrive $0xFFFF;
	(pc) =	sbr.rel @!p1 .LBB2_15-.Ltmp1, $4  }
0x27: {  	[hbm:s18], [sflag:s0] =	dma.local [spmem:s10], $0x2800  }
0x28: {  	_ =	swait.ge [sflag:s21], $0x2800  }
0x29: {  	[sflag:s21] =	ssyncset.done $0x0  }
0x2a: {  	[sflag:s21] =	ssyncadd.s32 $0xFFFFD800  }
.LBB2_1:
0x2b: {  	s0 =	sand.u32 $0xFE00, s3  }
0x2c: {  	s10 =	sand.u32 $0x70, s3;
	s11 =	sshrl.u32 s0, $0x2  }
0x2d: {  	s0 =	simm.s32 $0x40;
	s11 =	sor.u32 s10, s11;
	s10 =	simm.s32 $0x0  }
.LBB2_2:
0x2e: {  	p1 =	sne.s32 s0, $0xFFC0  }
0x2f: {  	[tilespmem:s11+$0x2800] =	vst v0;
	s10 =	sadd.s32 $0x10, s10;
	s11 =	smov.u32 s0;
	s0 =	sadd.s32 $0x40, s0  }
.Ltmp2:
0x30: {  	(pc) =	sbr.rel @p1 .LBB2_2-.Ltmp2, $4  }
0x31: {  	_ = 	snop  }
0x32: {  	s11 =	sand.u32 $0xFE00, s11  }
0x33: {  	s12 =	sand.u32 $0x70, s10;
	s11 =	sshrl.u32 s11, $0x2  }
0x34: {  	s11 =	sor.u32 s12, s11  }
0x35: {  	[tilespmem:s11+$0x2800] =	vst v0  }
0x36: {  	[spmem:s5] =	stream.linear.scatter [tilespmem:s20], [sflag:$0x3], $0x4000, $0x38;
	[tilespmem:$0x1E800] =	vst v63  }
0x37: {  	_ =	swait.ge [sflag:s21], $0x4000  }
0x38: {  	[sflag:s21] =	ssyncset.done $0x0  }
0x39: {  	[sflag:s21] =	ssyncadd.s32 $0xFFFFC000  }
0x3a: {  	[spmem:s6] =	stream.linear.scatter [tilespmem:s20], [sflag:$0x3], $0x4000, $0x38;
	[tilespmem:$0x1E800] =	vst v63  }
0x3b: {  	_ =	swait.ge [sflag:s21], $0x4000  }
0x3c: {  	[sflag:s21] =	ssyncset.done $0x0  }
0x3d: {  	[sflag:s21] =	ssyncadd.s32 $0xFFFFC000  }
0x3e: {  	[spmem:s7] =	stream.linear.scatter [tilespmem:s20], [sflag:$0x3], $0x4000, $0x38;
	[tilespmem:$0x1E800] =	vst v63  }
0x3f: {  	_ =	swait.ge [sflag:s21], $0x4000  }
0x40: {  	[sflag:s21] =	ssyncset.done $0x0  }
0x41: {  	[sflag:s21] =	ssyncadd.s32 $0xFFFFC000  }
0x42: {  	[spmem:s8] =	stream.linear.scatter [tilespmem:s20], [sflag:$0x3], $0x4000, $0x38;
	[tilespmem:$0x1E800] =	vst v63  }
0x43: {  	_ =	swait.ge [sflag:s21], $0x4000  }
0x44: {  	[sflag:s21] =	ssyncset.done $0x0  }
0x45: {  	[sflag:s21] =	ssyncadd.s32 $0xFFFFC000  }
0x46: {  	[spmem:s9] =	stream.linear.scatter [tilespmem:s20], [sflag:$0x3], $0x4000, $0x38;
	[tilespmem:$0x1E800] =	vst v63  }
.Ltmp3:
0x47: {  	_ =	swait.ge [sflag:s21], $0x4000;
	(pc) =	sbr.rel @!p0 .LBB2_4-.Ltmp3, $4  }
0x48: {  	[sflag:s21] =	ssyncset.done $0x0  }
0x49: {  	[sflag:s21] =	ssyncadd.s32 $0xFFFFC000  }
0x4a: {  	[bflag:$0x0] =	sbarrier.arrive $0xFFFF  }
0x4b: {  	s0 =	simm.s32 $0x0  }
0x4c: {  	[tilespmem:s0], [sflag:$0x3] =	stream.linear.gather [hbm4b:s14+s0], $0x1400, $0x38;
	[tilespmem:$0x1E800] =	vst v63  }
0x4d: {  	_ =	swait.ge [sflag:s21], $0x1400  }
0x4e: {  	[sflag:s21] =	ssyncset.done $0x0  }
0x4f: {  	[sflag:s21] =	ssyncadd.s32 $0xFFFFEC00  }
0x50: {  	[tilespmem:s22], [sflag:$0x3] =	stream.linear.gather [hbm4b:s15+s0], $0x1400, $0x38;
	[tilespmem:$0x1E800] =	vst v63  }
0x51: {  	_ =	swait.ge [sflag:s21], $0x1400  }
0x52: {  	[sflag:s21] =	ssyncset.done $0x0  }
0x53: {  	[sflag:s21] =	ssyncadd.s32 $0xFFFFEC00  }
0x54: {  	[tilespmem:s20], [sflag:$0x1] =	stream.indirect.gather [hbm4b:s4+s23], $0x80, s0, s23, $0xb8;
	[tilespmem:$0x1E800] =	vst v63  }
0x55: {  	_ =	swait.ge [sflag:s24], $0x4000  }
0x56: {  	[sflag:s24] =	ssyncset.done $0x0  }
0x57: {  	s12 =	simm.s32 $0x80;
	[sflag:s24] =	ssyncadd.s32 $0xFFFFC000  }
0x58: {  	[tilespmem:s25], [sflag:$0x2] =	stream.indirect.gather [hbm4b:s4+s23], $0x80, s12, s23, $0xb8;
	[tilespmem:$0x1E800] =	vst v63  }
0x59: {  	s10 =	simm.s32 $0x1400  }
0x5a: {  	[spmem:s1] =	stream.indirect.scatter.add.f32 [tilespmem:s20], [sflag:$0x3], $0x80, s10, s23, $0xb8;
	[tilespmem:$0x1E800] =	vst v63  }
0x5b: {  	_ =	swait.ge [sflag:s21], $0x4000  }
0x5c: {  	[sflag:s21] =	ssyncset.done $0x0  }
0x5d: {  	s11 =	simm.s32 $0x100;
	[sflag:s21] =	ssyncadd.s32 $0xFFFFC000  }
0x5e: {  	[tilespmem:s20], [sflag:$0x1] =	stream.indirect.gather [hbm4b:s4+s23], $0x80, s11, s23, $0xb8;
	[tilespmem:$0x1E800] =	vst v63  }
0x5f: {  	_ =	swait.ge [sflag:s26], $0x4000  }
0x60: {  	[sflag:s26] =	ssyncset.done $0x0  }
0x61: {  	s12 =	simm.s32 $0x1480;
	[sflag:s26] =	ssyncadd.s32 $0xFFFFC000  }
0x62: {  	[spmem:s1] =	stream.indirect.scatter.add.f32 [tilespmem:s25], [sflag:$0x3], $0x80, s12, s23, $0xb8;
	[tilespmem:$0x1E800] =	vst v63  }
0x63: {  	_ =	swait.ge [sflag:s21], $0x4000  }
0x64: {  	s0 =	simm.s32 $0x400;
	[sflag:s21] =	ssyncset.done $0x0  }
.LBB2_10:
0x65: {  	p1 =	sne.s32 s0, $0x4800  }
0x66: {  	[sflag:s21] =	ssyncadd.s32 $0xFFFFC000;
	s10 =	smov.u32 s0;
	s0 =	sadd.s32 $0x400, s0  }
0x67: {  	_ =	swait.ge [sflag:s24], $0x4000  }
0x68: {  	s10 =	sshra.s32 s10, $0x2;
	[sflag:s24] =	ssyncset.done $0x0  }
0x69: {  	s11 =	sadd.s32 $0x80, s10;
	[sflag:s24] =	ssyncadd.s32 $0xFFFFC000  }
0x6a: {  	[tilespmem:s25], [sflag:$0x2] =	stream.indirect.gather [hbm4b:s4+s23], $0x80, s11, s23, $0xb8;
	[tilespmem:$0x1E800] =	vst v63  }
0x6b: {  	s11 =	sadd.s32 $0x1400, s10  }
0x6c: {  	[spmem:s1] =	stream.indirect.scatter.add.f32 [tilespmem:s20], [sflag:$0x3], $0x80, s11, s23, $0xb8;
	[tilespmem:$0x1E800] =	vst v63  }
0x6d: {  	_ =	swait.ge [sflag:s21], $0x4000  }
0x6e: {  	[sflag:s21] =	ssyncset.done $0x0  }
0x6f: {  	s11 =	sadd.s32 $0x100, s10;
	[sflag:s21] =	ssyncadd.s32 $0xFFFFC000  }
0x70: {  	[tilespmem:s20], [sflag:$0x1] =	stream.indirect.gather [hbm4b:s4+s23], $0x80, s11, s23, $0xb8;
	[tilespmem:$0x1E800] =	vst v63  }
0x71: {  	_ =	swait.ge [sflag:s26], $0x4000  }
.Ltmp4:
0x72: {  	[sflag:s26] =	ssyncset.done $0x0;
	(pc) =	sbr.rel @p1 .LBB2_10-.Ltmp4, $4  }
0x73: {  	s10 =	sadd.s32 $0x1480, s10;
	[sflag:s26] =	ssyncadd.s32 $0xFFFFC000  }
0x74: {  	[spmem:s1] =	stream.indirect.scatter.add.f32 [tilespmem:s25], [sflag:$0x3], $0x80, s10, s23, $0xb8;
	[tilespmem:$0x1E800] =	vst v63  }
0x75: {  	_ =	swait.ge [sflag:s21], $0x4000  }
0x76: {  	[sflag:s21] =	ssyncset.done $0x0  }
0x77: {  	[sflag:s21] =	ssyncadd.s32 $0xFFFFC000  }
0x78: {  	_ =	swait.ge [sflag:s24], $0x4000  }
0x79: {  	[sflag:s24] =	ssyncset.done $0x0  }
0x7a: {  	[sflag:s24] =	ssyncadd.s32 $0xFFFFC000  }
0x7b: {  	[tilespmem:s25], [sflag:$0x2] =	stream.indirect.gather [hbm4b:s4+s23], $0x80, s28, s23, $0xb8;
	[tilespmem:$0x1E800] =	vst v63  }
0x7c: {  	_ = 	snop  }
0x7d: {  	[spmem:s1] =	stream.indirect.scatter.add.f32 [tilespmem:s20], [sflag:$0x3], $0x80, s29, s23, $0xb8;
	[tilespmem:$0x1E800] =	vst v63  }
0x7e: {  	_ =	swait.ge [sflag:s21], $0x4000  }
0x7f: {  	[sflag:s21] =	ssyncset.done $0x0  }
0x80: {  	[sflag:s21] =	ssyncadd.s32 $0xFFFFC000  }
0x81: {  	_ =	swait.ge [sflag:s26], $0x4000  }
0x82: {  	[sflag:s26] =	ssyncset.done $0x0  }
0x83: {  	[sflag:s26] =	ssyncadd.s32 $0xFFFFC000  }
0x84: {  	[spmem:s1] =	stream.indirect.scatter.add.f32 [tilespmem:s25], [sflag:$0x3], $0x80, s30, s23, $0xb8;
	[tilespmem:$0x1E800] =	vst v63  }
0x85: {  	_ =	swait.ge [sflag:s21], $0x4000  }
0x86: {  	[sflag:s21] =	ssyncset.done $0x0  }
0x87: {  	s0 =	simm.s32 $0x0;
	[sflag:s21] =	ssyncadd.s32 $0xFFFFC000  }
0x88: {  	[tilespmem:s0], [sflag:$0x3] =	stream.linear.gather [hbm4b:s16+s0], $0x1400, $0x38;
	[tilespmem:$0x1E800] =	vst v63  }
0x89: {  	_ =	swait.ge [sflag:s21], $0x1400  }
0x8a: {  	[sflag:s21] =	ssyncset.done $0x0  }
0x8b: {  	[sflag:s21] =	ssyncadd.s32 $0xFFFFEC00  }
0x8c: {  	[tilespmem:s22], [sflag:$0x3] =	stream.linear.gather [hbm4b:s17+s0], $0x1400, $0x38;
	[tilespmem:$0x1E800] =	vst v63  }
0x8d: {  	_ =	swait.ge [sflag:s21], $0x1400  }
0x8e: {  	[sflag:s21] =	ssyncset.done $0x0  }
0x8f: {  	[sflag:s21] =	ssyncadd.s32 $0xFFFFEC00  }
0x90: {  	[tilespmem:s20], [sflag:$0x1] =	stream.indirect.gather [hbm4b:s4+s23], $0x80, s0, s23, $0xb8;
	[tilespmem:$0x1E800] =	vst v63  }
0x91: {  	_ =	swait.ge [sflag:s24], $0x4000  }
0x92: {  	[sflag:s24] =	ssyncset.done $0x0  }
0x93: {  	s12 =	simm.s32 $0x80;
	[sflag:s24] =	ssyncadd.s32 $0xFFFFC000  }
0x94: {  	[tilespmem:s25], [sflag:$0x2] =	stream.indirect.gather [hbm4b:s4+s23], $0x80, s12, s23, $0xb8;
	[tilespmem:$0x1E800] =	vst v63  }
0x95: {  	s10 =	simm.s32 $0x1400  }
0x96: {  	[spmem:s1] =	stream.indirect.scatter.add.f32 [tilespmem:s20], [sflag:$0x3], $0x80, s10, s23, $0xb8;
	[tilespmem:$0x1E800] =	vst v63  }
0x97: {  	_ =	swait.ge [sflag:s21], $0x4000  }
0x98: {  	[sflag:s21] =	ssyncset.done $0x0  }
0x99: {  	s11 =	simm.s32 $0x100;
	[sflag:s21] =	ssyncadd.s32 $0xFFFFC000  }
0x9a: {  	[tilespmem:s20], [sflag:$0x1] =	stream.indirect.gather [hbm4b:s4+s23], $0x80, s11, s23, $0xb8;
	[tilespmem:$0x1E800] =	vst v63  }
0x9b: {  	_ =	swait.ge [sflag:s26], $0x4000  }
0x9c: {  	[sflag:s26] =	ssyncset.done $0x0  }
0x9d: {  	s12 =	simm.s32 $0x1480;
	[sflag:s26] =	ssyncadd.s32 $0xFFFFC000  }
0x9e: {  	[spmem:s1] =	stream.indirect.scatter.add.f32 [tilespmem:s25], [sflag:$0x3], $0x80, s12, s23, $0xb8;
	[tilespmem:$0x1E800] =	vst v63  }
0x9f: {  	_ =	swait.ge [sflag:s21], $0x4000  }
0xa0: {  	s0 =	simm.s32 $0x400;
	[sflag:s21] =	ssyncset.done $0x0  }
.LBB2_12:
0xa1: {  	p1 =	sne.s32 s0, $0x4800  }
0xa2: {  	[sflag:s21] =	ssyncadd.s32 $0xFFFFC000;
	s10 =	smov.u32 s0;
	s0 =	sadd.s32 $0x400, s0  }
0xa3: {  	_ =	swait.ge [sflag:s24], $0x4000  }
0xa4: {  	s10 =	sshra.s32 s10, $0x2;
	[sflag:s24] =	ssyncset.done $0x0  }
0xa5: {  	s11 =	sadd.s32 $0x80, s10;
	[sflag:s24] =	ssyncadd.s32 $0xFFFFC000  }
0xa6: {  	[tilespmem:s25], [sflag:$0x2] =	stream.indirect.gather [hbm4b:s4+s23], $0x80, s11, s23, $0xb8;
	[tilespmem:$0x1E800] =	vst v63  }
0xa7: {  	s11 =	sadd.s32 $0x1400, s10  }
0xa8: {  	[spmem:s1] =	stream.indirect.scatter.add.f32 [tilespmem:s20], [sflag:$0x3], $0x80, s11, s23, $0xb8;
	[tilespmem:$0x1E800] =	vst v63  }
0xa9: {  	_ =	swait.ge [sflag:s21], $0x4000  }
0xaa: {  	[sflag:s21] =	ssyncset.done $0x0  }
0xab: {  	s11 =	sadd.s32 $0x100, s10;
	[sflag:s21] =	ssyncadd.s32 $0xFFFFC000  }
0xac: {  	[tilespmem:s20], [sflag:$0x1] =	stream.indirect.gather [hbm4b:s4+s23], $0x80, s11, s23, $0xb8;
	[tilespmem:$0x1E800] =	vst v63  }
0xad: {  	_ =	swait.ge [sflag:s26], $0x4000  }
.Ltmp5:
0xae: {  	[sflag:s26] =	ssyncset.done $0x0;
	(pc) =	sbr.rel @p1 .LBB2_12-.Ltmp5, $4  }
0xaf: {  	s10 =	sadd.s32 $0x1480, s10;
	[sflag:s26] =	ssyncadd.s32 $0xFFFFC000  }
0xb0: {  	[spmem:s1] =	stream.indirect.scatter.add.f32 [tilespmem:s25], [sflag:$0x3], $0x80, s10, s23, $0xb8;
	[tilespmem:$0x1E800] =	vst v63  }
0xb1: {  	_ =	swait.ge [sflag:s21], $0x4000  }
0xb2: {  	[sflag:s21] =	ssyncset.done $0x0  }
.Ltmp6:
0xb3: {  	(pc) =	sbr.rel .LBB2_14-.Ltmp6, $2  }
0xb4: {  	_ =	sdelay $0x2  }
0xb5: {  	[sflag:s21] =	ssyncadd.s32 $0xFFFFC000  }
.LBB2_4:
0xb6: {  	s10 =	rddreg [dreg:$0x3]  }
0xb7: {  	[tilespmem:s0], [sflag:$0x3] =	stream.linear.gather [hbm4b:s10+s0], $0x1400, $0x38;
	[tilespmem:$0x1E800] =	vst v63  }
0xb8: {  	_ =	swait.ge [sflag:s21], $0x1400  }
0xb9: {  	[sflag:s21] =	ssyncset.done $0x0  }
0xba: {  	s11 =	rddreg [dreg:$0x4];
	[sflag:s21] =	ssyncadd.s32 $0xFFFFEC00  }
0xbb: {  	[tilespmem:s22], [sflag:$0x3] =	stream.linear.gather [hbm4b:s11+s0], $0x1400, $0x38;
	[tilespmem:$0x1E800] =	vst v63  }
0xbc: {  	_ =	swait.ge [sflag:s21], $0x1400  }
0xbd: {  	[sflag:s21] =	ssyncset.done $0x0  }
0xbe: {  	[sflag:s21] =	ssyncadd.s32 $0xFFFFEC00  }
0xbf: {  	[tilespmem:s20], [sflag:$0x1] =	stream.indirect.gather [hbm4b:s4+s23], $0x80, s0, s23, $0xb8;
	[tilespmem:$0x1E800] =	vst v63  }
0xc0: {  	_ =	swait.ge [sflag:s24], $0x4000  }
0xc1: {  	[sflag:s24] =	ssyncset.done $0x0  }
0xc2: {  	s12 =	simm.s32 $0x80;
	[sflag:s24] =	ssyncadd.s32 $0xFFFFC000  }
0xc3: {  	[tilespmem:s25], [sflag:$0x2] =	stream.indirect.gather [hbm4b:s4+s23], $0x80, s12, s23, $0xb8;
	[tilespmem:$0x1E800] =	vst v63  }
0xc4: {  	s10 =	simm.s32 $0x1400  }
0xc5: {  	[spmem:s1] =	stream.indirect.scatter.add.f32 [tilespmem:s20], [sflag:$0x3], $0x80, s10, s23, $0xb8;
	[tilespmem:$0x1E800] =	vst v63  }
0xc6: {  	_ =	swait.ge [sflag:s21], $0x4000  }
0xc7: {  	[sflag:s21] =	ssyncset.done $0x0  }
0xc8: {  	s11 =	simm.s32 $0x100;
	[sflag:s21] =	ssyncadd.s32 $0xFFFFC000  }
0xc9: {  	[tilespmem:s20], [sflag:$0x1] =	stream.indirect.gather [hbm4b:s4+s23], $0x80, s11, s23, $0xb8;
	[tilespmem:$0x1E800] =	vst v63  }
0xca: {  	_ =	swait.ge [sflag:s26], $0x4000  }
0xcb: {  	[sflag:s26] =	ssyncset.done $0x0  }
0xcc: {  	s12 =	simm.s32 $0x1480;
	[sflag:s26] =	ssyncadd.s32 $0xFFFFC000  }
0xcd: {  	[spmem:s1] =	stream.indirect.scatter.add.f32 [tilespmem:s25], [sflag:$0x3], $0x80, s12, s23, $0xb8;
	[tilespmem:$0x1E800] =	vst v63  }
0xce: {  	_ =	swait.ge [sflag:s21], $0x4000  }
0xcf: {  	s0 =	simm.s32 $0x400;
	[sflag:s21] =	ssyncset.done $0x0  }
.LBB2_5:
0xd0: {  	p1 =	sne.s32 s0, $0x4800  }
0xd1: {  	[sflag:s21] =	ssyncadd.s32 $0xFFFFC000;
	s10 =	smov.u32 s0;
	s0 =	sadd.s32 $0x400, s0  }
0xd2: {  	_ =	swait.ge [sflag:s24], $0x4000  }
0xd3: {  	s10 =	sshra.s32 s10, $0x2;
	[sflag:s24] =	ssyncset.done $0x0  }
0xd4: {  	s11 =	sadd.s32 $0x80, s10;
	[sflag:s24] =	ssyncadd.s32 $0xFFFFC000  }
0xd5: {  	[tilespmem:s25], [sflag:$0x2] =	stream.indirect.gather [hbm4b:s4+s23], $0x80, s11, s23, $0xb8;
	[tilespmem:$0x1E800] =	vst v63  }
0xd6: {  	s11 =	sadd.s32 $0x1400, s10  }
0xd7: {  	[spmem:s1] =	stream.indirect.scatter.add.f32 [tilespmem:s20], [sflag:$0x3], $0x80, s11, s23, $0xb8;
	[tilespmem:$0x1E800] =	vst v63  }
0xd8: {  	_ =	swait.ge [sflag:s21], $0x4000  }
0xd9: {  	[sflag:s21] =	ssyncset.done $0x0  }
0xda: {  	s11 =	sadd.s32 $0x100, s10;
	[sflag:s21] =	ssyncadd.s32 $0xFFFFC000  }
0xdb: {  	[tilespmem:s20], [sflag:$0x1] =	stream.indirect.gather [hbm4b:s4+s23], $0x80, s11, s23, $0xb8;
	[tilespmem:$0x1E800] =	vst v63  }
0xdc: {  	_ =	swait.ge [sflag:s26], $0x4000  }
.Ltmp7:
0xdd: {  	[sflag:s26] =	ssyncset.done $0x0;
	(pc) =	sbr.rel @p1 .LBB2_5-.Ltmp7, $4  }
0xde: {  	s10 =	sadd.s32 $0x1480, s10;
	[sflag:s26] =	ssyncadd.s32 $0xFFFFC000  }
0xdf: {  	[spmem:s1] =	stream.indirect.scatter.add.f32 [tilespmem:s25], [sflag:$0x3], $0x80, s10, s23, $0xb8;
	[tilespmem:$0x1E800] =	vst v63  }
0xe0: {  	_ =	swait.ge [sflag:s21], $0x4000  }
0xe1: {  	[sflag:s21] =	ssyncset.done $0x0  }
0xe2: {  	[sflag:s21] =	ssyncadd.s32 $0xFFFFC000  }
0xe3: {  	_ =	swait.ge [sflag:s24], $0x4000  }
0xe4: {  	[sflag:s24] =	ssyncset.done $0x0  }
0xe5: {  	[sflag:s24] =	ssyncadd.s32 $0xFFFFC000  }
0xe6: {  	[tilespmem:s25], [sflag:$0x2] =	stream.indirect.gather [hbm4b:s4+s23], $0x80, s28, s23, $0xb8;
	[tilespmem:$0x1E800] =	vst v63  }
0xe7: {  	_ = 	snop  }
0xe8: {  	[spmem:s1] =	stream.indirect.scatter.add.f32 [tilespmem:s20], [sflag:$0x3], $0x80, s29, s23, $0xb8;
	[tilespmem:$0x1E800] =	vst v63  }
0xe9: {  	_ =	swait.ge [sflag:s21], $0x4000  }
0xea: {  	[sflag:s21] =	ssyncset.done $0x0  }
0xeb: {  	[sflag:s21] =	ssyncadd.s32 $0xFFFFC000  }
0xec: {  	_ =	swait.ge [sflag:s26], $0x4000  }
0xed: {  	[sflag:s26] =	ssyncset.done $0x0  }
0xee: {  	[sflag:s26] =	ssyncadd.s32 $0xFFFFC000  }
0xef: {  	[spmem:s1] =	stream.indirect.scatter.add.f32 [tilespmem:s25], [sflag:$0x3], $0x80, s30, s23, $0xb8;
	[tilespmem:$0x1E800] =	vst v63  }
0xf0: {  	_ =	swait.ge [sflag:s21], $0x4000  }
0xf1: {  	[sflag:s21] =	ssyncset.done $0x0  }
0xf2: {  	s0 =	simm.s32 $0x0;
	s10 =	rddreg [dreg:$0x5];
	[sflag:s21] =	ssyncadd.s32 $0xFFFFC000  }
0xf3: {  	[tilespmem:s0], [sflag:$0x3] =	stream.linear.gather [hbm4b:s10+s0], $0x1400, $0x38;
	[tilespmem:$0x1E800] =	vst v63  }
0xf4: {  	_ =	swait.ge [sflag:s21], $0x1400  }
0xf5: {  	[sflag:s21] =	ssyncset.done $0x0  }
0xf6: {  	[sflag:s21] =	ssyncadd.s32 $0xFFFFEC00  }
0xf7: {  	[tilespmem:s22], [sflag:$0x3] =	stream.linear.gather [hbm4b:s13+s0], $0x1400, $0x38;
	[tilespmem:$0x1E800] =	vst v63  }
0xf8: {  	_ =	swait.ge [sflag:s21], $0x1400  }
0xf9: {  	[sflag:s21] =	ssyncset.done $0x0  }
0xfa: {  	[sflag:s21] =	ssyncadd.s32 $0xFFFFEC00  }
0xfb: {  	[tilespmem:s20], [sflag:$0x1] =	stream.indirect.gather [hbm4b:s4+s23], $0x80, s0, s23, $0xb8;
	[tilespmem:$0x1E800] =	vst v63  }
0xfc: {  	_ =	swait.ge [sflag:s24], $0x4000  }
0xfd: {  	[sflag:s24] =	ssyncset.done $0x0  }
0xfe: {  	s12 =	simm.s32 $0x80;
	[sflag:s24] =	ssyncadd.s32 $0xFFFFC000  }
0xff: {  	[tilespmem:s25], [sflag:$0x2] =	stream.indirect.gather [hbm4b:s4+s23], $0x80, s12, s23, $0xb8;
	[tilespmem:$0x1E800] =	vst v63  }
0x100: {  	s10 =	simm.s32 $0x1400  }
0x101: {  	[spmem:s1] =	stream.indirect.scatter.add.f32 [tilespmem:s20], [sflag:$0x3], $0x80, s10, s23, $0xb8;
	[tilespmem:$0x1E800] =	vst v63  }
0x102: {  	_ =	swait.ge [sflag:s21], $0x4000  }
0x103: {  	[sflag:s21] =	ssyncset.done $0x0  }
0x104: {  	s11 =	simm.s32 $0x100;
	[sflag:s21] =	ssyncadd.s32 $0xFFFFC000  }
0x105: {  	[tilespmem:s20], [sflag:$0x1] =	stream.indirect.gather [hbm4b:s4+s23], $0x80, s11, s23, $0xb8;
	[tilespmem:$0x1E800] =	vst v63  }
0x106: {  	_ =	swait.ge [sflag:s26], $0x4000  }
0x107: {  	[sflag:s26] =	ssyncset.done $0x0  }
0x108: {  	s12 =	simm.s32 $0x1480;
	[sflag:s26] =	ssyncadd.s32 $0xFFFFC000  }
0x109: {  	[spmem:s1] =	stream.indirect.scatter.add.f32 [tilespmem:s25], [sflag:$0x3], $0x80, s12, s23, $0xb8;
	[tilespmem:$0x1E800] =	vst v63  }
0x10a: {  	_ =	swait.ge [sflag:s21], $0x4000  }
0x10b: {  	s0 =	simm.s32 $0x400;
	[sflag:s21] =	ssyncset.done $0x0  }
.LBB2_7:
0x10c: {  	p1 =	seq.s32 s0, $0x4800  }
0x10d: {  	[sflag:s21] =	ssyncadd.s32 $0xFFFFC000;
	s10 =	smov.u32 s0;
	s0 =	sadd.s32 $0x400, s0  }
0x10e: {  	_ =	swait.ge [sflag:s24], $0x4000  }
0x10f: {  	s10 =	sshra.s32 s10, $0x2;
	[sflag:s24] =	ssyncset.done $0x0  }
0x110: {  	s11 =	sadd.s32 $0x80, s10;
	[sflag:s24] =	ssyncadd.s32 $0xFFFFC000  }
0x111: {  	[tilespmem:s25], [sflag:$0x2] =	stream.indirect.gather [hbm4b:s4+s23], $0x80, s11, s23, $0xb8;
	[tilespmem:$0x1E800] =	vst v63  }
0x112: {  	s11 =	sadd.s32 $0x1400, s10  }
0x113: {  	[spmem:s1] =	stream.indirect.scatter.add.f32 [tilespmem:s20], [sflag:$0x3], $0x80, s11, s23, $0xb8;
	[tilespmem:$0x1E800] =	vst v63  }
0x114: {  	_ =	swait.ge [sflag:s21], $0x4000  }
0x115: {  	[sflag:s21] =	ssyncset.done $0x0  }
0x116: {  	s11 =	sadd.s32 $0x100, s10;
	[sflag:s21] =	ssyncadd.s32 $0xFFFFC000  }
0x117: {  	[tilespmem:s20], [sflag:$0x1] =	stream.indirect.gather [hbm4b:s4+s23], $0x80, s11, s23, $0xb8;
	[tilespmem:$0x1E800] =	vst v63  }
0x118: {  	_ =	swait.ge [sflag:s26], $0x4000  }
.Ltmp8:
0x119: {  	[sflag:s26] =	ssyncset.done $0x0;
	(pc) =	sbr.rel @!p1 .LBB2_7-.Ltmp8, $4  }
0x11a: {  	s10 =	sadd.s32 $0x1480, s10;
	[sflag:s26] =	ssyncadd.s32 $0xFFFFC000  }
0x11b: {  	[spmem:s1] =	stream.indirect.scatter.add.f32 [tilespmem:s25], [sflag:$0x3], $0x80, s10, s23, $0xb8;
	[tilespmem:$0x1E800] =	vst v63  }
0x11c: {  	_ =	swait.ge [sflag:s21], $0x4000  }
0x11d: {  	[sflag:s21] =	ssyncset.done $0x0  }
.Ltmp9:
0x11e: {  	_ = 	snop;
	(pc) =	sbr.rel .LBB2_8-.Ltmp9, $1  }
0x11f: {  	_ =	sdelay $0x3  }
.LBB2_15:
0x120: {  	_ =	sfence.sel $0x180000  }
0x121: {  	[bflag:$0x0] =	sbarrier.arrive $0xFFFF  }
0x122: {  	_ =	strace $0x9000004D  }
0x123: {  	[bflag:$0x2] =	sbarrier.arrive $0xFFFF  }
0x124: {  	p0 =	sne.s32 s2, $0x0;
	s0 =	rddreg [dreg:$0x2]  }
0x125: {  	s0 =	sadd.s32 @!p0 $0x100000, s0  }
0x126: {  	[sflag:s0] =	ssyncadd.tile.s32 @!p0 $0x1;
	_ =	shalt  }
.Lfunc_end2:
_tile_overlayer_lowered:
.L_overlay_start_2:
0x127: {  	(tag) =	ssettag $0x2  }
0x128: {  	s0 =	rddreg [dreg:$0x0];
	s2 =	stileid.u32  }
0x129: {  	s1 =	rddreg [dreg:$0x1];
	p0 =	sne.s32 s2, $0x0  }
0x12a: {  	s3 =	rddreg [dreg:$0x2];
	[bflag:$0x3] =	sbarrier.arrive $0xFFFF;
	s2 =	simm.s32 @!p0 $0x1C03  }
0x12b: {  	[timem:s3], [sflag:s2] =	dma.local @!p0 [hbm:s0], s1  }
0x12c: {  	s0 =	simm.s32 @!p0 $0x3  }
0x12d: {  	_ =	swait.ge @!p0 [sflag:s0], s1  }
0x12e: {  	s1 =	ssub.s32 @!p0 $0x0, s1;
	[sflag:s0] =	ssyncset.done @!p0 $0x0  }
0x12f: {  	[sflag:s0] =	ssyncadd.s32 @!p0 s1  }
0x130: {  	[bflag:$0x3] =	sbarrier.arrive $0xFFFF  }
0x131: {  	_ =	shalt  }

// kernel: kernel.20.cloned.1.call-start
scs
__scs_entry_jumppad:
0x0: {  	(pc) =	sbr.rel $0x88, $3  }
0x1: {  	(tag) =	ssettag $0x0;
	lr =	simm.s32 $0x1  }
0x2: {  	[smem:$0x3F93] =	sst lr;
	_ =	strace $0xD0000000  }
0x3: {  	_ = 	snop  }
0x4: {  	_ = 	snop  }
0x5: {  	_ = 	snop  }
0x6: {  	_ = 	snop  }
0x7: {  	_ = 	snop  }
__scs_overlays_trampoline_lowered:
0x8: {  	[smem:$0x3FA2] =	sst s0  }
0x9: {  	[smem:$0x3FA3] =	sst s1  }
0xa: {  	[smem:$0x3FA4] =	sst s2  }
0xb: {  	[smem:$0x3FA5] =	sst s3  }
0xc: {  	[smem:$0x3FA6] =	sst s4  }
0xd: {  	[smem:$0x3FA7] =	sst s5  }
0xe: {  	[smem:$0x3FA8] =	sst s6  }
0xf: {  	[smem:$0x3FA9] =	sst s7  }
0x10: {  	[smem:$0x3FAA] =	sst s8  }
0x11: {  	[smem:$0x3FAB] =	sst s9;
	s0 =	simm.s32 @!p0 $0x0  }
0x12: {  	s1 =	sld [smem:$0x3F91];
	s0 =	simm.s32 @p0 $0x1  }
0x13: {  	[smem:$0x3FAC] =	sst s0;
	s0 =	simm.s32 @!p1 $0x0  }
0x14: {  	s2 =	sld [smem:$0x3F90];
	s0 =	simm.s32 @p1 $0x1  }
0x15: {  	[smem:$0x3FAD] =	sst s0;
	s0 =	simm.s32 @!p2 $0x0  }
0x16: {  	s3 =	sld [smem:$0x3FDB];
	s0 =	simm.s32 @p2 $0x1  }
0x17: {  	s4 =	simm.s32 $0x1BF5;
	[smem:$0x3FAF] =	sst s0  }
0x18: {  	s0 =	sld [smem:$0x3F92];
	_ =	swait.ge [sflag:s4], $0x0  }
0x19: {  	s7 =	sld [smem:$0x3F93]  }
0x1a: {  	s8 =	sadd.s32 $0xFFFFE003, lr  }
0x1b: {  	s9 =	sadd.s32 $0xFFFFFEF7, lr;
	s5 =	simm.s32 $0xFFFFFFFF;
	p2 =	slt.u32 s8, $0xFFFFF086  }
0x1c: {  	p1 =	slt.u32 s9, $0xF7A;
	s5 =	simm.s32 @!p2 $0x0  }
0x1d: {  	s5 =	simm.s32 @p1 $0x1;
	p0 =	seq.s32 s7, s2  }
0x1e: {  	s7 =	smul.u32 @!p0 $0xF7A, s2;
	p2 =	seq.s32 @!p0 s5, $0x0  }
0x1f: {  	s9 =	smul.u32 $0xF7A, s1;
	s8 =	simm.s32 @!p0 $0x1BF5;
	p2 =	por !p2, p0  }
0x20: {  	[sflag:s8] =	ssyncset.s32 @!p0 $0xFFFFF086;
	s6 =	sadd.s32 @!p0 s3, s7;
	s7 =	simm.s32 @!p0 $0x108  }
0x21: {  	s3 =	sadd.s32 s3, s9;
	s6 =	sadd.s32 @!p0 $0x88, s6;
	s7 =	simm.s32 @p2 $0x1082  }
0x22: {  	[simem:s7], [sflag:s8] =	dma.local @!p0 [hbm:s6], $0xF7A  }
0x23: {  	s9 =	sor.u32 $0xD0000000, s2;
	s6 =	simm.s32 $0x108;
	_ =	swait.ge @!p0 [sflag:s8], $0x0  }
0x24: {  	s3 =	sadd.s32 $0x88, s3;
	s6 =	simm.s32 @!p1 $0x1082;
	[sflag:s4] =	ssyncset.s32 $0xFFFFF086  }
0x25: {  	[simem:s6], [sflag:s4] =	dma.local [hbm:s3], $0xF7A  }
0x26: {  	[smem:$0x3F93] =	sst s1;
	(tag) =	ssettag s2;
	_ =	strace s9  }
0x27: {  	s1 =	sld [smem:$0x3FA3]  }
0x28: {  	s2 =	sld [smem:$0x3FA4]  }
0x29: {  	s4 =	sld [smem:$0x3FA6]  }
0x2a: {  	p0 =	seq.s32 s5, $0x0;
	s5 =	sld [smem:$0x3FA7]  }
0x2b: {  	s6 =	sld [smem:$0x3FA8]  }
0x2c: {  	s7 =	sld [smem:$0x3FA9]  }
0x2d: {  	s3 =	simm.s32 $0x108;
	s8 =	sld [smem:$0x3FAA]  }
0x2e: {  	s3 =	simm.s32 @!p0 $0x1082;
	s9 =	sld [smem:$0x3FAB]  }
0x2f: {  	lr =	sadd.s32 s0, s3;
	s0 =	sld [smem:$0x3FA2]  }
0x30: {  	s3 =	sld [smem:$0x3FA5]  }
0x31: {  	[smem:$0x3FAE] =	sst s10  }
0x32: {  	s10 =	sld [smem:$0x3FAC];
	_ =	sdelay $0x3  }
0x33: {  	p0 =	seq.s32 s10, $0x1;
	s10 =	sld [smem:$0x3FAE];
	_ =	sdelay $0x3  }
0x34: {  	[smem:$0x3FAE] =	sst s10  }
0x35: {  	s10 =	sld [smem:$0x3FAD];
	_ =	sdelay $0x3  }
0x36: {  	p1 =	seq.s32 s10, $0x1;
	s10 =	sld [smem:$0x3FAE];
	_ =	sdelay $0x3  }
0x37: {  	[smem:$0x3FAE] =	sst s10  }
0x38: {  	s10 =	sld [smem:$0x3FAF]  }
0x39: {  	_ = 	snop;
	(pc) =	sbr.ind lr, $3  }
0x3a: {  	_ = 	snop  }
0x3b: {  	_ = 	snop  }
0x3c: {  	p2 =	seq.s32 s10, $0x1;
	s10 =	sld [smem:$0x3FAE]  }
0x3d: {  	_ =	shalt  }
0x3e: {  	_ =	shalt  }
0x3f: {  	_ =	shalt  }
0x40: {  	_ =	shalt  }
0x41: {  	_ =	shalt  }
0x42: {  	_ =	shalt  }
0x43: {  	_ =	shalt  }
0x44: {  	_ =	shalt  }
0x45: {  	_ =	shalt  }
0x46: {  	_ =	shalt  }
0x47: {  	_ =	shalt  }
0x48: {  	_ =	shalt  }
0x49: {  	_ =	shalt  }
0x4a: {  	_ =	shalt  }
0x4b: {  	_ =	shalt  }
0x4c: {  	_ =	shalt  }
0x4d: {  	_ =	shalt  }
0x4e: {  	_ =	shalt  }
0x4f: {  	_ =	shalt  }
0x50: {  	_ =	shalt  }
0x51: {  	_ =	shalt  }
0x52: {  	_ =	shalt  }
0x53: {  	_ =	shalt  }
0x54: {  	_ =	shalt  }
0x55: {  	_ =	shalt  }
0x56: {  	_ =	shalt  }
0x57: {  	_ =	shalt  }
0x58: {  	_ =	shalt  }
0x59: {  	_ =	shalt  }
0x5a: {  	_ =	shalt  }
0x5b: {  	_ =	shalt  }
0x5c: {  	_ =	shalt  }
0x5d: {  	_ =	shalt  }
0x5e: {  	_ =	shalt  }
0x5f: {  	_ =	shalt  }
0x60: {  	_ =	shalt  }
0x61: {  	_ =	shalt  }
0x62: {  	_ =	shalt  }
0x63: {  	_ =	shalt  }
0x64: {  	_ =	shalt  }
0x65: {  	_ =	shalt  }
0x66: {  	_ =	shalt  }
0x67: {  	_ =	shalt  }
0x68: {  	_ =	shalt  }
0x69: {  	_ =	shalt  }
0x6a: {  	_ =	shalt  }
0x6b: {  	_ =	shalt  }
0x6c: {  	_ =	shalt  }
0x6d: {  	_ =	shalt  }
0x6e: {  	_ =	shalt  }
0x6f: {  	_ =	shalt  }
0x70: {  	_ =	shalt  }
0x71: {  	_ =	shalt  }
0x72: {  	_ =	shalt  }
0x73: {  	_ =	shalt  }
0x74: {  	_ =	shalt  }
0x75: {  	_ =	shalt  }
0x76: {  	_ =	shalt  }
0x77: {  	_ =	shalt  }
0x78: {  	_ =	shalt  }
0x79: {  	_ =	shalt  }
0x7a: {  	_ =	shalt  }
0x7b: {  	_ =	shalt  }
0x7c: {  	_ =	shalt  }
0x7d: {  	_ =	shalt  }
0x7e: {  	_ =	shalt  }
0x7f: {  	_ =	shalt  }
0x80: {  	_ =	shalt  }
0x81: {  	_ =	shalt  }
0x82: {  	_ =	shalt  }
0x83: {  	_ =	shalt  }
0x84: {  	_ =	shalt  }
0x85: {  	_ =	shalt  }
0x86: {  	_ =	shalt  }
0x87: {  	_ =	shalt  }
.Lfunc_end0:
.L_simem_size_0:
called_computation.3_lowered:
.L_overlay_start_0:
0x88: {  	s2 =	sld [smem:$0x3FD9]  }
0x89: {  	s3 =	sld [smem:$0x3FFE];
	_ =	sdelay $0x1  }
0x8a: {  	s1 =	srdreg.scid  }
0x8b: {  	s0 =	sand.u32 $0x1, s1  }
0x8c: {  	s16 =	sshll.u32 s0, $0xA;
	s2 =	sadd.s32 s3, s2  }
0x8d: {  	s2 =	sadd.s32 s2, s16  }
0x8e: {  	[smem:$0x3FBA] =	sst s2  }
0x8f: {  	_ = 	snop  }
0x90: {  	(tm) =	ssettm $0x1  }
0x91: {  	s17 =	sld [smem:$0x3FFB];
	_ =	sdelay $0x3  }
0x92: {  	_ =	strace s17  }
0x93: {  	s2 =	sld [smem:$0x3FFC];
	_ =	sdelay $0x3  }
0x94: {  	_ =	strace s2  }
0x95: {  	s2 =	sld [smem:$0x3FFD];
	_ =	sdelay $0x3  }
0x96: {  	_ =	strace s2  }
0x97: {  	_ =	strace $0x8FFFFFFF  }
0x98: {  	s18 =	sld [smem:$0x3FDB];
	_ =	sdelay $0x1  }
0x99: {  	s19 =	simm.s32 $_scs_section_size  }
0x9a: {  	s4 =	simm.s32 $_size__tile_overlayer_lowered;
	s5 =	simm.s32 $_tile_overlayer_lowered  }
0x9b: {  	s22 =	simm.s32 $0x1BFF;
	s21 =	sshll.u32 s5, $0x1;
	s2 =	sadd.s32 s19, s18  }
0x9c: {  	s6 =	simm.s32 $0x0;
	s20 =	sshll.u32 s4, $0x1;
	s4 =	sadd.s32 s21, s2  }
0x9d: {  	[timem:s6], [sflag:s22] =	dma.local [hbm:s4], s20  }
0x9e: {  	_ =	swait.ge [sflag:s22], s20  }
0x9f: {  	s3 =	ssub.s32 $0x0, s20;
	[sflag:s22] =	ssyncset.done $0x0  }
0xa0: {  	[sflag:s22] =	ssyncadd.s32 s3;
	_ =	sdelay $0x1  }
0xa1: {  	s23 =	simm.s32 $0x1B8B  }
0xa2: {  	_ =	swait.ge [sflag:s23], $0x1  }
0xa3: {  	[sflag:s23] =	ssyncset.done $0x0  }
0xa4: {  	s25 =	simm.s32 $0x1B8E;
	s24 =	sld [smem:$0x3FFE];
	[sflag:s23] =	ssyncadd.s32 $0xFFFFFFFF  }
0xa5: {  	s26 =	simm.s32 $execute0_lowered;
	[smem:$0x3FD2] =	sst s25  }
0xa6: {  	s4 =	sshll.u32 s26, $0x1;
	_ =	strace $0x8000004F;
	[dreg:$0x1] =	wrdreg $0xFFFFFFFF  }
0xa7: {  	s28 =	simm.s32 $_size_execute0_lowered;
	s2 =	sadd.s32 s2, s4;
	[dreg:$0x0] =	wrdreg $0x0  }
0xa8: {  	s4 =	sshll.u32 s28, $0x1;
	[dreg:$0x2] =	wrdreg s2  }
0xa9: {  	[dreg:$0x3] =	wrdreg s4  }
0xaa: {  	[dreg:$0x4] =	wrdreg $0xC0  }
0xab: {  	_ =	task [dreg:s6], $0x5FFFF  }
0xac: {  	[dreg:$0x1] =	wrdreg $0xFFFFFFFF  }
0xad: {  	[dreg:$0x0] =	wrdreg $0x60  }
0xae: {  	[dreg:$0x2] =	wrdreg s24  }
0xaf: {  	[dreg:$0x3] =	wrdreg $0xA8000  }
0xb0: {  	[dreg:$0x4] =	wrdreg $0x9  }
0xb1: {  	_ =	task.clear_ibuf [dreg:s6], $0x5FFFF;
	_ =	strace $0x9000004F  }
0xb2: {  	s29 =	simm.s32 $0x9;
	_ =	strace $0x80000051  }
0xb3: {  	_ =	swait.ge [sflag:s29], $0x1  }
0xb4: {  	[sflag:s29] =	ssyncadd.s32 $0xFFFFFFFF  }
0xb5: {  	_ =	strace $0x90000051  }
0xb6: {  	_ =	sfence  }
0xb7: {  	s30 =	sld [smem:$0x0];
	_ =	sdelay $0x2  }
0xb8: {  	s31 =	sshll.u32 s1, $0xD;
	s1 =	sshrl.u32 s1, $0x2  }
0xb9: {  	s3 =	sand.u32 $0x4000, s31;
	s1 =	sadd.s32 s1, s30  }
0xba: {  	s0 =	sor.u32 s3, s0;
	s1 =	sshll.u32 s1, $0x11  }
0xbb: {  	s0 =	sor.u32 s1, s0  }
0xbc: {  	s0 =	sadd.s32 $0x8F2B, s0  }
0xbd: {  	[sflag:s0] =	ssyncadd.remote.s32 $0x1  }
0xbe: {  	_ =	sfence.sel $0xFFFF  }
0xbf: {  	[dreg:$0x0] =	wrdreg $0xFFFFFFFF;
	(pc) =	sbr.abs _section_cstart, $3  }
0xc0: {  	[dreg:$0x1] =	wrdreg $0xFFFFFFFF  }
0xc1: {  	_ =	task.clear_ibuf [dreg:s6], $0x2FFFF;
	_ =	strace $0x9FFFFFFF  }
0xc2: {  	(tm) =	ssettm $0x7FFFFFFF  }
0xc3: {  	_ =	shalt  }
tec
execute0_lowered:
.L_overlay_start_1:
0x0: {  	(tag) =	ssettag $0x1  }
0x1: {  	s0 =	rddreg [dreg:$0x0]  }
0x2: {  	s1 =	rddreg [dreg:$0x1];
	s3 =	simm.s32 $0x0  }
0x3: {  	s2 =	srdreg.scid;
	s20 =	simm.s32 $0x2800;
	s21 =	simm.s32 $0x3  }
0x4: {  	s22 =	simm.s32 $0x1400;
	s28 =	simm.s32 $0x1380;
	s29 =	simm.s32 $0x2700  }
0x5: {  	s30 =	simm.s32 $0x2780;
	s31 =	simm.s32 $0x0;
	[smem:$0x7FF] =	sst s3  }
0x6: {  	s10 =	sand.u32 $0x1, s2;
	s2 =	stileid.u32;
	s4 =	sadd.s32 $0x5FE00, s0  }
0x7: {  	s11 =	sadd.s32 $0x8CE00, s0;
	s13 =	sadd.s32 $0x87E00, s0;
	s5 =	smul.u32 $0x140000, s10  }
0x8: {  	s16 =	sadd.s32 $0x5AE00, s0;
	s17 =	sadd.s32 $0x55E00, s0;
	s6 =	smul.u32 $0x14000, s2  }
0x9: {  	_ =	strace $0x80000050;
	s7 =	smul.u32 $0x50000, s2;
	s8 =	ssub.s32 $0x2, s10  }
0xa: {  	s9 =	smul.u32 $0x2800, s2;
	p0 =	seq.s32 s10, $0x1;
	s24 =	sshrl.u32 s8, $0x1  }
0xb: {  	s5 =	sadd.s32 s6, s5;
	s23 =	sshrl.u32 s7, $0x2;
	s19 =	ssub.s32 s8, s24  }
0xc: {  	s15 =	sshrl.u32 s9, $0x3;
	s24 =	simm.s32 $0x1;
	s6 =	sshrl.u32 s5, $0x3  }
0xd: {  	s5 =	sadd.s32 s23, s1;
	s25 =	sadd.s32 $0x280, s15;
	s12 =	sadd.s32 s11, s15  }
0xe: {  	s26 =	sadd.s32 s13, s15;
	s14 =	sadd.s32 s16, s15;
	s15 =	sadd.s32 s17, s15  }
0xf: {  	s19 =	smax.u32 s19, $0x1;
	s23 =	simm.s32 $0x80;
	s0 =	sadd.s32 s6, s0  }
.Ltmp0:
0x10: {  	s6 =	sadd.s32 $0x4000, s5;
	s7 =	sadd.s32 $0x8000, s5;
	(pc) =	sbr.rel .LBB2_1-.Ltmp0, $4  }
0x11: {  	s8 =	sadd.s32 $0xC000, s5;
	s9 =	sadd.s32 $0x10000, s5;
	[dreg:$0x3] =	wrdreg s12  }
0x12: {  	[dreg:$0x4] =	wrdreg s26;
	s11 =	sadd.s32 s11, s25;
	s13 =	sadd.s32 s13, s25  }
0x13: {  	s16 =	sadd.s32 s16, s25;
	s17 =	sadd.s32 s17, s25;
	s25 =	simm.s32 $0x6800  }
0x14: {  	v0 =	vimm.f32 $0.0e+00;
	s26 =	simm.s32 $0x2;
	[dreg:$0x5] =	wrdreg s11;
	s18 =	sadd.s32 $0xB9E00, s0  }
.LBB2_8:
0x15: {  	[sflag:s21] =	ssyncadd.s32 $0xFFFFC000  }
.LBB2_14:
0x16: {  	_ =	swait.ge [sflag:s24], $0x4000  }
0x17: {  	[sflag:s24] =	ssyncset.done $0x0  }
0x18: {  	[sflag:s24] =	ssyncadd.s32 $0xFFFFC000  }
0x19: {  	[tilespmem:s25], [sflag:$0x2] =	stream.indirect.gather [hbm4b:s4+s23], $0x80, s28, s23, $0xb8;
	[tilespmem:$0x1E800] =	vst v63  }
0x1a: {  	_ = 	snop  }
0x1b: {  	[spmem:s1] =	stream.indirect.scatter.add.f32 [tilespmem:s20], [sflag:$0x3], $0x80, s29, s23, $0xb8;
	[tilespmem:$0x1E800] =	vst v63  }
0x1c: {  	_ =	swait.ge [sflag:s21], $0x4000  }
0x1d: {  	[sflag:s21] =	ssyncset.done $0x0  }
0x1e: {  	[sflag:s21] =	ssyncadd.s32 $0xFFFFC000  }
0x1f: {  	_ =	swait.ge [sflag:s26], $0x4000  }
0x20: {  	[sflag:s26] =	ssyncset.done $0x0  }
0x21: {  	[sflag:s26] =	ssyncadd.s32 $0xFFFFC000  }
0x22: {  	[spmem:s1] =	stream.indirect.scatter.add.f32 [tilespmem:s25], [sflag:$0x3], $0x80, s30, s23, $0xb8;
	[tilespmem:$0x1E800] =	vst v63  }
0x23: {  	_ =	swait.ge [sflag:s21], $0x4000  }
0x24: {  	s0 =	sshll.u32 s2, $0x6;
	s31 =	sadd.s32 $0x1, s31;
	[sflag:s21] =	ssyncset.done $0x0  }
0x25: {  	s10 =	sshrl.u32 s5, $0x3;
	p1 =	sne.s32 s31, s19;
	[sflag:s21] =	ssyncadd.s32 $0xFFFFC000  }
.Ltmp1:
0x26: {  	s0 =	sor.u32 $0x1C03, s0;
	[bflag:$0x0] =	sbarrier.arrive $0xFFFF;
	(pc) =	sbr.rel @!p1 .LBB2_15-.Ltmp1, $4  }
0x27: {  	[hbm:s18], [sflag:s0] =	dma.local [spmem:s10], $0x2800  }
0x28: {  	_ =	swait.ge [sflag:s21], $0x2800  }
0x29: {  	[sflag:s21] =	ssyncset.done $0x0  }
0x2a: {  	[sflag:s21] =	ssyncadd.s32 $0xFFFFD800  }
.LBB2_1:
0x2b: {  	s0 =	sand.u32 $0xFE00, s3  }
0x2c: {  	s10 =	sand.u32 $0x70, s3;
	s11 =	sshrl.u32 s0, $0x2  }
0x2d: {  	s0 =	simm.s32 $0x40;
	s11 =	sor.u32 s10, s11;
	s10 =	simm.s32 $0x0  }
.LBB2_2:
0x2e: {  	p1 =	sne.s32 s0, $0xFFC0  }
0x2f: {  	[tilespmem:s11+$0x2800] =	vst v0;
	s10 =	sadd.s32 $0x10, s10;
	s11 =	smov.u32 s0;
	s0 =	sadd.s32 $0x40, s0  }
.Ltmp2:
0x30: {  	(pc) =	sbr.rel @p1 .LBB2_2-.Ltmp2, $4  }
0x31: {  	_ = 	snop  }
0x32: {  	s11 =	sand.u32 $0xFE00, s11  }
0x33: {  	s12 =	sand.u32 $0x70, s10;
	s11 =	sshrl.u32 s11, $0x2  }
0x34: {  	s11 =	sor.u32 s12, s11  }
0x35: {  	[tilespmem:s11+$0x2800] =	vst v0  }
0x36: {  	[spmem:s5] =	stream.linear.scatter [tilespmem:s20], [sflag:$0x3], $0x4000, $0x38;
	[tilespmem:$0x1E800] =	vst v63  }
0x37: {  	_ =	swait.ge [sflag:s21], $0x4000  }
0x38: {  	[sflag:s21] =	ssyncset.done $0x0  }
0x39: {  	[sflag:s21] =	ssyncadd.s32 $0xFFFFC000  }
0x3a: {  	[spmem:s6] =	stream.linear.scatter [tilespmem:s20], [sflag:$0x3], $0x4000, $0x38;
	[tilespmem:$0x1E800] =	vst v63  }
0x3b: {  	_ =	swait.ge [sflag:s21], $0x4000  }
0x3c: {  	[sflag:s21] =	ssyncset.done $0x0  }
0x3d: {  	[sflag:s21] =	ssyncadd.s32 $0xFFFFC000  }
0x3e: {  	[spmem:s7] =	stream.linear.scatter [tilespmem:s20], [sflag:$0x3], $0x4000, $0x38;
	[tilespmem:$0x1E800] =	vst v63  }
0x3f: {  	_ =	swait.ge [sflag:s21], $0x4000  }
0x40: {  	[sflag:s21] =	ssyncset.done $0x0  }
0x41: {  	[sflag:s21] =	ssyncadd.s32 $0xFFFFC000  }
0x42: {  	[spmem:s8] =	stream.linear.scatter [tilespmem:s20], [sflag:$0x3], $0x4000, $0x38;
	[tilespmem:$0x1E800] =	vst v63  }
0x43: {  	_ =	swait.ge [sflag:s21], $0x4000  }
0x44: {  	[sflag:s21] =	ssyncset.done $0x0  }
0x45: {  	[sflag:s21] =	ssyncadd.s32 $0xFFFFC000  }
0x46: {  	[spmem:s9] =	stream.linear.scatter [tilespmem:s20], [sflag:$0x3], $0x4000, $0x38;
	[tilespmem:$0x1E800] =	vst v63  }
.Ltmp3:
0x47: {  	_ =	swait.ge [sflag:s21], $0x4000;
	(pc) =	sbr.rel @!p0 .LBB2_4-.Ltmp3, $4  }
0x48: {  	[sflag:s21] =	ssyncset.done $0x0  }
0x49: {  	[sflag:s21] =	ssyncadd.s32 $0xFFFFC000  }
0x4a: {  	[bflag:$0x0] =	sbarrier.arrive $0xFFFF  }
0x4b: {  	s0 =	simm.s32 $0x0  }
0x4c: {  	[tilespmem:s0], [sflag:$0x3] =	stream.linear.gather [hbm4b:s14+s0], $0x1400, $0x38;
	[tilespmem:$0x1E800] =	vst v63  }
0x4d: {  	_ =	swait.ge [sflag:s21], $0x1400  }
0x4e: {  	[sflag:s21] =	ssyncset.done $0x0  }
0x4f: {  	[sflag:s21] =	ssyncadd.s32 $0xFFFFEC00  }
0x50: {  	[tilespmem:s22], [sflag:$0x3] =	stream.linear.gather [hbm4b:s15+s0], $0x1400, $0x38;
	[tilespmem:$0x1E800] =	vst v63  }
0x51: {  	_ =	swait.ge [sflag:s21], $0x1400  }
0x52: {  	[sflag:s21] =	ssyncset.done $0x0  }
0x53: {  	[sflag:s21] =	ssyncadd.s32 $0xFFFFEC00  }
0x54: {  	[tilespmem:s20], [sflag:$0x1] =	stream.indirect.gather [hbm4b:s4+s23], $0x80, s0, s23, $0xb8;
	[tilespmem:$0x1E800] =	vst v63  }
0x55: {  	_ =	swait.ge [sflag:s24], $0x4000  }
0x56: {  	[sflag:s24] =	ssyncset.done $0x0  }
0x57: {  	s12 =	simm.s32 $0x80;
	[sflag:s24] =	ssyncadd.s32 $0xFFFFC000  }
0x58: {  	[tilespmem:s25], [sflag:$0x2] =	stream.indirect.gather [hbm4b:s4+s23], $0x80, s12, s23, $0xb8;
	[tilespmem:$0x1E800] =	vst v63  }
0x59: {  	s10 =	simm.s32 $0x1400  }
0x5a: {  	[spmem:s1] =	stream.indirect.scatter.add.f32 [tilespmem:s20], [sflag:$0x3], $0x80, s10, s23, $0xb8;
	[tilespmem:$0x1E800] =	vst v63  }
0x5b: {  	_ =	swait.ge [sflag:s21], $0x4000  }
0x5c: {  	[sflag:s21] =	ssyncset.done $0x0  }
0x5d: {  	s11 =	simm.s32 $0x100;
	[sflag:s21] =	ssyncadd.s32 $0xFFFFC000  }
0x5e: {  	[tilespmem:s20], [sflag:$0x1] =	stream.indirect.gather [hbm4b:s4+s23], $0x80, s11, s23, $0xb8;
	[tilespmem:$0x1E800] =	vst v63  }
0x5f: {  	_ =	swait.ge [sflag:s26], $0x4000  }
0x60: {  	[sflag:s26] =	ssyncset.done $0x0  }
0x61: {  	s12 =	simm.s32 $0x1480;
	[sflag:s26] =	ssyncadd.s32 $0xFFFFC000  }
0x62: {  	[spmem:s1] =	stream.indirect.scatter.add.f32 [tilespmem:s25], [sflag:$0x3], $0x80, s12, s23, $0xb8;
	[tilespmem:$0x1E800] =	vst v63  }
0x63: {  	_ =	swait.ge [sflag:s21], $0x4000  }
0x64: {  	s0 =	simm.s32 $0x400;
	[sflag:s21] =	ssyncset.done $0x0  }
.LBB2_10:
0x65: {  	p1 =	sne.s32 s0, $0x4800  }
0x66: {  	[sflag:s21] =	ssyncadd.s32 $0xFFFFC000;
	s10 =	smov.u32 s0;
	s0 =	sadd.s32 $0x400, s0  }
0x67: {  	_ =	swait.ge [sflag:s24], $0x4000  }
0x68: {  	s10 =	sshra.s32 s10, $0x2;
	[sflag:s24] =	ssyncset.done $0x0  }
0x69: {  	s11 =	sadd.s32 $0x80, s10;
	[sflag:s24] =	ssyncadd.s32 $0xFFFFC000  }
0x6a: {  	[tilespmem:s25], [sflag:$0x2] =	stream.indirect.gather [hbm4b:s4+s23], $0x80, s11, s23, $0xb8;
	[tilespmem:$0x1E800] =	vst v63  }
0x6b: {  	s11 =	sadd.s32 $0x1400, s10  }
0x6c: {  	[spmem:s1] =	stream.indirect.scatter.add.f32 [tilespmem:s20], [sflag:$0x3], $0x80, s11, s23, $0xb8;
	[tilespmem:$0x1E800] =	vst v63  }
0x6d: {  	_ =	swait.ge [sflag:s21], $0x4000  }
0x6e: {  	[sflag:s21] =	ssyncset.done $0x0  }
0x6f: {  	s11 =	sadd.s32 $0x100, s10;
	[sflag:s21] =	ssyncadd.s32 $0xFFFFC000  }
0x70: {  	[tilespmem:s20], [sflag:$0x1] =	stream.indirect.gather [hbm4b:s4+s23], $0x80, s11, s23, $0xb8;
	[tilespmem:$0x1E800] =	vst v63  }
0x71: {  	_ =	swait.ge [sflag:s26], $0x4000  }
.Ltmp4:
0x72: {  	[sflag:s26] =	ssyncset.done $0x0;
	(pc) =	sbr.rel @p1 .LBB2_10-.Ltmp4, $4  }
0x73: {  	s10 =	sadd.s32 $0x1480, s10;
	[sflag:s26] =	ssyncadd.s32 $0xFFFFC000  }
0x74: {  	[spmem:s1] =	stream.indirect.scatter.add.f32 [tilespmem:s25], [sflag:$0x3], $0x80, s10, s23, $0xb8;
	[tilespmem:$0x1E800] =	vst v63  }
0x75: {  	_ =	swait.ge [sflag:s21], $0x4000  }
0x76: {  	[sflag:s21] =	ssyncset.done $0x0  }
0x77: {  	[sflag:s21] =	ssyncadd.s32 $0xFFFFC000  }
0x78: {  	_ =	swait.ge [sflag:s24], $0x4000  }
0x79: {  	[sflag:s24] =	ssyncset.done $0x0  }
0x7a: {  	[sflag:s24] =	ssyncadd.s32 $0xFFFFC000  }
0x7b: {  	[tilespmem:s25], [sflag:$0x2] =	stream.indirect.gather [hbm4b:s4+s23], $0x80, s28, s23, $0xb8;
	[tilespmem:$0x1E800] =	vst v63  }
0x7c: {  	_ = 	snop  }
0x7d: {  	[spmem:s1] =	stream.indirect.scatter.add.f32 [tilespmem:s20], [sflag:$0x3], $0x80, s29, s23, $0xb8;
	[tilespmem:$0x1E800] =	vst v63  }
0x7e: {  	_ =	swait.ge [sflag:s21], $0x4000  }
0x7f: {  	[sflag:s21] =	ssyncset.done $0x0  }
0x80: {  	[sflag:s21] =	ssyncadd.s32 $0xFFFFC000  }
0x81: {  	_ =	swait.ge [sflag:s26], $0x4000  }
0x82: {  	[sflag:s26] =	ssyncset.done $0x0  }
0x83: {  	[sflag:s26] =	ssyncadd.s32 $0xFFFFC000  }
0x84: {  	[spmem:s1] =	stream.indirect.scatter.add.f32 [tilespmem:s25], [sflag:$0x3], $0x80, s30, s23, $0xb8;
	[tilespmem:$0x1E800] =	vst v63  }
0x85: {  	_ =	swait.ge [sflag:s21], $0x4000  }
0x86: {  	[sflag:s21] =	ssyncset.done $0x0  }
0x87: {  	s0 =	simm.s32 $0x0;
	[sflag:s21] =	ssyncadd.s32 $0xFFFFC000  }
0x88: {  	[tilespmem:s0], [sflag:$0x3] =	stream.linear.gather [hbm4b:s16+s0], $0x1400, $0x38;
	[tilespmem:$0x1E800] =	vst v63  }
0x89: {  	_ =	swait.ge [sflag:s21], $0x1400  }
0x8a: {  	[sflag:s21] =	ssyncset.done $0x0  }
0x8b: {  	[sflag:s21] =	ssyncadd.s32 $0xFFFFEC00  }
0x8c: {  	[tilespmem:s22], [sflag:$0x3] =	stream.linear.gather [hbm4b:s17+s0], $0x1400, $0x38;
	[tilespmem:$0x1E800] =	vst v63  }
0x8d: {  	_ =	swait.ge [sflag:s21], $0x1400  }
0x8e: {  	[sflag:s21] =	ssyncset.done $0x0  }
0x8f: {  	[sflag:s21] =	ssyncadd.s32 $0xFFFFEC00  }
0x90: {  	[tilespmem:s20], [sflag:$0x1] =	stream.indirect.gather [hbm4b:s4+s23], $0x80, s0, s23, $0xb8;
	[tilespmem:$0x1E800] =	vst v63  }
0x91: {  	_ =	swait.ge [sflag:s24], $0x4000  }
0x92: {  	[sflag:s24] =	ssyncset.done $0x0  }
0x93: {  	s12 =	simm.s32 $0x80;
	[sflag:s24] =	ssyncadd.s32 $0xFFFFC000  }
0x94: {  	[tilespmem:s25], [sflag:$0x2] =	stream.indirect.gather [hbm4b:s4+s23], $0x80, s12, s23, $0xb8;
	[tilespmem:$0x1E800] =	vst v63  }
0x95: {  	s10 =	simm.s32 $0x1400  }
0x96: {  	[spmem:s1] =	stream.indirect.scatter.add.f32 [tilespmem:s20], [sflag:$0x3], $0x80, s10, s23, $0xb8;
	[tilespmem:$0x1E800] =	vst v63  }
0x97: {  	_ =	swait.ge [sflag:s21], $0x4000  }
0x98: {  	[sflag:s21] =	ssyncset.done $0x0  }
0x99: {  	s11 =	simm.s32 $0x100;
	[sflag:s21] =	ssyncadd.s32 $0xFFFFC000  }
0x9a: {  	[tilespmem:s20], [sflag:$0x1] =	stream.indirect.gather [hbm4b:s4+s23], $0x80, s11, s23, $0xb8;
	[tilespmem:$0x1E800] =	vst v63  }
0x9b: {  	_ =	swait.ge [sflag:s26], $0x4000  }
0x9c: {  	[sflag:s26] =	ssyncset.done $0x0  }
0x9d: {  	s12 =	simm.s32 $0x1480;
	[sflag:s26] =	ssyncadd.s32 $0xFFFFC000  }
0x9e: {  	[spmem:s1] =	stream.indirect.scatter.add.f32 [tilespmem:s25], [sflag:$0x3], $0x80, s12, s23, $0xb8;
	[tilespmem:$0x1E800] =	vst v63  }
0x9f: {  	_ =	swait.ge [sflag:s21], $0x4000  }
0xa0: {  	s0 =	simm.s32 $0x400;
	[sflag:s21] =	ssyncset.done $0x0  }
.LBB2_12:
0xa1: {  	p1 =	sne.s32 s0, $0x4800  }
0xa2: {  	[sflag:s21] =	ssyncadd.s32 $0xFFFFC000;
	s10 =	smov.u32 s0;
	s0 =	sadd.s32 $0x400, s0  }
0xa3: {  	_ =	swait.ge [sflag:s24], $0x4000  }
0xa4: {  	s10 =	sshra.s32 s10, $0x2;
	[sflag:s24] =	ssyncset.done $0x0  }
0xa5: {  	s11 =	sadd.s32 $0x80, s10;
	[sflag:s24] =	ssyncadd.s32 $0xFFFFC000  }
0xa6: {  	[tilespmem:s25], [sflag:$0x2] =	stream.indirect.gather [hbm4b:s4+s23], $0x80, s11, s23, $0xb8;
	[tilespmem:$0x1E800] =	vst v63  }
0xa7: {  	s11 =	sadd.s32 $0x1400, s10  }
0xa8: {  	[spmem:s1] =	stream.indirect.scatter.add.f32 [tilespmem:s20], [sflag:$0x3], $0x80, s11, s23, $0xb8;
	[tilespmem:$0x1E800] =	vst v63  }
0xa9: {  	_ =	swait.ge [sflag:s21], $0x4000  }
0xaa: {  	[sflag:s21] =	ssyncset.done $0x0  }
0xab: {  	s11 =	sadd.s32 $0x100, s10;
	[sflag:s21] =	ssyncadd.s32 $0xFFFFC000  }
0xac: {  	[tilespmem:s20], [sflag:$0x1] =	stream.indirect.gather [hbm4b:s4+s23], $0x80, s11, s23, $0xb8;
	[tilespmem:$0x1E800] =	vst v63  }
0xad: {  	_ =	swait.ge [sflag:s26], $0x4000  }
.Ltmp5:
0xae: {  	[sflag:s26] =	ssyncset.done $0x0;
	(pc) =	sbr.rel @p1 .LBB2_12-.Ltmp5, $4  }
0xaf: {  	s10 =	sadd.s32 $0x1480, s10;
	[sflag:s26] =	ssyncadd.s32 $0xFFFFC000  }
0xb0: {  	[spmem:s1] =	stream.indirect.scatter.add.f32 [tilespmem:s25], [sflag:$0x3], $0x80, s10, s23, $0xb8;
	[tilespmem:$0x1E800] =	vst v63  }
0xb1: {  	_ =	swait.ge [sflag:s21], $0x4000  }
0xb2: {  	[sflag:s21] =	ssyncset.done $0x0  }
.Ltmp6:
0xb3: {  	(pc) =	sbr.rel .LBB2_14-.Ltmp6, $2  }
0xb4: {  	_ =	sdelay $0x2  }
0xb5: {  	[sflag:s21] =	ssyncadd.s32 $0xFFFFC000  }
.LBB2_4:
0xb6: {  	s10 =	rddreg [dreg:$0x3]  }
0xb7: {  	[tilespmem:s0], [sflag:$0x3] =	stream.linear.gather [hbm4b:s10+s0], $0x1400, $0x38;
	[tilespmem:$0x1E800] =	vst v63  }
0xb8: {  	_ =	swait.ge [sflag:s21], $0x1400  }
0xb9: {  	[sflag:s21] =	ssyncset.done $0x0  }
0xba: {  	s11 =	rddreg [dreg:$0x4];
	[sflag:s21] =	ssyncadd.s32 $0xFFFFEC00  }
0xbb: {  	[tilespmem:s22], [sflag:$0x3] =	stream.linear.gather [hbm4b:s11+s0], $0x1400, $0x38;
	[tilespmem:$0x1E800] =	vst v63  }
0xbc: {  	_ =	swait.ge [sflag:s21], $0x1400  }
0xbd: {  	[sflag:s21] =	ssyncset.done $0x0  }
0xbe: {  	[sflag:s21] =	ssyncadd.s32 $0xFFFFEC00  }
0xbf: {  	[tilespmem:s20], [sflag:$0x1] =	stream.indirect.gather [hbm4b:s4+s23], $0x80, s0, s23, $0xb8;
	[tilespmem:$0x1E800] =	vst v63  }
0xc0: {  	_ =	swait.ge [sflag:s24], $0x4000  }
0xc1: {  	[sflag:s24] =	ssyncset.done $0x0  }
0xc2: {  	s12 =	simm.s32 $0x80;
	[sflag:s24] =	ssyncadd.s32 $0xFFFFC000  }
0xc3: {  	[tilespmem:s25], [sflag:$0x2] =	stream.indirect.gather [hbm4b:s4+s23], $0x80, s12, s23, $0xb8;
	[tilespmem:$0x1E800] =	vst v63  }
0xc4: {  	s10 =	simm.s32 $0x1400  }
0xc5: {  	[spmem:s1] =	stream.indirect.scatter.add.f32 [tilespmem:s20], [sflag:$0x3], $0x80, s10, s23, $0xb8;
	[tilespmem:$0x1E800] =	vst v63  }
0xc6: {  	_ =	swait.ge [sflag:s21], $0x4000  }
0xc7: {  	[sflag:s21] =	ssyncset.done $0x0  }
0xc8: {  	s11 =	simm.s32 $0x100;
	[sflag:s21] =	ssyncadd.s32 $0xFFFFC000  }
0xc9: {  	[tilespmem:s20], [sflag:$0x1] =	stream.indirect.gather [hbm4b:s4+s23], $0x80, s11, s23, $0xb8;
	[tilespmem:$0x1E800] =	vst v63  }
0xca: {  	_ =	swait.ge [sflag:s26], $0x4000  }
0xcb: {  	[sflag:s26] =	ssyncset.done $0x0  }
0xcc: {  	s12 =	simm.s32 $0x1480;
	[sflag:s26] =	ssyncadd.s32 $0xFFFFC000  }
0xcd: {  	[spmem:s1] =	stream.indirect.scatter.add.f32 [tilespmem:s25], [sflag:$0x3], $0x80, s12, s23, $0xb8;
	[tilespmem:$0x1E800] =	vst v63  }
0xce: {  	_ =	swait.ge [sflag:s21], $0x4000  }
0xcf: {  	s0 =	simm.s32 $0x400;
	[sflag:s21] =	ssyncset.done $0x0  }
.LBB2_5:
0xd0: {  	p1 =	sne.s32 s0, $0x4800  }
0xd1: {  	[sflag:s21] =	ssyncadd.s32 $0xFFFFC000;
	s10 =	smov.u32 s0;
	s0 =	sadd.s32 $0x400, s0  }
0xd2: {  	_ =	swait.ge [sflag:s24], $0x4000  }
0xd3: {  	s10 =	sshra.s32 s10, $0x2;
	[sflag:s24] =	ssyncset.done $0x0  }
0xd4: {  	s11 =	sadd.s32 $0x80, s10;
	[sflag:s24] =	ssyncadd.s32 $0xFFFFC000  }
0xd5: {  	[tilespmem:s25], [sflag:$0x2] =	stream.indirect.gather [hbm4b:s4+s23], $0x80, s11, s23, $0xb8;
	[tilespmem:$0x1E800] =	vst v63  }
0xd6: {  	s11 =	sadd.s32 $0x1400, s10  }
0xd7: {  	[spmem:s1] =	stream.indirect.scatter.add.f32 [tilespmem:s20], [sflag:$0x3], $0x80, s11, s23, $0xb8;
	[tilespmem:$0x1E800] =	vst v63  }
0xd8: {  	_ =	swait.ge [sflag:s21], $0x4000  }
0xd9: {  	[sflag:s21] =	ssyncset.done $0x0  }
0xda: {  	s11 =	sadd.s32 $0x100, s10;
	[sflag:s21] =	ssyncadd.s32 $0xFFFFC000  }
0xdb: {  	[tilespmem:s20], [sflag:$0x1] =	stream.indirect.gather [hbm4b:s4+s23], $0x80, s11, s23, $0xb8;
	[tilespmem:$0x1E800] =	vst v63  }
0xdc: {  	_ =	swait.ge [sflag:s26], $0x4000  }
.Ltmp7:
0xdd: {  	[sflag:s26] =	ssyncset.done $0x0;
	(pc) =	sbr.rel @p1 .LBB2_5-.Ltmp7, $4  }
0xde: {  	s10 =	sadd.s32 $0x1480, s10;
	[sflag:s26] =	ssyncadd.s32 $0xFFFFC000  }
0xdf: {  	[spmem:s1] =	stream.indirect.scatter.add.f32 [tilespmem:s25], [sflag:$0x3], $0x80, s10, s23, $0xb8;
	[tilespmem:$0x1E800] =	vst v63  }
0xe0: {  	_ =	swait.ge [sflag:s21], $0x4000  }
0xe1: {  	[sflag:s21] =	ssyncset.done $0x0  }
0xe2: {  	[sflag:s21] =	ssyncadd.s32 $0xFFFFC000  }
0xe3: {  	_ =	swait.ge [sflag:s24], $0x4000  }
0xe4: {  	[sflag:s24] =	ssyncset.done $0x0  }
0xe5: {  	[sflag:s24] =	ssyncadd.s32 $0xFFFFC000  }
0xe6: {  	[tilespmem:s25], [sflag:$0x2] =	stream.indirect.gather [hbm4b:s4+s23], $0x80, s28, s23, $0xb8;
	[tilespmem:$0x1E800] =	vst v63  }
0xe7: {  	_ = 	snop  }
0xe8: {  	[spmem:s1] =	stream.indirect.scatter.add.f32 [tilespmem:s20], [sflag:$0x3], $0x80, s29, s23, $0xb8;
	[tilespmem:$0x1E800] =	vst v63  }
0xe9: {  	_ =	swait.ge [sflag:s21], $0x4000  }
0xea: {  	[sflag:s21] =	ssyncset.done $0x0  }
0xeb: {  	[sflag:s21] =	ssyncadd.s32 $0xFFFFC000  }
0xec: {  	_ =	swait.ge [sflag:s26], $0x4000  }
0xed: {  	[sflag:s26] =	ssyncset.done $0x0  }
0xee: {  	[sflag:s26] =	ssyncadd.s32 $0xFFFFC000  }
0xef: {  	[spmem:s1] =	stream.indirect.scatter.add.f32 [tilespmem:s25], [sflag:$0x3], $0x80, s30, s23, $0xb8;
	[tilespmem:$0x1E800] =	vst v63  }
0xf0: {  	_ =	swait.ge [sflag:s21], $0x4000  }
0xf1: {  	[sflag:s21] =	ssyncset.done $0x0  }
0xf2: {  	s0 =	simm.s32 $0x0;
	s10 =	rddreg [dreg:$0x5];
	[sflag:s21] =	ssyncadd.s32 $0xFFFFC000  }
0xf3: {  	[tilespmem:s0], [sflag:$0x3] =	stream.linear.gather [hbm4b:s10+s0], $0x1400, $0x38;
	[tilespmem:$0x1E800] =	vst v63  }
0xf4: {  	_ =	swait.ge [sflag:s21], $0x1400  }
0xf5: {  	[sflag:s21] =	ssyncset.done $0x0  }
0xf6: {  	[sflag:s21] =	ssyncadd.s32 $0xFFFFEC00  }
0xf7: {  	[tilespmem:s22], [sflag:$0x3] =	stream.linear.gather [hbm4b:s13+s0], $0x1400, $0x38;
	[tilespmem:$0x1E800] =	vst v63  }
0xf8: {  	_ =	swait.ge [sflag:s21], $0x1400  }
0xf9: {  	[sflag:s21] =	ssyncset.done $0x0  }
0xfa: {  	[sflag:s21] =	ssyncadd.s32 $0xFFFFEC00  }
0xfb: {  	[tilespmem:s20], [sflag:$0x1] =	stream.indirect.gather [hbm4b:s4+s23], $0x80, s0, s23, $0xb8;
	[tilespmem:$0x1E800] =	vst v63  }
0xfc: {  	_ =	swait.ge [sflag:s24], $0x4000  }
0xfd: {  	[sflag:s24] =	ssyncset.done $0x0  }
0xfe: {  	s12 =	simm.s32 $0x80;
	[sflag:s24] =	ssyncadd.s32 $0xFFFFC000  }
0xff: {  	[tilespmem:s25], [sflag:$0x2] =	stream.indirect.gather [hbm4b:s4+s23], $0x80, s12, s23, $0xb8;
	[tilespmem:$0x1E800] =	vst v63  }
0x100: {  	s10 =	simm.s32 $0x1400  }
0x101: {  	[spmem:s1] =	stream.indirect.scatter.add.f32 [tilespmem:s20], [sflag:$0x3], $0x80, s10, s23, $0xb8;
	[tilespmem:$0x1E800] =	vst v63  }
0x102: {  	_ =	swait.ge [sflag:s21], $0x4000  }
0x103: {  	[sflag:s21] =	ssyncset.done $0x0  }
0x104: {  	s11 =	simm.s32 $0x100;
	[sflag:s21] =	ssyncadd.s32 $0xFFFFC000  }
0x105: {  	[tilespmem:s20], [sflag:$0x1] =	stream.indirect.gather [hbm4b:s4+s23], $0x80, s11, s23, $0xb8;
	[tilespmem:$0x1E800] =	vst v63  }
0x106: {  	_ =	swait.ge [sflag:s26], $0x4000  }
0x107: {  	[sflag:s26] =	ssyncset.done $0x0  }
0x108: {  	s12 =	simm.s32 $0x1480;
	[sflag:s26] =	ssyncadd.s32 $0xFFFFC000  }
0x109: {  	[spmem:s1] =	stream.indirect.scatter.add.f32 [tilespmem:s25], [sflag:$0x3], $0x80, s12, s23, $0xb8;
	[tilespmem:$0x1E800] =	vst v63  }
0x10a: {  	_ =	swait.ge [sflag:s21], $0x4000  }
0x10b: {  	s0 =	simm.s32 $0x400;
	[sflag:s21] =	ssyncset.done $0x0  }
.LBB2_7:
0x10c: {  	p1 =	seq.s32 s0, $0x4800  }
0x10d: {  	[sflag:s21] =	ssyncadd.s32 $0xFFFFC000;
	s10 =	smov.u32 s0;
	s0 =	sadd.s32 $0x400, s0  }
0x10e: {  	_ =	swait.ge [sflag:s24], $0x4000  }
0x10f: {  	s10 =	sshra.s32 s10, $0x2;
	[sflag:s24] =	ssyncset.done $0x0  }
0x110: {  	s11 =	sadd.s32 $0x80, s10;
	[sflag:s24] =	ssyncadd.s32 $0xFFFFC000  }
0x111: {  	[tilespmem:s25], [sflag:$0x2] =	stream.indirect.gather [hbm4b:s4+s23], $0x80, s11, s23, $0xb8;
	[tilespmem:$0x1E800] =	vst v63  }
0x112: {  	s11 =	sadd.s32 $0x1400, s10  }
0x113: {  	[spmem:s1] =	stream.indirect.scatter.add.f32 [tilespmem:s20], [sflag:$0x3], $0x80, s11, s23, $0xb8;
	[tilespmem:$0x1E800] =	vst v63  }
0x114: {  	_ =	swait.ge [sflag:s21], $0x4000  }
0x115: {  	[sflag:s21] =	ssyncset.done $0x0  }
0x116: {  	s11 =	sadd.s32 $0x100, s10;
	[sflag:s21] =	ssyncadd.s32 $0xFFFFC000  }
0x117: {  	[tilespmem:s20], [sflag:$0x1] =	stream.indirect.gather [hbm4b:s4+s23], $0x80, s11, s23, $0xb8;
	[tilespmem:$0x1E800] =	vst v63  }
0x118: {  	_ =	swait.ge [sflag:s26], $0x4000  }
.Ltmp8:
0x119: {  	[sflag:s26] =	ssyncset.done $0x0;
	(pc) =	sbr.rel @!p1 .LBB2_7-.Ltmp8, $4  }
0x11a: {  	s10 =	sadd.s32 $0x1480, s10;
	[sflag:s26] =	ssyncadd.s32 $0xFFFFC000  }
0x11b: {  	[spmem:s1] =	stream.indirect.scatter.add.f32 [tilespmem:s25], [sflag:$0x3], $0x80, s10, s23, $0xb8;
	[tilespmem:$0x1E800] =	vst v63  }
0x11c: {  	_ =	swait.ge [sflag:s21], $0x4000  }
0x11d: {  	[sflag:s21] =	ssyncset.done $0x0  }
.Ltmp9:
0x11e: {  	_ = 	snop;
	(pc) =	sbr.rel .LBB2_8-.Ltmp9, $1  }
0x11f: {  	_ =	sdelay $0x3  }
.LBB2_15:
0x120: {  	_ =	sfence.sel $0x180000  }
0x121: {  	[bflag:$0x0] =	sbarrier.arrive $0xFFFF  }
0x122: {  	_ =	strace $0x90000050  }
0x123: {  	[bflag:$0x2] =	sbarrier.arrive $0xFFFF  }
0x124: {  	p0 =	sne.s32 s2, $0x0;
	s0 =	rddreg [dreg:$0x2]  }
0x125: {  	s0 =	sadd.s32 @!p0 $0x100000, s0  }
0x126: {  	[sflag:s0] =	ssyncadd.tile.s32 @!p0 $0x1;
	_ =	shalt  }
.Lfunc_end2:
_tile_overlayer_lowered:
.L_overlay_start_2:
0x127: {  	(tag) =	ssettag $0x2  }
0x128: {  	s0 =	rddreg [dreg:$0x0];
	s2 =	stileid.u32  }
0x129: {  	s1 =	rddreg [dreg:$0x1];
	p0 =	sne.s32 s2, $0x0  }
0x12a: {  	s3 =	rddreg [dreg:$0x2];
	[bflag:$0x3] =	sbarrier.arrive $0xFFFF;
	s2 =	simm.s32 @!p0 $0x1C03  }
0x12b: {  	[timem:s3], [sflag:s2] =	dma.local @!p0 [hbm:s0], s1  }
0x12c: {  	s0 =	simm.s32 @!p0 $0x3  }
0x12d: {  	_ =	swait.ge @!p0 [sflag:s0], s1  }
0x12e: {  	s1 =	ssub.s32 @!p0 $0x0, s1;
	[sflag:s0] =	ssyncset.done @!p0 $0x0  }
0x12f: {  	[sflag:s0] =	ssyncadd.s32 @!p0 s1  }
0x130: {  	[bflag:$0x3] =	sbarrier.arrive $0xFFFF  }
0x131: {  	_ =	shalt  }

</sc_bundles>
